<compile_context>
chip_gen: v7x
topology: tpu7x:2x2x1
jax: 0.10.2.dev20260603
libtpu: 0.0.44.dev20260713+nightly
codegen_flags: <defaults>
</compile_context>

<pallas_src>
import jax
import jax.numpy as jnp
from jax import lax
from jax.experimental import pallas as pl
from jax.experimental.pallas import tpu as pltpu
from jax.experimental.pallas import tpu_sc as plsc

N = 10000
E = 160000
D = 128
NC, NS = 2, 16
NW = NC * NS
EPW = E // NW
CHUNK = 125
NCHUNK = EPW // CHUNK
CCH = 40
NCCH = EPW // CCH
NPAD = 10240
RPT = NPAD // NS
DEGW = 128

_SC_MESH = plsc.VectorSubcoreMesh(
    core_axis_name="c", subcore_axis_name="s", num_cores=NC, num_subcores=NS)


def _seg_sum_body(x_hbm, srcs_hbm, dsts_hbm, zeros_hbm,
                  agg_hbm, idxs, idxd, rows0, rows1, acc, sem0, sem1):
  cid = lax.axis_index("c")
  sid = lax.axis_index("s")
  wid = cid * NS + sid
  pltpu.async_copy(zeros_hbm.at[pl.ds(sid * RPT, RPT)],
                   acc.at[pl.ds(sid * RPT, RPT)], sem0)
  pltpu.async_copy(srcs_hbm.at[wid], idxs, sem0)
  pltpu.async_copy(dsts_hbm.at[wid], idxd, sem0)
  pltpu.make_async_copy(zeros_hbm.at[pl.ds(sid * RPT, RPT)],
                        acc.at[pl.ds(sid * RPT, RPT)], sem0).wait()
  pltpu.make_async_copy(srcs_hbm.at[wid], idxs, sem0).wait()
  pltpu.make_async_copy(dsts_hbm.at[wid], idxd, sem0).wait()
  plsc.subcore_barrier()

  pltpu.async_copy(x_hbm.at[idxs.at[0]], rows0, sem0)
  pltpu.async_copy(x_hbm.at[idxs.at[1]], rows1, sem1)

  def body(p, carry):
    j0 = 2 * p
    pltpu.make_async_copy(x_hbm.at[idxs.at[j0]], rows0, sem0).wait()
    pltpu.sync_copy(rows0, acc.at[idxd.at[j0]], add=True)

    @pl.when(j0 + 2 < NCHUNK)
    def _():
      pltpu.async_copy(x_hbm.at[idxs.at[j0 + 2]], rows0, sem0)

    pltpu.make_async_copy(x_hbm.at[idxs.at[j0 + 1]], rows1, sem1).wait()
    pltpu.sync_copy(rows1, acc.at[idxd.at[j0 + 1]], add=True)

    @pl.when(j0 + 3 < NCHUNK)
    def _():
      pltpu.async_copy(x_hbm.at[idxs.at[j0 + 3]], rows1, sem1)

    return carry

  lax.fori_loop(0, NCHUNK // 2, body, 0)
  plsc.subcore_barrier()
  pltpu.sync_copy(acc.at[pl.ds(sid * RPT, RPT)],
                  agg_hbm.at[cid, pl.ds(sid * RPT, RPT)])


_seg_sum = pl.kernel(
    _seg_sum_body,
    out_type=jax.ShapeDtypeStruct((NC, NPAD, D), jnp.float32),
    mesh=_SC_MESH,
    scratch_types=[
        pltpu.VMEM((NCHUNK, CHUNK), jnp.int32),
        pltpu.VMEM((NCHUNK, CHUNK), jnp.int32),
        pltpu.VMEM((CHUNK, D), jnp.float32),
        pltpu.VMEM((CHUNK, D), jnp.float32),
        pltpu.VMEM_SHARED((NPAD, D), jnp.float32),
        pltpu.SemaphoreType.DMA,
        pltpu.SemaphoreType.DMA,
    ],
)


def _degree_body(dsts_hbm, ones_hbm, zerosd_hbm, deg_hbm,
                 idxd, ones_v, dacc, sem):
  cid = lax.axis_index("c")
  sid = lax.axis_index("s")
  wid = cid * NS + sid
  pltpu.async_copy(zerosd_hbm.at[pl.ds(sid * RPT, RPT)],
                   dacc.at[pl.ds(sid * RPT, RPT)], sem)
  pltpu.async_copy(dsts_hbm.at[wid], idxd, sem)
  pltpu.async_copy(ones_hbm, ones_v, sem)
  pltpu.make_async_copy(zerosd_hbm.at[pl.ds(sid * RPT, RPT)],
                        dacc.at[pl.ds(sid * RPT, RPT)], sem).wait()
  pltpu.make_async_copy(dsts_hbm.at[wid], idxd, sem).wait()
  pltpu.make_async_copy(ones_hbm, ones_v, sem).wait()
  plsc.subcore_barrier()

  def body(j, carry):
    pltpu.async_copy(ones_v, dacc.at[idxd.at[j]], sem, add=True)
    return carry

  lax.fori_loop(0, NCHUNK, body, 0)

  def drain(j, carry):
    pltpu.make_async_copy(ones_v, dacc.at[idxd.at[j]], sem).wait()
    return carry

  lax.fori_loop(0, NCHUNK, drain, 0)
  plsc.subcore_barrier()
  pltpu.sync_copy(dacc.at[pl.ds(sid * RPT, RPT)],
                  deg_hbm.at[cid, pl.ds(sid * RPT, RPT)])


_degree = pl.kernel(
    _degree_body,
    out_type=jax.ShapeDtypeStruct((NC, NPAD, DEGW), jnp.float32),
    mesh=_SC_MESH,
    scratch_types=[
        pltpu.VMEM((NCHUNK, CHUNK), jnp.int32),
        pltpu.VMEM((CHUNK, DEGW), jnp.float32),
        pltpu.VMEM_SHARED((NPAD, DEGW), jnp.float32),
        pltpu.SemaphoreType.DMA,
    ],
)


GRP = 5
NG = NCCH // GRP
GR = GRP * CCH
NGS = (10, 10, 5)


def _make_edge_combine(ng):
  nch = ng * GRP

  def body_fn(a_hbm, b_hbm, srcs_hbm, dsts_hbm, c_hbm,
              idxs, idxd, rows0, rows1, semA0, semA1, semB):
    cid = lax.axis_index("c")
    sid = lax.axis_index("s")
    wid = cid * NS + sid
    pltpu.async_copy(srcs_hbm.at[wid], idxs, semB)
    pltpu.async_copy(dsts_hbm.at[wid], idxd, semB)
    pltpu.make_async_copy(srcs_hbm.at[wid], idxs, semB).wait()
    pltpu.make_async_copy(dsts_hbm.at[wid], idxd, semB).wait()
    base = wid * (ng * GR)

    def issue_a(lg, buf, sem):
      for k in range(GRP):
        pltpu.async_copy(a_hbm.at[idxs.at[lg * GRP + k]],
                         buf.at[pl.ds(k * CCH, CCH)], sem)

    def process(lg, buf, sem):
      for k in range(GRP):
        pltpu.make_async_copy(a_hbm.at[idxs.at[lg * GRP + k]],
                              buf.at[pl.ds(k * CCH, CCH)], sem).wait()
      descs = [
          pltpu.async_copy(b_hbm.at[idxd.at[lg * GRP + k]],
                           buf.at[pl.ds(k * CCH, CCH)], semB, add=True)
          for k in range(GRP)
      ]
      for desc in descs:
        desc.wait()
      pltpu.sync_copy(buf, c_hbm.at[pl.ds(base + lg * GR, GR)])

    issue_a(0, rows0, semA0)
    if ng > 1:
      issue_a(1, rows1, semA1)

    def body(p, carry):
      lg0 = 2 * p
      process(lg0, rows0, semA0)

      @pl.when(lg0 + 2 < ng)
      def _():
        issue_a(lg0 + 2, rows0, semA0)

      process(lg0 + 1, rows1, semA1)

      @pl.when(lg0 + 3 < ng)
      def _():
        issue_a(lg0 + 3, rows1, semA1)

      return carry

    lax.fori_loop(0, ng // 2, body, 0)
    if ng % 2:
      process(ng - 1, rows0, semA0)

  return pl.kernel(
      body_fn,
      out_type=jax.ShapeDtypeStruct((NW * ng * GR, D), jnp.float32),
      mesh=_SC_MESH,
      scratch_types=[
          pltpu.VMEM((nch, CCH), jnp.int32),
          pltpu.VMEM((nch, CCH), jnp.int32),
          pltpu.VMEM((GR, D), jnp.float32),
          pltpu.VMEM((GR, D), jnp.float32),
          pltpu.SemaphoreType.DMA,
          pltpu.SemaphoreType.DMA,
          pltpu.SemaphoreType.DMA,
      ],
  )


_combine_by_ng = {ng: _make_edge_combine(ng) for ng in sorted(set(NGS))}
ES = tuple(NW * ng * GR for ng in NGS)
_BME = 1600


def _layer1_body(agg_ref, deg_ref, w_ref, b_ref, out_ref):
  deg = jnp.maximum(deg_ref[0, :, 0:1] + deg_ref[1, :, 0:1], 1.0)
  agg = (agg_ref[0] + agg_ref[1]) / deg
  h = jnp.dot(agg, w_ref[...], preferred_element_type=jnp.float32) + b_ref[...]
  out_ref[...] = jnp.maximum(h, 0.0)


def _layer1(agg, degp, w1, b1):
  return pl.pallas_call(
      _layer1_body,
      out_shape=jax.ShapeDtypeStruct((NPAD, D), jnp.float32),
  )(agg, degp, w1, b1)


def _layer2_body(agg_ref, deg_ref, w2_ref, b2_ref, wt_ref, bt_ref, wb_ref,
                 a_ref, b_ref):
  deg = jnp.maximum(deg_ref[0, :, 0:1] + deg_ref[1, :, 0:1], 1.0)
  agg = (agg_ref[0] + agg_ref[1]) / deg
  h2 = jnp.dot(agg, w2_ref[...], preferred_element_type=jnp.float32) + b2_ref[...]
  a_ref[...] = jnp.dot(h2, wt_ref[...],
                       preferred_element_type=jnp.float32) + bt_ref[...]
  b_ref[...] = jnp.dot(h2, wb_ref[...], preferred_element_type=jnp.float32)


def _layer2(agg, degp, w2, b2, wm1t, bm1, wm1b):
  return pl.pallas_call(
      _layer2_body,
      out_shape=(jax.ShapeDtypeStruct((NPAD, D), jnp.float32),
                 jax.ShapeDtypeStruct((NPAD, D), jnp.float32)),
  )(agg, degp, w2, b2, wm1t, bm1, wm1b)


def _make_edge_mlp(n_rows, row_off, aliased):
  boff = row_off // _BME

  def body(c_ref, w_ref, b_ref, *refs):
    o_ref = refs[-1]
    c = jnp.maximum(c_ref[...], 0.0)
    o_ref[...] = jnp.dot(c, w_ref[...],
                         preferred_element_type=jnp.float32) + b_ref[...]

  in_specs = [
      pl.BlockSpec((_BME, D), lambda i: (i, 0)),
      pl.BlockSpec((D, D), lambda i: (0, 0)),
      pl.BlockSpec((1, D), lambda i: (0, 0)),
  ]
  kwargs = {}
  if aliased:
    in_specs.append(pl.BlockSpec(memory_space=pl.ANY))
    kwargs["input_output_aliases"] = {3: 0}

  return pl.pallas_call(
      body,
      grid=(n_rows // _BME,),
      in_specs=in_specs,
      out_specs=pl.BlockSpec((_BME, D), lambda i: (boff + i, 0)),
      out_shape=jax.ShapeDtypeStruct((E, D), jnp.float32),
      **kwargs,
  )


_edge_mlps = []
_off = 0
for _i, _es in enumerate(ES):
  _edge_mlps.append(_make_edge_mlp(_es, _off, aliased=_i > 0))
  _off += _es


def kernel(x, edge_index, W1, b1, W2, b2, Wm1, bm1, Wm2, bm2):
  srcs = edge_index[0].reshape(NW, NCHUNK, CHUNK)
  dsts = edge_index[1].reshape(NW, NCHUNK, CHUNK)
  zeros = jnp.zeros((NPAD, D), jnp.float32)
  zerosd = jnp.zeros((NPAD, DEGW), jnp.float32)
  ones = jnp.ones((CHUNK, DEGW), jnp.float32)

  degp = _degree(dsts, ones, zerosd)
  agg1 = _seg_sum(x, srcs, dsts, zeros)
  h = _layer1(agg1, degp, W1, b1.reshape(1, D))
  agg2 = _seg_sum(h, srcs, dsts, zeros)
  a_nodes, b_nodes = _layer2(agg2, degp, W2, b2.reshape(1, D),
                             Wm1[:D], bm1.reshape(1, D), Wm1[D:])

  bm2r = bm2.reshape(1, D)
  out = None
  off = 0
  for i, (ng, es) in enumerate(zip(NGS, ES)):
    sl_src = edge_index[0, off:off + es].reshape(NW, ng * GRP, CCH)
    sl_dst = edge_index[1, off:off + es].reshape(NW, ng * GRP, CCH)
    c = _combine_by_ng[ng](a_nodes, b_nodes, sl_src, sl_dst)
    if i == 0:
      out = _edge_mlps[i](c, Wm2, bm2r)
    else:
      out = _edge_mlps[i](c, Wm2, bm2r, out)
    off += es
  return out

# --- scband reference (transcript-rebuilt; emitter-appended) ---
"""Pipeline reference for scband-abstract-egcn-70909910057016 (READ-ONLY COPY).

The authoritative reference and input builder live on the scoring server;
editing this copy changes nothing except your own understanding.
"""

import jax, jax.numpy as jnp
import numpy as np

N = 10000
E = 160000
D_IN = 128
H = 128
D_OUT = 128


def setup_inputs(seed: int = 0) -> dict:
    key = jax.random.key(seed)
    ks = jax.random.split(key, 8)
    x = jax.random.normal(ks[0], (N, D_IN), dtype=jnp.float32)
    edge_index = jax.random.randint(ks[1], (2, E), 0, N, dtype=jnp.int32)
    s1 = 1.0 / np.sqrt(D_IN)
    s2 = 1.0 / np.sqrt(H)
    s3 = 1.0 / np.sqrt(2 * H)
    W1 = jax.random.normal(ks[2], (D_IN, H), dtype=jnp.float32) * s1
    b1 = jnp.zeros((H,), dtype=jnp.float32)
    W2 = jax.random.normal(ks[3], (H, H), dtype=jnp.float32) * s2
    b2 = jnp.zeros((H,), dtype=jnp.float32)
    Wm1 = jax.random.normal(ks[4], (2 * H, H), dtype=jnp.float32) * s3
    bm1 = jnp.zeros((H,), dtype=jnp.float32)
    Wm2 = jax.random.normal(ks[5], (H, D_OUT), dtype=jnp.float32) * s2
    bm2 = jnp.zeros((D_OUT,), dtype=jnp.float32)
    return {"x": x, "edge_index": edge_index, "W1": W1, "b1": b1, "W2": W2, "b2": b2, "Wm1": Wm1, "bm1": bm1, "Wm2": Wm2, "bm2": bm2}


def reference(x, edge_index, W1, b1, W2, b2, Wm1, bm1, Wm2, bm2):
    src = edge_index[0]
    dst = edge_index[1]
    # degree normalization (mean aggregation) shared by both GCN layers
    deg = jax.ops.segment_sum(jnp.ones((E,), dtype=jnp.float32), dst, num_segments=N)
    deg = jnp.clip(deg, 1.0, None)[:, None]
    # GCN layer 1: gather by src, scatter-add to dst, normalize, linear + relu
    h = jax.ops.segment_sum(jnp.take(x, src, axis=0), dst, num_segments=N) / deg
    h = jax.nn.relu(h @ W1 + b1)
    # GCN layer 2
    h2 = jax.ops.segment_sum(jnp.take(h, src, axis=0), dst, num_segments=N) / deg
    h2 = h2 @ W2 + b2
    # mix_node_features with node_feat_mixing='cat': per-edge concat of endpoint features
    edges_x = jnp.concatenate([jnp.take(h2, src, axis=0), jnp.take(h2, dst, axis=0)], axis=-1)
    # ClassifierMLP2(2*hidden_feat, out_features)
    out = jax.nn.relu(edges_x @ Wm1 + bm1) @ Wm2 + bm2
    return out

if __name__ == "__main__":
    import jax
    _d = setup_inputs()
    print(jax.jit(kernel)(*tuple(_d.values())))

</pallas_src>

<mosaic_0001>
#map = affine_map<(d0, d1) -> (0, 0, 0)>
#map1 = affine_map<(d0, d1) -> (0, 0)>
module attributes {stable_mosaic.version = 14 : i64} {
  func.func @_degree_body(%arg0: i32, %arg1: i32, %arg2: memref<32x40x125xi32, #tpu.memory_space<hbm>>, %arg3: memref<125x128xf32, #tpu.memory_space<hbm>>, %arg4: memref<10240x128xf32, #tpu.memory_space<hbm>>, %arg5: memref<2x10240x128xf32, #tpu.memory_space<hbm>>, %arg6: memref<40x125xi32, #tpu.memory_space<vmem>>, %arg7: memref<125x128xf32, #tpu.memory_space<vmem>>, %arg8: memref<10240x128xf32, #tpu.memory_space<vmem_shared>>, %arg9: memref<!tpu.dma_semaphore, #tpu.memory_space<semaphore_mem>>) attributes {dimension_semantics = [#tpu.dimension_semantics<core_parallel>, #tpu.dimension_semantics<subcore_parallel>], iteration_bounds = array<i64: 2, 16>, scalar_prefetch = 0 : i64, scratch_operands = 4 : i64, tpu.core_type = #tpu.core_type<sc_vector_subcore>, window_params = [{transform_indices = #map}, {transform_indices = #map1}, {transform_indices = #map1}, {transform_indices = #map}]} {
    %mul3A = arith.constant 16 : i32
    %mul3A_0 = arith.muli %arg0, %mul3A : i32
    %add3A = arith.addi %mul3A_0, %arg1 : i32
    %mul3A_1 = arith.constant 640 : i32
    %mul3A_2 = arith.muli %arg1, %mul3A_1 : i32
    %mul3A_3 = arith.constant 640 : i32
    %mul3A_4 = arith.muli %arg1, %mul3A_3 : i32
    %dma_start3A = arith.constant 0 : i32
    %dma_start3A_5 = tpu.memref_slice %arg8[%mul3A_4, %dma_start3A] : memref<10240x128xf32, #tpu.memory_space<vmem_shared>> -> memref<640x128xf32, #tpu.memory_space<vmem_shared>>
    %dma_start3A_6 = arith.constant 0 : i32
    %dma_start3A_7 = tpu.memref_slice %arg4[%mul3A_2, %dma_start3A_6] : memref<10240x128xf32, #tpu.memory_space<hbm>> -> memref<640x128xf32, #tpu.memory_space<hbm>>
    tpu.enqueue_dma source(%dma_start3A_7 : memref<640x128xf32, #tpu.memory_space<hbm>>) target(%dma_start3A_5 : memref<640x128xf32, #tpu.memory_space<vmem_shared>>) target_semaphore(%arg9 : memref<!tpu.dma_semaphore, #tpu.memory_space<semaphore_mem>>)
    %dma_start3A_8 = arith.constant 0 : i32
    %dma_start3A_9 = arith.constant 0 : i32
    %dma_start3A_10 = tpu.memref_slice %arg2[%add3A, %dma_start3A_8, %dma_start3A_9] : memref<32x40x125xi32, #tpu.memory_space<hbm>> -> memref<1x40x125xi32, #tpu.memory_space<hbm>>
    %dma_start3A_11 = tpu.memref_squeeze %dma_start3A_10 : memref<1x40x125xi32, #tpu.memory_space<hbm>> -> memref<40x125xi32, #tpu.memory_space<hbm>>
    %dma_start3A_12 = arith.constant 0 : i32
    %dma_start3A_13 = arith.constant 0 : i32
    %dma_start3A_14 = tpu.memref_slice %arg2[%add3A, %dma_start3A_12, %dma_start3A_13] : memref<32x40x125xi32, #tpu.memory_space<hbm>> -> memref<1x40x125xi32, #tpu.memory_space<hbm>>
    %dma_start3A_15 = tpu.memref_squeeze %dma_start3A_14 : memref<1x40x125xi32, #tpu.memory_space<hbm>> -> memref<40x125xi32, #tpu.memory_space<hbm>>
    tpu.enqueue_dma source(%dma_start3A_15 : memref<40x125xi32, #tpu.memory_space<hbm>>) target(%arg6 : memref<40x125xi32, #tpu.memory_space<vmem>>) target_semaphore(%arg9 : memref<!tpu.dma_semaphore, #tpu.memory_space<semaphore_mem>>)
    tpu.enqueue_dma source(%arg3 : memref<125x128xf32, #tpu.memory_space<hbm>>) target(%arg7 : memref<125x128xf32, #tpu.memory_space<vmem>>) target_semaphore(%arg9 : memref<!tpu.dma_semaphore, #tpu.memory_space<semaphore_mem>>)
    %mul3A_16 = arith.constant 640 : i32
    %mul3A_17 = arith.muli %arg1, %mul3A_16 : i32
    %mul3A_18 = arith.constant 640 : i32
    %mul3A_19 = arith.muli %arg1, %mul3A_18 : i32
    %dma_wait3A = arith.constant 0 : i32
    %dma_wait3A_20 = tpu.memref_slice %arg8[%mul3A_19, %dma_wait3A] : memref<10240x128xf32, #tpu.memory_space<vmem_shared>> -> memref<640x128xf32, #tpu.memory_space<vmem_shared>>
    %dma_wait3A_21 = arith.constant 0 : i32
    %dma_wait3A_22 = tpu.memref_slice %arg4[%mul3A_17, %dma_wait3A_21] : memref<10240x128xf32, #tpu.memory_space<hbm>> -> memref<640x128xf32, #tpu.memory_space<hbm>>
    tpu.wait_dma2 semaphore(%arg9 : memref<!tpu.dma_semaphore, #tpu.memory_space<semaphore_mem>>) src(%dma_wait3A_22 : memref<640x128xf32, #tpu.memory_space<hbm>>) dst(%dma_wait3A_20 : memref<640x128xf32, #tpu.memory_space<vmem_shared>>)
    %dma_wait3A_23 = arith.constant 0 : i32
    %dma_wait3A_24 = arith.constant 0 : i32
    %dma_wait3A_25 = tpu.memref_slice %arg2[%add3A, %dma_wait3A_23, %dma_wait3A_24] : memref<32x40x125xi32, #tpu.memory_space<hbm>> -> memref<1x40x125xi32, #tpu.memory_space<hbm>>
    %dma_wait3A_26 = tpu.memref_squeeze %dma_wait3A_25 : memref<1x40x125xi32, #tpu.memory_space<hbm>> -> memref<40x125xi32, #tpu.memory_space<hbm>>
    %dma_wait3A_27 = arith.constant 0 : i32
    %dma_wait3A_28 = arith.constant 0 : i32
    %dma_wait3A_29 = tpu.memref_slice %arg2[%add3A, %dma_wait3A_27, %dma_wait3A_28] : memref<32x40x125xi32, #tpu.memory_space<hbm>> -> memref<1x40x125xi32, #tpu.memory_space<hbm>>
    %dma_wait3A_30 = tpu.memref_squeeze %dma_wait3A_29 : memref<1x40x125xi32, #tpu.memory_space<hbm>> -> memref<40x125xi32, #tpu.memory_space<hbm>>
    tpu.wait_dma2 semaphore(%arg9 : memref<!tpu.dma_semaphore, #tpu.memory_space<semaphore_mem>>) src(%dma_wait3A_30 : memref<40x125xi32, #tpu.memory_space<hbm>>) dst(%arg6 : memref<40x125xi32, #tpu.memory_space<vmem>>)
    tpu.wait_dma2 semaphore(%arg9 : memref<!tpu.dma_semaphore, #tpu.memory_space<semaphore_mem>>) src(%arg3 : memref<125x128xf32, #tpu.memory_space<hbm>>) dst(%arg7 : memref<125x128xf32, #tpu.memory_space<vmem>>)
    %barrier3A = arith.constant 0 : index
    tpu.barrier barrier_id(%barrier3A)
    %scan3A = arith.constant 0 : i32
    %scan3A_31 = arith.constant 0 : i32
    %scan3A_32 = arith.constant 40 : i32
    %scan3A_33 = arith.addi %scan3A_31, %scan3A_32 : i32
    %scan3A_34 = arith.constant 1 : i32
    scf.for %scan3A_47 = %scan3A_31 to %scan3A_33 step %scan3A_34  : i32 {
      %dma_start3A_48 = arith.constant 0 : i32
      %dma_start3A_49 = tpu.memref_slice %arg6[%scan3A_47, %dma_start3A_48] : memref<40x125xi32, #tpu.memory_space<vmem>> -> memref<1x125xi32, #tpu.memory_space<vmem>>
      %dma_start3A_50 = tpu.memref_squeeze %dma_start3A_49 : memref<1x125xi32, #tpu.memory_space<vmem>> -> memref<125xi32, #tpu.memory_space<vmem>>
      %dma_start3A_51 = arith.constant 0 : i32
      %dma_start3A_52 = arith.constant 0 : i32
      %dma_start3A_53 = tpu.memref_slice %arg8[%dma_start3A_51, %dma_start3A_52] : memref<10240x128xf32, #tpu.memory_space<vmem_shared>> -> memref<10240x128xf32, #tpu.memory_space<vmem_shared>>
      tpu.enqueue_indirect_dma source(%arg7 : memref<125x128xf32, #tpu.memory_space<vmem>>) target(%dma_start3A_53 : memref<10240x128xf32, #tpu.memory_space<vmem_shared>>) offsets(%dma_start3A_50 : memref<125xi32, #tpu.memory_space<vmem>>) semaphore(%arg9 : memref<!tpu.dma_semaphore, #tpu.memory_space<semaphore_mem>>) {add = true}
    }
    %scan3A_35 = arith.constant 40 : i32
    %scan3A_36 = arith.constant 0 : i32
    %scan3A_37 = arith.constant 0 : i32
    %scan3A_38 = arith.constant 40 : i32
    %scan3A_39 = arith.addi %scan3A_37, %scan3A_38 : i32
    %scan3A_40 = arith.constant 1 : i32
    scf.for %scan3A_47 = %scan3A_37 to %scan3A_39 step %scan3A_40  : i32 {
      %dma_wait3A_48 = arith.constant 0 : i32
      %dma_wait3A_49 = tpu.memref_slice %arg6[%scan3A_47, %dma_wait3A_48] : memref<40x125xi32, #tpu.memory_space<vmem>> -> memref<1x125xi32, #tpu.memory_space<vmem>>
      %dma_wait3A_50 = tpu.memref_squeeze %dma_wait3A_49 : memref<1x125xi32, #tpu.memory_space<vmem>> -> memref<125xi32, #tpu.memory_space<vmem>>
      %dma_wait3A_51 = arith.constant 0 : i32
      %dma_wait3A_52 = arith.constant 0 : i32
      %dma_wait3A_53 = tpu.memref_slice %arg8[%dma_wait3A_51, %dma_wait3A_52] : memref<10240x128xf32, #tpu.memory_space<vmem_shared>> -> memref<10240x128xf32, #tpu.memory_space<vmem_shared>>
      tpu.wait_indirect_dma semaphore(%arg9 : memref<!tpu.dma_semaphore, #tpu.memory_space<semaphore_mem>>) src(%arg7 : memref<125x128xf32, #tpu.memory_space<vmem>>) dst(%dma_wait3A_53 : memref<10240x128xf32, #tpu.memory_space<vmem_shared>>)
    }
    %scan3A_41 = arith.constant 40 : i32
    %barrier3A_42 = arith.constant 0 : index
    tpu.barrier barrier_id(%barrier3A_42)
    %mul3A_43 = arith.constant 640 : i32
    %mul3A_44 = arith.muli %arg1, %mul3A_43 : i32
    %mul3A_45 = arith.constant 640 : i32
    %mul3A_46 = arith.muli %arg1, %mul3A_45 : i32
    "tpu.region"() ({
      %run_scoped3A = tpu.sem_alloc : memref<!tpu.dma_semaphore, #tpu.memory_space<semaphore_mem>>
      %dma_start3A_47 = arith.constant 0 : i32
      %dma_start3A_48 = tpu.memref_slice %arg5[%arg0, %mul3A_46, %dma_start3A_47] : memref<2x10240x128xf32, #tpu.memory_space<hbm>> -> memref<1x640x128xf32, #tpu.memory_space<hbm>>
      %dma_start3A_49 = tpu.memref_squeeze %dma_start3A_48 : memref<1x640x128xf32, #tpu.memory_space<hbm>> -> memref<640x128xf32, #tpu.memory_space<hbm>>
      %dma_start3A_50 = arith.constant 0 : i32
      %dma_start3A_51 = tpu.memref_slice %arg8[%mul3A_44, %dma_start3A_50] : memref<10240x128xf32, #tpu.memory_space<vmem_shared>> -> memref<640x128xf32, #tpu.memory_space<vmem_shared>>
      tpu.enqueue_dma source(%dma_start3A_51 : memref<640x128xf32, #tpu.memory_space<vmem_shared>>) target(%dma_start3A_49 : memref<640x128xf32, #tpu.memory_space<hbm>>) target_semaphore(%run_scoped3A : memref<!tpu.dma_semaphore, #tpu.memory_space<semaphore_mem>>)
      %dma_wait3A_52 = arith.constant 0 : i32
      %dma_wait3A_53 = tpu.memref_slice %arg5[%arg0, %mul3A_46, %dma_wait3A_52] : memref<2x10240x128xf32, #tpu.memory_space<hbm>> -> memref<1x640x128xf32, #tpu.memory_space<hbm>>
      %dma_wait3A_54 = tpu.memref_squeeze %dma_wait3A_53 : memref<1x640x128xf32, #tpu.memory_space<hbm>> -> memref<640x128xf32, #tpu.memory_space<hbm>>
      %dma_wait3A_55 = arith.constant 0 : i32
      %dma_wait3A_56 = tpu.memref_slice %arg8[%mul3A_44, %dma_wait3A_55] : memref<10240x128xf32, #tpu.memory_space<vmem_shared>> -> memref<640x128xf32, #tpu.memory_space<vmem_shared>>
      tpu.wait_dma2 semaphore(%run_scoped3A : memref<!tpu.dma_semaphore, #tpu.memory_space<semaphore_mem>>) src(%dma_wait3A_56 : memref<640x128xf32, #tpu.memory_space<vmem_shared>>) dst(%dma_wait3A_54 : memref<640x128xf32, #tpu.memory_space<hbm>>)
      tpu.yield
    }) : () -> ()
    return
  }
}

#map = affine_map<(d0, d1) -> (0, 0)>
#map1 = affine_map<(d0, d1) -> (0, 0, 0)>
module attributes {stable_mosaic.version = 14 : i64} {
  func.func @_seg_sum_body(%arg0: i32, %arg1: i32, %arg2: memref<10000x128xf32, #tpu.memory_space<hbm>>, %arg3: memref<32x40x125xi32, #tpu.memory_space<hbm>>, %arg4: memref<32x40x125xi32, #tpu.memory_space<hbm>>, %arg5: memref<10240x128xf32, #tpu.memory_space<hbm>>, %arg6: memref<2x10240x128xf32, #tpu.memory_space<hbm>>, %arg7: memref<40x125xi32, #tpu.memory_space<vmem>>, %arg8: memref<40x125xi32, #tpu.memory_space<vmem>>, %arg9: memref<125x128xf32, #tpu.memory_space<vmem>>, %arg10: memref<125x128xf32, #tpu.memory_space<vmem>>, %arg11: memref<10240x128xf32, #tpu.memory_space<vmem_shared>>, %arg12: memref<!tpu.dma_semaphore, #tpu.memory_space<semaphore_mem>>, %arg13: memref<!tpu.dma_semaphore, #tpu.memory_space<semaphore_mem>>) attributes {dimension_semantics = [#tpu.dimension_semantics<core_parallel>, #tpu.dimension_semantics<subcore_parallel>], iteration_bounds = array<i64: 2, 16>, scalar_prefetch = 0 : i64, scratch_operands = 7 : i64, tpu.core_type = #tpu.core_type<sc_vector_subcore>, window_params = [{transform_indices = #map}, {transform_indices = #map1}, {transform_indices = #map1}, {transform_indices = #map}, {transform_indices = #map1}]} {
    %mul3A = arith.constant 16 : i32
    %mul3A_0 = arith.muli %arg0, %mul3A : i32
    %add3A = arith.addi %mul3A_0, %arg1 : i32
    %mul3A_1 = arith.constant 640 : i32
    %mul3A_2 = arith.muli %arg1, %mul3A_1 : i32
    %mul3A_3 = arith.constant 640 : i32
    %mul3A_4 = arith.muli %arg1, %mul3A_3 : i32
    %dma_start3A = arith.constant 0 : i32
    %dma_start3A_5 = tpu.memref_slice %arg11[%mul3A_4, %dma_start3A] : memref<10240x128xf32, #tpu.memory_space<vmem_shared>> -> memref<640x128xf32, #tpu.memory_space<vmem_shared>>
    %dma_start3A_6 = arith.constant 0 : i32
    %dma_start3A_7 = tpu.memref_slice %arg5[%mul3A_2, %dma_start3A_6] : memref<10240x128xf32, #tpu.memory_space<hbm>> -> memref<640x128xf32, #tpu.memory_space<hbm>>
    tpu.enqueue_dma source(%dma_start3A_7 : memref<640x128xf32, #tpu.memory_space<hbm>>) target(%dma_start3A_5 : memref<640x128xf32, #tpu.memory_space<vmem_shared>>) target_semaphore(%arg12 : memref<!tpu.dma_semaphore, #tpu.memory_space<semaphore_mem>>)
    %dma_start3A_8 = arith.constant 0 : i32
    %dma_start3A_9 = arith.constant 0 : i32
    %dma_start3A_10 = tpu.memref_slice %arg3[%add3A, %dma_start3A_8, %dma_start3A_9] : memref<32x40x125xi32, #tpu.memory_space<hbm>> -> memref<1x40x125xi32, #tpu.memory_space<hbm>>
    %dma_start3A_11 = tpu.memref_squeeze %dma_start3A_10 : memref<1x40x125xi32, #tpu.memory_space<hbm>> -> memref<40x125xi32, #tpu.memory_space<hbm>>
    %dma_start3A_12 = arith.constant 0 : i32
    %dma_start3A_13 = arith.constant 0 : i32
    %dma_start3A_14 = tpu.memref_slice %arg3[%add3A, %dma_start3A_12, %dma_start3A_13] : memref<32x40x125xi32, #tpu.memory_space<hbm>> -> memref<1x40x125xi32, #tpu.memory_space<hbm>>
    %dma_start3A_15 = tpu.memref_squeeze %dma_start3A_14 : memref<1x40x125xi32, #tpu.memory_space<hbm>> -> memref<40x125xi32, #tpu.memory_space<hbm>>
    tpu.enqueue_dma source(%dma_start3A_15 : memref<40x125xi32, #tpu.memory_space<hbm>>) target(%arg7 : memref<40x125xi32, #tpu.memory_space<vmem>>) target_semaphore(%arg12 : memref<!tpu.dma_semaphore, #tpu.memory_space<semaphore_mem>>)
    %dma_start3A_16 = arith.constant 0 : i32
    %dma_start3A_17 = arith.constant 0 : i32
    %dma_start3A_18 = tpu.memref_slice %arg4[%add3A, %dma_start3A_16, %dma_start3A_17] : memref<32x40x125xi32, #tpu.memory_space<hbm>> -> memref<1x40x125xi32, #tpu.memory_space<hbm>>
    %dma_start3A_19 = tpu.memref_squeeze %dma_start3A_18 : memref<1x40x125xi32, #tpu.memory_space<hbm>> -> memref<40x125xi32, #tpu.memory_space<hbm>>
    %dma_start3A_20 = arith.constant 0 : i32
    %dma_start3A_21 = arith.constant 0 : i32
    %dma_start3A_22 = tpu.memref_slice %arg4[%add3A, %dma_start3A_20, %dma_start3A_21] : memref<32x40x125xi32, #tpu.memory_space<hbm>> -> memref<1x40x125xi32, #tpu.memory_space<hbm>>
    %dma_start3A_23 = tpu.memref_squeeze %dma_start3A_22 : memref<1x40x125xi32, #tpu.memory_space<hbm>> -> memref<40x125xi32, #tpu.memory_space<hbm>>
    tpu.enqueue_dma source(%dma_start3A_23 : memref<40x125xi32, #tpu.memory_space<hbm>>) target(%arg8 : memref<40x125xi32, #tpu.memory_space<vmem>>) target_semaphore(%arg12 : memref<!tpu.dma_semaphore, #tpu.memory_space<semaphore_mem>>)
    %mul3A_24 = arith.constant 640 : i32
    %mul3A_25 = arith.muli %arg1, %mul3A_24 : i32
    %mul3A_26 = arith.constant 640 : i32
    %mul3A_27 = arith.muli %arg1, %mul3A_26 : i32
    %dma_wait3A = arith.constant 0 : i32
    %dma_wait3A_28 = tpu.memref_slice %arg11[%mul3A_27, %dma_wait3A] : memref<10240x128xf32, #tpu.memory_space<vmem_shared>> -> memref<640x128xf32, #tpu.memory_space<vmem_shared>>
    %dma_wait3A_29 = arith.constant 0 : i32
    %dma_wait3A_30 = tpu.memref_slice %arg5[%mul3A_25, %dma_wait3A_29] : memref<10240x128xf32, #tpu.memory_space<hbm>> -> memref<640x128xf32, #tpu.memory_space<hbm>>
    tpu.wait_dma2 semaphore(%arg12 : memref<!tpu.dma_semaphore, #tpu.memory_space<semaphore_mem>>) src(%dma_wait3A_30 : memref<640x128xf32, #tpu.memory_space<hbm>>) dst(%dma_wait3A_28 : memref<640x128xf32, #tpu.memory_space<vmem_shared>>)
    %dma_wait3A_31 = arith.constant 0 : i32
    %dma_wait3A_32 = arith.constant 0 : i32
    %dma_wait3A_33 = tpu.memref_slice %arg3[%add3A, %dma_wait3A_31, %dma_wait3A_32] : memref<32x40x125xi32, #tpu.memory_space<hbm>> -> memref<1x40x125xi32, #tpu.memory_space<hbm>>
    %dma_wait3A_34 = tpu.memref_squeeze %dma_wait3A_33 : memref<1x40x125xi32, #tpu.memory_space<hbm>> -> memref<40x125xi32, #tpu.memory_space<hbm>>
    %dma_wait3A_35 = arith.constant 0 : i32
    %dma_wait3A_36 = arith.constant 0 : i32
    %dma_wait3A_37 = tpu.memref_slice %arg3[%add3A, %dma_wait3A_35, %dma_wait3A_36] : memref<32x40x125xi32, #tpu.memory_space<hbm>> -> memref<1x40x125xi32, #tpu.memory_space<hbm>>
    %dma_wait3A_38 = tpu.memref_squeeze %dma_wait3A_37 : memref<1x40x125xi32, #tpu.memory_space<hbm>> -> memref<40x125xi32, #tpu.memory_space<hbm>>
    tpu.wait_dma2 semaphore(%arg12 : memref<!tpu.dma_semaphore, #tpu.memory_space<semaphore_mem>>) src(%dma_wait3A_38 : memref<40x125xi32, #tpu.memory_space<hbm>>) dst(%arg7 : memref<40x125xi32, #tpu.memory_space<vmem>>)
    %dma_wait3A_39 = arith.constant 0 : i32
    %dma_wait3A_40 = arith.constant 0 : i32
    %dma_wait3A_41 = tpu.memref_slice %arg4[%add3A, %dma_wait3A_39, %dma_wait3A_40] : memref<32x40x125xi32, #tpu.memory_space<hbm>> -> memref<1x40x125xi32, #tpu.memory_space<hbm>>
    %dma_wait3A_42 = tpu.memref_squeeze %dma_wait3A_41 : memref<1x40x125xi32, #tpu.memory_space<hbm>> -> memref<40x125xi32, #tpu.memory_space<hbm>>
    %dma_wait3A_43 = arith.constant 0 : i32
    %dma_wait3A_44 = arith.constant 0 : i32
    %dma_wait3A_45 = tpu.memref_slice %arg4[%add3A, %dma_wait3A_43, %dma_wait3A_44] : memref<32x40x125xi32, #tpu.memory_space<hbm>> -> memref<1x40x125xi32, #tpu.memory_space<hbm>>
    %dma_wait3A_46 = tpu.memref_squeeze %dma_wait3A_45 : memref<1x40x125xi32, #tpu.memory_space<hbm>> -> memref<40x125xi32, #tpu.memory_space<hbm>>
    tpu.wait_dma2 semaphore(%arg12 : memref<!tpu.dma_semaphore, #tpu.memory_space<semaphore_mem>>) src(%dma_wait3A_46 : memref<40x125xi32, #tpu.memory_space<hbm>>) dst(%arg8 : memref<40x125xi32, #tpu.memory_space<vmem>>)
    %barrier3A = arith.constant 0 : index
    tpu.barrier barrier_id(%barrier3A)
    %dma_start3A_47 = arith.constant 0 : i32
    %dma_start3A_48 = arith.constant 0 : i32
    %dma_start3A_49 = tpu.memref_slice %arg7[%dma_start3A_47, %dma_start3A_48] : memref<40x125xi32, #tpu.memory_space<vmem>> -> memref<1x125xi32, #tpu.memory_space<vmem>>
    %dma_start3A_50 = tpu.memref_squeeze %dma_start3A_49 : memref<1x125xi32, #tpu.memory_space<vmem>> -> memref<125xi32, #tpu.memory_space<vmem>>
    %dma_start3A_51 = arith.constant 0 : i32
    %dma_start3A_52 = arith.constant 0 : i32
    %dma_start3A_53 = tpu.memref_slice %arg2[%dma_start3A_51, %dma_start3A_52] : memref<10000x128xf32, #tpu.memory_space<hbm>> -> memref<10000x128xf32, #tpu.memory_space<hbm>>
    tpu.enqueue_indirect_dma source(%dma_start3A_53 : memref<10000x128xf32, #tpu.memory_space<hbm>>) target(%arg9 : memref<125x128xf32, #tpu.memory_space<vmem>>) offsets(%dma_start3A_50 : memref<125xi32, #tpu.memory_space<vmem>>) semaphore(%arg12 : memref<!tpu.dma_semaphore, #tpu.memory_space<semaphore_mem>>)
    %dma_start3A_54 = arith.constant 1 : i32
    %dma_start3A_55 = arith.constant 0 : i32
    %dma_start3A_56 = tpu.memref_slice %arg7[%dma_start3A_54, %dma_start3A_55] : memref<40x125xi32, #tpu.memory_space<vmem>> -> memref<1x125xi32, #tpu.memory_space<vmem>>
    %dma_start3A_57 = tpu.memref_squeeze %dma_start3A_56 : memref<1x125xi32, #tpu.memory_space<vmem>> -> memref<125xi32, #tpu.memory_space<vmem>>
    %dma_start3A_58 = arith.constant 0 : i32
    %dma_start3A_59 = arith.constant 0 : i32
    %dma_start3A_60 = tpu.memref_slice %arg2[%dma_start3A_58, %dma_start3A_59] : memref<10000x128xf32, #tpu.memory_space<hbm>> -> memref<10000x128xf32, #tpu.memory_space<hbm>>
    tpu.enqueue_indirect_dma source(%dma_start3A_60 : memref<10000x128xf32, #tpu.memory_space<hbm>>) target(%arg10 : memref<125x128xf32, #tpu.memory_space<vmem>>) offsets(%dma_start3A_57 : memref<125xi32, #tpu.memory_space<vmem>>) semaphore(%arg13 : memref<!tpu.dma_semaphore, #tpu.memory_space<semaphore_mem>>)
    %scan3A = arith.constant 0 : i32
    %scan3A_61 = arith.constant 0 : i32
    %scan3A_62 = arith.constant 20 : i32
    %scan3A_63 = arith.addi %scan3A_61, %scan3A_62 : i32
    %scan3A_64 = arith.constant 1 : i32
    scf.for %scan3A_71 = %scan3A_61 to %scan3A_63 step %scan3A_64  : i32 {
      %mul3A_72 = arith.constant 2 : i32
      %mul3A_73 = arith.muli %mul3A_72, %scan3A_71 : i32
      %dma_wait3A_74 = arith.constant 0 : i32
      %dma_wait3A_75 = tpu.memref_slice %arg7[%mul3A_73, %dma_wait3A_74] : memref<40x125xi32, #tpu.memory_space<vmem>> -> memref<1x125xi32, #tpu.memory_space<vmem>>
      %dma_wait3A_76 = tpu.memref_squeeze %dma_wait3A_75 : memref<1x125xi32, #tpu.memory_space<vmem>> -> memref<125xi32, #tpu.memory_space<vmem>>
      %dma_wait3A_77 = arith.constant 0 : i32
      %dma_wait3A_78 = arith.constant 0 : i32
      %dma_wait3A_79 = tpu.memref_slice %arg2[%dma_wait3A_77, %dma_wait3A_78] : memref<10000x128xf32, #tpu.memory_space<hbm>> -> memref<10000x128xf32, #tpu.memory_space<hbm>>
      tpu.wait_indirect_dma semaphore(%arg12 : memref<!tpu.dma_semaphore, #tpu.memory_space<semaphore_mem>>) src(%dma_wait3A_79 : memref<10000x128xf32, #tpu.memory_space<hbm>>) dst(%arg9 : memref<125x128xf32, #tpu.memory_space<vmem>>)
      "tpu.region"() ({
        %run_scoped3A = tpu.sem_alloc : memref<!tpu.dma_semaphore, #tpu.memory_space<semaphore_mem>>
        %dma_start3A_101 = arith.constant 0 : i32
        %dma_start3A_102 = tpu.memref_slice %arg8[%mul3A_73, %dma_start3A_101] : memref<40x125xi32, #tpu.memory_space<vmem>> -> memref<1x125xi32, #tpu.memory_space<vmem>>
        %dma_start3A_103 = tpu.memref_squeeze %dma_start3A_102 : memref<1x125xi32, #tpu.memory_space<vmem>> -> memref<125xi32, #tpu.memory_space<vmem>>
        %dma_start3A_104 = arith.constant 0 : i32
        %dma_start3A_105 = arith.constant 0 : i32
        %dma_start3A_106 = tpu.memref_slice %arg11[%dma_start3A_104, %dma_start3A_105] : memref<10240x128xf32, #tpu.memory_space<vmem_shared>> -> memref<10240x128xf32, #tpu.memory_space<vmem_shared>>
        tpu.enqueue_indirect_dma source(%arg9 : memref<125x128xf32, #tpu.memory_space<vmem>>) target(%dma_start3A_106 : memref<10240x128xf32, #tpu.memory_space<vmem_shared>>) offsets(%dma_start3A_103 : memref<125xi32, #tpu.memory_space<vmem>>) semaphore(%run_scoped3A : memref<!tpu.dma_semaphore, #tpu.memory_space<semaphore_mem>>) {add = true}
        %dma_wait3A_107 = arith.constant 0 : i32
        %dma_wait3A_108 = tpu.memref_slice %arg8[%mul3A_73, %dma_wait3A_107] : memref<40x125xi32, #tpu.memory_space<vmem>> -> memref<1x125xi32, #tpu.memory_space<vmem>>
        %dma_wait3A_109 = tpu.memref_squeeze %dma_wait3A_108 : memref<1x125xi32, #tpu.memory_space<vmem>> -> memref<125xi32, #tpu.memory_space<vmem>>
        %dma_wait3A_110 = arith.constant 0 : i32
        %dma_wait3A_111 = arith.constant 0 : i32
        %dma_wait3A_112 = tpu.memref_slice %arg11[%dma_wait3A_110, %dma_wait3A_111] : memref<10240x128xf32, #tpu.memory_space<vmem_shared>> -> memref<10240x128xf32, #tpu.memory_space<vmem_shared>>
        tpu.wait_indirect_dma semaphore(%run_scoped3A : memref<!tpu.dma_semaphore, #tpu.memory_space<semaphore_mem>>) src(%arg9 : memref<125x128xf32, #tpu.memory_space<vmem>>) dst(%dma_wait3A_112 : memref<10240x128xf32, #tpu.memory_space<vmem_shared>>)
        tpu.yield
      }) : () -> ()
      %add3A_80 = arith.constant 2 : i32
      %add3A_81 = arith.addi %mul3A_73, %add3A_80 : i32
      %lt3A = arith.constant 40 : i32
      %lt3A_82 = arith.cmpi slt, %add3A_81, %lt3A : i32
      %convert_element_type3A = arith.extui %lt3A_82 : i1 to i32
      %cond3A = arith.constant 0 : i32
      %cond3A_83 = arith.cmpi ne, %convert_element_type3A, %cond3A : i32
      scf.if %cond3A_83 {
        %add3A_101 = arith.constant 2 : i32
        %add3A_102 = arith.addi %mul3A_73, %add3A_101 : i32
        %dma_start3A_103 = arith.constant 0 : i32
        %dma_start3A_104 = tpu.memref_slice %arg7[%add3A_102, %dma_start3A_103] : memref<40x125xi32, #tpu.memory_space<vmem>> -> memref<1x125xi32, #tpu.memory_space<vmem>>
        %dma_start3A_105 = tpu.memref_squeeze %dma_start3A_104 : memref<1x125xi32, #tpu.memory_space<vmem>> -> memref<125xi32, #tpu.memory_space<vmem>>
        %dma_start3A_106 = arith.constant 0 : i32
        %dma_start3A_107 = arith.constant 0 : i32
        %dma_start3A_108 = tpu.memref_slice %arg2[%dma_start3A_106, %dma_start3A_107] : memref<10000x128xf32, #tpu.memory_space<hbm>> -> memref<10000x128xf32, #tpu.memory_space<hbm>>
        tpu.enqueue_indirect_dma source(%dma_start3A_108 : memref<10000x128xf32, #tpu.memory_space<hbm>>) target(%arg9 : memref<125x128xf32, #tpu.memory_space<vmem>>) offsets(%dma_start3A_105 : memref<125xi32, #tpu.memory_space<vmem>>) semaphore(%arg12 : memref<!tpu.dma_semaphore, #tpu.memory_space<semaphore_mem>>)
      } else {
      }
      %add3A_84 = arith.constant 1 : i32
      %add3A_85 = arith.addi %mul3A_73, %add3A_84 : i32
      %dma_wait3A_86 = arith.constant 0 : i32
      %dma_wait3A_87 = tpu.memref_slice %arg7[%add3A_85, %dma_wait3A_86] : memref<40x125xi32, #tpu.memory_space<vmem>> -> memref<1x125xi32, #tpu.memory_space<vmem>>
      %dma_wait3A_88 = tpu.memref_squeeze %dma_wait3A_87 : memref<1x125xi32, #tpu.memory_space<vmem>> -> memref<125xi32, #tpu.memory_space<vmem>>
      %dma_wait3A_89 = arith.constant 0 : i32
      %dma_wait3A_90 = arith.constant 0 : i32
      %dma_wait3A_91 = tpu.memref_slice %arg2[%dma_wait3A_89, %dma_wait3A_90] : memref<10000x128xf32, #tpu.memory_space<hbm>> -> memref<10000x128xf32, #tpu.memory_space<hbm>>
      tpu.wait_indirect_dma semaphore(%arg13 : memref<!tpu.dma_semaphore, #tpu.memory_space<semaphore_mem>>) src(%dma_wait3A_91 : memref<10000x128xf32, #tpu.memory_space<hbm>>) dst(%arg10 : memref<125x128xf32, #tpu.memory_space<vmem>>)
      %add3A_92 = arith.constant 1 : i32
      %add3A_93 = arith.addi %mul3A_73, %add3A_92 : i32
      "tpu.region"() ({
        %run_scoped3A = tpu.sem_alloc : memref<!tpu.dma_semaphore, #tpu.memory_space<semaphore_mem>>
        %dma_start3A_101 = arith.constant 0 : i32
        %dma_start3A_102 = tpu.memref_slice %arg8[%add3A_93, %dma_start3A_101] : memref<40x125xi32, #tpu.memory_space<vmem>> -> memref<1x125xi32, #tpu.memory_space<vmem>>
        %dma_start3A_103 = tpu.memref_squeeze %dma_start3A_102 : memref<1x125xi32, #tpu.memory_space<vmem>> -> memref<125xi32, #tpu.memory_space<vmem>>
        %dma_start3A_104 = arith.constant 0 : i32
        %dma_start3A_105 = arith.constant 0 : i32
        %dma_start3A_106 = tpu.memref_slice %arg11[%dma_start3A_104, %dma_start3A_105] : memref<10240x128xf32, #tpu.memory_space<vmem_shared>> -> memref<10240x128xf32, #tpu.memory_space<vmem_shared>>
        tpu.enqueue_indirect_dma source(%arg10 : memref<125x128xf32, #tpu.memory_space<vmem>>) target(%dma_start3A_106 : memref<10240x128xf32, #tpu.memory_space<vmem_shared>>) offsets(%dma_start3A_103 : memref<125xi32, #tpu.memory_space<vmem>>) semaphore(%run_scoped3A : memref<!tpu.dma_semaphore, #tpu.memory_space<semaphore_mem>>) {add = true}
        %dma_wait3A_107 = arith.constant 0 : i32
        %dma_wait3A_108 = tpu.memref_slice %arg8[%add3A_93, %dma_wait3A_107] : memref<40x125xi32, #tpu.memory_space<vmem>> -> memref<1x125xi32, #tpu.memory_space<vmem>>
        %dma_wait3A_109 = tpu.memref_squeeze %dma_wait3A_108 : memref<1x125xi32, #tpu.memory_space<vmem>> -> memref<125xi32, #tpu.memory_space<vmem>>
        %dma_wait3A_110 = arith.constant 0 : i32
        %dma_wait3A_111 = arith.constant 0 : i32
        %dma_wait3A_112 = tpu.memref_slice %arg11[%dma_wait3A_110, %dma_wait3A_111] : memref<10240x128xf32, #tpu.memory_space<vmem_shared>> -> memref<10240x128xf32, #tpu.memory_space<vmem_shared>>
        tpu.wait_indirect_dma semaphore(%run_scoped3A : memref<!tpu.dma_semaphore, #tpu.memory_space<semaphore_mem>>) src(%arg10 : memref<125x128xf32, #tpu.memory_space<vmem>>) dst(%dma_wait3A_112 : memref<10240x128xf32, #tpu.memory_space<vmem_shared>>)
        tpu.yield
      }) : () -> ()
      %add3A_94 = arith.constant 3 : i32
      %add3A_95 = arith.addi %mul3A_73, %add3A_94 : i32
      %lt3A_96 = arith.constant 40 : i32
      %lt3A_97 = arith.cmpi slt, %add3A_95, %lt3A_96 : i32
      %convert_element_type3A_98 = arith.extui %lt3A_97 : i1 to i32
      %cond3A_99 = arith.constant 0 : i32
      %cond3A_100 = arith.cmpi ne, %convert_element_type3A_98, %cond3A_99 : i32
      scf.if %cond3A_100 {
        %add3A_101 = arith.constant 3 : i32
        %add3A_102 = arith.addi %mul3A_73, %add3A_101 : i32
        %dma_start3A_103 = arith.constant 0 : i32
        %dma_start3A_104 = tpu.memref_slice %arg7[%add3A_102, %dma_start3A_103] : memref<40x125xi32, #tpu.memory_space<vmem>> -> memref<1x125xi32, #tpu.memory_space<vmem>>
        %dma_start3A_105 = tpu.memref_squeeze %dma_start3A_104 : memref<1x125xi32, #tpu.memory_space<vmem>> -> memref<125xi32, #tpu.memory_space<vmem>>
        %dma_start3A_106 = arith.constant 0 : i32
        %dma_start3A_107 = arith.constant 0 : i32
        %dma_start3A_108 = tpu.memref_slice %arg2[%dma_start3A_106, %dma_start3A_107] : memref<10000x128xf32, #tpu.memory_space<hbm>> -> memref<10000x128xf32, #tpu.memory_space<hbm>>
        tpu.enqueue_indirect_dma source(%dma_start3A_108 : memref<10000x128xf32, #tpu.memory_space<hbm>>) target(%arg10 : memref<125x128xf32, #tpu.memory_space<vmem>>) offsets(%dma_start3A_105 : memref<125xi32, #tpu.memory_space<vmem>>) semaphore(%arg13 : memref<!tpu.dma_semaphore, #tpu.memory_space<semaphore_mem>>)
      } else {
      }
    }
    %scan3A_65 = arith.constant 20 : i32
    %barrier3A_66 = arith.constant 0 : index
    tpu.barrier barrier_id(%barrier3A_66)
    %mul3A_67 = arith.constant 640 : i32
    %mul3A_68 = arith.muli %arg1, %mul3A_67 : i32
    %mul3A_69 = arith.constant 640 : i32
    %mul3A_70 = arith.muli %arg1, %mul3A_69 : i32
    "tpu.region"() ({
      %run_scoped3A = tpu.sem_alloc : memref<!tpu.dma_semaphore, #tpu.memory_space<semaphore_mem>>
      %dma_start3A_71 = arith.constant 0 : i32
      %dma_start3A_72 = tpu.memref_slice %arg6[%arg0, %mul3A_70, %dma_start3A_71] : memref<2x10240x128xf32, #tpu.memory_space<hbm>> -> memref<1x640x128xf32, #tpu.memory_space<hbm>>
      %dma_start3A_73 = tpu.memref_squeeze %dma_start3A_72 : memref<1x640x128xf32, #tpu.memory_space<hbm>> -> memref<640x128xf32, #tpu.memory_space<hbm>>
      %dma_start3A_74 = arith.constant 0 : i32
      %dma_start3A_75 = tpu.memref_slice %arg11[%mul3A_68, %dma_start3A_74] : memref<10240x128xf32, #tpu.memory_space<vmem_shared>> -> memref<640x128xf32, #tpu.memory_space<vmem_shared>>
      tpu.enqueue_dma source(%dma_start3A_75 : memref<640x128xf32, #tpu.memory_space<vmem_shared>>) target(%dma_start3A_73 : memref<640x128xf32, #tpu.memory_space<hbm>>) target_semaphore(%run_scoped3A : memref<!tpu.dma_semaphore, #tpu.memory_space<semaphore_mem>>)
      %dma_wait3A_76 = arith.constant 0 : i32
      %dma_wait3A_77 = tpu.memref_slice %arg6[%arg0, %mul3A_70, %dma_wait3A_76] : memref<2x10240x128xf32, #tpu.memory_space<hbm>> -> memref<1x640x128xf32, #tpu.memory_space<hbm>>
      %dma_wait3A_78 = tpu.memref_squeeze %dma_wait3A_77 : memref<1x640x128xf32, #tpu.memory_space<hbm>> -> memref<640x128xf32, #tpu.memory_space<hbm>>
      %dma_wait3A_79 = arith.constant 0 : i32
      %dma_wait3A_80 = tpu.memref_slice %arg11[%mul3A_68, %dma_wait3A_79] : memref<10240x128xf32, #tpu.memory_space<vmem_shared>> -> memref<640x128xf32, #tpu.memory_space<vmem_shared>>
      tpu.wait_dma2 semaphore(%run_scoped3A : memref<!tpu.dma_semaphore, #tpu.memory_space<semaphore_mem>>) src(%dma_wait3A_80 : memref<640x128xf32, #tpu.memory_space<vmem_shared>>) dst(%dma_wait3A_78 : memref<640x128xf32, #tpu.memory_space<hbm>>)
      tpu.yield
    }) : () -> ()
    return
  }
}

#map = affine_map<(d0, d1) -> (0, 0)>
#map1 = affine_map<(d0, d1) -> (0, 0, 0)>
module attributes {stable_mosaic.version = 14 : i64} {
  func.func @_seg_sum_body(%arg0: i32, %arg1: i32, %arg2: memref<10240x128xf32, #tpu.memory_space<hbm>>, %arg3: memref<32x40x125xi32, #tpu.memory_space<hbm>>, %arg4: memref<32x40x125xi32, #tpu.memory_space<hbm>>, %arg5: memref<10240x128xf32, #tpu.memory_space<hbm>>, %arg6: memref<2x10240x128xf32, #tpu.memory_space<hbm>>, %arg7: memref<40x125xi32, #tpu.memory_space<vmem>>, %arg8: memref<40x125xi32, #tpu.memory_space<vmem>>, %arg9: memref<125x128xf32, #tpu.memory_space<vmem>>, %arg10: memref<125x128xf32, #tpu.memory_space<vmem>>, %arg11: memref<10240x128xf32, #tpu.memory_space<vmem_shared>>, %arg12: memref<!tpu.dma_semaphore, #tpu.memory_space<semaphore_mem>>, %arg13: memref<!tpu.dma_semaphore, #tpu.memory_space<semaphore_mem>>) attributes {dimension_semantics = [#tpu.dimension_semantics<core_parallel>, #tpu.dimension_semantics<subcore_parallel>], iteration_bounds = array<i64: 2, 16>, scalar_prefetch = 0 : i64, scratch_operands = 7 : i64, tpu.core_type = #tpu.core_type<sc_vector_subcore>, window_params = [{transform_indices = #map}, {transform_indices = #map1}, {transform_indices = #map1}, {transform_indices = #map}, {transform_indices = #map1}]} {
    %mul3A = arith.constant 16 : i32
    %mul3A_0 = arith.muli %arg0, %mul3A : i32
    %add3A = arith.addi %mul3A_0, %arg1 : i32
    %mul3A_1 = arith.constant 640 : i32
    %mul3A_2 = arith.muli %arg1, %mul3A_1 : i32
    %mul3A_3 = arith.constant 640 : i32
    %mul3A_4 = arith.muli %arg1, %mul3A_3 : i32
    %dma_start3A = arith.constant 0 : i32
    %dma_start3A_5 = tpu.memref_slice %arg11[%mul3A_4, %dma_start3A] : memref<10240x128xf32, #tpu.memory_space<vmem_shared>> -> memref<640x128xf32, #tpu.memory_space<vmem_shared>>
    %dma_start3A_6 = arith.constant 0 : i32
    %dma_start3A_7 = tpu.memref_slice %arg5[%mul3A_2, %dma_start3A_6] : memref<10240x128xf32, #tpu.memory_space<hbm>> -> memref<640x128xf32, #tpu.memory_space<hbm>>
    tpu.enqueue_dma source(%dma_start3A_7 : memref<640x128xf32, #tpu.memory_space<hbm>>) target(%dma_start3A_5 : memref<640x128xf32, #tpu.memory_space<vmem_shared>>) target_semaphore(%arg12 : memref<!tpu.dma_semaphore, #tpu.memory_space<semaphore_mem>>)
    %dma_start3A_8 = arith.constant 0 : i32
    %dma_start3A_9 = arith.constant 0 : i32
    %dma_start3A_10 = tpu.memref_slice %arg3[%add3A, %dma_start3A_8, %dma_start3A_9] : memref<32x40x125xi32, #tpu.memory_space<hbm>> -> memref<1x40x125xi32, #tpu.memory_space<hbm>>
    %dma_start3A_11 = tpu.memref_squeeze %dma_start3A_10 : memref<1x40x125xi32, #tpu.memory_space<hbm>> -> memref<40x125xi32, #tpu.memory_space<hbm>>
    %dma_start3A_12 = arith.constant 0 : i32
    %dma_start3A_13 = arith.constant 0 : i32
    %dma_start3A_14 = tpu.memref_slice %arg3[%add3A, %dma_start3A_12, %dma_start3A_13] : memref<32x40x125xi32, #tpu.memory_space<hbm>> -> memref<1x40x125xi32, #tpu.memory_space<hbm>>
    %dma_start3A_15 = tpu.memref_squeeze %dma_start3A_14 : memref<1x40x125xi32, #tpu.memory_space<hbm>> -> memref<40x125xi32, #tpu.memory_space<hbm>>
    tpu.enqueue_dma source(%dma_start3A_15 : memref<40x125xi32, #tpu.memory_space<hbm>>) target(%arg7 : memref<40x125xi32, #tpu.memory_space<vmem>>) target_semaphore(%arg12 : memref<!tpu.dma_semaphore, #tpu.memory_space<semaphore_mem>>)
    %dma_start3A_16 = arith.constant 0 : i32
    %dma_start3A_17 = arith.constant 0 : i32
    %dma_start3A_18 = tpu.memref_slice %arg4[%add3A, %dma_start3A_16, %dma_start3A_17] : memref<32x40x125xi32, #tpu.memory_space<hbm>> -> memref<1x40x125xi32, #tpu.memory_space<hbm>>
    %dma_start3A_19 = tpu.memref_squeeze %dma_start3A_18 : memref<1x40x125xi32, #tpu.memory_space<hbm>> -> memref<40x125xi32, #tpu.memory_space<hbm>>
    %dma_start3A_20 = arith.constant 0 : i32
    %dma_start3A_21 = arith.constant 0 : i32
    %dma_start3A_22 = tpu.memref_slice %arg4[%add3A, %dma_start3A_20, %dma_start3A_21] : memref<32x40x125xi32, #tpu.memory_space<hbm>> -> memref<1x40x125xi32, #tpu.memory_space<hbm>>
    %dma_start3A_23 = tpu.memref_squeeze %dma_start3A_22 : memref<1x40x125xi32, #tpu.memory_space<hbm>> -> memref<40x125xi32, #tpu.memory_space<hbm>>
    tpu.enqueue_dma source(%dma_start3A_23 : memref<40x125xi32, #tpu.memory_space<hbm>>) target(%arg8 : memref<40x125xi32, #tpu.memory_space<vmem>>) target_semaphore(%arg12 : memref<!tpu.dma_semaphore, #tpu.memory_space<semaphore_mem>>)
    %mul3A_24 = arith.constant 640 : i32
    %mul3A_25 = arith.muli %arg1, %mul3A_24 : i32
    %mul3A_26 = arith.constant 640 : i32
    %mul3A_27 = arith.muli %arg1, %mul3A_26 : i32
    %dma_wait3A = arith.constant 0 : i32
    %dma_wait3A_28 = tpu.memref_slice %arg11[%mul3A_27, %dma_wait3A] : memref<10240x128xf32, #tpu.memory_space<vmem_shared>> -> memref<640x128xf32, #tpu.memory_space<vmem_shared>>
    %dma_wait3A_29 = arith.constant 0 : i32
    %dma_wait3A_30 = tpu.memref_slice %arg5[%mul3A_25, %dma_wait3A_29] : memref<10240x128xf32, #tpu.memory_space<hbm>> -> memref<640x128xf32, #tpu.memory_space<hbm>>
    tpu.wait_dma2 semaphore(%arg12 : memref<!tpu.dma_semaphore, #tpu.memory_space<semaphore_mem>>) src(%dma_wait3A_30 : memref<640x128xf32, #tpu.memory_space<hbm>>) dst(%dma_wait3A_28 : memref<640x128xf32, #tpu.memory_space<vmem_shared>>)
    %dma_wait3A_31 = arith.constant 0 : i32
    %dma_wait3A_32 = arith.constant 0 : i32
    %dma_wait3A_33 = tpu.memref_slice %arg3[%add3A, %dma_wait3A_31, %dma_wait3A_32] : memref<32x40x125xi32, #tpu.memory_space<hbm>> -> memref<1x40x125xi32, #tpu.memory_space<hbm>>
    %dma_wait3A_34 = tpu.memref_squeeze %dma_wait3A_33 : memref<1x40x125xi32, #tpu.memory_space<hbm>> -> memref<40x125xi32, #tpu.memory_space<hbm>>
    %dma_wait3A_35 = arith.constant 0 : i32
    %dma_wait3A_36 = arith.constant 0 : i32
    %dma_wait3A_37 = tpu.memref_slice %arg3[%add3A, %dma_wait3A_35, %dma_wait3A_36] : memref<32x40x125xi32, #tpu.memory_space<hbm>> -> memref<1x40x125xi32, #tpu.memory_space<hbm>>
    %dma_wait3A_38 = tpu.memref_squeeze %dma_wait3A_37 : memref<1x40x125xi32, #tpu.memory_space<hbm>> -> memref<40x125xi32, #tpu.memory_space<hbm>>
    tpu.wait_dma2 semaphore(%arg12 : memref<!tpu.dma_semaphore, #tpu.memory_space<semaphore_mem>>) src(%dma_wait3A_38 : memref<40x125xi32, #tpu.memory_space<hbm>>) dst(%arg7 : memref<40x125xi32, #tpu.memory_space<vmem>>)
    %dma_wait3A_39 = arith.constant 0 : i32
    %dma_wait3A_40 = arith.constant 0 : i32
    %dma_wait3A_41 = tpu.memref_slice %arg4[%add3A, %dma_wait3A_39, %dma_wait3A_40] : memref<32x40x125xi32, #tpu.memory_space<hbm>> -> memref<1x40x125xi32, #tpu.memory_space<hbm>>
    %dma_wait3A_42 = tpu.memref_squeeze %dma_wait3A_41 : memref<1x40x125xi32, #tpu.memory_space<hbm>> -> memref<40x125xi32, #tpu.memory_space<hbm>>
    %dma_wait3A_43 = arith.constant 0 : i32
    %dma_wait3A_44 = arith.constant 0 : i32
    %dma_wait3A_45 = tpu.memref_slice %arg4[%add3A, %dma_wait3A_43, %dma_wait3A_44] : memref<32x40x125xi32, #tpu.memory_space<hbm>> -> memref<1x40x125xi32, #tpu.memory_space<hbm>>
    %dma_wait3A_46 = tpu.memref_squeeze %dma_wait3A_45 : memref<1x40x125xi32, #tpu.memory_space<hbm>> -> memref<40x125xi32, #tpu.memory_space<hbm>>
    tpu.wait_dma2 semaphore(%arg12 : memref<!tpu.dma_semaphore, #tpu.memory_space<semaphore_mem>>) src(%dma_wait3A_46 : memref<40x125xi32, #tpu.memory_space<hbm>>) dst(%arg8 : memref<40x125xi32, #tpu.memory_space<vmem>>)
    %barrier3A = arith.constant 0 : index
    tpu.barrier barrier_id(%barrier3A)
    %dma_start3A_47 = arith.constant 0 : i32
    %dma_start3A_48 = arith.constant 0 : i32
    %dma_start3A_49 = tpu.memref_slice %arg7[%dma_start3A_47, %dma_start3A_48] : memref<40x125xi32, #tpu.memory_space<vmem>> -> memref<1x125xi32, #tpu.memory_space<vmem>>
    %dma_start3A_50 = tpu.memref_squeeze %dma_start3A_49 : memref<1x125xi32, #tpu.memory_space<vmem>> -> memref<125xi32, #tpu.memory_space<vmem>>
    %dma_start3A_51 = arith.constant 0 : i32
    %dma_start3A_52 = arith.constant 0 : i32
    %dma_start3A_53 = tpu.memref_slice %arg2[%dma_start3A_51, %dma_start3A_52] : memref<10240x128xf32, #tpu.memory_space<hbm>> -> memref<10240x128xf32, #tpu.memory_space<hbm>>
    tpu.enqueue_indirect_dma source(%dma_start3A_53 : memref<10240x128xf32, #tpu.memory_space<hbm>>) target(%arg9 : memref<125x128xf32, #tpu.memory_space<vmem>>) offsets(%dma_start3A_50 : memref<125xi32, #tpu.memory_space<vmem>>) semaphore(%arg12 : memref<!tpu.dma_semaphore, #tpu.memory_space<semaphore_mem>>)
    %dma_start3A_54 = arith.constant 1 : i32
    %dma_start3A_55 = arith.constant 0 : i32
    %dma_start3A_56 = tpu.memref_slice %arg7[%dma_start3A_54, %dma_start3A_55] : memref<40x125xi32, #tpu.memory_space<vmem>> -> memref<1x125xi32, #tpu.memory_space<vmem>>
    %dma_start3A_57 = tpu.memref_squeeze %dma_start3A_56 : memref<1x125xi32, #tpu.memory_space<vmem>> -> memref<125xi32, #tpu.memory_space<vmem>>
    %dma_start3A_58 = arith.constant 0 : i32
    %dma_start3A_59 = arith.constant 0 : i32
    %dma_start3A_60 = tpu.memref_slice %arg2[%dma_start3A_58, %dma_start3A_59] : memref<10240x128xf32, #tpu.memory_space<hbm>> -> memref<10240x128xf32, #tpu.memory_space<hbm>>
    tpu.enqueue_indirect_dma source(%dma_start3A_60 : memref<10240x128xf32, #tpu.memory_space<hbm>>) target(%arg10 : memref<125x128xf32, #tpu.memory_space<vmem>>) offsets(%dma_start3A_57 : memref<125xi32, #tpu.memory_space<vmem>>) semaphore(%arg13 : memref<!tpu.dma_semaphore, #tpu.memory_space<semaphore_mem>>)
    %scan3A = arith.constant 0 : i32
    %scan3A_61 = arith.constant 0 : i32
    %scan3A_62 = arith.constant 20 : i32
    %scan3A_63 = arith.addi %scan3A_61, %scan3A_62 : i32
    %scan3A_64 = arith.constant 1 : i32
    scf.for %scan3A_71 = %scan3A_61 to %scan3A_63 step %scan3A_64  : i32 {
      %mul3A_72 = arith.constant 2 : i32
      %mul3A_73 = arith.muli %mul3A_72, %scan3A_71 : i32
      %dma_wait3A_74 = arith.constant 0 : i32
      %dma_wait3A_75 = tpu.memref_slice %arg7[%mul3A_73, %dma_wait3A_74] : memref<40x125xi32, #tpu.memory_space<vmem>> -> memref<1x125xi32, #tpu.memory_space<vmem>>
      %dma_wait3A_76 = tpu.memref_squeeze %dma_wait3A_75 : memref<1x125xi32, #tpu.memory_space<vmem>> -> memref<125xi32, #tpu.memory_space<vmem>>
      %dma_wait3A_77 = arith.constant 0 : i32
      %dma_wait3A_78 = arith.constant 0 : i32
      %dma_wait3A_79 = tpu.memref_slice %arg2[%dma_wait3A_77, %dma_wait3A_78] : memref<10240x128xf32, #tpu.memory_space<hbm>> -> memref<10240x128xf32, #tpu.memory_space<hbm>>
      tpu.wait_indirect_dma semaphore(%arg12 : memref<!tpu.dma_semaphore, #tpu.memory_space<semaphore_mem>>) src(%dma_wait3A_79 : memref<10240x128xf32, #tpu.memory_space<hbm>>) dst(%arg9 : memref<125x128xf32, #tpu.memory_space<vmem>>)
      "tpu.region"() ({
        %run_scoped3A = tpu.sem_alloc : memref<!tpu.dma_semaphore, #tpu.memory_space<semaphore_mem>>
        %dma_start3A_101 = arith.constant 0 : i32
        %dma_start3A_102 = tpu.memref_slice %arg8[%mul3A_73, %dma_start3A_101] : memref<40x125xi32, #tpu.memory_space<vmem>> -> memref<1x125xi32, #tpu.memory_space<vmem>>
        %dma_start3A_103 = tpu.memref_squeeze %dma_start3A_102 : memref<1x125xi32, #tpu.memory_space<vmem>> -> memref<125xi32, #tpu.memory_space<vmem>>
        %dma_start3A_104 = arith.constant 0 : i32
        %dma_start3A_105 = arith.constant 0 : i32
        %dma_start3A_106 = tpu.memref_slice %arg11[%dma_start3A_104, %dma_start3A_105] : memref<10240x128xf32, #tpu.memory_space<vmem_shared>> -> memref<10240x128xf32, #tpu.memory_space<vmem_shared>>
        tpu.enqueue_indirect_dma source(%arg9 : memref<125x128xf32, #tpu.memory_space<vmem>>) target(%dma_start3A_106 : memref<10240x128xf32, #tpu.memory_space<vmem_shared>>) offsets(%dma_start3A_103 : memref<125xi32, #tpu.memory_space<vmem>>) semaphore(%run_scoped3A : memref<!tpu.dma_semaphore, #tpu.memory_space<semaphore_mem>>) {add = true}
        %dma_wait3A_107 = arith.constant 0 : i32
        %dma_wait3A_108 = tpu.memref_slice %arg8[%mul3A_73, %dma_wait3A_107] : memref<40x125xi32, #tpu.memory_space<vmem>> -> memref<1x125xi32, #tpu.memory_space<vmem>>
        %dma_wait3A_109 = tpu.memref_squeeze %dma_wait3A_108 : memref<1x125xi32, #tpu.memory_space<vmem>> -> memref<125xi32, #tpu.memory_space<vmem>>
        %dma_wait3A_110 = arith.constant 0 : i32
        %dma_wait3A_111 = arith.constant 0 : i32
        %dma_wait3A_112 = tpu.memref_slice %arg11[%dma_wait3A_110, %dma_wait3A_111] : memref<10240x128xf32, #tpu.memory_space<vmem_shared>> -> memref<10240x128xf32, #tpu.memory_space<vmem_shared>>
        tpu.wait_indirect_dma semaphore(%run_scoped3A : memref<!tpu.dma_semaphore, #tpu.memory_space<semaphore_mem>>) src(%arg9 : memref<125x128xf32, #tpu.memory_space<vmem>>) dst(%dma_wait3A_112 : memref<10240x128xf32, #tpu.memory_space<vmem_shared>>)
        tpu.yield
      }) : () -> ()
      %add3A_80 = arith.constant 2 : i32
      %add3A_81 = arith.addi %mul3A_73, %add3A_80 : i32
      %lt3A = arith.constant 40 : i32
      %lt3A_82 = arith.cmpi slt, %add3A_81, %lt3A : i32
      %convert_element_type3A = arith.extui %lt3A_82 : i1 to i32
      %cond3A = arith.constant 0 : i32
      %cond3A_83 = arith.cmpi ne, %convert_element_type3A, %cond3A : i32
      scf.if %cond3A_83 {
        %add3A_101 = arith.constant 2 : i32
        %add3A_102 = arith.addi %mul3A_73, %add3A_101 : i32
        %dma_start3A_103 = arith.constant 0 : i32
        %dma_start3A_104 = tpu.memref_slice %arg7[%add3A_102, %dma_start3A_103] : memref<40x125xi32, #tpu.memory_space<vmem>> -> memref<1x125xi32, #tpu.memory_space<vmem>>
        %dma_start3A_105 = tpu.memref_squeeze %dma_start3A_104 : memref<1x125xi32, #tpu.memory_space<vmem>> -> memref<125xi32, #tpu.memory_space<vmem>>
        %dma_start3A_106 = arith.constant 0 : i32
        %dma_start3A_107 = arith.constant 0 : i32
        %dma_start3A_108 = tpu.memref_slice %arg2[%dma_start3A_106, %dma_start3A_107] : memref<10240x128xf32, #tpu.memory_space<hbm>> -> memref<10240x128xf32, #tpu.memory_space<hbm>>
        tpu.enqueue_indirect_dma source(%dma_start3A_108 : memref<10240x128xf32, #tpu.memory_space<hbm>>) target(%arg9 : memref<125x128xf32, #tpu.memory_space<vmem>>) offsets(%dma_start3A_105 : memref<125xi32, #tpu.memory_space<vmem>>) semaphore(%arg12 : memref<!tpu.dma_semaphore, #tpu.memory_space<semaphore_mem>>)
      } else {
      }
      %add3A_84 = arith.constant 1 : i32
      %add3A_85 = arith.addi %mul3A_73, %add3A_84 : i32
      %dma_wait3A_86 = arith.constant 0 : i32
      %dma_wait3A_87 = tpu.memref_slice %arg7[%add3A_85, %dma_wait3A_86] : memref<40x125xi32, #tpu.memory_space<vmem>> -> memref<1x125xi32, #tpu.memory_space<vmem>>
      %dma_wait3A_88 = tpu.memref_squeeze %dma_wait3A_87 : memref<1x125xi32, #tpu.memory_space<vmem>> -> memref<125xi32, #tpu.memory_space<vmem>>
      %dma_wait3A_89 = arith.constant 0 : i32
      %dma_wait3A_90 = arith.constant 0 : i32
      %dma_wait3A_91 = tpu.memref_slice %arg2[%dma_wait3A_89, %dma_wait3A_90] : memref<10240x128xf32, #tpu.memory_space<hbm>> -> memref<10240x128xf32, #tpu.memory_space<hbm>>
      tpu.wait_indirect_dma semaphore(%arg13 : memref<!tpu.dma_semaphore, #tpu.memory_space<semaphore_mem>>) src(%dma_wait3A_91 : memref<10240x128xf32, #tpu.memory_space<hbm>>) dst(%arg10 : memref<125x128xf32, #tpu.memory_space<vmem>>)
      %add3A_92 = arith.constant 1 : i32
      %add3A_93 = arith.addi %mul3A_73, %add3A_92 : i32
      "tpu.region"() ({
        %run_scoped3A = tpu.sem_alloc : memref<!tpu.dma_semaphore, #tpu.memory_space<semaphore_mem>>
        %dma_start3A_101 = arith.constant 0 : i32
        %dma_start3A_102 = tpu.memref_slice %arg8[%add3A_93, %dma_start3A_101] : memref<40x125xi32, #tpu.memory_space<vmem>> -> memref<1x125xi32, #tpu.memory_space<vmem>>
        %dma_start3A_103 = tpu.memref_squeeze %dma_start3A_102 : memref<1x125xi32, #tpu.memory_space<vmem>> -> memref<125xi32, #tpu.memory_space<vmem>>
        %dma_start3A_104 = arith.constant 0 : i32
        %dma_start3A_105 = arith.constant 0 : i32
        %dma_start3A_106 = tpu.memref_slice %arg11[%dma_start3A_104, %dma_start3A_105] : memref<10240x128xf32, #tpu.memory_space<vmem_shared>> -> memref<10240x128xf32, #tpu.memory_space<vmem_shared>>
        tpu.enqueue_indirect_dma source(%arg10 : memref<125x128xf32, #tpu.memory_space<vmem>>) target(%dma_start3A_106 : memref<10240x128xf32, #tpu.memory_space<vmem_shared>>) offsets(%dma_start3A_103 : memref<125xi32, #tpu.memory_space<vmem>>) semaphore(%run_scoped3A : memref<!tpu.dma_semaphore, #tpu.memory_space<semaphore_mem>>) {add = true}
        %dma_wait3A_107 = arith.constant 0 : i32
        %dma_wait3A_108 = tpu.memref_slice %arg8[%add3A_93, %dma_wait3A_107] : memref<40x125xi32, #tpu.memory_space<vmem>> -> memref<1x125xi32, #tpu.memory_space<vmem>>
        %dma_wait3A_109 = tpu.memref_squeeze %dma_wait3A_108 : memref<1x125xi32, #tpu.memory_space<vmem>> -> memref<125xi32, #tpu.memory_space<vmem>>
        %dma_wait3A_110 = arith.constant 0 : i32
        %dma_wait3A_111 = arith.constant 0 : i32
        %dma_wait3A_112 = tpu.memref_slice %arg11[%dma_wait3A_110, %dma_wait3A_111] : memref<10240x128xf32, #tpu.memory_space<vmem_shared>> -> memref<10240x128xf32, #tpu.memory_space<vmem_shared>>
        tpu.wait_indirect_dma semaphore(%run_scoped3A : memref<!tpu.dma_semaphore, #tpu.memory_space<semaphore_mem>>) src(%arg10 : memref<125x128xf32, #tpu.memory_space<vmem>>) dst(%dma_wait3A_112 : memref<10240x128xf32, #tpu.memory_space<vmem_shared>>)
        tpu.yield
      }) : () -> ()
      %add3A_94 = arith.constant 3 : i32
      %add3A_95 = arith.addi %mul3A_73, %add3A_94 : i32
      %lt3A_96 = arith.constant 40 : i32
      %lt3A_97 = arith.cmpi slt, %add3A_95, %lt3A_96 : i32
      %convert_element_type3A_98 = arith.extui %lt3A_97 : i1 to i32
      %cond3A_99 = arith.constant 0 : i32
      %cond3A_100 = arith.cmpi ne, %convert_element_type3A_98, %cond3A_99 : i32
      scf.if %cond3A_100 {
        %add3A_101 = arith.constant 3 : i32
        %add3A_102 = arith.addi %mul3A_73, %add3A_101 : i32
        %dma_start3A_103 = arith.constant 0 : i32
        %dma_start3A_104 = tpu.memref_slice %arg7[%add3A_102, %dma_start3A_103] : memref<40x125xi32, #tpu.memory_space<vmem>> -> memref<1x125xi32, #tpu.memory_space<vmem>>
        %dma_start3A_105 = tpu.memref_squeeze %dma_start3A_104 : memref<1x125xi32, #tpu.memory_space<vmem>> -> memref<125xi32, #tpu.memory_space<vmem>>
        %dma_start3A_106 = arith.constant 0 : i32
        %dma_start3A_107 = arith.constant 0 : i32
        %dma_start3A_108 = tpu.memref_slice %arg2[%dma_start3A_106, %dma_start3A_107] : memref<10240x128xf32, #tpu.memory_space<hbm>> -> memref<10240x128xf32, #tpu.memory_space<hbm>>
        tpu.enqueue_indirect_dma source(%dma_start3A_108 : memref<10240x128xf32, #tpu.memory_space<hbm>>) target(%arg10 : memref<125x128xf32, #tpu.memory_space<vmem>>) offsets(%dma_start3A_105 : memref<125xi32, #tpu.memory_space<vmem>>) semaphore(%arg13 : memref<!tpu.dma_semaphore, #tpu.memory_space<semaphore_mem>>)
      } else {
      }
    }
    %scan3A_65 = arith.constant 20 : i32
    %barrier3A_66 = arith.constant 0 : index
    tpu.barrier barrier_id(%barrier3A_66)
    %mul3A_67 = arith.constant 640 : i32
    %mul3A_68 = arith.muli %arg1, %mul3A_67 : i32
    %mul3A_69 = arith.constant 640 : i32
    %mul3A_70 = arith.muli %arg1, %mul3A_69 : i32
    "tpu.region"() ({
      %run_scoped3A = tpu.sem_alloc : memref<!tpu.dma_semaphore, #tpu.memory_space<semaphore_mem>>
      %dma_start3A_71 = arith.constant 0 : i32
      %dma_start3A_72 = tpu.memref_slice %arg6[%arg0, %mul3A_70, %dma_start3A_71] : memref<2x10240x128xf32, #tpu.memory_space<hbm>> -> memref<1x640x128xf32, #tpu.memory_space<hbm>>
      %dma_start3A_73 = tpu.memref_squeeze %dma_start3A_72 : memref<1x640x128xf32, #tpu.memory_space<hbm>> -> memref<640x128xf32, #tpu.memory_space<hbm>>
      %dma_start3A_74 = arith.constant 0 : i32
      %dma_start3A_75 = tpu.memref_slice %arg11[%mul3A_68, %dma_start3A_74] : memref<10240x128xf32, #tpu.memory_space<vmem_shared>> -> memref<640x128xf32, #tpu.memory_space<vmem_shared>>
      tpu.enqueue_dma source(%dma_start3A_75 : memref<640x128xf32, #tpu.memory_space<vmem_shared>>) target(%dma_start3A_73 : memref<640x128xf32, #tpu.memory_space<hbm>>) target_semaphore(%run_scoped3A : memref<!tpu.dma_semaphore, #tpu.memory_space<semaphore_mem>>)
      %dma_wait3A_76 = arith.constant 0 : i32
      %dma_wait3A_77 = tpu.memref_slice %arg6[%arg0, %mul3A_70, %dma_wait3A_76] : memref<2x10240x128xf32, #tpu.memory_space<hbm>> -> memref<1x640x128xf32, #tpu.memory_space<hbm>>
      %dma_wait3A_78 = tpu.memref_squeeze %dma_wait3A_77 : memref<1x640x128xf32, #tpu.memory_space<hbm>> -> memref<640x128xf32, #tpu.memory_space<hbm>>
      %dma_wait3A_79 = arith.constant 0 : i32
      %dma_wait3A_80 = tpu.memref_slice %arg11[%mul3A_68, %dma_wait3A_79] : memref<10240x128xf32, #tpu.memory_space<vmem_shared>> -> memref<640x128xf32, #tpu.memory_space<vmem_shared>>
      tpu.wait_dma2 semaphore(%run_scoped3A : memref<!tpu.dma_semaphore, #tpu.memory_space<semaphore_mem>>) src(%dma_wait3A_80 : memref<640x128xf32, #tpu.memory_space<vmem_shared>>) dst(%dma_wait3A_78 : memref<640x128xf32, #tpu.memory_space<hbm>>)
      tpu.yield
    }) : () -> ()
    return
  }
}

#map = affine_map<(d0, d1) -> (0, 0)>
#map1 = affine_map<(d0, d1) -> (0, 0, 0)>
module attributes {stable_mosaic.version = 14 : i64} {
  func.func @body_fn(%arg0: i32, %arg1: i32, %arg2: memref<10240x128xf32, #tpu.memory_space<hbm>>, %arg3: memref<10240x128xf32, #tpu.memory_space<hbm>>, %arg4: memref<32x50x40xi32, #tpu.memory_space<hbm>>, %arg5: memref<32x50x40xi32, #tpu.memory_space<hbm>>, %arg6: memref<64000x128xf32, #tpu.memory_space<hbm>>, %arg7: memref<50x40xi32, #tpu.memory_space<vmem>>, %arg8: memref<50x40xi32, #tpu.memory_space<vmem>>, %arg9: memref<200x128xf32, #tpu.memory_space<vmem>>, %arg10: memref<200x128xf32, #tpu.memory_space<vmem>>, %arg11: memref<!tpu.dma_semaphore, #tpu.memory_space<semaphore_mem>>, %arg12: memref<!tpu.dma_semaphore, #tpu.memory_space<semaphore_mem>>, %arg13: memref<!tpu.dma_semaphore, #tpu.memory_space<semaphore_mem>>) attributes {dimension_semantics = [#tpu.dimension_semantics<core_parallel>, #tpu.dimension_semantics<subcore_parallel>], iteration_bounds = array<i64: 2, 16>, scalar_prefetch = 0 : i64, scratch_operands = 7 : i64, tpu.core_type = #tpu.core_type<sc_vector_subcore>, window_params = [{transform_indices = #map}, {transform_indices = #map}, {transform_indices = #map1}, {transform_indices = #map1}, {transform_indices = #map}]} {
    %mul3A = arith.constant 16 : i32
    %mul3A_0 = arith.muli %arg0, %mul3A : i32
    %add3A = arith.addi %mul3A_0, %arg1 : i32
    %dma_start3A = arith.constant 0 : i32
    %dma_start3A_1 = arith.constant 0 : i32
    %dma_start3A_2 = tpu.memref_slice %arg4[%add3A, %dma_start3A, %dma_start3A_1] : memref<32x50x40xi32, #tpu.memory_space<hbm>> -> memref<1x50x40xi32, #tpu.memory_space<hbm>>
    %dma_start3A_3 = tpu.memref_squeeze %dma_start3A_2 : memref<1x50x40xi32, #tpu.memory_space<hbm>> -> memref<50x40xi32, #tpu.memory_space<hbm>>
    %dma_start3A_4 = arith.constant 0 : i32
    %dma_start3A_5 = arith.constant 0 : i32
    %dma_start3A_6 = tpu.memref_slice %arg4[%add3A, %dma_start3A_4, %dma_start3A_5] : memref<32x50x40xi32, #tpu.memory_space<hbm>> -> memref<1x50x40xi32, #tpu.memory_space<hbm>>
    %dma_start3A_7 = tpu.memref_squeeze %dma_start3A_6 : memref<1x50x40xi32, #tpu.memory_space<hbm>> -> memref<50x40xi32, #tpu.memory_space<hbm>>
    tpu.enqueue_dma source(%dma_start3A_7 : memref<50x40xi32, #tpu.memory_space<hbm>>) target(%arg7 : memref<50x40xi32, #tpu.memory_space<vmem>>) target_semaphore(%arg13 : memref<!tpu.dma_semaphore, #tpu.memory_space<semaphore_mem>>)
    %dma_start3A_8 = arith.constant 0 : i32
    %dma_start3A_9 = arith.constant 0 : i32
    %dma_start3A_10 = tpu.memref_slice %arg5[%add3A, %dma_start3A_8, %dma_start3A_9] : memref<32x50x40xi32, #tpu.memory_space<hbm>> -> memref<1x50x40xi32, #tpu.memory_space<hbm>>
    %dma_start3A_11 = tpu.memref_squeeze %dma_start3A_10 : memref<1x50x40xi32, #tpu.memory_space<hbm>> -> memref<50x40xi32, #tpu.memory_space<hbm>>
    %dma_start3A_12 = arith.constant 0 : i32
    %dma_start3A_13 = arith.constant 0 : i32
    %dma_start3A_14 = tpu.memref_slice %arg5[%add3A, %dma_start3A_12, %dma_start3A_13] : memref<32x50x40xi32, #tpu.memory_space<hbm>> -> memref<1x50x40xi32, #tpu.memory_space<hbm>>
    %dma_start3A_15 = tpu.memref_squeeze %dma_start3A_14 : memref<1x50x40xi32, #tpu.memory_space<hbm>> -> memref<50x40xi32, #tpu.memory_space<hbm>>
    tpu.enqueue_dma source(%dma_start3A_15 : memref<50x40xi32, #tpu.memory_space<hbm>>) target(%arg8 : memref<50x40xi32, #tpu.memory_space<vmem>>) target_semaphore(%arg13 : memref<!tpu.dma_semaphore, #tpu.memory_space<semaphore_mem>>)
    %dma_wait3A = arith.constant 0 : i32
    %dma_wait3A_16 = arith.constant 0 : i32
    %dma_wait3A_17 = tpu.memref_slice %arg4[%add3A, %dma_wait3A, %dma_wait3A_16] : memref<32x50x40xi32, #tpu.memory_space<hbm>> -> memref<1x50x40xi32, #tpu.memory_space<hbm>>
    %dma_wait3A_18 = tpu.memref_squeeze %dma_wait3A_17 : memref<1x50x40xi32, #tpu.memory_space<hbm>> -> memref<50x40xi32, #tpu.memory_space<hbm>>
    %dma_wait3A_19 = arith.constant 0 : i32
    %dma_wait3A_20 = arith.constant 0 : i32
    %dma_wait3A_21 = tpu.memref_slice %arg4[%add3A, %dma_wait3A_19, %dma_wait3A_20] : memref<32x50x40xi32, #tpu.memory_space<hbm>> -> memref<1x50x40xi32, #tpu.memory_space<hbm>>
    %dma_wait3A_22 = tpu.memref_squeeze %dma_wait3A_21 : memref<1x50x40xi32, #tpu.memory_space<hbm>> -> memref<50x40xi32, #tpu.memory_space<hbm>>
    tpu.wait_dma2 semaphore(%arg13 : memref<!tpu.dma_semaphore, #tpu.memory_space<semaphore_mem>>) src(%dma_wait3A_22 : memref<50x40xi32, #tpu.memory_space<hbm>>) dst(%arg7 : memref<50x40xi32, #tpu.memory_space<vmem>>)
    %dma_wait3A_23 = arith.constant 0 : i32
    %dma_wait3A_24 = arith.constant 0 : i32
    %dma_wait3A_25 = tpu.memref_slice %arg5[%add3A, %dma_wait3A_23, %dma_wait3A_24] : memref<32x50x40xi32, #tpu.memory_space<hbm>> -> memref<1x50x40xi32, #tpu.memory_space<hbm>>
    %dma_wait3A_26 = tpu.memref_squeeze %dma_wait3A_25 : memref<1x50x40xi32, #tpu.memory_space<hbm>> -> memref<50x40xi32, #tpu.memory_space<hbm>>
    %dma_wait3A_27 = arith.constant 0 : i32
    %dma_wait3A_28 = arith.constant 0 : i32
    %dma_wait3A_29 = tpu.memref_slice %arg5[%add3A, %dma_wait3A_27, %dma_wait3A_28] : memref<32x50x40xi32, #tpu.memory_space<hbm>> -> memref<1x50x40xi32, #tpu.memory_space<hbm>>
    %dma_wait3A_30 = tpu.memref_squeeze %dma_wait3A_29 : memref<1x50x40xi32, #tpu.memory_space<hbm>> -> memref<50x40xi32, #tpu.memory_space<hbm>>
    tpu.wait_dma2 semaphore(%arg13 : memref<!tpu.dma_semaphore, #tpu.memory_space<semaphore_mem>>) src(%dma_wait3A_30 : memref<50x40xi32, #tpu.memory_space<hbm>>) dst(%arg8 : memref<50x40xi32, #tpu.memory_space<vmem>>)
    %mul3A_31 = arith.constant 2000 : i32
    %mul3A_32 = arith.muli %add3A, %mul3A_31 : i32
    %dma_start3A_33 = arith.constant 0 : i32
    %dma_start3A_34 = arith.constant 0 : i32
    %dma_start3A_35 = arith.constant 0 : i32
    %dma_start3A_36 = tpu.memref_slice %arg9[%dma_start3A_34, %dma_start3A_35] : memref<200x128xf32, #tpu.memory_space<vmem>> -> memref<40x128xf32, #tpu.memory_space<vmem>>
    %dma_start3A_37 = arith.constant 0 : i32
    %dma_start3A_38 = tpu.memref_slice %arg7[%dma_start3A_33, %dma_start3A_37] : memref<50x40xi32, #tpu.memory_space<vmem>> -> memref<1x40xi32, #tpu.memory_space<vmem>>
    %dma_start3A_39 = tpu.memref_squeeze %dma_start3A_38 : memref<1x40xi32, #tpu.memory_space<vmem>> -> memref<40xi32, #tpu.memory_space<vmem>>
    %dma_start3A_40 = arith.constant 0 : i32
    %dma_start3A_41 = arith.constant 0 : i32
    %dma_start3A_42 = tpu.memref_slice %arg2[%dma_start3A_40, %dma_start3A_41] : memref<10240x128xf32, #tpu.memory_space<hbm>> -> memref<10240x128xf32, #tpu.memory_space<hbm>>
    tpu.enqueue_indirect_dma source(%dma_start3A_42 : memref<10240x128xf32, #tpu.memory_space<hbm>>) target(%dma_start3A_36 : memref<40x128xf32, #tpu.memory_space<vmem>>) offsets(%dma_start3A_39 : memref<40xi32, #tpu.memory_space<vmem>>) semaphore(%arg11 : memref<!tpu.dma_semaphore, #tpu.memory_space<semaphore_mem>>)
    %dma_start3A_43 = arith.constant 1 : i32
    %dma_start3A_44 = arith.constant 40 : i32
    %dma_start3A_45 = arith.constant 0 : i32
    %dma_start3A_46 = tpu.memref_slice %arg9[%dma_start3A_44, %dma_start3A_45] : memref<200x128xf32, #tpu.memory_space<vmem>> -> memref<40x128xf32, #tpu.memory_space<vmem>>
    %dma_start3A_47 = arith.constant 0 : i32
    %dma_start3A_48 = tpu.memref_slice %arg7[%dma_start3A_43, %dma_start3A_47] : memref<50x40xi32, #tpu.memory_space<vmem>> -> memref<1x40xi32, #tpu.memory_space<vmem>>
    %dma_start3A_49 = tpu.memref_squeeze %dma_start3A_48 : memref<1x40xi32, #tpu.memory_space<vmem>> -> memref<40xi32, #tpu.memory_space<vmem>>
    %dma_start3A_50 = arith.constant 0 : i32
    %dma_start3A_51 = arith.constant 0 : i32
    %dma_start3A_52 = tpu.memref_slice %arg2[%dma_start3A_50, %dma_start3A_51] : memref<10240x128xf32, #tpu.memory_space<hbm>> -> memref<10240x128xf32, #tpu.memory_space<hbm>>
    tpu.enqueue_indirect_dma source(%dma_start3A_52 : memref<10240x128xf32, #tpu.memory_space<hbm>>) target(%dma_start3A_46 : memref<40x128xf32, #tpu.memory_space<vmem>>) offsets(%dma_start3A_49 : memref<40xi32, #tpu.memory_space<vmem>>) semaphore(%arg11 : memref<!tpu.dma_semaphore, #tpu.memory_space<semaphore_mem>>)
    %dma_start3A_53 = arith.constant 2 : i32
    %dma_start3A_54 = arith.constant 80 : i32
    %dma_start3A_55 = arith.constant 0 : i32
    %dma_start3A_56 = tpu.memref_slice %arg9[%dma_start3A_54, %dma_start3A_55] : memref<200x128xf32, #tpu.memory_space<vmem>> -> memref<40x128xf32, #tpu.memory_space<vmem>>
    %dma_start3A_57 = arith.constant 0 : i32
    %dma_start3A_58 = tpu.memref_slice %arg7[%dma_start3A_53, %dma_start3A_57] : memref<50x40xi32, #tpu.memory_space<vmem>> -> memref<1x40xi32, #tpu.memory_space<vmem>>
    %dma_start3A_59 = tpu.memref_squeeze %dma_start3A_58 : memref<1x40xi32, #tpu.memory_space<vmem>> -> memref<40xi32, #tpu.memory_space<vmem>>
    %dma_start3A_60 = arith.constant 0 : i32
    %dma_start3A_61 = arith.constant 0 : i32
    %dma_start3A_62 = tpu.memref_slice %arg2[%dma_start3A_60, %dma_start3A_61] : memref<10240x128xf32, #tpu.memory_space<hbm>> -> memref<10240x128xf32, #tpu.memory_space<hbm>>
    tpu.enqueue_indirect_dma source(%dma_start3A_62 : memref<10240x128xf32, #tpu.memory_space<hbm>>) target(%dma_start3A_56 : memref<40x128xf32, #tpu.memory_space<vmem>>) offsets(%dma_start3A_59 : memref<40xi32, #tpu.memory_space<vmem>>) semaphore(%arg11 : memref<!tpu.dma_semaphore, #tpu.memory_space<semaphore_mem>>)
    %dma_start3A_63 = arith.constant 3 : i32
    %dma_start3A_64 = arith.constant 120 : i32
    %dma_start3A_65 = arith.constant 0 : i32
    %dma_start3A_66 = tpu.memref_slice %arg9[%dma_start3A_64, %dma_start3A_65] : memref<200x128xf32, #tpu.memory_space<vmem>> -> memref<40x128xf32, #tpu.memory_space<vmem>>
    %dma_start3A_67 = arith.constant 0 : i32
    %dma_start3A_68 = tpu.memref_slice %arg7[%dma_start3A_63, %dma_start3A_67] : memref<50x40xi32, #tpu.memory_space<vmem>> -> memref<1x40xi32, #tpu.memory_space<vmem>>
    %dma_start3A_69 = tpu.memref_squeeze %dma_start3A_68 : memref<1x40xi32, #tpu.memory_space<vmem>> -> memref<40xi32, #tpu.memory_space<vmem>>
    %dma_start3A_70 = arith.constant 0 : i32
    %dma_start3A_71 = arith.constant 0 : i32
    %dma_start3A_72 = tpu.memref_slice %arg2[%dma_start3A_70, %dma_start3A_71] : memref<10240x128xf32, #tpu.memory_space<hbm>> -> memref<10240x128xf32, #tpu.memory_space<hbm>>
    tpu.enqueue_indirect_dma source(%dma_start3A_72 : memref<10240x128xf32, #tpu.memory_space<hbm>>) target(%dma_start3A_66 : memref<40x128xf32, #tpu.memory_space<vmem>>) offsets(%dma_start3A_69 : memref<40xi32, #tpu.memory_space<vmem>>) semaphore(%arg11 : memref<!tpu.dma_semaphore, #tpu.memory_space<semaphore_mem>>)
    %dma_start3A_73 = arith.constant 4 : i32
    %dma_start3A_74 = arith.constant 160 : i32
    %dma_start3A_75 = arith.constant 0 : i32
    %dma_start3A_76 = tpu.memref_slice %arg9[%dma_start3A_74, %dma_start3A_75] : memref<200x128xf32, #tpu.memory_space<vmem>> -> memref<40x128xf32, #tpu.memory_space<vmem>>
    %dma_start3A_77 = arith.constant 0 : i32
    %dma_start3A_78 = tpu.memref_slice %arg7[%dma_start3A_73, %dma_start3A_77] : memref<50x40xi32, #tpu.memory_space<vmem>> -> memref<1x40xi32, #tpu.memory_space<vmem>>
    %dma_start3A_79 = tpu.memref_squeeze %dma_start3A_78 : memref<1x40xi32, #tpu.memory_space<vmem>> -> memref<40xi32, #tpu.memory_space<vmem>>
    %dma_start3A_80 = arith.constant 0 : i32
    %dma_start3A_81 = arith.constant 0 : i32
    %dma_start3A_82 = tpu.memref_slice %arg2[%dma_start3A_80, %dma_start3A_81] : memref<10240x128xf32, #tpu.memory_space<hbm>> -> memref<10240x128xf32, #tpu.memory_space<hbm>>
    tpu.enqueue_indirect_dma source(%dma_start3A_82 : memref<10240x128xf32, #tpu.memory_space<hbm>>) target(%dma_start3A_76 : memref<40x128xf32, #tpu.memory_space<vmem>>) offsets(%dma_start3A_79 : memref<40xi32, #tpu.memory_space<vmem>>) semaphore(%arg11 : memref<!tpu.dma_semaphore, #tpu.memory_space<semaphore_mem>>)
    %dma_start3A_83 = arith.constant 5 : i32
    %dma_start3A_84 = arith.constant 0 : i32
    %dma_start3A_85 = arith.constant 0 : i32
    %dma_start3A_86 = tpu.memref_slice %arg10[%dma_start3A_84, %dma_start3A_85] : memref<200x128xf32, #tpu.memory_space<vmem>> -> memref<40x128xf32, #tpu.memory_space<vmem>>
    %dma_start3A_87 = arith.constant 0 : i32
    %dma_start3A_88 = tpu.memref_slice %arg7[%dma_start3A_83, %dma_start3A_87] : memref<50x40xi32, #tpu.memory_space<vmem>> -> memref<1x40xi32, #tpu.memory_space<vmem>>
    %dma_start3A_89 = tpu.memref_squeeze %dma_start3A_88 : memref<1x40xi32, #tpu.memory_space<vmem>> -> memref<40xi32, #tpu.memory_space<vmem>>
    %dma_start3A_90 = arith.constant 0 : i32
    %dma_start3A_91 = arith.constant 0 : i32
    %dma_start3A_92 = tpu.memref_slice %arg2[%dma_start3A_90, %dma_start3A_91] : memref<10240x128xf32, #tpu.memory_space<hbm>> -> memref<10240x128xf32, #tpu.memory_space<hbm>>
    tpu.enqueue_indirect_dma source(%dma_start3A_92 : memref<10240x128xf32, #tpu.memory_space<hbm>>) target(%dma_start3A_86 : memref<40x128xf32, #tpu.memory_space<vmem>>) offsets(%dma_start3A_89 : memref<40xi32, #tpu.memory_space<vmem>>) semaphore(%arg12 : memref<!tpu.dma_semaphore, #tpu.memory_space<semaphore_mem>>)
    %dma_start3A_93 = arith.constant 6 : i32
    %dma_start3A_94 = arith.constant 40 : i32
    %dma_start3A_95 = arith.constant 0 : i32
    %dma_start3A_96 = tpu.memref_slice %arg10[%dma_start3A_94, %dma_start3A_95] : memref<200x128xf32, #tpu.memory_space<vmem>> -> memref<40x128xf32, #tpu.memory_space<vmem>>
    %dma_start3A_97 = arith.constant 0 : i32
    %dma_start3A_98 = tpu.memref_slice %arg7[%dma_start3A_93, %dma_start3A_97] : memref<50x40xi32, #tpu.memory_space<vmem>> -> memref<1x40xi32, #tpu.memory_space<vmem>>
    %dma_start3A_99 = tpu.memref_squeeze %dma_start3A_98 : memref<1x40xi32, #tpu.memory_space<vmem>> -> memref<40xi32, #tpu.memory_space<vmem>>
    %dma_start3A_100 = arith.constant 0 : i32
    %dma_start3A_101 = arith.constant 0 : i32
    %dma_start3A_102 = tpu.memref_slice %arg2[%dma_start3A_100, %dma_start3A_101] : memref<10240x128xf32, #tpu.memory_space<hbm>> -> memref<10240x128xf32, #tpu.memory_space<hbm>>
    tpu.enqueue_indirect_dma source(%dma_start3A_102 : memref<10240x128xf32, #tpu.memory_space<hbm>>) target(%dma_start3A_96 : memref<40x128xf32, #tpu.memory_space<vmem>>) offsets(%dma_start3A_99 : memref<40xi32, #tpu.memory_space<vmem>>) semaphore(%arg12 : memref<!tpu.dma_semaphore, #tpu.memory_space<semaphore_mem>>)
    %dma_start3A_103 = arith.constant 7 : i32
    %dma_start3A_104 = arith.constant 80 : i32
    %dma_start3A_105 = arith.constant 0 : i32
    %dma_start3A_106 = tpu.memref_slice %arg10[%dma_start3A_104, %dma_start3A_105] : memref<200x128xf32, #tpu.memory_space<vmem>> -> memref<40x128xf32, #tpu.memory_space<vmem>>
    %dma_start3A_107 = arith.constant 0 : i32
    %dma_start3A_108 = tpu.memref_slice %arg7[%dma_start3A_103, %dma_start3A_107] : memref<50x40xi32, #tpu.memory_space<vmem>> -> memref<1x40xi32, #tpu.memory_space<vmem>>
    %dma_start3A_109 = tpu.memref_squeeze %dma_start3A_108 : memref<1x40xi32, #tpu.memory_space<vmem>> -> memref<40xi32, #tpu.memory_space<vmem>>
    %dma_start3A_110 = arith.constant 0 : i32
    %dma_start3A_111 = arith.constant 0 : i32
    %dma_start3A_112 = tpu.memref_slice %arg2[%dma_start3A_110, %dma_start3A_111] : memref<10240x128xf32, #tpu.memory_space<hbm>> -> memref<10240x128xf32, #tpu.memory_space<hbm>>
    tpu.enqueue_indirect_dma source(%dma_start3A_112 : memref<10240x128xf32, #tpu.memory_space<hbm>>) target(%dma_start3A_106 : memref<40x128xf32, #tpu.memory_space<vmem>>) offsets(%dma_start3A_109 : memref<40xi32, #tpu.memory_space<vmem>>) semaphore(%arg12 : memref<!tpu.dma_semaphore, #tpu.memory_space<semaphore_mem>>)
    %dma_start3A_113 = arith.constant 8 : i32
    %dma_start3A_114 = arith.constant 120 : i32
    %dma_start3A_115 = arith.constant 0 : i32
    %dma_start3A_116 = tpu.memref_slice %arg10[%dma_start3A_114, %dma_start3A_115] : memref<200x128xf32, #tpu.memory_space<vmem>> -> memref<40x128xf32, #tpu.memory_space<vmem>>
    %dma_start3A_117 = arith.constant 0 : i32
    %dma_start3A_118 = tpu.memref_slice %arg7[%dma_start3A_113, %dma_start3A_117] : memref<50x40xi32, #tpu.memory_space<vmem>> -> memref<1x40xi32, #tpu.memory_space<vmem>>
    %dma_start3A_119 = tpu.memref_squeeze %dma_start3A_118 : memref<1x40xi32, #tpu.memory_space<vmem>> -> memref<40xi32, #tpu.memory_space<vmem>>
    %dma_start3A_120 = arith.constant 0 : i32
    %dma_start3A_121 = arith.constant 0 : i32
    %dma_start3A_122 = tpu.memref_slice %arg2[%dma_start3A_120, %dma_start3A_121] : memref<10240x128xf32, #tpu.memory_space<hbm>> -> memref<10240x128xf32, #tpu.memory_space<hbm>>
    tpu.enqueue_indirect_dma source(%dma_start3A_122 : memref<10240x128xf32, #tpu.memory_space<hbm>>) target(%dma_start3A_116 : memref<40x128xf32, #tpu.memory_space<vmem>>) offsets(%dma_start3A_119 : memref<40xi32, #tpu.memory_space<vmem>>) semaphore(%arg12 : memref<!tpu.dma_semaphore, #tpu.memory_space<semaphore_mem>>)
    %dma_start3A_123 = arith.constant 9 : i32
    %dma_start3A_124 = arith.constant 160 : i32
    %dma_start3A_125 = arith.constant 0 : i32
    %dma_start3A_126 = tpu.memref_slice %arg10[%dma_start3A_124, %dma_start3A_125] : memref<200x128xf32, #tpu.memory_space<vmem>> -> memref<40x128xf32, #tpu.memory_space<vmem>>
    %dma_start3A_127 = arith.constant 0 : i32
    %dma_start3A_128 = tpu.memref_slice %arg7[%dma_start3A_123, %dma_start3A_127] : memref<50x40xi32, #tpu.memory_space<vmem>> -> memref<1x40xi32, #tpu.memory_space<vmem>>
    %dma_start3A_129 = tpu.memref_squeeze %dma_start3A_128 : memref<1x40xi32, #tpu.memory_space<vmem>> -> memref<40xi32, #tpu.memory_space<vmem>>
    %dma_start3A_130 = arith.constant 0 : i32
    %dma_start3A_131 = arith.constant 0 : i32
    %dma_start3A_132 = tpu.memref_slice %arg2[%dma_start3A_130, %dma_start3A_131] : memref<10240x128xf32, #tpu.memory_space<hbm>> -> memref<10240x128xf32, #tpu.memory_space<hbm>>
    tpu.enqueue_indirect_dma source(%dma_start3A_132 : memref<10240x128xf32, #tpu.memory_space<hbm>>) target(%dma_start3A_126 : memref<40x128xf32, #tpu.memory_space<vmem>>) offsets(%dma_start3A_129 : memref<40xi32, #tpu.memory_space<vmem>>) semaphore(%arg12 : memref<!tpu.dma_semaphore, #tpu.memory_space<semaphore_mem>>)
    %scan3A = arith.constant 0 : i32
    %scan3A_133 = arith.constant 0 : i32
    %scan3A_134 = arith.constant 5 : i32
    %scan3A_135 = arith.addi %scan3A_133, %scan3A_134 : i32
    %scan3A_136 = arith.constant 1 : i32
    scf.for %scan3A_138 = %scan3A_133 to %scan3A_135 step %scan3A_136  : i32 {
      %mul3A_139 = arith.constant 2 : i32
      %mul3A_140 = arith.muli %mul3A_139, %scan3A_138 : i32
      %mul3A_141 = arith.constant 5 : i32
      %mul3A_142 = arith.muli %mul3A_140, %mul3A_141 : i32
      %add3A_143 = arith.constant 0 : i32
      %add3A_144 = arith.addi %mul3A_142, %add3A_143 : i32
      %dma_wait3A_145 = arith.constant 0 : i32
      %dma_wait3A_146 = arith.constant 0 : i32
      %dma_wait3A_147 = tpu.memref_slice %arg9[%dma_wait3A_145, %dma_wait3A_146] : memref<200x128xf32, #tpu.memory_space<vmem>> -> memref<40x128xf32, #tpu.memory_space<vmem>>
      %dma_wait3A_148 = arith.constant 0 : i32
      %dma_wait3A_149 = tpu.memref_slice %arg7[%add3A_144, %dma_wait3A_148] : memref<50x40xi32, #tpu.memory_space<vmem>> -> memref<1x40xi32, #tpu.memory_space<vmem>>
      %dma_wait3A_150 = tpu.memref_squeeze %dma_wait3A_149 : memref<1x40xi32, #tpu.memory_space<vmem>> -> memref<40xi32, #tpu.memory_space<vmem>>
      %dma_wait3A_151 = arith.constant 0 : i32
      %dma_wait3A_152 = arith.constant 0 : i32
      %dma_wait3A_153 = tpu.memref_slice %arg2[%dma_wait3A_151, %dma_wait3A_152] : memref<10240x128xf32, #tpu.memory_space<hbm>> -> memref<10240x128xf32, #tpu.memory_space<hbm>>
      tpu.wait_indirect_dma semaphore(%arg11 : memref<!tpu.dma_semaphore, #tpu.memory_space<semaphore_mem>>) src(%dma_wait3A_153 : memref<10240x128xf32, #tpu.memory_space<hbm>>) dst(%dma_wait3A_147 : memref<40x128xf32, #tpu.memory_space<vmem>>)
      %mul3A_154 = arith.constant 5 : i32
      %mul3A_155 = arith.muli %mul3A_140, %mul3A_154 : i32
      %add3A_156 = arith.constant 1 : i32
      %add3A_157 = arith.addi %mul3A_155, %add3A_156 : i32
      %dma_wait3A_158 = arith.constant 40 : i32
      %dma_wait3A_159 = arith.constant 0 : i32
      %dma_wait3A_160 = tpu.memref_slice %arg9[%dma_wait3A_158, %dma_wait3A_159] : memref<200x128xf32, #tpu.memory_space<vmem>> -> memref<40x128xf32, #tpu.memory_space<vmem>>
      %dma_wait3A_161 = arith.constant 0 : i32
      %dma_wait3A_162 = tpu.memref_slice %arg7[%add3A_157, %dma_wait3A_161] : memref<50x40xi32, #tpu.memory_space<vmem>> -> memref<1x40xi32, #tpu.memory_space<vmem>>
      %dma_wait3A_163 = tpu.memref_squeeze %dma_wait3A_162 : memref<1x40xi32, #tpu.memory_space<vmem>> -> memref<40xi32, #tpu.memory_space<vmem>>
      %dma_wait3A_164 = arith.constant 0 : i32
      %dma_wait3A_165 = arith.constant 0 : i32
      %dma_wait3A_166 = tpu.memref_slice %arg2[%dma_wait3A_164, %dma_wait3A_165] : memref<10240x128xf32, #tpu.memory_space<hbm>> -> memref<10240x128xf32, #tpu.memory_space<hbm>>
      tpu.wait_indirect_dma semaphore(%arg11 : memref<!tpu.dma_semaphore, #tpu.memory_space<semaphore_mem>>) src(%dma_wait3A_166 : memref<10240x128xf32, #tpu.memory_space<hbm>>) dst(%dma_wait3A_160 : memref<40x128xf32, #tpu.memory_space<vmem>>)
      %mul3A_167 = arith.constant 5 : i32
      %mul3A_168 = arith.muli %mul3A_140, %mul3A_167 : i32
      %add3A_169 = arith.constant 2 : i32
      %add3A_170 = arith.addi %mul3A_168, %add3A_169 : i32
      %dma_wait3A_171 = arith.constant 80 : i32
      %dma_wait3A_172 = arith.constant 0 : i32
      %dma_wait3A_173 = tpu.memref_slice %arg9[%dma_wait3A_171, %dma_wait3A_172] : memref<200x128xf32, #tpu.memory_space<vmem>> -> memref<40x128xf32, #tpu.memory_space<vmem>>
      %dma_wait3A_174 = arith.constant 0 : i32
      %dma_wait3A_175 = tpu.memref_slice %arg7[%add3A_170, %dma_wait3A_174] : memref<50x40xi32, #tpu.memory_space<vmem>> -> memref<1x40xi32, #tpu.memory_space<vmem>>
      %dma_wait3A_176 = tpu.memref_squeeze %dma_wait3A_175 : memref<1x40xi32, #tpu.memory_space<vmem>> -> memref<40xi32, #tpu.memory_space<vmem>>
      %dma_wait3A_177 = arith.constant 0 : i32
      %dma_wait3A_178 = arith.constant 0 : i32
      %dma_wait3A_179 = tpu.memref_slice %arg2[%dma_wait3A_177, %dma_wait3A_178] : memref<10240x128xf32, #tpu.memory_space<hbm>> -> memref<10240x128xf32, #tpu.memory_space<hbm>>
      tpu.wait_indirect_dma semaphore(%arg11 : memref<!tpu.dma_semaphore, #tpu.memory_space<semaphore_mem>>) src(%dma_wait3A_179 : memref<10240x128xf32, #tpu.memory_space<hbm>>) dst(%dma_wait3A_173 : memref<40x128xf32, #tpu.memory_space<vmem>>)
      %mul3A_180 = arith.constant 5 : i32
      %mul3A_181 = arith.muli %mul3A_140, %mul3A_180 : i32
      %add3A_182 = arith.constant 3 : i32
      %add3A_183 = arith.addi %mul3A_181, %add3A_182 : i32
      %dma_wait3A_184 = arith.constant 120 : i32
      %dma_wait3A_185 = arith.constant 0 : i32
      %dma_wait3A_186 = tpu.memref_slice %arg9[%dma_wait3A_184, %dma_wait3A_185] : memref<200x128xf32, #tpu.memory_space<vmem>> -> memref<40x128xf32, #tpu.memory_space<vmem>>
      %dma_wait3A_187 = arith.constant 0 : i32
      %dma_wait3A_188 = tpu.memref_slice %arg7[%add3A_183, %dma_wait3A_187] : memref<50x40xi32, #tpu.memory_space<vmem>> -> memref<1x40xi32, #tpu.memory_space<vmem>>
      %dma_wait3A_189 = tpu.memref_squeeze %dma_wait3A_188 : memref<1x40xi32, #tpu.memory_space<vmem>> -> memref<40xi32, #tpu.memory_space<vmem>>
      %dma_wait3A_190 = arith.constant 0 : i32
      %dma_wait3A_191 = arith.constant 0 : i32
      %dma_wait3A_192 = tpu.memref_slice %arg2[%dma_wait3A_190, %dma_wait3A_191] : memref<10240x128xf32, #tpu.memory_space<hbm>> -> memref<10240x128xf32, #tpu.memory_space<hbm>>
      tpu.wait_indirect_dma semaphore(%arg11 : memref<!tpu.dma_semaphore, #tpu.memory_space<semaphore_mem>>) src(%dma_wait3A_192 : memref<10240x128xf32, #tpu.memory_space<hbm>>) dst(%dma_wait3A_186 : memref<40x128xf32, #tpu.memory_space<vmem>>)
      %mul3A_193 = arith.constant 5 : i32
      %mul3A_194 = arith.muli %mul3A_140, %mul3A_193 : i32
      %add3A_195 = arith.constant 4 : i32
      %add3A_196 = arith.addi %mul3A_194, %add3A_195 : i32
      %dma_wait3A_197 = arith.constant 160 : i32
      %dma_wait3A_198 = arith.constant 0 : i32
      %dma_wait3A_199 = tpu.memref_slice %arg9[%dma_wait3A_197, %dma_wait3A_198] : memref<200x128xf32, #tpu.memory_space<vmem>> -> memref<40x128xf32, #tpu.memory_space<vmem>>
      %dma_wait3A_200 = arith.constant 0 : i32
      %dma_wait3A_201 = tpu.memref_slice %arg7[%add3A_196, %dma_wait3A_200] : memref<50x40xi32, #tpu.memory_space<vmem>> -> memref<1x40xi32, #tpu.memory_space<vmem>>
      %dma_wait3A_202 = tpu.memref_squeeze %dma_wait3A_201 : memref<1x40xi32, #tpu.memory_space<vmem>> -> memref<40xi32, #tpu.memory_space<vmem>>
      %dma_wait3A_203 = arith.constant 0 : i32
      %dma_wait3A_204 = arith.constant 0 : i32
      %dma_wait3A_205 = tpu.memref_slice %arg2[%dma_wait3A_203, %dma_wait3A_204] : memref<10240x128xf32, #tpu.memory_space<hbm>> -> memref<10240x128xf32, #tpu.memory_space<hbm>>
      tpu.wait_indirect_dma semaphore(%arg11 : memref<!tpu.dma_semaphore, #tpu.memory_space<semaphore_mem>>) src(%dma_wait3A_205 : memref<10240x128xf32, #tpu.memory_space<hbm>>) dst(%dma_wait3A_199 : memref<40x128xf32, #tpu.memory_space<vmem>>)
      %mul3A_206 = arith.constant 5 : i32
      %mul3A_207 = arith.muli %mul3A_140, %mul3A_206 : i32
      %add3A_208 = arith.constant 0 : i32
      %add3A_209 = arith.addi %mul3A_207, %add3A_208 : i32
      %dma_start3A_210 = arith.constant 0 : i32
      %dma_start3A_211 = arith.constant 0 : i32
      %dma_start3A_212 = tpu.memref_slice %arg9[%dma_start3A_210, %dma_start3A_211] : memref<200x128xf32, #tpu.memory_space<vmem>> -> memref<40x128xf32, #tpu.memory_space<vmem>>
      %dma_start3A_213 = arith.constant 0 : i32
      %dma_start3A_214 = tpu.memref_slice %arg8[%add3A_209, %dma_start3A_213] : memref<50x40xi32, #tpu.memory_space<vmem>> -> memref<1x40xi32, #tpu.memory_space<vmem>>
      %dma_start3A_215 = tpu.memref_squeeze %dma_start3A_214 : memref<1x40xi32, #tpu.memory_space<vmem>> -> memref<40xi32, #tpu.memory_space<vmem>>
      %dma_start3A_216 = arith.constant 0 : i32
      %dma_start3A_217 = arith.constant 0 : i32
      %dma_start3A_218 = tpu.memref_slice %arg3[%dma_start3A_216, %dma_start3A_217] : memref<10240x128xf32, #tpu.memory_space<hbm>> -> memref<10240x128xf32, #tpu.memory_space<hbm>>
      tpu.enqueue_indirect_dma source(%dma_start3A_218 : memref<10240x128xf32, #tpu.memory_space<hbm>>) target(%dma_start3A_212 : memref<40x128xf32, #tpu.memory_space<vmem>>) offsets(%dma_start3A_215 : memref<40xi32, #tpu.memory_space<vmem>>) semaphore(%arg13 : memref<!tpu.dma_semaphore, #tpu.memory_space<semaphore_mem>>) {add = true}
      %mul3A_219 = arith.constant 5 : i32
      %mul3A_220 = arith.muli %mul3A_140, %mul3A_219 : i32
      %add3A_221 = arith.constant 1 : i32
      %add3A_222 = arith.addi %mul3A_220, %add3A_221 : i32
      %dma_start3A_223 = arith.constant 40 : i32
      %dma_start3A_224 = arith.constant 0 : i32
      %dma_start3A_225 = tpu.memref_slice %arg9[%dma_start3A_223, %dma_start3A_224] : memref<200x128xf32, #tpu.memory_space<vmem>> -> memref<40x128xf32, #tpu.memory_space<vmem>>
      %dma_start3A_226 = arith.constant 0 : i32
      %dma_start3A_227 = tpu.memref_slice %arg8[%add3A_222, %dma_start3A_226] : memref<50x40xi32, #tpu.memory_space<vmem>> -> memref<1x40xi32, #tpu.memory_space<vmem>>
      %dma_start3A_228 = tpu.memref_squeeze %dma_start3A_227 : memref<1x40xi32, #tpu.memory_space<vmem>> -> memref<40xi32, #tpu.memory_space<vmem>>
      %dma_start3A_229 = arith.constant 0 : i32
      %dma_start3A_230 = arith.constant 0 : i32
      %dma_start3A_231 = tpu.memref_slice %arg3[%dma_start3A_229, %dma_start3A_230] : memref<10240x128xf32, #tpu.memory_space<hbm>> -> memref<10240x128xf32, #tpu.memory_space<hbm>>
      tpu.enqueue_indirect_dma source(%dma_start3A_231 : memref<10240x128xf32, #tpu.memory_space<hbm>>) target(%dma_start3A_225 : memref<40x128xf32, #tpu.memory_space<vmem>>) offsets(%dma_start3A_228 : memref<40xi32, #tpu.memory_space<vmem>>) semaphore(%arg13 : memref<!tpu.dma_semaphore, #tpu.memory_space<semaphore_mem>>) {add = true}
      %mul3A_232 = arith.constant 5 : i32
      %mul3A_233 = arith.muli %mul3A_140, %mul3A_232 : i32
      %add3A_234 = arith.constant 2 : i32
      %add3A_235 = arith.addi %mul3A_233, %add3A_234 : i32
      %dma_start3A_236 = arith.constant 80 : i32
      %dma_start3A_237 = arith.constant 0 : i32
      %dma_start3A_238 = tpu.memref_slice %arg9[%dma_start3A_236, %dma_start3A_237] : memref<200x128xf32, #tpu.memory_space<vmem>> -> memref<40x128xf32, #tpu.memory_space<vmem>>
      %dma_start3A_239 = arith.constant 0 : i32
      %dma_start3A_240 = tpu.memref_slice %arg8[%add3A_235, %dma_start3A_239] : memref<50x40xi32, #tpu.memory_space<vmem>> -> memref<1x40xi32, #tpu.memory_space<vmem>>
      %dma_start3A_241 = tpu.memref_squeeze %dma_start3A_240 : memref<1x40xi32, #tpu.memory_space<vmem>> -> memref<40xi32, #tpu.memory_space<vmem>>
      %dma_start3A_242 = arith.constant 0 : i32
      %dma_start3A_243 = arith.constant 0 : i32
      %dma_start3A_244 = tpu.memref_slice %arg3[%dma_start3A_242, %dma_start3A_243] : memref<10240x128xf32, #tpu.memory_space<hbm>> -> memref<10240x128xf32, #tpu.memory_space<hbm>>
      tpu.enqueue_indirect_dma source(%dma_start3A_244 : memref<10240x128xf32, #tpu.memory_space<hbm>>) target(%dma_start3A_238 : memref<40x128xf32, #tpu.memory_space<vmem>>) offsets(%dma_start3A_241 : memref<40xi32, #tpu.memory_space<vmem>>) semaphore(%arg13 : memref<!tpu.dma_semaphore, #tpu.memory_space<semaphore_mem>>) {add = true}
      %mul3A_245 = arith.constant 5 : i32
      %mul3A_246 = arith.muli %mul3A_140, %mul3A_245 : i32
      %add3A_247 = arith.constant 3 : i32
      %add3A_248 = arith.addi %mul3A_246, %add3A_247 : i32
      %dma_start3A_249 = arith.constant 120 : i32
      %dma_start3A_250 = arith.constant 0 : i32
      %dma_start3A_251 = tpu.memref_slice %arg9[%dma_start3A_249, %dma_start3A_250] : memref<200x128xf32, #tpu.memory_space<vmem>> -> memref<40x128xf32, #tpu.memory_space<vmem>>
      %dma_start3A_252 = arith.constant 0 : i32
      %dma_start3A_253 = tpu.memref_slice %arg8[%add3A_248, %dma_start3A_252] : memref<50x40xi32, #tpu.memory_space<vmem>> -> memref<1x40xi32, #tpu.memory_space<vmem>>
      %dma_start3A_254 = tpu.memref_squeeze %dma_start3A_253 : memref<1x40xi32, #tpu.memory_space<vmem>> -> memref<40xi32, #tpu.memory_space<vmem>>
      %dma_start3A_255 = arith.constant 0 : i32
      %dma_start3A_256 = arith.constant 0 : i32
      %dma_start3A_257 = tpu.memref_slice %arg3[%dma_start3A_255, %dma_start3A_256] : memref<10240x128xf32, #tpu.memory_space<hbm>> -> memref<10240x128xf32, #tpu.memory_space<hbm>>
      tpu.enqueue_indirect_dma source(%dma_start3A_257 : memref<10240x128xf32, #tpu.memory_space<hbm>>) target(%dma_start3A_251 : memref<40x128xf32, #tpu.memory_space<vmem>>) offsets(%dma_start3A_254 : memref<40xi32, #tpu.memory_space<vmem>>) semaphore(%arg13 : memref<!tpu.dma_semaphore, #tpu.memory_space<semaphore_mem>>) {add = true}
      %mul3A_258 = arith.constant 5 : i32
      %mul3A_259 = arith.muli %mul3A_140, %mul3A_258 : i32
      %add3A_260 = arith.constant 4 : i32
      %add3A_261 = arith.addi %mul3A_259, %add3A_260 : i32
      %dma_start3A_262 = arith.constant 160 : i32
      %dma_start3A_263 = arith.constant 0 : i32
      %dma_start3A_264 = tpu.memref_slice %arg9[%dma_start3A_262, %dma_start3A_263] : memref<200x128xf32, #tpu.memory_space<vmem>> -> memref<40x128xf32, #tpu.memory_space<vmem>>
      %dma_start3A_265 = arith.constant 0 : i32
      %dma_start3A_266 = tpu.memref_slice %arg8[%add3A_261, %dma_start3A_265] : memref<50x40xi32, #tpu.memory_space<vmem>> -> memref<1x40xi32, #tpu.memory_space<vmem>>
      %dma_start3A_267 = tpu.memref_squeeze %dma_start3A_266 : memref<1x40xi32, #tpu.memory_space<vmem>> -> memref<40xi32, #tpu.memory_space<vmem>>
      %dma_start3A_268 = arith.constant 0 : i32
      %dma_start3A_269 = arith.constant 0 : i32
      %dma_start3A_270 = tpu.memref_slice %arg3[%dma_start3A_268, %dma_start3A_269] : memref<10240x128xf32, #tpu.memory_space<hbm>> -> memref<10240x128xf32, #tpu.memory_space<hbm>>
      tpu.enqueue_indirect_dma source(%dma_start3A_270 : memref<10240x128xf32, #tpu.memory_space<hbm>>) target(%dma_start3A_264 : memref<40x128xf32, #tpu.memory_space<vmem>>) offsets(%dma_start3A_267 : memref<40xi32, #tpu.memory_space<vmem>>) semaphore(%arg13 : memref<!tpu.dma_semaphore, #tpu.memory_space<semaphore_mem>>) {add = true}
      %dma_wait3A_271 = arith.constant 0 : i32
      %dma_wait3A_272 = arith.constant 0 : i32
      %dma_wait3A_273 = tpu.memref_slice %arg9[%dma_wait3A_271, %dma_wait3A_272] : memref<200x128xf32, #tpu.memory_space<vmem>> -> memref<40x128xf32, #tpu.memory_space<vmem>>
      %dma_wait3A_274 = arith.constant 0 : i32
      %dma_wait3A_275 = tpu.memref_slice %arg8[%add3A_209, %dma_wait3A_274] : memref<50x40xi32, #tpu.memory_space<vmem>> -> memref<1x40xi32, #tpu.memory_space<vmem>>
      %dma_wait3A_276 = tpu.memref_squeeze %dma_wait3A_275 : memref<1x40xi32, #tpu.memory_space<vmem>> -> memref<40xi32, #tpu.memory_space<vmem>>
      %dma_wait3A_277 = arith.constant 0 : i32
      %dma_wait3A_278 = arith.constant 0 : i32
      %dma_wait3A_279 = tpu.memref_slice %arg3[%dma_wait3A_277, %dma_wait3A_278] : memref<10240x128xf32, #tpu.memory_space<hbm>> -> memref<10240x128xf32, #tpu.memory_space<hbm>>
      tpu.wait_indirect_dma semaphore(%arg13 : memref<!tpu.dma_semaphore, #tpu.memory_space<semaphore_mem>>) src(%dma_wait3A_279 : memref<10240x128xf32, #tpu.memory_space<hbm>>) dst(%dma_wait3A_273 : memref<40x128xf32, #tpu.memory_space<vmem>>)
      %dma_wait3A_280 = arith.constant 40 : i32
      %dma_wait3A_281 = arith.constant 0 : i32
      %dma_wait3A_282 = tpu.memref_slice %arg9[%dma_wait3A_280, %dma_wait3A_281] : memref<200x128xf32, #tpu.memory_space<vmem>> -> memref<40x128xf32, #tpu.memory_space<vmem>>
      %dma_wait3A_283 = arith.constant 0 : i32
      %dma_wait3A_284 = tpu.memref_slice %arg8[%add3A_222, %dma_wait3A_283] : memref<50x40xi32, #tpu.memory_space<vmem>> -> memref<1x40xi32, #tpu.memory_space<vmem>>
      %dma_wait3A_285 = tpu.memref_squeeze %dma_wait3A_284 : memref<1x40xi32, #tpu.memory_space<vmem>> -> memref<40xi32, #tpu.memory_space<vmem>>
      %dma_wait3A_286 = arith.constant 0 : i32
      %dma_wait3A_287 = arith.constant 0 : i32
      %dma_wait3A_288 = tpu.memref_slice %arg3[%dma_wait3A_286, %dma_wait3A_287] : memref<10240x128xf32, #tpu.memory_space<hbm>> -> memref<10240x128xf32, #tpu.memory_space<hbm>>
      tpu.wait_indirect_dma semaphore(%arg13 : memref<!tpu.dma_semaphore, #tpu.memory_space<semaphore_mem>>) src(%dma_wait3A_288 : memref<10240x128xf32, #tpu.memory_space<hbm>>) dst(%dma_wait3A_282 : memref<40x128xf32, #tpu.memory_space<vmem>>)
      %dma_wait3A_289 = arith.constant 80 : i32
      %dma_wait3A_290 = arith.constant 0 : i32
      %dma_wait3A_291 = tpu.memref_slice %arg9[%dma_wait3A_289, %dma_wait3A_290] : memref<200x128xf32, #tpu.memory_space<vmem>> -> memref<40x128xf32, #tpu.memory_space<vmem>>
      %dma_wait3A_292 = arith.constant 0 : i32
      %dma_wait3A_293 = tpu.memref_slice %arg8[%add3A_235, %dma_wait3A_292] : memref<50x40xi32, #tpu.memory_space<vmem>> -> memref<1x40xi32, #tpu.memory_space<vmem>>
      %dma_wait3A_294 = tpu.memref_squeeze %dma_wait3A_293 : memref<1x40xi32, #tpu.memory_space<vmem>> -> memref<40xi32, #tpu.memory_space<vmem>>
      %dma_wait3A_295 = arith.constant 0 : i32
      %dma_wait3A_296 = arith.constant 0 : i32
      %dma_wait3A_297 = tpu.memref_slice %arg3[%dma_wait3A_295, %dma_wait3A_296] : memref<10240x128xf32, #tpu.memory_space<hbm>> -> memref<10240x128xf32, #tpu.memory_space<hbm>>
      tpu.wait_indirect_dma semaphore(%arg13 : memref<!tpu.dma_semaphore, #tpu.memory_space<semaphore_mem>>) src(%dma_wait3A_297 : memref<10240x128xf32, #tpu.memory_space<hbm>>) dst(%dma_wait3A_291 : memref<40x128xf32, #tpu.memory_space<vmem>>)
      %dma_wait3A_298 = arith.constant 120 : i32
      %dma_wait3A_299 = arith.constant 0 : i32
      %dma_wait3A_300 = tpu.memref_slice %arg9[%dma_wait3A_298, %dma_wait3A_299] : memref<200x128xf32, #tpu.memory_space<vmem>> -> memref<40x128xf32, #tpu.memory_space<vmem>>
      %dma_wait3A_301 = arith.constant 0 : i32
      %dma_wait3A_302 = tpu.memref_slice %arg8[%add3A_248, %dma_wait3A_301] : memref<50x40xi32, #tpu.memory_space<vmem>> -> memref<1x40xi32, #tpu.memory_space<vmem>>
      %dma_wait3A_303 = tpu.memref_squeeze %dma_wait3A_302 : memref<1x40xi32, #tpu.memory_space<vmem>> -> memref<40xi32, #tpu.memory_space<vmem>>
      %dma_wait3A_304 = arith.constant 0 : i32
      %dma_wait3A_305 = arith.constant 0 : i32
      %dma_wait3A_306 = tpu.memref_slice %arg3[%dma_wait3A_304, %dma_wait3A_305] : memref<10240x128xf32, #tpu.memory_space<hbm>> -> memref<10240x128xf32, #tpu.memory_space<hbm>>
      tpu.wait_indirect_dma semaphore(%arg13 : memref<!tpu.dma_semaphore, #tpu.memory_space<semaphore_mem>>) src(%dma_wait3A_306 : memref<10240x128xf32, #tpu.memory_space<hbm>>) dst(%dma_wait3A_300 : memref<40x128xf32, #tpu.memory_space<vmem>>)
      %dma_wait3A_307 = arith.constant 160 : i32
      %dma_wait3A_308 = arith.constant 0 : i32
      %dma_wait3A_309 = tpu.memref_slice %arg9[%dma_wait3A_307, %dma_wait3A_308] : memref<200x128xf32, #tpu.memory_space<vmem>> -> memref<40x128xf32, #tpu.memory_space<vmem>>
      %dma_wait3A_310 = arith.constant 0 : i32
      %dma_wait3A_311 = tpu.memref_slice %arg8[%add3A_261, %dma_wait3A_310] : memref<50x40xi32, #tpu.memory_space<vmem>> -> memref<1x40xi32, #tpu.memory_space<vmem>>
      %dma_wait3A_312 = tpu.memref_squeeze %dma_wait3A_311 : memref<1x40xi32, #tpu.memory_space<vmem>> -> memref<40xi32, #tpu.memory_space<vmem>>
      %dma_wait3A_313 = arith.constant 0 : i32
      %dma_wait3A_314 = arith.constant 0 : i32
      %dma_wait3A_315 = tpu.memref_slice %arg3[%dma_wait3A_313, %dma_wait3A_314] : memref<10240x128xf32, #tpu.memory_space<hbm>> -> memref<10240x128xf32, #tpu.memory_space<hbm>>
      tpu.wait_indirect_dma semaphore(%arg13 : memref<!tpu.dma_semaphore, #tpu.memory_space<semaphore_mem>>) src(%dma_wait3A_315 : memref<10240x128xf32, #tpu.memory_space<hbm>>) dst(%dma_wait3A_309 : memref<40x128xf32, #tpu.memory_space<vmem>>)
      %mul3A_316 = arith.constant 200 : i32
      %mul3A_317 = arith.muli %mul3A_140, %mul3A_316 : i32
      %add3A_318 = arith.addi %mul3A_32, %mul3A_317 : i32
      "tpu.region"() ({
        %run_scoped3A = tpu.sem_alloc : memref<!tpu.dma_semaphore, #tpu.memory_space<semaphore_mem>>
        %dma_start3A_510 = arith.constant 0 : i32
        %dma_start3A_511 = tpu.memref_slice %arg6[%add3A_318, %dma_start3A_510] : memref<64000x128xf32, #tpu.memory_space<hbm>> -> memref<200x128xf32, #tpu.memory_space<hbm>>
        %dma_start3A_512 = arith.constant 0 : i32
        %dma_start3A_513 = tpu.memref_slice %arg6[%add3A_318, %dma_start3A_512] : memref<64000x128xf32, #tpu.memory_space<hbm>> -> memref<200x128xf32, #tpu.memory_space<hbm>>
        tpu.enqueue_dma source(%arg9 : memref<200x128xf32, #tpu.memory_space<vmem>>) target(%dma_start3A_513 : memref<200x128xf32, #tpu.memory_space<hbm>>) target_semaphore(%run_scoped3A : memref<!tpu.dma_semaphore, #tpu.memory_space<semaphore_mem>>)
        %dma_wait3A_514 = arith.constant 0 : i32
        %dma_wait3A_515 = tpu.memref_slice %arg6[%add3A_318, %dma_wait3A_514] : memref<64000x128xf32, #tpu.memory_space<hbm>> -> memref<200x128xf32, #tpu.memory_space<hbm>>
        %dma_wait3A_516 = arith.constant 0 : i32
        %dma_wait3A_517 = tpu.memref_slice %arg6[%add3A_318, %dma_wait3A_516] : memref<64000x128xf32, #tpu.memory_space<hbm>> -> memref<200x128xf32, #tpu.memory_space<hbm>>
        tpu.wait_dma2 semaphore(%run_scoped3A : memref<!tpu.dma_semaphore, #tpu.memory_space<semaphore_mem>>) src(%arg9 : memref<200x128xf32, #tpu.memory_space<vmem>>) dst(%dma_wait3A_517 : memref<200x128xf32, #tpu.memory_space<hbm>>)
        tpu.yield
      }) : () -> ()
      %add3A_319 = arith.constant 2 : i32
      %add3A_320 = arith.addi %mul3A_140, %add3A_319 : i32
      %lt3A = arith.constant 10 : i32
      %lt3A_321 = arith.cmpi slt, %add3A_320, %lt3A : i32
      %convert_element_type3A = arith.extui %lt3A_321 : i1 to i32
      %cond3A = arith.constant 0 : i32
      %cond3A_322 = arith.cmpi ne, %convert_element_type3A, %cond3A : i32
      scf.if %cond3A_322 {
        %add3A_510 = arith.constant 2 : i32
        %add3A_511 = arith.addi %mul3A_140, %add3A_510 : i32
        %mul3A_512 = arith.constant 5 : i32
        %mul3A_513 = arith.muli %add3A_511, %mul3A_512 : i32
        %add3A_514 = arith.constant 0 : i32
        %add3A_515 = arith.addi %mul3A_513, %add3A_514 : i32
        %dma_start3A_516 = arith.constant 0 : i32
        %dma_start3A_517 = arith.constant 0 : i32
        %dma_start3A_518 = tpu.memref_slice %arg9[%dma_start3A_516, %dma_start3A_517] : memref<200x128xf32, #tpu.memory_space<vmem>> -> memref<40x128xf32, #tpu.memory_space<vmem>>
        %dma_start3A_519 = arith.constant 0 : i32
        %dma_start3A_520 = tpu.memref_slice %arg7[%add3A_515, %dma_start3A_519] : memref<50x40xi32, #tpu.memory_space<vmem>> -> memref<1x40xi32, #tpu.memory_space<vmem>>
        %dma_start3A_521 = tpu.memref_squeeze %dma_start3A_520 : memref<1x40xi32, #tpu.memory_space<vmem>> -> memref<40xi32, #tpu.memory_space<vmem>>
        %dma_start3A_522 = arith.constant 0 : i32
        %dma_start3A_523 = arith.constant 0 : i32
        %dma_start3A_524 = tpu.memref_slice %arg2[%dma_start3A_522, %dma_start3A_523] : memref<10240x128xf32, #tpu.memory_space<hbm>> -> memref<10240x128xf32, #tpu.memory_space<hbm>>
        tpu.enqueue_indirect_dma source(%dma_start3A_524 : memref<10240x128xf32, #tpu.memory_space<hbm>>) target(%dma_start3A_518 : memref<40x128xf32, #tpu.memory_space<vmem>>) offsets(%dma_start3A_521 : memref<40xi32, #tpu.memory_space<vmem>>) semaphore(%arg11 : memref<!tpu.dma_semaphore, #tpu.memory_space<semaphore_mem>>)
        %mul3A_525 = arith.constant 5 : i32
        %mul3A_526 = arith.muli %add3A_511, %mul3A_525 : i32
        %add3A_527 = arith.constant 1 : i32
        %add3A_528 = arith.addi %mul3A_526, %add3A_527 : i32
        %dma_start3A_529 = arith.constant 40 : i32
        %dma_start3A_530 = arith.constant 0 : i32
        %dma_start3A_531 = tpu.memref_slice %arg9[%dma_start3A_529, %dma_start3A_530] : memref<200x128xf32, #tpu.memory_space<vmem>> -> memref<40x128xf32, #tpu.memory_space<vmem>>
        %dma_start3A_532 = arith.constant 0 : i32
        %dma_start3A_533 = tpu.memref_slice %arg7[%add3A_528, %dma_start3A_532] : memref<50x40xi32, #tpu.memory_space<vmem>> -> memref<1x40xi32, #tpu.memory_space<vmem>>
        %dma_start3A_534 = tpu.memref_squeeze %dma_start3A_533 : memref<1x40xi32, #tpu.memory_space<vmem>> -> memref<40xi32, #tpu.memory_space<vmem>>
        %dma_start3A_535 = arith.constant 0 : i32
        %dma_start3A_536 = arith.constant 0 : i32
        %dma_start3A_537 = tpu.memref_slice %arg2[%dma_start3A_535, %dma_start3A_536] : memref<10240x128xf32, #tpu.memory_space<hbm>> -> memref<10240x128xf32, #tpu.memory_space<hbm>>
        tpu.enqueue_indirect_dma source(%dma_start3A_537 : memref<10240x128xf32, #tpu.memory_space<hbm>>) target(%dma_start3A_531 : memref<40x128xf32, #tpu.memory_space<vmem>>) offsets(%dma_start3A_534 : memref<40xi32, #tpu.memory_space<vmem>>) semaphore(%arg11 : memref<!tpu.dma_semaphore, #tpu.memory_space<semaphore_mem>>)
        %mul3A_538 = arith.constant 5 : i32
        %mul3A_539 = arith.muli %add3A_511, %mul3A_538 : i32
        %add3A_540 = arith.constant 2 : i32
        %add3A_541 = arith.addi %mul3A_539, %add3A_540 : i32
        %dma_start3A_542 = arith.constant 80 : i32
        %dma_start3A_543 = arith.constant 0 : i32
        %dma_start3A_544 = tpu.memref_slice %arg9[%dma_start3A_542, %dma_start3A_543] : memref<200x128xf32, #tpu.memory_space<vmem>> -> memref<40x128xf32, #tpu.memory_space<vmem>>
        %dma_start3A_545 = arith.constant 0 : i32
        %dma_start3A_546 = tpu.memref_slice %arg7[%add3A_541, %dma_start3A_545] : memref<50x40xi32, #tpu.memory_space<vmem>> -> memref<1x40xi32, #tpu.memory_space<vmem>>
        %dma_start3A_547 = tpu.memref_squeeze %dma_start3A_546 : memref<1x40xi32, #tpu.memory_space<vmem>> -> memref<40xi32, #tpu.memory_space<vmem>>
        %dma_start3A_548 = arith.constant 0 : i32
        %dma_start3A_549 = arith.constant 0 : i32
        %dma_start3A_550 = tpu.memref_slice %arg2[%dma_start3A_548, %dma_start3A_549] : memref<10240x128xf32, #tpu.memory_space<hbm>> -> memref<10240x128xf32, #tpu.memory_space<hbm>>
        tpu.enqueue_indirect_dma source(%dma_start3A_550 : memref<10240x128xf32, #tpu.memory_space<hbm>>) target(%dma_start3A_544 : memref<40x128xf32, #tpu.memory_space<vmem>>) offsets(%dma_start3A_547 : memref<40xi32, #tpu.memory_space<vmem>>) semaphore(%arg11 : memref<!tpu.dma_semaphore, #tpu.memory_space<semaphore_mem>>)
        %mul3A_551 = arith.constant 5 : i32
        %mul3A_552 = arith.muli %add3A_511, %mul3A_551 : i32
        %add3A_553 = arith.constant 3 : i32
        %add3A_554 = arith.addi %mul3A_552, %add3A_553 : i32
        %dma_start3A_555 = arith.constant 120 : i32
        %dma_start3A_556 = arith.constant 0 : i32
        %dma_start3A_557 = tpu.memref_slice %arg9[%dma_start3A_555, %dma_start3A_556] : memref<200x128xf32, #tpu.memory_space<vmem>> -> memref<40x128xf32, #tpu.memory_space<vmem>>
        %dma_start3A_558 = arith.constant 0 : i32
        %dma_start3A_559 = tpu.memref_slice %arg7[%add3A_554, %dma_start3A_558] : memref<50x40xi32, #tpu.memory_space<vmem>> -> memref<1x40xi32, #tpu.memory_space<vmem>>
        %dma_start3A_560 = tpu.memref_squeeze %dma_start3A_559 : memref<1x40xi32, #tpu.memory_space<vmem>> -> memref<40xi32, #tpu.memory_space<vmem>>
        %dma_start3A_561 = arith.constant 0 : i32
        %dma_start3A_562 = arith.constant 0 : i32
        %dma_start3A_563 = tpu.memref_slice %arg2[%dma_start3A_561, %dma_start3A_562] : memref<10240x128xf32, #tpu.memory_space<hbm>> -> memref<10240x128xf32, #tpu.memory_space<hbm>>
        tpu.enqueue_indirect_dma source(%dma_start3A_563 : memref<10240x128xf32, #tpu.memory_space<hbm>>) target(%dma_start3A_557 : memref<40x128xf32, #tpu.memory_space<vmem>>) offsets(%dma_start3A_560 : memref<40xi32, #tpu.memory_space<vmem>>) semaphore(%arg11 : memref<!tpu.dma_semaphore, #tpu.memory_space<semaphore_mem>>)
        %mul3A_564 = arith.constant 5 : i32
        %mul3A_565 = arith.muli %add3A_511, %mul3A_564 : i32
        %add3A_566 = arith.constant 4 : i32
        %add3A_567 = arith.addi %mul3A_565, %add3A_566 : i32
        %dma_start3A_568 = arith.constant 160 : i32
        %dma_start3A_569 = arith.constant 0 : i32
        %dma_start3A_570 = tpu.memref_slice %arg9[%dma_start3A_568, %dma_start3A_569] : memref<200x128xf32, #tpu.memory_space<vmem>> -> memref<40x128xf32, #tpu.memory_space<vmem>>
        %dma_start3A_571 = arith.constant 0 : i32
        %dma_start3A_572 = tpu.memref_slice %arg7[%add3A_567, %dma_start3A_571] : memref<50x40xi32, #tpu.memory_space<vmem>> -> memref<1x40xi32, #tpu.memory_space<vmem>>
        %dma_start3A_573 = tpu.memref_squeeze %dma_start3A_572 : memref<1x40xi32, #tpu.memory_space<vmem>> -> memref<40xi32, #tpu.memory_space<vmem>>
        %dma_start3A_574 = arith.constant 0 : i32
        %dma_start3A_575 = arith.constant 0 : i32
        %dma_start3A_576 = tpu.memref_slice %arg2[%dma_start3A_574, %dma_start3A_575] : memref<10240x128xf32, #tpu.memory_space<hbm>> -> memref<10240x128xf32, #tpu.memory_space<hbm>>
        tpu.enqueue_indirect_dma source(%dma_start3A_576 : memref<10240x128xf32, #tpu.memory_space<hbm>>) target(%dma_start3A_570 : memref<40x128xf32, #tpu.memory_space<vmem>>) offsets(%dma_start3A_573 : memref<40xi32, #tpu.memory_space<vmem>>) semaphore(%arg11 : memref<!tpu.dma_semaphore, #tpu.memory_space<semaphore_mem>>)
      } else {
      }
      %add3A_323 = arith.constant 1 : i32
      %add3A_324 = arith.addi %mul3A_140, %add3A_323 : i32
      %mul3A_325 = arith.constant 5 : i32
      %mul3A_326 = arith.muli %add3A_324, %mul3A_325 : i32
      %add3A_327 = arith.constant 0 : i32
      %add3A_328 = arith.addi %mul3A_326, %add3A_327 : i32
      %dma_wait3A_329 = arith.constant 0 : i32
      %dma_wait3A_330 = arith.constant 0 : i32
      %dma_wait3A_331 = tpu.memref_slice %arg10[%dma_wait3A_329, %dma_wait3A_330] : memref<200x128xf32, #tpu.memory_space<vmem>> -> memref<40x128xf32, #tpu.memory_space<vmem>>
      %dma_wait3A_332 = arith.constant 0 : i32
      %dma_wait3A_333 = tpu.memref_slice %arg7[%add3A_328, %dma_wait3A_332] : memref<50x40xi32, #tpu.memory_space<vmem>> -> memref<1x40xi32, #tpu.memory_space<vmem>>
      %dma_wait3A_334 = tpu.memref_squeeze %dma_wait3A_333 : memref<1x40xi32, #tpu.memory_space<vmem>> -> memref<40xi32, #tpu.memory_space<vmem>>
      %dma_wait3A_335 = arith.constant 0 : i32
      %dma_wait3A_336 = arith.constant 0 : i32
      %dma_wait3A_337 = tpu.memref_slice %arg2[%dma_wait3A_335, %dma_wait3A_336] : memref<10240x128xf32, #tpu.memory_space<hbm>> -> memref<10240x128xf32, #tpu.memory_space<hbm>>
      tpu.wait_indirect_dma semaphore(%arg12 : memref<!tpu.dma_semaphore, #tpu.memory_space<semaphore_mem>>) src(%dma_wait3A_337 : memref<10240x128xf32, #tpu.memory_space<hbm>>) dst(%dma_wait3A_331 : memref<40x128xf32, #tpu.memory_space<vmem>>)
      %mul3A_338 = arith.constant 5 : i32
      %mul3A_339 = arith.muli %add3A_324, %mul3A_338 : i32
      %add3A_340 = arith.constant 1 : i32
      %add3A_341 = arith.addi %mul3A_339, %add3A_340 : i32
      %dma_wait3A_342 = arith.constant 40 : i32
      %dma_wait3A_343 = arith.constant 0 : i32
      %dma_wait3A_344 = tpu.memref_slice %arg10[%dma_wait3A_342, %dma_wait3A_343] : memref<200x128xf32, #tpu.memory_space<vmem>> -> memref<40x128xf32, #tpu.memory_space<vmem>>
      %dma_wait3A_345 = arith.constant 0 : i32
      %dma_wait3A_346 = tpu.memref_slice %arg7[%add3A_341, %dma_wait3A_345] : memref<50x40xi32, #tpu.memory_space<vmem>> -> memref<1x40xi32, #tpu.memory_space<vmem>>
      %dma_wait3A_347 = tpu.memref_squeeze %dma_wait3A_346 : memref<1x40xi32, #tpu.memory_space<vmem>> -> memref<40xi32, #tpu.memory_space<vmem>>
      %dma_wait3A_348 = arith.constant 0 : i32
      %dma_wait3A_349 = arith.constant 0 : i32
      %dma_wait3A_350 = tpu.memref_slice %arg2[%dma_wait3A_348, %dma_wait3A_349] : memref<10240x128xf32, #tpu.memory_space<hbm>> -> memref<10240x128xf32, #tpu.memory_space<hbm>>
      tpu.wait_indirect_dma semaphore(%arg12 : memref<!tpu.dma_semaphore, #tpu.memory_space<semaphore_mem>>) src(%dma_wait3A_350 : memref<10240x128xf32, #tpu.memory_space<hbm>>) dst(%dma_wait3A_344 : memref<40x128xf32, #tpu.memory_space<vmem>>)
      %mul3A_351 = arith.constant 5 : i32
      %mul3A_352 = arith.muli %add3A_324, %mul3A_351 : i32
      %add3A_353 = arith.constant 2 : i32
      %add3A_354 = arith.addi %mul3A_352, %add3A_353 : i32
      %dma_wait3A_355 = arith.constant 80 : i32
      %dma_wait3A_356 = arith.constant 0 : i32
      %dma_wait3A_357 = tpu.memref_slice %arg10[%dma_wait3A_355, %dma_wait3A_356] : memref<200x128xf32, #tpu.memory_space<vmem>> -> memref<40x128xf32, #tpu.memory_space<vmem>>
      %dma_wait3A_358 = arith.constant 0 : i32
      %dma_wait3A_359 = tpu.memref_slice %arg7[%add3A_354, %dma_wait3A_358] : memref<50x40xi32, #tpu.memory_space<vmem>> -> memref<1x40xi32, #tpu.memory_space<vmem>>
      %dma_wait3A_360 = tpu.memref_squeeze %dma_wait3A_359 : memref<1x40xi32, #tpu.memory_space<vmem>> -> memref<40xi32, #tpu.memory_space<vmem>>
      %dma_wait3A_361 = arith.constant 0 : i32
      %dma_wait3A_362 = arith.constant 0 : i32
      %dma_wait3A_363 = tpu.memref_slice %arg2[%dma_wait3A_361, %dma_wait3A_362] : memref<10240x128xf32, #tpu.memory_space<hbm>> -> memref<10240x128xf32, #tpu.memory_space<hbm>>
      tpu.wait_indirect_dma semaphore(%arg12 : memref<!tpu.dma_semaphore, #tpu.memory_space<semaphore_mem>>) src(%dma_wait3A_363 : memref<10240x128xf32, #tpu.memory_space<hbm>>) dst(%dma_wait3A_357 : memref<40x128xf32, #tpu.memory_space<vmem>>)
      %mul3A_364 = arith.constant 5 : i32
      %mul3A_365 = arith.muli %add3A_324, %mul3A_364 : i32
      %add3A_366 = arith.constant 3 : i32
      %add3A_367 = arith.addi %mul3A_365, %add3A_366 : i32
      %dma_wait3A_368 = arith.constant 120 : i32
      %dma_wait3A_369 = arith.constant 0 : i32
      %dma_wait3A_370 = tpu.memref_slice %arg10[%dma_wait3A_368, %dma_wait3A_369] : memref<200x128xf32, #tpu.memory_space<vmem>> -> memref<40x128xf32, #tpu.memory_space<vmem>>
      %dma_wait3A_371 = arith.constant 0 : i32
      %dma_wait3A_372 = tpu.memref_slice %arg7[%add3A_367, %dma_wait3A_371] : memref<50x40xi32, #tpu.memory_space<vmem>> -> memref<1x40xi32, #tpu.memory_space<vmem>>
      %dma_wait3A_373 = tpu.memref_squeeze %dma_wait3A_372 : memref<1x40xi32, #tpu.memory_space<vmem>> -> memref<40xi32, #tpu.memory_space<vmem>>
      %dma_wait3A_374 = arith.constant 0 : i32
      %dma_wait3A_375 = arith.constant 0 : i32
      %dma_wait3A_376 = tpu.memref_slice %arg2[%dma_wait3A_374, %dma_wait3A_375] : memref<10240x128xf32, #tpu.memory_space<hbm>> -> memref<10240x128xf32, #tpu.memory_space<hbm>>
      tpu.wait_indirect_dma semaphore(%arg12 : memref<!tpu.dma_semaphore, #tpu.memory_space<semaphore_mem>>) src(%dma_wait3A_376 : memref<10240x128xf32, #tpu.memory_space<hbm>>) dst(%dma_wait3A_370 : memref<40x128xf32, #tpu.memory_space<vmem>>)
      %mul3A_377 = arith.constant 5 : i32
      %mul3A_378 = arith.muli %add3A_324, %mul3A_377 : i32
      %add3A_379 = arith.constant 4 : i32
      %add3A_380 = arith.addi %mul3A_378, %add3A_379 : i32
      %dma_wait3A_381 = arith.constant 160 : i32
      %dma_wait3A_382 = arith.constant 0 : i32
      %dma_wait3A_383 = tpu.memref_slice %arg10[%dma_wait3A_381, %dma_wait3A_382] : memref<200x128xf32, #tpu.memory_space<vmem>> -> memref<40x128xf32, #tpu.memory_space<vmem>>
      %dma_wait3A_384 = arith.constant 0 : i32
      %dma_wait3A_385 = tpu.memref_slice %arg7[%add3A_380, %dma_wait3A_384] : memref<50x40xi32, #tpu.memory_space<vmem>> -> memref<1x40xi32, #tpu.memory_space<vmem>>
      %dma_wait3A_386 = tpu.memref_squeeze %dma_wait3A_385 : memref<1x40xi32, #tpu.memory_space<vmem>> -> memref<40xi32, #tpu.memory_space<vmem>>
      %dma_wait3A_387 = arith.constant 0 : i32
      %dma_wait3A_388 = arith.constant 0 : i32
      %dma_wait3A_389 = tpu.memref_slice %arg2[%dma_wait3A_387, %dma_wait3A_388] : memref<10240x128xf32, #tpu.memory_space<hbm>> -> memref<10240x128xf32, #tpu.memory_space<hbm>>
      tpu.wait_indirect_dma semaphore(%arg12 : memref<!tpu.dma_semaphore, #tpu.memory_space<semaphore_mem>>) src(%dma_wait3A_389 : memref<10240x128xf32, #tpu.memory_space<hbm>>) dst(%dma_wait3A_383 : memref<40x128xf32, #tpu.memory_space<vmem>>)
      %mul3A_390 = arith.constant 5 : i32
      %mul3A_391 = arith.muli %add3A_324, %mul3A_390 : i32
      %add3A_392 = arith.constant 0 : i32
      %add3A_393 = arith.addi %mul3A_391, %add3A_392 : i32
      %dma_start3A_394 = arith.constant 0 : i32
      %dma_start3A_395 = arith.constant 0 : i32
      %dma_start3A_396 = tpu.memref_slice %arg10[%dma_start3A_394, %dma_start3A_395] : memref<200x128xf32, #tpu.memory_space<vmem>> -> memref<40x128xf32, #tpu.memory_space<vmem>>
      %dma_start3A_397 = arith.constant 0 : i32
      %dma_start3A_398 = tpu.memref_slice %arg8[%add3A_393, %dma_start3A_397] : memref<50x40xi32, #tpu.memory_space<vmem>> -> memref<1x40xi32, #tpu.memory_space<vmem>>
      %dma_start3A_399 = tpu.memref_squeeze %dma_start3A_398 : memref<1x40xi32, #tpu.memory_space<vmem>> -> memref<40xi32, #tpu.memory_space<vmem>>
      %dma_start3A_400 = arith.constant 0 : i32
      %dma_start3A_401 = arith.constant 0 : i32
      %dma_start3A_402 = tpu.memref_slice %arg3[%dma_start3A_400, %dma_start3A_401] : memref<10240x128xf32, #tpu.memory_space<hbm>> -> memref<10240x128xf32, #tpu.memory_space<hbm>>
      tpu.enqueue_indirect_dma source(%dma_start3A_402 : memref<10240x128xf32, #tpu.memory_space<hbm>>) target(%dma_start3A_396 : memref<40x128xf32, #tpu.memory_space<vmem>>) offsets(%dma_start3A_399 : memref<40xi32, #tpu.memory_space<vmem>>) semaphore(%arg13 : memref<!tpu.dma_semaphore, #tpu.memory_space<semaphore_mem>>) {add = true}
      %mul3A_403 = arith.constant 5 : i32
      %mul3A_404 = arith.muli %add3A_324, %mul3A_403 : i32
      %add3A_405 = arith.constant 1 : i32
      %add3A_406 = arith.addi %mul3A_404, %add3A_405 : i32
      %dma_start3A_407 = arith.constant 40 : i32
      %dma_start3A_408 = arith.constant 0 : i32
      %dma_start3A_409 = tpu.memref_slice %arg10[%dma_start3A_407, %dma_start3A_408] : memref<200x128xf32, #tpu.memory_space<vmem>> -> memref<40x128xf32, #tpu.memory_space<vmem>>
      %dma_start3A_410 = arith.constant 0 : i32
      %dma_start3A_411 = tpu.memref_slice %arg8[%add3A_406, %dma_start3A_410] : memref<50x40xi32, #tpu.memory_space<vmem>> -> memref<1x40xi32, #tpu.memory_space<vmem>>
      %dma_start3A_412 = tpu.memref_squeeze %dma_start3A_411 : memref<1x40xi32, #tpu.memory_space<vmem>> -> memref<40xi32, #tpu.memory_space<vmem>>
      %dma_start3A_413 = arith.constant 0 : i32
      %dma_start3A_414 = arith.constant 0 : i32
      %dma_start3A_415 = tpu.memref_slice %arg3[%dma_start3A_413, %dma_start3A_414] : memref<10240x128xf32, #tpu.memory_space<hbm>> -> memref<10240x128xf32, #tpu.memory_space<hbm>>
      tpu.enqueue_indirect_dma source(%dma_start3A_415 : memref<10240x128xf32, #tpu.memory_space<hbm>>) target(%dma_start3A_409 : memref<40x128xf32, #tpu.memory_space<vmem>>) offsets(%dma_start3A_412 : memref<40xi32, #tpu.memory_space<vmem>>) semaphore(%arg13 : memref<!tpu.dma_semaphore, #tpu.memory_space<semaphore_mem>>) {add = true}
      %mul3A_416 = arith.constant 5 : i32
      %mul3A_417 = arith.muli %add3A_324, %mul3A_416 : i32
      %add3A_418 = arith.constant 2 : i32
      %add3A_419 = arith.addi %mul3A_417, %add3A_418 : i32
      %dma_start3A_420 = arith.constant 80 : i32
      %dma_start3A_421 = arith.constant 0 : i32
      %dma_start3A_422 = tpu.memref_slice %arg10[%dma_start3A_420, %dma_start3A_421] : memref<200x128xf32, #tpu.memory_space<vmem>> -> memref<40x128xf32, #tpu.memory_space<vmem>>
      %dma_start3A_423 = arith.constant 0 : i32
      %dma_start3A_424 = tpu.memref_slice %arg8[%add3A_419, %dma_start3A_423] : memref<50x40xi32, #tpu.memory_space<vmem>> -> memref<1x40xi32, #tpu.memory_space<vmem>>
      %dma_start3A_425 = tpu.memref_squeeze %dma_start3A_424 : memref<1x40xi32, #tpu.memory_space<vmem>> -> memref<40xi32, #tpu.memory_space<vmem>>
      %dma_start3A_426 = arith.constant 0 : i32
      %dma_start3A_427 = arith.constant 0 : i32
      %dma_start3A_428 = tpu.memref_slice %arg3[%dma_start3A_426, %dma_start3A_427] : memref<10240x128xf32, #tpu.memory_space<hbm>> -> memref<10240x128xf32, #tpu.memory_space<hbm>>
      tpu.enqueue_indirect_dma source(%dma_start3A_428 : memref<10240x128xf32, #tpu.memory_space<hbm>>) target(%dma_start3A_422 : memref<40x128xf32, #tpu.memory_space<vmem>>) offsets(%dma_start3A_425 : memref<40xi32, #tpu.memory_space<vmem>>) semaphore(%arg13 : memref<!tpu.dma_semaphore, #tpu.memory_space<semaphore_mem>>) {add = true}
      %mul3A_429 = arith.constant 5 : i32
      %mul3A_430 = arith.muli %add3A_324, %mul3A_429 : i32
      %add3A_431 = arith.constant 3 : i32
      %add3A_432 = arith.addi %mul3A_430, %add3A_431 : i32
      %dma_start3A_433 = arith.constant 120 : i32
      %dma_start3A_434 = arith.constant 0 : i32
      %dma_start3A_435 = tpu.memref_slice %arg10[%dma_start3A_433, %dma_start3A_434] : memref<200x128xf32, #tpu.memory_space<vmem>> -> memref<40x128xf32, #tpu.memory_space<vmem>>
      %dma_start3A_436 = arith.constant 0 : i32
      %dma_start3A_437 = tpu.memref_slice %arg8[%add3A_432, %dma_start3A_436] : memref<50x40xi32, #tpu.memory_space<vmem>> -> memref<1x40xi32, #tpu.memory_space<vmem>>
      %dma_start3A_438 = tpu.memref_squeeze %dma_start3A_437 : memref<1x40xi32, #tpu.memory_space<vmem>> -> memref<40xi32, #tpu.memory_space<vmem>>
      %dma_start3A_439 = arith.constant 0 : i32
      %dma_start3A_440 = arith.constant 0 : i32
      %dma_start3A_441 = tpu.memref_slice %arg3[%dma_start3A_439, %dma_start3A_440] : memref<10240x128xf32, #tpu.memory_space<hbm>> -> memref<10240x128xf32, #tpu.memory_space<hbm>>
      tpu.enqueue_indirect_dma source(%dma_start3A_441 : memref<10240x128xf32, #tpu.memory_space<hbm>>) target(%dma_start3A_435 : memref<40x128xf32, #tpu.memory_space<vmem>>) offsets(%dma_start3A_438 : memref<40xi32, #tpu.memory_space<vmem>>) semaphore(%arg13 : memref<!tpu.dma_semaphore, #tpu.memory_space<semaphore_mem>>) {add = true}
      %mul3A_442 = arith.constant 5 : i32
      %mul3A_443 = arith.muli %add3A_324, %mul3A_442 : i32
      %add3A_444 = arith.constant 4 : i32
      %add3A_445 = arith.addi %mul3A_443, %add3A_444 : i32
      %dma_start3A_446 = arith.constant 160 : i32
      %dma_start3A_447 = arith.constant 0 : i32
      %dma_start3A_448 = tpu.memref_slice %arg10[%dma_start3A_446, %dma_start3A_447] : memref<200x128xf32, #tpu.memory_space<vmem>> -> memref<40x128xf32, #tpu.memory_space<vmem>>
      %dma_start3A_449 = arith.constant 0 : i32
      %dma_start3A_450 = tpu.memref_slice %arg8[%add3A_445, %dma_start3A_449] : memref<50x40xi32, #tpu.memory_space<vmem>> -> memref<1x40xi32, #tpu.memory_space<vmem>>
      %dma_start3A_451 = tpu.memref_squeeze %dma_start3A_450 : memref<1x40xi32, #tpu.memory_space<vmem>> -> memref<40xi32, #tpu.memory_space<vmem>>
      %dma_start3A_452 = arith.constant 0 : i32
      %dma_start3A_453 = arith.constant 0 : i32
      %dma_start3A_454 = tpu.memref_slice %arg3[%dma_start3A_452, %dma_start3A_453] : memref<10240x128xf32, #tpu.memory_space<hbm>> -> memref<10240x128xf32, #tpu.memory_space<hbm>>
      tpu.enqueue_indirect_dma source(%dma_start3A_454 : memref<10240x128xf32, #tpu.memory_space<hbm>>) target(%dma_start3A_448 : memref<40x128xf32, #tpu.memory_space<vmem>>) offsets(%dma_start3A_451 : memref<40xi32, #tpu.memory_space<vmem>>) semaphore(%arg13 : memref<!tpu.dma_semaphore, #tpu.memory_space<semaphore_mem>>) {add = true}
      %dma_wait3A_455 = arith.constant 0 : i32
      %dma_wait3A_456 = arith.constant 0 : i32
      %dma_wait3A_457 = tpu.memref_slice %arg10[%dma_wait3A_455, %dma_wait3A_456] : memref<200x128xf32, #tpu.memory_space<vmem>> -> memref<40x128xf32, #tpu.memory_space<vmem>>
      %dma_wait3A_458 = arith.constant 0 : i32
      %dma_wait3A_459 = tpu.memref_slice %arg8[%add3A_393, %dma_wait3A_458] : memref<50x40xi32, #tpu.memory_space<vmem>> -> memref<1x40xi32, #tpu.memory_space<vmem>>
      %dma_wait3A_460 = tpu.memref_squeeze %dma_wait3A_459 : memref<1x40xi32, #tpu.memory_space<vmem>> -> memref<40xi32, #tpu.memory_space<vmem>>
      %dma_wait3A_461 = arith.constant 0 : i32
      %dma_wait3A_462 = arith.constant 0 : i32
      %dma_wait3A_463 = tpu.memref_slice %arg3[%dma_wait3A_461, %dma_wait3A_462] : memref<10240x128xf32, #tpu.memory_space<hbm>> -> memref<10240x128xf32, #tpu.memory_space<hbm>>
      tpu.wait_indirect_dma semaphore(%arg13 : memref<!tpu.dma_semaphore, #tpu.memory_space<semaphore_mem>>) src(%dma_wait3A_463 : memref<10240x128xf32, #tpu.memory_space<hbm>>) dst(%dma_wait3A_457 : memref<40x128xf32, #tpu.memory_space<vmem>>)
      %dma_wait3A_464 = arith.constant 40 : i32
      %dma_wait3A_465 = arith.constant 0 : i32
      %dma_wait3A_466 = tpu.memref_slice %arg10[%dma_wait3A_464, %dma_wait3A_465] : memref<200x128xf32, #tpu.memory_space<vmem>> -> memref<40x128xf32, #tpu.memory_space<vmem>>
      %dma_wait3A_467 = arith.constant 0 : i32
      %dma_wait3A_468 = tpu.memref_slice %arg8[%add3A_406, %dma_wait3A_467] : memref<50x40xi32, #tpu.memory_space<vmem>> -> memref<1x40xi32, #tpu.memory_space<vmem>>
      %dma_wait3A_469 = tpu.memref_squeeze %dma_wait3A_468 : memref<1x40xi32, #tpu.memory_space<vmem>> -> memref<40xi32, #tpu.memory_space<vmem>>
      %dma_wait3A_470 = arith.constant 0 : i32
      %dma_wait3A_471 = arith.constant 0 : i32
      %dma_wait3A_472 = tpu.memref_slice %arg3[%dma_wait3A_470, %dma_wait3A_471] : memref<10240x128xf32, #tpu.memory_space<hbm>> -> memref<10240x128xf32, #tpu.memory_space<hbm>>
      tpu.wait_indirect_dma semaphore(%arg13 : memref<!tpu.dma_semaphore, #tpu.memory_space<semaphore_mem>>) src(%dma_wait3A_472 : memref<10240x128xf32, #tpu.memory_space<hbm>>) dst(%dma_wait3A_466 : memref<40x128xf32, #tpu.memory_space<vmem>>)
      %dma_wait3A_473 = arith.constant 80 : i32
      %dma_wait3A_474 = arith.constant 0 : i32
      %dma_wait3A_475 = tpu.memref_slice %arg10[%dma_wait3A_473, %dma_wait3A_474] : memref<200x128xf32, #tpu.memory_space<vmem>> -> memref<40x128xf32, #tpu.memory_space<vmem>>
      %dma_wait3A_476 = arith.constant 0 : i32
      %dma_wait3A_477 = tpu.memref_slice %arg8[%add3A_419, %dma_wait3A_476] : memref<50x40xi32, #tpu.memory_space<vmem>> -> memref<1x40xi32, #tpu.memory_space<vmem>>
      %dma_wait3A_478 = tpu.memref_squeeze %dma_wait3A_477 : memref<1x40xi32, #tpu.memory_space<vmem>> -> memref<40xi32, #tpu.memory_space<vmem>>
      %dma_wait3A_479 = arith.constant 0 : i32
      %dma_wait3A_480 = arith.constant 0 : i32
      %dma_wait3A_481 = tpu.memref_slice %arg3[%dma_wait3A_479, %dma_wait3A_480] : memref<10240x128xf32, #tpu.memory_space<hbm>> -> memref<10240x128xf32, #tpu.memory_space<hbm>>
      tpu.wait_indirect_dma semaphore(%arg13 : memref<!tpu.dma_semaphore, #tpu.memory_space<semaphore_mem>>) src(%dma_wait3A_481 : memref<10240x128xf32, #tpu.memory_space<hbm>>) dst(%dma_wait3A_475 : memref<40x128xf32, #tpu.memory_space<vmem>>)
      %dma_wait3A_482 = arith.constant 120 : i32
      %dma_wait3A_483 = arith.constant 0 : i32
      %dma_wait3A_484 = tpu.memref_slice %arg10[%dma_wait3A_482, %dma_wait3A_483] : memref<200x128xf32, #tpu.memory_space<vmem>> -> memref<40x128xf32, #tpu.memory_space<vmem>>
      %dma_wait3A_485 = arith.constant 0 : i32
      %dma_wait3A_486 = tpu.memref_slice %arg8[%add3A_432, %dma_wait3A_485] : memref<50x40xi32, #tpu.memory_space<vmem>> -> memref<1x40xi32, #tpu.memory_space<vmem>>
      %dma_wait3A_487 = tpu.memref_squeeze %dma_wait3A_486 : memref<1x40xi32, #tpu.memory_space<vmem>> -> memref<40xi32, #tpu.memory_space<vmem>>
      %dma_wait3A_488 = arith.constant 0 : i32
      %dma_wait3A_489 = arith.constant 0 : i32
      %dma_wait3A_490 = tpu.memref_slice %arg3[%dma_wait3A_488, %dma_wait3A_489] : memref<10240x128xf32, #tpu.memory_space<hbm>> -> memref<10240x128xf32, #tpu.memory_space<hbm>>
      tpu.wait_indirect_dma semaphore(%arg13 : memref<!tpu.dma_semaphore, #tpu.memory_space<semaphore_mem>>) src(%dma_wait3A_490 : memref<10240x128xf32, #tpu.memory_space<hbm>>) dst(%dma_wait3A_484 : memref<40x128xf32, #tpu.memory_space<vmem>>)
      %dma_wait3A_491 = arith.constant 160 : i32
      %dma_wait3A_492 = arith.constant 0 : i32
      %dma_wait3A_493 = tpu.memref_slice %arg10[%dma_wait3A_491, %dma_wait3A_492] : memref<200x128xf32, #tpu.memory_space<vmem>> -> memref<40x128xf32, #tpu.memory_space<vmem>>
      %dma_wait3A_494 = arith.constant 0 : i32
      %dma_wait3A_495 = tpu.memref_slice %arg8[%add3A_445, %dma_wait3A_494] : memref<50x40xi32, #tpu.memory_space<vmem>> -> memref<1x40xi32, #tpu.memory_space<vmem>>
      %dma_wait3A_496 = tpu.memref_squeeze %dma_wait3A_495 : memref<1x40xi32, #tpu.memory_space<vmem>> -> memref<40xi32, #tpu.memory_space<vmem>>
      %dma_wait3A_497 = arith.constant 0 : i32
      %dma_wait3A_498 = arith.constant 0 : i32
      %dma_wait3A_499 = tpu.memref_slice %arg3[%dma_wait3A_497, %dma_wait3A_498] : memref<10240x128xf32, #tpu.memory_space<hbm>> -> memref<10240x128xf32, #tpu.memory_space<hbm>>
      tpu.wait_indirect_dma semaphore(%arg13 : memref<!tpu.dma_semaphore, #tpu.memory_space<semaphore_mem>>) src(%dma_wait3A_499 : memref<10240x128xf32, #tpu.memory_space<hbm>>) dst(%dma_wait3A_493 : memref<40x128xf32, #tpu.memory_space<vmem>>)
      %mul3A_500 = arith.constant 200 : i32
      %mul3A_501 = arith.muli %add3A_324, %mul3A_500 : i32
      %add3A_502 = arith.addi %mul3A_32, %mul3A_501 : i32
      "tpu.region"() ({
        %run_scoped3A = tpu.sem_alloc : memref<!tpu.dma_semaphore, #tpu.memory_space<semaphore_mem>>
        %dma_start3A_510 = arith.constant 0 : i32
        %dma_start3A_511 = tpu.memref_slice %arg6[%add3A_502, %dma_start3A_510] : memref<64000x128xf32, #tpu.memory_space<hbm>> -> memref<200x128xf32, #tpu.memory_space<hbm>>
        %dma_start3A_512 = arith.constant 0 : i32
        %dma_start3A_513 = tpu.memref_slice %arg6[%add3A_502, %dma_start3A_512] : memref<64000x128xf32, #tpu.memory_space<hbm>> -> memref<200x128xf32, #tpu.memory_space<hbm>>
        tpu.enqueue_dma source(%arg10 : memref<200x128xf32, #tpu.memory_space<vmem>>) target(%dma_start3A_513 : memref<200x128xf32, #tpu.memory_space<hbm>>) target_semaphore(%run_scoped3A : memref<!tpu.dma_semaphore, #tpu.memory_space<semaphore_mem>>)
        %dma_wait3A_514 = arith.constant 0 : i32
        %dma_wait3A_515 = tpu.memref_slice %arg6[%add3A_502, %dma_wait3A_514] : memref<64000x128xf32, #tpu.memory_space<hbm>> -> memref<200x128xf32, #tpu.memory_space<hbm>>
        %dma_wait3A_516 = arith.constant 0 : i32
        %dma_wait3A_517 = tpu.memref_slice %arg6[%add3A_502, %dma_wait3A_516] : memref<64000x128xf32, #tpu.memory_space<hbm>> -> memref<200x128xf32, #tpu.memory_space<hbm>>
        tpu.wait_dma2 semaphore(%run_scoped3A : memref<!tpu.dma_semaphore, #tpu.memory_space<semaphore_mem>>) src(%arg10 : memref<200x128xf32, #tpu.memory_space<vmem>>) dst(%dma_wait3A_517 : memref<200x128xf32, #tpu.memory_space<hbm>>)
        tpu.yield
      }) : () -> ()
      %add3A_503 = arith.constant 3 : i32
      %add3A_504 = arith.addi %mul3A_140, %add3A_503 : i32
      %lt3A_505 = arith.constant 10 : i32
      %lt3A_506 = arith.cmpi slt, %add3A_504, %lt3A_505 : i32
      %convert_element_type3A_507 = arith.extui %lt3A_506 : i1 to i32
      %cond3A_508 = arith.constant 0 : i32
      %cond3A_509 = arith.cmpi ne, %convert_element_type3A_507, %cond3A_508 : i32
      scf.if %cond3A_509 {
        %add3A_510 = arith.constant 3 : i32
        %add3A_511 = arith.addi %mul3A_140, %add3A_510 : i32
        %mul3A_512 = arith.constant 5 : i32
        %mul3A_513 = arith.muli %add3A_511, %mul3A_512 : i32
        %add3A_514 = arith.constant 0 : i32
        %add3A_515 = arith.addi %mul3A_513, %add3A_514 : i32
        %dma_start3A_516 = arith.constant 0 : i32
        %dma_start3A_517 = arith.constant 0 : i32
        %dma_start3A_518 = tpu.memref_slice %arg10[%dma_start3A_516, %dma_start3A_517] : memref<200x128xf32, #tpu.memory_space<vmem>> -> memref<40x128xf32, #tpu.memory_space<vmem>>
        %dma_start3A_519 = arith.constant 0 : i32
        %dma_start3A_520 = tpu.memref_slice %arg7[%add3A_515, %dma_start3A_519] : memref<50x40xi32, #tpu.memory_space<vmem>> -> memref<1x40xi32, #tpu.memory_space<vmem>>
        %dma_start3A_521 = tpu.memref_squeeze %dma_start3A_520 : memref<1x40xi32, #tpu.memory_space<vmem>> -> memref<40xi32, #tpu.memory_space<vmem>>
        %dma_start3A_522 = arith.constant 0 : i32
        %dma_start3A_523 = arith.constant 0 : i32
        %dma_start3A_524 = tpu.memref_slice %arg2[%dma_start3A_522, %dma_start3A_523] : memref<10240x128xf32, #tpu.memory_space<hbm>> -> memref<10240x128xf32, #tpu.memory_space<hbm>>
        tpu.enqueue_indirect_dma source(%dma_start3A_524 : memref<10240x128xf32, #tpu.memory_space<hbm>>) target(%dma_start3A_518 : memref<40x128xf32, #tpu.memory_space<vmem>>) offsets(%dma_start3A_521 : memref<40xi32, #tpu.memory_space<vmem>>) semaphore(%arg12 : memref<!tpu.dma_semaphore, #tpu.memory_space<semaphore_mem>>)
        %mul3A_525 = arith.constant 5 : i32
        %mul3A_526 = arith.muli %add3A_511, %mul3A_525 : i32
        %add3A_527 = arith.constant 1 : i32
        %add3A_528 = arith.addi %mul3A_526, %add3A_527 : i32
        %dma_start3A_529 = arith.constant 40 : i32
        %dma_start3A_530 = arith.constant 0 : i32
        %dma_start3A_531 = tpu.memref_slice %arg10[%dma_start3A_529, %dma_start3A_530] : memref<200x128xf32, #tpu.memory_space<vmem>> -> memref<40x128xf32, #tpu.memory_space<vmem>>
        %dma_start3A_532 = arith.constant 0 : i32
        %dma_start3A_533 = tpu.memref_slice %arg7[%add3A_528, %dma_start3A_532] : memref<50x40xi32, #tpu.memory_space<vmem>> -> memref<1x40xi32, #tpu.memory_space<vmem>>
        %dma_start3A_534 = tpu.memref_squeeze %dma_start3A_533 : memref<1x40xi32, #tpu.memory_space<vmem>> -> memref<40xi32, #tpu.memory_space<vmem>>
        %dma_start3A_535 = arith.constant 0 : i32
        %dma_start3A_536 = arith.constant 0 : i32
        %dma_start3A_537 = tpu.memref_slice %arg2[%dma_start3A_535, %dma_start3A_536] : memref<10240x128xf32, #tpu.memory_space<hbm>> -> memref<10240x128xf32, #tpu.memory_space<hbm>>
        tpu.enqueue_indirect_dma source(%dma_start3A_537 : memref<10240x128xf32, #tpu.memory_space<hbm>>) target(%dma_start3A_531 : memref<40x128xf32, #tpu.memory_space<vmem>>) offsets(%dma_start3A_534 : memref<40xi32, #tpu.memory_space<vmem>>) semaphore(%arg12 : memref<!tpu.dma_semaphore, #tpu.memory_space<semaphore_mem>>)
        %mul3A_538 = arith.constant 5 : i32
        %mul3A_539 = arith.muli %add3A_511, %mul3A_538 : i32
        %add3A_540 = arith.constant 2 : i32
        %add3A_541 = arith.addi %mul3A_539, %add3A_540 : i32
        %dma_start3A_542 = arith.constant 80 : i32
        %dma_start3A_543 = arith.constant 0 : i32
        %dma_start3A_544 = tpu.memref_slice %arg10[%dma_start3A_542, %dma_start3A_543] : memref<200x128xf32, #tpu.memory_space<vmem>> -> memref<40x128xf32, #tpu.memory_space<vmem>>
        %dma_start3A_545 = arith.constant 0 : i32
        %dma_start3A_546 = tpu.memref_slice %arg7[%add3A_541, %dma_start3A_545] : memref<50x40xi32, #tpu.memory_space<vmem>> -> memref<1x40xi32, #tpu.memory_space<vmem>>
        %dma_start3A_547 = tpu.memref_squeeze %dma_start3A_546 : memref<1x40xi32, #tpu.memory_space<vmem>> -> memref<40xi32, #tpu.memory_space<vmem>>
        %dma_start3A_548 = arith.constant 0 : i32
        %dma_start3A_549 = arith.constant 0 : i32
        %dma_start3A_550 = tpu.memref_slice %arg2[%dma_start3A_548, %dma_start3A_549] : memref<10240x128xf32, #tpu.memory_space<hbm>> -> memref<10240x128xf32, #tpu.memory_space<hbm>>
        tpu.enqueue_indirect_dma source(%dma_start3A_550 : memref<10240x128xf32, #tpu.memory_space<hbm>>) target(%dma_start3A_544 : memref<40x128xf32, #tpu.memory_space<vmem>>) offsets(%dma_start3A_547 : memref<40xi32, #tpu.memory_space<vmem>>) semaphore(%arg12 : memref<!tpu.dma_semaphore, #tpu.memory_space<semaphore_mem>>)
        %mul3A_551 = arith.constant 5 : i32
        %mul3A_552 = arith.muli %add3A_511, %mul3A_551 : i32
        %add3A_553 = arith.constant 3 : i32
        %add3A_554 = arith.addi %mul3A_552, %add3A_553 : i32
        %dma_start3A_555 = arith.constant 120 : i32
        %dma_start3A_556 = arith.constant 0 : i32
        %dma_start3A_557 = tpu.memref_slice %arg10[%dma_start3A_555, %dma_start3A_556] : memref<200x128xf32, #tpu.memory_space<vmem>> -> memref<40x128xf32, #tpu.memory_space<vmem>>
        %dma_start3A_558 = arith.constant 0 : i32
        %dma_start3A_559 = tpu.memref_slice %arg7[%add3A_554, %dma_start3A_558] : memref<50x40xi32, #tpu.memory_space<vmem>> -> memref<1x40xi32, #tpu.memory_space<vmem>>
        %dma_start3A_560 = tpu.memref_squeeze %dma_start3A_559 : memref<1x40xi32, #tpu.memory_space<vmem>> -> memref<40xi32, #tpu.memory_space<vmem>>
        %dma_start3A_561 = arith.constant 0 : i32
        %dma_start3A_562 = arith.constant 0 : i32
        %dma_start3A_563 = tpu.memref_slice %arg2[%dma_start3A_561, %dma_start3A_562] : memref<10240x128xf32, #tpu.memory_space<hbm>> -> memref<10240x128xf32, #tpu.memory_space<hbm>>
        tpu.enqueue_indirect_dma source(%dma_start3A_563 : memref<10240x128xf32, #tpu.memory_space<hbm>>) target(%dma_start3A_557 : memref<40x128xf32, #tpu.memory_space<vmem>>) offsets(%dma_start3A_560 : memref<40xi32, #tpu.memory_space<vmem>>) semaphore(%arg12 : memref<!tpu.dma_semaphore, #tpu.memory_space<semaphore_mem>>)
        %mul3A_564 = arith.constant 5 : i32
        %mul3A_565 = arith.muli %add3A_511, %mul3A_564 : i32
        %add3A_566 = arith.constant 4 : i32
        %add3A_567 = arith.addi %mul3A_565, %add3A_566 : i32
        %dma_start3A_568 = arith.constant 160 : i32
        %dma_start3A_569 = arith.constant 0 : i32
        %dma_start3A_570 = tpu.memref_slice %arg10[%dma_start3A_568, %dma_start3A_569] : memref<200x128xf32, #tpu.memory_space<vmem>> -> memref<40x128xf32, #tpu.memory_space<vmem>>
        %dma_start3A_571 = arith.constant 0 : i32
        %dma_start3A_572 = tpu.memref_slice %arg7[%add3A_567, %dma_start3A_571] : memref<50x40xi32, #tpu.memory_space<vmem>> -> memref<1x40xi32, #tpu.memory_space<vmem>>
        %dma_start3A_573 = tpu.memref_squeeze %dma_start3A_572 : memref<1x40xi32, #tpu.memory_space<vmem>> -> memref<40xi32, #tpu.memory_space<vmem>>
        %dma_start3A_574 = arith.constant 0 : i32
        %dma_start3A_575 = arith.constant 0 : i32
        %dma_start3A_576 = tpu.memref_slice %arg2[%dma_start3A_574, %dma_start3A_575] : memref<10240x128xf32, #tpu.memory_space<hbm>> -> memref<10240x128xf32, #tpu.memory_space<hbm>>
        tpu.enqueue_indirect_dma source(%dma_start3A_576 : memref<10240x128xf32, #tpu.memory_space<hbm>>) target(%dma_start3A_570 : memref<40x128xf32, #tpu.memory_space<vmem>>) offsets(%dma_start3A_573 : memref<40xi32, #tpu.memory_space<vmem>>) semaphore(%arg12 : memref<!tpu.dma_semaphore, #tpu.memory_space<semaphore_mem>>)
      } else {
      }
    }
    %scan3A_137 = arith.constant 5 : i32
    return
  }
}

#map = affine_map<(d0, d1) -> (0, 0)>
#map1 = affine_map<(d0, d1) -> (0, 0, 0)>
module attributes {stable_mosaic.version = 14 : i64} {
  func.func @body_fn(%arg0: i32, %arg1: i32, %arg2: memref<10240x128xf32, #tpu.memory_space<hbm>>, %arg3: memref<10240x128xf32, #tpu.memory_space<hbm>>, %arg4: memref<32x50x40xi32, #tpu.memory_space<hbm>>, %arg5: memref<32x50x40xi32, #tpu.memory_space<hbm>>, %arg6: memref<64000x128xf32, #tpu.memory_space<hbm>>, %arg7: memref<50x40xi32, #tpu.memory_space<vmem>>, %arg8: memref<50x40xi32, #tpu.memory_space<vmem>>, %arg9: memref<200x128xf32, #tpu.memory_space<vmem>>, %arg10: memref<200x128xf32, #tpu.memory_space<vmem>>, %arg11: memref<!tpu.dma_semaphore, #tpu.memory_space<semaphore_mem>>, %arg12: memref<!tpu.dma_semaphore, #tpu.memory_space<semaphore_mem>>, %arg13: memref<!tpu.dma_semaphore, #tpu.memory_space<semaphore_mem>>) attributes {dimension_semantics = [#tpu.dimension_semantics<core_parallel>, #tpu.dimension_semantics<subcore_parallel>], iteration_bounds = array<i64: 2, 16>, scalar_prefetch = 0 : i64, scratch_operands = 7 : i64, tpu.core_type = #tpu.core_type<sc_vector_subcore>, window_params = [{transform_indices = #map}, {transform_indices = #map}, {transform_indices = #map1}, {transform_indices = #map1}, {transform_indices = #map}]} {
    %mul3A = arith.constant 16 : i32
    %mul3A_0 = arith.muli %arg0, %mul3A : i32
    %add3A = arith.addi %mul3A_0, %arg1 : i32
    %dma_start3A = arith.constant 0 : i32
    %dma_start3A_1 = arith.constant 0 : i32
    %dma_start3A_2 = tpu.memref_slice %arg4[%add3A, %dma_start3A, %dma_start3A_1] : memref<32x50x40xi32, #tpu.memory_space<hbm>> -> memref<1x50x40xi32, #tpu.memory_space<hbm>>
    %dma_start3A_3 = tpu.memref_squeeze %dma_start3A_2 : memref<1x50x40xi32, #tpu.memory_space<hbm>> -> memref<50x40xi32, #tpu.memory_space<hbm>>
    %dma_start3A_4 = arith.constant 0 : i32
    %dma_start3A_5 = arith.constant 0 : i32
    %dma_start3A_6 = tpu.memref_slice %arg4[%add3A, %dma_start3A_4, %dma_start3A_5] : memref<32x50x40xi32, #tpu.memory_space<hbm>> -> memref<1x50x40xi32, #tpu.memory_space<hbm>>
    %dma_start3A_7 = tpu.memref_squeeze %dma_start3A_6 : memref<1x50x40xi32, #tpu.memory_space<hbm>> -> memref<50x40xi32, #tpu.memory_space<hbm>>
    tpu.enqueue_dma source(%dma_start3A_7 : memref<50x40xi32, #tpu.memory_space<hbm>>) target(%arg7 : memref<50x40xi32, #tpu.memory_space<vmem>>) target_semaphore(%arg13 : memref<!tpu.dma_semaphore, #tpu.memory_space<semaphore_mem>>)
    %dma_start3A_8 = arith.constant 0 : i32
    %dma_start3A_9 = arith.constant 0 : i32
    %dma_start3A_10 = tpu.memref_slice %arg5[%add3A, %dma_start3A_8, %dma_start3A_9] : memref<32x50x40xi32, #tpu.memory_space<hbm>> -> memref<1x50x40xi32, #tpu.memory_space<hbm>>
    %dma_start3A_11 = tpu.memref_squeeze %dma_start3A_10 : memref<1x50x40xi32, #tpu.memory_space<hbm>> -> memref<50x40xi32, #tpu.memory_space<hbm>>
    %dma_start3A_12 = arith.constant 0 : i32
    %dma_start3A_13 = arith.constant 0 : i32
    %dma_start3A_14 = tpu.memref_slice %arg5[%add3A, %dma_start3A_12, %dma_start3A_13] : memref<32x50x40xi32, #tpu.memory_space<hbm>> -> memref<1x50x40xi32, #tpu.memory_space<hbm>>
    %dma_start3A_15 = tpu.memref_squeeze %dma_start3A_14 : memref<1x50x40xi32, #tpu.memory_space<hbm>> -> memref<50x40xi32, #tpu.memory_space<hbm>>
    tpu.enqueue_dma source(%dma_start3A_15 : memref<50x40xi32, #tpu.memory_space<hbm>>) target(%arg8 : memref<50x40xi32, #tpu.memory_space<vmem>>) target_semaphore(%arg13 : memref<!tpu.dma_semaphore, #tpu.memory_space<semaphore_mem>>)
    %dma_wait3A = arith.constant 0 : i32
    %dma_wait3A_16 = arith.constant 0 : i32
    %dma_wait3A_17 = tpu.memref_slice %arg4[%add3A, %dma_wait3A, %dma_wait3A_16] : memref<32x50x40xi32, #tpu.memory_space<hbm>> -> memref<1x50x40xi32, #tpu.memory_space<hbm>>
    %dma_wait3A_18 = tpu.memref_squeeze %dma_wait3A_17 : memref<1x50x40xi32, #tpu.memory_space<hbm>> -> memref<50x40xi32, #tpu.memory_space<hbm>>
    %dma_wait3A_19 = arith.constant 0 : i32
    %dma_wait3A_20 = arith.constant 0 : i32
    %dma_wait3A_21 = tpu.memref_slice %arg4[%add3A, %dma_wait3A_19, %dma_wait3A_20] : memref<32x50x40xi32, #tpu.memory_space<hbm>> -> memref<1x50x40xi32, #tpu.memory_space<hbm>>
    %dma_wait3A_22 = tpu.memref_squeeze %dma_wait3A_21 : memref<1x50x40xi32, #tpu.memory_space<hbm>> -> memref<50x40xi32, #tpu.memory_space<hbm>>
    tpu.wait_dma2 semaphore(%arg13 : memref<!tpu.dma_semaphore, #tpu.memory_space<semaphore_mem>>) src(%dma_wait3A_22 : memref<50x40xi32, #tpu.memory_space<hbm>>) dst(%arg7 : memref<50x40xi32, #tpu.memory_space<vmem>>)
    %dma_wait3A_23 = arith.constant 0 : i32
    %dma_wait3A_24 = arith.constant 0 : i32
    %dma_wait3A_25 = tpu.memref_slice %arg5[%add3A, %dma_wait3A_23, %dma_wait3A_24] : memref<32x50x40xi32, #tpu.memory_space<hbm>> -> memref<1x50x40xi32, #tpu.memory_space<hbm>>
    %dma_wait3A_26 = tpu.memref_squeeze %dma_wait3A_25 : memref<1x50x40xi32, #tpu.memory_space<hbm>> -> memref<50x40xi32, #tpu.memory_space<hbm>>
    %dma_wait3A_27 = arith.constant 0 : i32
    %dma_wait3A_28 = arith.constant 0 : i32
    %dma_wait3A_29 = tpu.memref_slice %arg5[%add3A, %dma_wait3A_27, %dma_wait3A_28] : memref<32x50x40xi32, #tpu.memory_space<hbm>> -> memref<1x50x40xi32, #tpu.memory_space<hbm>>
    %dma_wait3A_30 = tpu.memref_squeeze %dma_wait3A_29 : memref<1x50x40xi32, #tpu.memory_space<hbm>> -> memref<50x40xi32, #tpu.memory_space<hbm>>
    tpu.wait_dma2 semaphore(%arg13 : memref<!tpu.dma_semaphore, #tpu.memory_space<semaphore_mem>>) src(%dma_wait3A_30 : memref<50x40xi32, #tpu.memory_space<hbm>>) dst(%arg8 : memref<50x40xi32, #tpu.memory_space<vmem>>)
    %mul3A_31 = arith.constant 2000 : i32
    %mul3A_32 = arith.muli %add3A, %mul3A_31 : i32
    %dma_start3A_33 = arith.constant 0 : i32
    %dma_start3A_34 = arith.constant 0 : i32
    %dma_start3A_35 = arith.constant 0 : i32
    %dma_start3A_36 = tpu.memref_slice %arg9[%dma_start3A_34, %dma_start3A_35] : memref<200x128xf32, #tpu.memory_space<vmem>> -> memref<40x128xf32, #tpu.memory_space<vmem>>
    %dma_start3A_37 = arith.constant 0 : i32
    %dma_start3A_38 = tpu.memref_slice %arg7[%dma_start3A_33, %dma_start3A_37] : memref<50x40xi32, #tpu.memory_space<vmem>> -> memref<1x40xi32, #tpu.memory_space<vmem>>
    %dma_start3A_39 = tpu.memref_squeeze %dma_start3A_38 : memref<1x40xi32, #tpu.memory_space<vmem>> -> memref<40xi32, #tpu.memory_space<vmem>>
    %dma_start3A_40 = arith.constant 0 : i32
    %dma_start3A_41 = arith.constant 0 : i32
    %dma_start3A_42 = tpu.memref_slice %arg2[%dma_start3A_40, %dma_start3A_41] : memref<10240x128xf32, #tpu.memory_space<hbm>> -> memref<10240x128xf32, #tpu.memory_space<hbm>>
    tpu.enqueue_indirect_dma source(%dma_start3A_42 : memref<10240x128xf32, #tpu.memory_space<hbm>>) target(%dma_start3A_36 : memref<40x128xf32, #tpu.memory_space<vmem>>) offsets(%dma_start3A_39 : memref<40xi32, #tpu.memory_space<vmem>>) semaphore(%arg11 : memref<!tpu.dma_semaphore, #tpu.memory_space<semaphore_mem>>)
    %dma_start3A_43 = arith.constant 1 : i32
    %dma_start3A_44 = arith.constant 40 : i32
    %dma_start3A_45 = arith.constant 0 : i32
    %dma_start3A_46 = tpu.memref_slice %arg9[%dma_start3A_44, %dma_start3A_45] : memref<200x128xf32, #tpu.memory_space<vmem>> -> memref<40x128xf32, #tpu.memory_space<vmem>>
    %dma_start3A_47 = arith.constant 0 : i32
    %dma_start3A_48 = tpu.memref_slice %arg7[%dma_start3A_43, %dma_start3A_47] : memref<50x40xi32, #tpu.memory_space<vmem>> -> memref<1x40xi32, #tpu.memory_space<vmem>>
    %dma_start3A_49 = tpu.memref_squeeze %dma_start3A_48 : memref<1x40xi32, #tpu.memory_space<vmem>> -> memref<40xi32, #tpu.memory_space<vmem>>
    %dma_start3A_50 = arith.constant 0 : i32
    %dma_start3A_51 = arith.constant 0 : i32
    %dma_start3A_52 = tpu.memref_slice %arg2[%dma_start3A_50, %dma_start3A_51] : memref<10240x128xf32, #tpu.memory_space<hbm>> -> memref<10240x128xf32, #tpu.memory_space<hbm>>
    tpu.enqueue_indirect_dma source(%dma_start3A_52 : memref<10240x128xf32, #tpu.memory_space<hbm>>) target(%dma_start3A_46 : memref<40x128xf32, #tpu.memory_space<vmem>>) offsets(%dma_start3A_49 : memref<40xi32, #tpu.memory_space<vmem>>) semaphore(%arg11 : memref<!tpu.dma_semaphore, #tpu.memory_space<semaphore_mem>>)
    %dma_start3A_53 = arith.constant 2 : i32
    %dma_start3A_54 = arith.constant 80 : i32
    %dma_start3A_55 = arith.constant 0 : i32
    %dma_start3A_56 = tpu.memref_slice %arg9[%dma_start3A_54, %dma_start3A_55] : memref<200x128xf32, #tpu.memory_space<vmem>> -> memref<40x128xf32, #tpu.memory_space<vmem>>
    %dma_start3A_57 = arith.constant 0 : i32
    %dma_start3A_58 = tpu.memref_slice %arg7[%dma_start3A_53, %dma_start3A_57] : memref<50x40xi32, #tpu.memory_space<vmem>> -> memref<1x40xi32, #tpu.memory_space<vmem>>
    %dma_start3A_59 = tpu.memref_squeeze %dma_start3A_58 : memref<1x40xi32, #tpu.memory_space<vmem>> -> memref<40xi32, #tpu.memory_space<vmem>>
    %dma_start3A_60 = arith.constant 0 : i32
    %dma_start3A_61 = arith.constant 0 : i32
    %dma_start3A_62 = tpu.memref_slice %arg2[%dma_start3A_60, %dma_start3A_61] : memref<10240x128xf32, #tpu.memory_space<hbm>> -> memref<10240x128xf32, #tpu.memory_space<hbm>>
    tpu.enqueue_indirect_dma source(%dma_start3A_62 : memref<10240x128xf32, #tpu.memory_space<hbm>>) target(%dma_start3A_56 : memref<40x128xf32, #tpu.memory_space<vmem>>) offsets(%dma_start3A_59 : memref<40xi32, #tpu.memory_space<vmem>>) semaphore(%arg11 : memref<!tpu.dma_semaphore, #tpu.memory_space<semaphore_mem>>)
    %dma_start3A_63 = arith.constant 3 : i32
    %dma_start3A_64 = arith.constant 120 : i32
    %dma_start3A_65 = arith.constant 0 : i32
    %dma_start3A_66 = tpu.memref_slice %arg9[%dma_start3A_64, %dma_start3A_65] : memref<200x128xf32, #tpu.memory_space<vmem>> -> memref<40x128xf32, #tpu.memory_space<vmem>>
    %dma_start3A_67 = arith.constant 0 : i32
    %dma_start3A_68 = tpu.memref_slice %arg7[%dma_start3A_63, %dma_start3A_67] : memref<50x40xi32, #tpu.memory_space<vmem>> -> memref<1x40xi32, #tpu.memory_space<vmem>>
    %dma_start3A_69 = tpu.memref_squeeze %dma_start3A_68 : memref<1x40xi32, #tpu.memory_space<vmem>> -> memref<40xi32, #tpu.memory_space<vmem>>
    %dma_start3A_70 = arith.constant 0 : i32
    %dma_start3A_71 = arith.constant 0 : i32
    %dma_start3A_72 = tpu.memref_slice %arg2[%dma_start3A_70, %dma_start3A_71] : memref<10240x128xf32, #tpu.memory_space<hbm>> -> memref<10240x128xf32, #tpu.memory_space<hbm>>
    tpu.enqueue_indirect_dma source(%dma_start3A_72 : memref<10240x128xf32, #tpu.memory_space<hbm>>) target(%dma_start3A_66 : memref<40x128xf32, #tpu.memory_space<vmem>>) offsets(%dma_start3A_69 : memref<40xi32, #tpu.memory_space<vmem>>) semaphore(%arg11 : memref<!tpu.dma_semaphore, #tpu.memory_space<semaphore_mem>>)
    %dma_start3A_73 = arith.constant 4 : i32
    %dma_start3A_74 = arith.constant 160 : i32
    %dma_start3A_75 = arith.constant 0 : i32
    %dma_start3A_76 = tpu.memref_slice %arg9[%dma_start3A_74, %dma_start3A_75] : memref<200x128xf32, #tpu.memory_space<vmem>> -> memref<40x128xf32, #tpu.memory_space<vmem>>
    %dma_start3A_77 = arith.constant 0 : i32
    %dma_start3A_78 = tpu.memref_slice %arg7[%dma_start3A_73, %dma_start3A_77] : memref<50x40xi32, #tpu.memory_space<vmem>> -> memref<1x40xi32, #tpu.memory_space<vmem>>
    %dma_start3A_79 = tpu.memref_squeeze %dma_start3A_78 : memref<1x40xi32, #tpu.memory_space<vmem>> -> memref<40xi32, #tpu.memory_space<vmem>>
    %dma_start3A_80 = arith.constant 0 : i32
    %dma_start3A_81 = arith.constant 0 : i32
    %dma_start3A_82 = tpu.memref_slice %arg2[%dma_start3A_80, %dma_start3A_81] : memref<10240x128xf32, #tpu.memory_space<hbm>> -> memref<10240x128xf32, #tpu.memory_space<hbm>>
    tpu.enqueue_indirect_dma source(%dma_start3A_82 : memref<10240x128xf32, #tpu.memory_space<hbm>>) target(%dma_start3A_76 : memref<40x128xf32, #tpu.memory_space<vmem>>) offsets(%dma_start3A_79 : memref<40xi32, #tpu.memory_space<vmem>>) semaphore(%arg11 : memref<!tpu.dma_semaphore, #tpu.memory_space<semaphore_mem>>)
    %dma_start3A_83 = arith.constant 5 : i32
    %dma_start3A_84 = arith.constant 0 : i32
    %dma_start3A_85 = arith.constant 0 : i32
    %dma_start3A_86 = tpu.memref_slice %arg10[%dma_start3A_84, %dma_start3A_85] : memref<200x128xf32, #tpu.memory_space<vmem>> -> memref<40x128xf32, #tpu.memory_space<vmem>>
    %dma_start3A_87 = arith.constant 0 : i32
    %dma_start3A_88 = tpu.memref_slice %arg7[%dma_start3A_83, %dma_start3A_87] : memref<50x40xi32, #tpu.memory_space<vmem>> -> memref<1x40xi32, #tpu.memory_space<vmem>>
    %dma_start3A_89 = tpu.memref_squeeze %dma_start3A_88 : memref<1x40xi32, #tpu.memory_space<vmem>> -> memref<40xi32, #tpu.memory_space<vmem>>
    %dma_start3A_90 = arith.constant 0 : i32
    %dma_start3A_91 = arith.constant 0 : i32
    %dma_start3A_92 = tpu.memref_slice %arg2[%dma_start3A_90, %dma_start3A_91] : memref<10240x128xf32, #tpu.memory_space<hbm>> -> memref<10240x128xf32, #tpu.memory_space<hbm>>
    tpu.enqueue_indirect_dma source(%dma_start3A_92 : memref<10240x128xf32, #tpu.memory_space<hbm>>) target(%dma_start3A_86 : memref<40x128xf32, #tpu.memory_space<vmem>>) offsets(%dma_start3A_89 : memref<40xi32, #tpu.memory_space<vmem>>) semaphore(%arg12 : memref<!tpu.dma_semaphore, #tpu.memory_space<semaphore_mem>>)
    %dma_start3A_93 = arith.constant 6 : i32
    %dma_start3A_94 = arith.constant 40 : i32
    %dma_start3A_95 = arith.constant 0 : i32
    %dma_start3A_96 = tpu.memref_slice %arg10[%dma_start3A_94, %dma_start3A_95] : memref<200x128xf32, #tpu.memory_space<vmem>> -> memref<40x128xf32, #tpu.memory_space<vmem>>
    %dma_start3A_97 = arith.constant 0 : i32
    %dma_start3A_98 = tpu.memref_slice %arg7[%dma_start3A_93, %dma_start3A_97] : memref<50x40xi32, #tpu.memory_space<vmem>> -> memref<1x40xi32, #tpu.memory_space<vmem>>
    %dma_start3A_99 = tpu.memref_squeeze %dma_start3A_98 : memref<1x40xi32, #tpu.memory_space<vmem>> -> memref<40xi32, #tpu.memory_space<vmem>>
    %dma_start3A_100 = arith.constant 0 : i32
    %dma_start3A_101 = arith.constant 0 : i32
    %dma_start3A_102 = tpu.memref_slice %arg2[%dma_start3A_100, %dma_start3A_101] : memref<10240x128xf32, #tpu.memory_space<hbm>> -> memref<10240x128xf32, #tpu.memory_space<hbm>>
    tpu.enqueue_indirect_dma source(%dma_start3A_102 : memref<10240x128xf32, #tpu.memory_space<hbm>>) target(%dma_start3A_96 : memref<40x128xf32, #tpu.memory_space<vmem>>) offsets(%dma_start3A_99 : memref<40xi32, #tpu.memory_space<vmem>>) semaphore(%arg12 : memref<!tpu.dma_semaphore, #tpu.memory_space<semaphore_mem>>)
    %dma_start3A_103 = arith.constant 7 : i32
    %dma_start3A_104 = arith.constant 80 : i32
    %dma_start3A_105 = arith.constant 0 : i32
    %dma_start3A_106 = tpu.memref_slice %arg10[%dma_start3A_104, %dma_start3A_105] : memref<200x128xf32, #tpu.memory_space<vmem>> -> memref<40x128xf32, #tpu.memory_space<vmem>>
    %dma_start3A_107 = arith.constant 0 : i32
    %dma_start3A_108 = tpu.memref_slice %arg7[%dma_start3A_103, %dma_start3A_107] : memref<50x40xi32, #tpu.memory_space<vmem>> -> memref<1x40xi32, #tpu.memory_space<vmem>>
    %dma_start3A_109 = tpu.memref_squeeze %dma_start3A_108 : memref<1x40xi32, #tpu.memory_space<vmem>> -> memref<40xi32, #tpu.memory_space<vmem>>
    %dma_start3A_110 = arith.constant 0 : i32
    %dma_start3A_111 = arith.constant 0 : i32
    %dma_start3A_112 = tpu.memref_slice %arg2[%dma_start3A_110, %dma_start3A_111] : memref<10240x128xf32, #tpu.memory_space<hbm>> -> memref<10240x128xf32, #tpu.memory_space<hbm>>
    tpu.enqueue_indirect_dma source(%dma_start3A_112 : memref<10240x128xf32, #tpu.memory_space<hbm>>) target(%dma_start3A_106 : memref<40x128xf32, #tpu.memory_space<vmem>>) offsets(%dma_start3A_109 : memref<40xi32, #tpu.memory_space<vmem>>) semaphore(%arg12 : memref<!tpu.dma_semaphore, #tpu.memory_space<semaphore_mem>>)
    %dma_start3A_113 = arith.constant 8 : i32
    %dma_start3A_114 = arith.constant 120 : i32
    %dma_start3A_115 = arith.constant 0 : i32
    %dma_start3A_116 = tpu.memref_slice %arg10[%dma_start3A_114, %dma_start3A_115] : memref<200x128xf32, #tpu.memory_space<vmem>> -> memref<40x128xf32, #tpu.memory_space<vmem>>
    %dma_start3A_117 = arith.constant 0 : i32
    %dma_start3A_118 = tpu.memref_slice %arg7[%dma_start3A_113, %dma_start3A_117] : memref<50x40xi32, #tpu.memory_space<vmem>> -> memref<1x40xi32, #tpu.memory_space<vmem>>
    %dma_start3A_119 = tpu.memref_squeeze %dma_start3A_118 : memref<1x40xi32, #tpu.memory_space<vmem>> -> memref<40xi32, #tpu.memory_space<vmem>>
    %dma_start3A_120 = arith.constant 0 : i32
    %dma_start3A_121 = arith.constant 0 : i32
    %dma_start3A_122 = tpu.memref_slice %arg2[%dma_start3A_120, %dma_start3A_121] : memref<10240x128xf32, #tpu.memory_space<hbm>> -> memref<10240x128xf32, #tpu.memory_space<hbm>>
    tpu.enqueue_indirect_dma source(%dma_start3A_122 : memref<10240x128xf32, #tpu.memory_space<hbm>>) target(%dma_start3A_116 : memref<40x128xf32, #tpu.memory_space<vmem>>) offsets(%dma_start3A_119 : memref<40xi32, #tpu.memory_space<vmem>>) semaphore(%arg12 : memref<!tpu.dma_semaphore, #tpu.memory_space<semaphore_mem>>)
    %dma_start3A_123 = arith.constant 9 : i32
    %dma_start3A_124 = arith.constant 160 : i32
    %dma_start3A_125 = arith.constant 0 : i32
    %dma_start3A_126 = tpu.memref_slice %arg10[%dma_start3A_124, %dma_start3A_125] : memref<200x128xf32, #tpu.memory_space<vmem>> -> memref<40x128xf32, #tpu.memory_space<vmem>>
    %dma_start3A_127 = arith.constant 0 : i32
    %dma_start3A_128 = tpu.memref_slice %arg7[%dma_start3A_123, %dma_start3A_127] : memref<50x40xi32, #tpu.memory_space<vmem>> -> memref<1x40xi32, #tpu.memory_space<vmem>>
    %dma_start3A_129 = tpu.memref_squeeze %dma_start3A_128 : memref<1x40xi32, #tpu.memory_space<vmem>> -> memref<40xi32, #tpu.memory_space<vmem>>
    %dma_start3A_130 = arith.constant 0 : i32
    %dma_start3A_131 = arith.constant 0 : i32
    %dma_start3A_132 = tpu.memref_slice %arg2[%dma_start3A_130, %dma_start3A_131] : memref<10240x128xf32, #tpu.memory_space<hbm>> -> memref<10240x128xf32, #tpu.memory_space<hbm>>
    tpu.enqueue_indirect_dma source(%dma_start3A_132 : memref<10240x128xf32, #tpu.memory_space<hbm>>) target(%dma_start3A_126 : memref<40x128xf32, #tpu.memory_space<vmem>>) offsets(%dma_start3A_129 : memref<40xi32, #tpu.memory_space<vmem>>) semaphore(%arg12 : memref<!tpu.dma_semaphore, #tpu.memory_space<semaphore_mem>>)
    %scan3A = arith.constant 0 : i32
    %scan3A_133 = arith.constant 0 : i32
    %scan3A_134 = arith.constant 5 : i32
    %scan3A_135 = arith.addi %scan3A_133, %scan3A_134 : i32
    %scan3A_136 = arith.constant 1 : i32
    scf.for %scan3A_138 = %scan3A_133 to %scan3A_135 step %scan3A_136  : i32 {
      %mul3A_139 = arith.constant 2 : i32
      %mul3A_140 = arith.muli %mul3A_139, %scan3A_138 : i32
      %mul3A_141 = arith.constant 5 : i32
      %mul3A_142 = arith.muli %mul3A_140, %mul3A_141 : i32
      %add3A_143 = arith.constant 0 : i32
      %add3A_144 = arith.addi %mul3A_142, %add3A_143 : i32
      %dma_wait3A_145 = arith.constant 0 : i32
      %dma_wait3A_146 = arith.constant 0 : i32
      %dma_wait3A_147 = tpu.memref_slice %arg9[%dma_wait3A_145, %dma_wait3A_146] : memref<200x128xf32, #tpu.memory_space<vmem>> -> memref<40x128xf32, #tpu.memory_space<vmem>>
      %dma_wait3A_148 = arith.constant 0 : i32
      %dma_wait3A_149 = tpu.memref_slice %arg7[%add3A_144, %dma_wait3A_148] : memref<50x40xi32, #tpu.memory_space<vmem>> -> memref<1x40xi32, #tpu.memory_space<vmem>>
      %dma_wait3A_150 = tpu.memref_squeeze %dma_wait3A_149 : memref<1x40xi32, #tpu.memory_space<vmem>> -> memref<40xi32, #tpu.memory_space<vmem>>
      %dma_wait3A_151 = arith.constant 0 : i32
      %dma_wait3A_152 = arith.constant 0 : i32
      %dma_wait3A_153 = tpu.memref_slice %arg2[%dma_wait3A_151, %dma_wait3A_152] : memref<10240x128xf32, #tpu.memory_space<hbm>> -> memref<10240x128xf32, #tpu.memory_space<hbm>>
      tpu.wait_indirect_dma semaphore(%arg11 : memref<!tpu.dma_semaphore, #tpu.memory_space<semaphore_mem>>) src(%dma_wait3A_153 : memref<10240x128xf32, #tpu.memory_space<hbm>>) dst(%dma_wait3A_147 : memref<40x128xf32, #tpu.memory_space<vmem>>)
      %mul3A_154 = arith.constant 5 : i32
      %mul3A_155 = arith.muli %mul3A_140, %mul3A_154 : i32
      %add3A_156 = arith.constant 1 : i32
      %add3A_157 = arith.addi %mul3A_155, %add3A_156 : i32
      %dma_wait3A_158 = arith.constant 40 : i32
      %dma_wait3A_159 = arith.constant 0 : i32
      %dma_wait3A_160 = tpu.memref_slice %arg9[%dma_wait3A_158, %dma_wait3A_159] : memref<200x128xf32, #tpu.memory_space<vmem>> -> memref<40x128xf32, #tpu.memory_space<vmem>>
      %dma_wait3A_161 = arith.constant 0 : i32
      %dma_wait3A_162 = tpu.memref_slice %arg7[%add3A_157, %dma_wait3A_161] : memref<50x40xi32, #tpu.memory_space<vmem>> -> memref<1x40xi32, #tpu.memory_space<vmem>>
      %dma_wait3A_163 = tpu.memref_squeeze %dma_wait3A_162 : memref<1x40xi32, #tpu.memory_space<vmem>> -> memref<40xi32, #tpu.memory_space<vmem>>
      %dma_wait3A_164 = arith.constant 0 : i32
      %dma_wait3A_165 = arith.constant 0 : i32
      %dma_wait3A_166 = tpu.memref_slice %arg2[%dma_wait3A_164, %dma_wait3A_165] : memref<10240x128xf32, #tpu.memory_space<hbm>> -> memref<10240x128xf32, #tpu.memory_space<hbm>>
      tpu.wait_indirect_dma semaphore(%arg11 : memref<!tpu.dma_semaphore, #tpu.memory_space<semaphore_mem>>) src(%dma_wait3A_166 : memref<10240x128xf32, #tpu.memory_space<hbm>>) dst(%dma_wait3A_160 : memref<40x128xf32, #tpu.memory_space<vmem>>)
      %mul3A_167 = arith.constant 5 : i32
      %mul3A_168 = arith.muli %mul3A_140, %mul3A_167 : i32
      %add3A_169 = arith.constant 2 : i32
      %add3A_170 = arith.addi %mul3A_168, %add3A_169 : i32
      %dma_wait3A_171 = arith.constant 80 : i32
      %dma_wait3A_172 = arith.constant 0 : i32
      %dma_wait3A_173 = tpu.memref_slice %arg9[%dma_wait3A_171, %dma_wait3A_172] : memref<200x128xf32, #tpu.memory_space<vmem>> -> memref<40x128xf32, #tpu.memory_space<vmem>>
      %dma_wait3A_174 = arith.constant 0 : i32
      %dma_wait3A_175 = tpu.memref_slice %arg7[%add3A_170, %dma_wait3A_174] : memref<50x40xi32, #tpu.memory_space<vmem>> -> memref<1x40xi32, #tpu.memory_space<vmem>>
      %dma_wait3A_176 = tpu.memref_squeeze %dma_wait3A_175 : memref<1x40xi32, #tpu.memory_space<vmem>> -> memref<40xi32, #tpu.memory_space<vmem>>
      %dma_wait3A_177 = arith.constant 0 : i32
      %dma_wait3A_178 = arith.constant 0 : i32
      %dma_wait3A_179 = tpu.memref_slice %arg2[%dma_wait3A_177, %dma_wait3A_178] : memref<10240x128xf32, #tpu.memory_space<hbm>> -> memref<10240x128xf32, #tpu.memory_space<hbm>>
      tpu.wait_indirect_dma semaphore(%arg11 : memref<!tpu.dma_semaphore, #tpu.memory_space<semaphore_mem>>) src(%dma_wait3A_179 : memref<10240x128xf32, #tpu.memory_space<hbm>>) dst(%dma_wait3A_173 : memref<40x128xf32, #tpu.memory_space<vmem>>)
      %mul3A_180 = arith.constant 5 : i32
      %mul3A_181 = arith.muli %mul3A_140, %mul3A_180 : i32
      %add3A_182 = arith.constant 3 : i32
      %add3A_183 = arith.addi %mul3A_181, %add3A_182 : i32
      %dma_wait3A_184 = arith.constant 120 : i32
      %dma_wait3A_185 = arith.constant 0 : i32
      %dma_wait3A_186 = tpu.memref_slice %arg9[%dma_wait3A_184, %dma_wait3A_185] : memref<200x128xf32, #tpu.memory_space<vmem>> -> memref<40x128xf32, #tpu.memory_space<vmem>>
      %dma_wait3A_187 = arith.constant 0 : i32
      %dma_wait3A_188 = tpu.memref_slice %arg7[%add3A_183, %dma_wait3A_187] : memref<50x40xi32, #tpu.memory_space<vmem>> -> memref<1x40xi32, #tpu.memory_space<vmem>>
      %dma_wait3A_189 = tpu.memref_squeeze %dma_wait3A_188 : memref<1x40xi32, #tpu.memory_space<vmem>> -> memref<40xi32, #tpu.memory_space<vmem>>
      %dma_wait3A_190 = arith.constant 0 : i32
      %dma_wait3A_191 = arith.constant 0 : i32
      %dma_wait3A_192 = tpu.memref_slice %arg2[%dma_wait3A_190, %dma_wait3A_191] : memref<10240x128xf32, #tpu.memory_space<hbm>> -> memref<10240x128xf32, #tpu.memory_space<hbm>>
      tpu.wait_indirect_dma semaphore(%arg11 : memref<!tpu.dma_semaphore, #tpu.memory_space<semaphore_mem>>) src(%dma_wait3A_192 : memref<10240x128xf32, #tpu.memory_space<hbm>>) dst(%dma_wait3A_186 : memref<40x128xf32, #tpu.memory_space<vmem>>)
      %mul3A_193 = arith.constant 5 : i32
      %mul3A_194 = arith.muli %mul3A_140, %mul3A_193 : i32
      %add3A_195 = arith.constant 4 : i32
      %add3A_196 = arith.addi %mul3A_194, %add3A_195 : i32
      %dma_wait3A_197 = arith.constant 160 : i32
      %dma_wait3A_198 = arith.constant 0 : i32
      %dma_wait3A_199 = tpu.memref_slice %arg9[%dma_wait3A_197, %dma_wait3A_198] : memref<200x128xf32, #tpu.memory_space<vmem>> -> memref<40x128xf32, #tpu.memory_space<vmem>>
      %dma_wait3A_200 = arith.constant 0 : i32
      %dma_wait3A_201 = tpu.memref_slice %arg7[%add3A_196, %dma_wait3A_200] : memref<50x40xi32, #tpu.memory_space<vmem>> -> memref<1x40xi32, #tpu.memory_space<vmem>>
      %dma_wait3A_202 = tpu.memref_squeeze %dma_wait3A_201 : memref<1x40xi32, #tpu.memory_space<vmem>> -> memref<40xi32, #tpu.memory_space<vmem>>
      %dma_wait3A_203 = arith.constant 0 : i32
      %dma_wait3A_204 = arith.constant 0 : i32
      %dma_wait3A_205 = tpu.memref_slice %arg2[%dma_wait3A_203, %dma_wait3A_204] : memref<10240x128xf32, #tpu.memory_space<hbm>> -> memref<10240x128xf32, #tpu.memory_space<hbm>>
      tpu.wait_indirect_dma semaphore(%arg11 : memref<!tpu.dma_semaphore, #tpu.memory_space<semaphore_mem>>) src(%dma_wait3A_205 : memref<10240x128xf32, #tpu.memory_space<hbm>>) dst(%dma_wait3A_199 : memref<40x128xf32, #tpu.memory_space<vmem>>)
      %mul3A_206 = arith.constant 5 : i32
      %mul3A_207 = arith.muli %mul3A_140, %mul3A_206 : i32
      %add3A_208 = arith.constant 0 : i32
      %add3A_209 = arith.addi %mul3A_207, %add3A_208 : i32
      %dma_start3A_210 = arith.constant 0 : i32
      %dma_start3A_211 = arith.constant 0 : i32
      %dma_start3A_212 = tpu.memref_slice %arg9[%dma_start3A_210, %dma_start3A_211] : memref<200x128xf32, #tpu.memory_space<vmem>> -> memref<40x128xf32, #tpu.memory_space<vmem>>
      %dma_start3A_213 = arith.constant 0 : i32
      %dma_start3A_214 = tpu.memref_slice %arg8[%add3A_209, %dma_start3A_213] : memref<50x40xi32, #tpu.memory_space<vmem>> -> memref<1x40xi32, #tpu.memory_space<vmem>>
      %dma_start3A_215 = tpu.memref_squeeze %dma_start3A_214 : memref<1x40xi32, #tpu.memory_space<vmem>> -> memref<40xi32, #tpu.memory_space<vmem>>
      %dma_start3A_216 = arith.constant 0 : i32
      %dma_start3A_217 = arith.constant 0 : i32
      %dma_start3A_218 = tpu.memref_slice %arg3[%dma_start3A_216, %dma_start3A_217] : memref<10240x128xf32, #tpu.memory_space<hbm>> -> memref<10240x128xf32, #tpu.memory_space<hbm>>
      tpu.enqueue_indirect_dma source(%dma_start3A_218 : memref<10240x128xf32, #tpu.memory_space<hbm>>) target(%dma_start3A_212 : memref<40x128xf32, #tpu.memory_space<vmem>>) offsets(%dma_start3A_215 : memref<40xi32, #tpu.memory_space<vmem>>) semaphore(%arg13 : memref<!tpu.dma_semaphore, #tpu.memory_space<semaphore_mem>>) {add = true}
      %mul3A_219 = arith.constant 5 : i32
      %mul3A_220 = arith.muli %mul3A_140, %mul3A_219 : i32
      %add3A_221 = arith.constant 1 : i32
      %add3A_222 = arith.addi %mul3A_220, %add3A_221 : i32
      %dma_start3A_223 = arith.constant 40 : i32
      %dma_start3A_224 = arith.constant 0 : i32
      %dma_start3A_225 = tpu.memref_slice %arg9[%dma_start3A_223, %dma_start3A_224] : memref<200x128xf32, #tpu.memory_space<vmem>> -> memref<40x128xf32, #tpu.memory_space<vmem>>
      %dma_start3A_226 = arith.constant 0 : i32
      %dma_start3A_227 = tpu.memref_slice %arg8[%add3A_222, %dma_start3A_226] : memref<50x40xi32, #tpu.memory_space<vmem>> -> memref<1x40xi32, #tpu.memory_space<vmem>>
      %dma_start3A_228 = tpu.memref_squeeze %dma_start3A_227 : memref<1x40xi32, #tpu.memory_space<vmem>> -> memref<40xi32, #tpu.memory_space<vmem>>
      %dma_start3A_229 = arith.constant 0 : i32
      %dma_start3A_230 = arith.constant 0 : i32
      %dma_start3A_231 = tpu.memref_slice %arg3[%dma_start3A_229, %dma_start3A_230] : memref<10240x128xf32, #tpu.memory_space<hbm>> -> memref<10240x128xf32, #tpu.memory_space<hbm>>
      tpu.enqueue_indirect_dma source(%dma_start3A_231 : memref<10240x128xf32, #tpu.memory_space<hbm>>) target(%dma_start3A_225 : memref<40x128xf32, #tpu.memory_space<vmem>>) offsets(%dma_start3A_228 : memref<40xi32, #tpu.memory_space<vmem>>) semaphore(%arg13 : memref<!tpu.dma_semaphore, #tpu.memory_space<semaphore_mem>>) {add = true}
      %mul3A_232 = arith.constant 5 : i32
      %mul3A_233 = arith.muli %mul3A_140, %mul3A_232 : i32
      %add3A_234 = arith.constant 2 : i32
      %add3A_235 = arith.addi %mul3A_233, %add3A_234 : i32
      %dma_start3A_236 = arith.constant 80 : i32
      %dma_start3A_237 = arith.constant 0 : i32
      %dma_start3A_238 = tpu.memref_slice %arg9[%dma_start3A_236, %dma_start3A_237] : memref<200x128xf32, #tpu.memory_space<vmem>> -> memref<40x128xf32, #tpu.memory_space<vmem>>
      %dma_start3A_239 = arith.constant 0 : i32
      %dma_start3A_240 = tpu.memref_slice %arg8[%add3A_235, %dma_start3A_239] : memref<50x40xi32, #tpu.memory_space<vmem>> -> memref<1x40xi32, #tpu.memory_space<vmem>>
      %dma_start3A_241 = tpu.memref_squeeze %dma_start3A_240 : memref<1x40xi32, #tpu.memory_space<vmem>> -> memref<40xi32, #tpu.memory_space<vmem>>
      %dma_start3A_242 = arith.constant 0 : i32
      %dma_start3A_243 = arith.constant 0 : i32
      %dma_start3A_244 = tpu.memref_slice %arg3[%dma_start3A_242, %dma_start3A_243] : memref<10240x128xf32, #tpu.memory_space<hbm>> -> memref<10240x128xf32, #tpu.memory_space<hbm>>
      tpu.enqueue_indirect_dma source(%dma_start3A_244 : memref<10240x128xf32, #tpu.memory_space<hbm>>) target(%dma_start3A_238 : memref<40x128xf32, #tpu.memory_space<vmem>>) offsets(%dma_start3A_241 : memref<40xi32, #tpu.memory_space<vmem>>) semaphore(%arg13 : memref<!tpu.dma_semaphore, #tpu.memory_space<semaphore_mem>>) {add = true}
      %mul3A_245 = arith.constant 5 : i32
      %mul3A_246 = arith.muli %mul3A_140, %mul3A_245 : i32
      %add3A_247 = arith.constant 3 : i32
      %add3A_248 = arith.addi %mul3A_246, %add3A_247 : i32
      %dma_start3A_249 = arith.constant 120 : i32
      %dma_start3A_250 = arith.constant 0 : i32
      %dma_start3A_251 = tpu.memref_slice %arg9[%dma_start3A_249, %dma_start3A_250] : memref<200x128xf32, #tpu.memory_space<vmem>> -> memref<40x128xf32, #tpu.memory_space<vmem>>
      %dma_start3A_252 = arith.constant 0 : i32
      %dma_start3A_253 = tpu.memref_slice %arg8[%add3A_248, %dma_start3A_252] : memref<50x40xi32, #tpu.memory_space<vmem>> -> memref<1x40xi32, #tpu.memory_space<vmem>>
      %dma_start3A_254 = tpu.memref_squeeze %dma_start3A_253 : memref<1x40xi32, #tpu.memory_space<vmem>> -> memref<40xi32, #tpu.memory_space<vmem>>
      %dma_start3A_255 = arith.constant 0 : i32
      %dma_start3A_256 = arith.constant 0 : i32
      %dma_start3A_257 = tpu.memref_slice %arg3[%dma_start3A_255, %dma_start3A_256] : memref<10240x128xf32, #tpu.memory_space<hbm>> -> memref<10240x128xf32, #tpu.memory_space<hbm>>
      tpu.enqueue_indirect_dma source(%dma_start3A_257 : memref<10240x128xf32, #tpu.memory_space<hbm>>) target(%dma_start3A_251 : memref<40x128xf32, #tpu.memory_space<vmem>>) offsets(%dma_start3A_254 : memref<40xi32, #tpu.memory_space<vmem>>) semaphore(%arg13 : memref<!tpu.dma_semaphore, #tpu.memory_space<semaphore_mem>>) {add = true}
      %mul3A_258 = arith.constant 5 : i32
      %mul3A_259 = arith.muli %mul3A_140, %mul3A_258 : i32
      %add3A_260 = arith.constant 4 : i32
      %add3A_261 = arith.addi %mul3A_259, %add3A_260 : i32
      %dma_start3A_262 = arith.constant 160 : i32
      %dma_start3A_263 = arith.constant 0 : i32
      %dma_start3A_264 = tpu.memref_slice %arg9[%dma_start3A_262, %dma_start3A_263] : memref<200x128xf32, #tpu.memory_space<vmem>> -> memref<40x128xf32, #tpu.memory_space<vmem>>
      %dma_start3A_265 = arith.constant 0 : i32
      %dma_start3A_266 = tpu.memref_slice %arg8[%add3A_261, %dma_start3A_265] : memref<50x40xi32, #tpu.memory_space<vmem>> -> memref<1x40xi32, #tpu.memory_space<vmem>>
      %dma_start3A_267 = tpu.memref_squeeze %dma_start3A_266 : memref<1x40xi32, #tpu.memory_space<vmem>> -> memref<40xi32, #tpu.memory_space<vmem>>
      %dma_start3A_268 = arith.constant 0 : i32
      %dma_start3A_269 = arith.constant 0 : i32
      %dma_start3A_270 = tpu.memref_slice %arg3[%dma_start3A_268, %dma_start3A_269] : memref<10240x128xf32, #tpu.memory_space<hbm>> -> memref<10240x128xf32, #tpu.memory_space<hbm>>
      tpu.enqueue_indirect_dma source(%dma_start3A_270 : memref<10240x128xf32, #tpu.memory_space<hbm>>) target(%dma_start3A_264 : memref<40x128xf32, #tpu.memory_space<vmem>>) offsets(%dma_start3A_267 : memref<40xi32, #tpu.memory_space<vmem>>) semaphore(%arg13 : memref<!tpu.dma_semaphore, #tpu.memory_space<semaphore_mem>>) {add = true}
      %dma_wait3A_271 = arith.constant 0 : i32
      %dma_wait3A_272 = arith.constant 0 : i32
      %dma_wait3A_273 = tpu.memref_slice %arg9[%dma_wait3A_271, %dma_wait3A_272] : memref<200x128xf32, #tpu.memory_space<vmem>> -> memref<40x128xf32, #tpu.memory_space<vmem>>
      %dma_wait3A_274 = arith.constant 0 : i32
      %dma_wait3A_275 = tpu.memref_slice %arg8[%add3A_209, %dma_wait3A_274] : memref<50x40xi32, #tpu.memory_space<vmem>> -> memref<1x40xi32, #tpu.memory_space<vmem>>
      %dma_wait3A_276 = tpu.memref_squeeze %dma_wait3A_275 : memref<1x40xi32, #tpu.memory_space<vmem>> -> memref<40xi32, #tpu.memory_space<vmem>>
      %dma_wait3A_277 = arith.constant 0 : i32
      %dma_wait3A_278 = arith.constant 0 : i32
      %dma_wait3A_279 = tpu.memref_slice %arg3[%dma_wait3A_277, %dma_wait3A_278] : memref<10240x128xf32, #tpu.memory_space<hbm>> -> memref<10240x128xf32, #tpu.memory_space<hbm>>
      tpu.wait_indirect_dma semaphore(%arg13 : memref<!tpu.dma_semaphore, #tpu.memory_space<semaphore_mem>>) src(%dma_wait3A_279 : memref<10240x128xf32, #tpu.memory_space<hbm>>) dst(%dma_wait3A_273 : memref<40x128xf32, #tpu.memory_space<vmem>>)
      %dma_wait3A_280 = arith.constant 40 : i32
      %dma_wait3A_281 = arith.constant 0 : i32
      %dma_wait3A_282 = tpu.memref_slice %arg9[%dma_wait3A_280, %dma_wait3A_281] : memref<200x128xf32, #tpu.memory_space<vmem>> -> memref<40x128xf32, #tpu.memory_space<vmem>>
      %dma_wait3A_283 = arith.constant 0 : i32
      %dma_wait3A_284 = tpu.memref_slice %arg8[%add3A_222, %dma_wait3A_283] : memref<50x40xi32, #tpu.memory_space<vmem>> -> memref<1x40xi32, #tpu.memory_space<vmem>>
      %dma_wait3A_285 = tpu.memref_squeeze %dma_wait3A_284 : memref<1x40xi32, #tpu.memory_space<vmem>> -> memref<40xi32, #tpu.memory_space<vmem>>
      %dma_wait3A_286 = arith.constant 0 : i32
      %dma_wait3A_287 = arith.constant 0 : i32
      %dma_wait3A_288 = tpu.memref_slice %arg3[%dma_wait3A_286, %dma_wait3A_287] : memref<10240x128xf32, #tpu.memory_space<hbm>> -> memref<10240x128xf32, #tpu.memory_space<hbm>>
      tpu.wait_indirect_dma semaphore(%arg13 : memref<!tpu.dma_semaphore, #tpu.memory_space<semaphore_mem>>) src(%dma_wait3A_288 : memref<10240x128xf32, #tpu.memory_space<hbm>>) dst(%dma_wait3A_282 : memref<40x128xf32, #tpu.memory_space<vmem>>)
      %dma_wait3A_289 = arith.constant 80 : i32
      %dma_wait3A_290 = arith.constant 0 : i32
      %dma_wait3A_291 = tpu.memref_slice %arg9[%dma_wait3A_289, %dma_wait3A_290] : memref<200x128xf32, #tpu.memory_space<vmem>> -> memref<40x128xf32, #tpu.memory_space<vmem>>
      %dma_wait3A_292 = arith.constant 0 : i32
      %dma_wait3A_293 = tpu.memref_slice %arg8[%add3A_235, %dma_wait3A_292] : memref<50x40xi32, #tpu.memory_space<vmem>> -> memref<1x40xi32, #tpu.memory_space<vmem>>
      %dma_wait3A_294 = tpu.memref_squeeze %dma_wait3A_293 : memref<1x40xi32, #tpu.memory_space<vmem>> -> memref<40xi32, #tpu.memory_space<vmem>>
      %dma_wait3A_295 = arith.constant 0 : i32
      %dma_wait3A_296 = arith.constant 0 : i32
      %dma_wait3A_297 = tpu.memref_slice %arg3[%dma_wait3A_295, %dma_wait3A_296] : memref<10240x128xf32, #tpu.memory_space<hbm>> -> memref<10240x128xf32, #tpu.memory_space<hbm>>
      tpu.wait_indirect_dma semaphore(%arg13 : memref<!tpu.dma_semaphore, #tpu.memory_space<semaphore_mem>>) src(%dma_wait3A_297 : memref<10240x128xf32, #tpu.memory_space<hbm>>) dst(%dma_wait3A_291 : memref<40x128xf32, #tpu.memory_space<vmem>>)
      %dma_wait3A_298 = arith.constant 120 : i32
      %dma_wait3A_299 = arith.constant 0 : i32
      %dma_wait3A_300 = tpu.memref_slice %arg9[%dma_wait3A_298, %dma_wait3A_299] : memref<200x128xf32, #tpu.memory_space<vmem>> -> memref<40x128xf32, #tpu.memory_space<vmem>>
      %dma_wait3A_301 = arith.constant 0 : i32
      %dma_wait3A_302 = tpu.memref_slice %arg8[%add3A_248, %dma_wait3A_301] : memref<50x40xi32, #tpu.memory_space<vmem>> -> memref<1x40xi32, #tpu.memory_space<vmem>>
      %dma_wait3A_303 = tpu.memref_squeeze %dma_wait3A_302 : memref<1x40xi32, #tpu.memory_space<vmem>> -> memref<40xi32, #tpu.memory_space<vmem>>
      %dma_wait3A_304 = arith.constant 0 : i32
      %dma_wait3A_305 = arith.constant 0 : i32
      %dma_wait3A_306 = tpu.memref_slice %arg3[%dma_wait3A_304, %dma_wait3A_305] : memref<10240x128xf32, #tpu.memory_space<hbm>> -> memref<10240x128xf32, #tpu.memory_space<hbm>>
      tpu.wait_indirect_dma semaphore(%arg13 : memref<!tpu.dma_semaphore, #tpu.memory_space<semaphore_mem>>) src(%dma_wait3A_306 : memref<10240x128xf32, #tpu.memory_space<hbm>>) dst(%dma_wait3A_300 : memref<40x128xf32, #tpu.memory_space<vmem>>)
      %dma_wait3A_307 = arith.constant 160 : i32
      %dma_wait3A_308 = arith.constant 0 : i32
      %dma_wait3A_309 = tpu.memref_slice %arg9[%dma_wait3A_307, %dma_wait3A_308] : memref<200x128xf32, #tpu.memory_space<vmem>> -> memref<40x128xf32, #tpu.memory_space<vmem>>
      %dma_wait3A_310 = arith.constant 0 : i32
      %dma_wait3A_311 = tpu.memref_slice %arg8[%add3A_261, %dma_wait3A_310] : memref<50x40xi32, #tpu.memory_space<vmem>> -> memref<1x40xi32, #tpu.memory_space<vmem>>
      %dma_wait3A_312 = tpu.memref_squeeze %dma_wait3A_311 : memref<1x40xi32, #tpu.memory_space<vmem>> -> memref<40xi32, #tpu.memory_space<vmem>>
      %dma_wait3A_313 = arith.constant 0 : i32
      %dma_wait3A_314 = arith.constant 0 : i32
      %dma_wait3A_315 = tpu.memref_slice %arg3[%dma_wait3A_313, %dma_wait3A_314] : memref<10240x128xf32, #tpu.memory_space<hbm>> -> memref<10240x128xf32, #tpu.memory_space<hbm>>
      tpu.wait_indirect_dma semaphore(%arg13 : memref<!tpu.dma_semaphore, #tpu.memory_space<semaphore_mem>>) src(%dma_wait3A_315 : memref<10240x128xf32, #tpu.memory_space<hbm>>) dst(%dma_wait3A_309 : memref<40x128xf32, #tpu.memory_space<vmem>>)
      %mul3A_316 = arith.constant 200 : i32
      %mul3A_317 = arith.muli %mul3A_140, %mul3A_316 : i32
      %add3A_318 = arith.addi %mul3A_32, %mul3A_317 : i32
      "tpu.region"() ({
        %run_scoped3A = tpu.sem_alloc : memref<!tpu.dma_semaphore, #tpu.memory_space<semaphore_mem>>
        %dma_start3A_510 = arith.constant 0 : i32
        %dma_start3A_511 = tpu.memref_slice %arg6[%add3A_318, %dma_start3A_510] : memref<64000x128xf32, #tpu.memory_space<hbm>> -> memref<200x128xf32, #tpu.memory_space<hbm>>
        %dma_start3A_512 = arith.constant 0 : i32
        %dma_start3A_513 = tpu.memref_slice %arg6[%add3A_318, %dma_start3A_512] : memref<64000x128xf32, #tpu.memory_space<hbm>> -> memref<200x128xf32, #tpu.memory_space<hbm>>
        tpu.enqueue_dma source(%arg9 : memref<200x128xf32, #tpu.memory_space<vmem>>) target(%dma_start3A_513 : memref<200x128xf32, #tpu.memory_space<hbm>>) target_semaphore(%run_scoped3A : memref<!tpu.dma_semaphore, #tpu.memory_space<semaphore_mem>>)
        %dma_wait3A_514 = arith.constant 0 : i32
        %dma_wait3A_515 = tpu.memref_slice %arg6[%add3A_318, %dma_wait3A_514] : memref<64000x128xf32, #tpu.memory_space<hbm>> -> memref<200x128xf32, #tpu.memory_space<hbm>>
        %dma_wait3A_516 = arith.constant 0 : i32
        %dma_wait3A_517 = tpu.memref_slice %arg6[%add3A_318, %dma_wait3A_516] : memref<64000x128xf32, #tpu.memory_space<hbm>> -> memref<200x128xf32, #tpu.memory_space<hbm>>
        tpu.wait_dma2 semaphore(%run_scoped3A : memref<!tpu.dma_semaphore, #tpu.memory_space<semaphore_mem>>) src(%arg9 : memref<200x128xf32, #tpu.memory_space<vmem>>) dst(%dma_wait3A_517 : memref<200x128xf32, #tpu.memory_space<hbm>>)
        tpu.yield
      }) : () -> ()
      %add3A_319 = arith.constant 2 : i32
      %add3A_320 = arith.addi %mul3A_140, %add3A_319 : i32
      %lt3A = arith.constant 10 : i32
      %lt3A_321 = arith.cmpi slt, %add3A_320, %lt3A : i32
      %convert_element_type3A = arith.extui %lt3A_321 : i1 to i32
      %cond3A = arith.constant 0 : i32
      %cond3A_322 = arith.cmpi ne, %convert_element_type3A, %cond3A : i32
      scf.if %cond3A_322 {
        %add3A_510 = arith.constant 2 : i32
        %add3A_511 = arith.addi %mul3A_140, %add3A_510 : i32
        %mul3A_512 = arith.constant 5 : i32
        %mul3A_513 = arith.muli %add3A_511, %mul3A_512 : i32
        %add3A_514 = arith.constant 0 : i32
        %add3A_515 = arith.addi %mul3A_513, %add3A_514 : i32
        %dma_start3A_516 = arith.constant 0 : i32
        %dma_start3A_517 = arith.constant 0 : i32
        %dma_start3A_518 = tpu.memref_slice %arg9[%dma_start3A_516, %dma_start3A_517] : memref<200x128xf32, #tpu.memory_space<vmem>> -> memref<40x128xf32, #tpu.memory_space<vmem>>
        %dma_start3A_519 = arith.constant 0 : i32
        %dma_start3A_520 = tpu.memref_slice %arg7[%add3A_515, %dma_start3A_519] : memref<50x40xi32, #tpu.memory_space<vmem>> -> memref<1x40xi32, #tpu.memory_space<vmem>>
        %dma_start3A_521 = tpu.memref_squeeze %dma_start3A_520 : memref<1x40xi32, #tpu.memory_space<vmem>> -> memref<40xi32, #tpu.memory_space<vmem>>
        %dma_start3A_522 = arith.constant 0 : i32
        %dma_start3A_523 = arith.constant 0 : i32
        %dma_start3A_524 = tpu.memref_slice %arg2[%dma_start3A_522, %dma_start3A_523] : memref<10240x128xf32, #tpu.memory_space<hbm>> -> memref<10240x128xf32, #tpu.memory_space<hbm>>
        tpu.enqueue_indirect_dma source(%dma_start3A_524 : memref<10240x128xf32, #tpu.memory_space<hbm>>) target(%dma_start3A_518 : memref<40x128xf32, #tpu.memory_space<vmem>>) offsets(%dma_start3A_521 : memref<40xi32, #tpu.memory_space<vmem>>) semaphore(%arg11 : memref<!tpu.dma_semaphore, #tpu.memory_space<semaphore_mem>>)
        %mul3A_525 = arith.constant 5 : i32
        %mul3A_526 = arith.muli %add3A_511, %mul3A_525 : i32
        %add3A_527 = arith.constant 1 : i32
        %add3A_528 = arith.addi %mul3A_526, %add3A_527 : i32
        %dma_start3A_529 = arith.constant 40 : i32
        %dma_start3A_530 = arith.constant 0 : i32
        %dma_start3A_531 = tpu.memref_slice %arg9[%dma_start3A_529, %dma_start3A_530] : memref<200x128xf32, #tpu.memory_space<vmem>> -> memref<40x128xf32, #tpu.memory_space<vmem>>
        %dma_start3A_532 = arith.constant 0 : i32
        %dma_start3A_533 = tpu.memref_slice %arg7[%add3A_528, %dma_start3A_532] : memref<50x40xi32, #tpu.memory_space<vmem>> -> memref<1x40xi32, #tpu.memory_space<vmem>>
        %dma_start3A_534 = tpu.memref_squeeze %dma_start3A_533 : memref<1x40xi32, #tpu.memory_space<vmem>> -> memref<40xi32, #tpu.memory_space<vmem>>
        %dma_start3A_535 = arith.constant 0 : i32
        %dma_start3A_536 = arith.constant 0 : i32
        %dma_start3A_537 = tpu.memref_slice %arg2[%dma_start3A_535, %dma_start3A_536] : memref<10240x128xf32, #tpu.memory_space<hbm>> -> memref<10240x128xf32, #tpu.memory_space<hbm>>
        tpu.enqueue_indirect_dma source(%dma_start3A_537 : memref<10240x128xf32, #tpu.memory_space<hbm>>) target(%dma_start3A_531 : memref<40x128xf32, #tpu.memory_space<vmem>>) offsets(%dma_start3A_534 : memref<40xi32, #tpu.memory_space<vmem>>) semaphore(%arg11 : memref<!tpu.dma_semaphore, #tpu.memory_space<semaphore_mem>>)
        %mul3A_538 = arith.constant 5 : i32
        %mul3A_539 = arith.muli %add3A_511, %mul3A_538 : i32
        %add3A_540 = arith.constant 2 : i32
        %add3A_541 = arith.addi %mul3A_539, %add3A_540 : i32
        %dma_start3A_542 = arith.constant 80 : i32
        %dma_start3A_543 = arith.constant 0 : i32
        %dma_start3A_544 = tpu.memref_slice %arg9[%dma_start3A_542, %dma_start3A_543] : memref<200x128xf32, #tpu.memory_space<vmem>> -> memref<40x128xf32, #tpu.memory_space<vmem>>
        %dma_start3A_545 = arith.constant 0 : i32
        %dma_start3A_546 = tpu.memref_slice %arg7[%add3A_541, %dma_start3A_545] : memref<50x40xi32, #tpu.memory_space<vmem>> -> memref<1x40xi32, #tpu.memory_space<vmem>>
        %dma_start3A_547 = tpu.memref_squeeze %dma_start3A_546 : memref<1x40xi32, #tpu.memory_space<vmem>> -> memref<40xi32, #tpu.memory_space<vmem>>
        %dma_start3A_548 = arith.constant 0 : i32
        %dma_start3A_549 = arith.constant 0 : i32
        %dma_start3A_550 = tpu.memref_slice %arg2[%dma_start3A_548, %dma_start3A_549] : memref<10240x128xf32, #tpu.memory_space<hbm>> -> memref<10240x128xf32, #tpu.memory_space<hbm>>
        tpu.enqueue_indirect_dma source(%dma_start3A_550 : memref<10240x128xf32, #tpu.memory_space<hbm>>) target(%dma_start3A_544 : memref<40x128xf32, #tpu.memory_space<vmem>>) offsets(%dma_start3A_547 : memref<40xi32, #tpu.memory_space<vmem>>) semaphore(%arg11 : memref<!tpu.dma_semaphore, #tpu.memory_space<semaphore_mem>>)
        %mul3A_551 = arith.constant 5 : i32
        %mul3A_552 = arith.muli %add3A_511, %mul3A_551 : i32
        %add3A_553 = arith.constant 3 : i32
        %add3A_554 = arith.addi %mul3A_552, %add3A_553 : i32
        %dma_start3A_555 = arith.constant 120 : i32
        %dma_start3A_556 = arith.constant 0 : i32
        %dma_start3A_557 = tpu.memref_slice %arg9[%dma_start3A_555, %dma_start3A_556] : memref<200x128xf32, #tpu.memory_space<vmem>> -> memref<40x128xf32, #tpu.memory_space<vmem>>
        %dma_start3A_558 = arith.constant 0 : i32
        %dma_start3A_559 = tpu.memref_slice %arg7[%add3A_554, %dma_start3A_558] : memref<50x40xi32, #tpu.memory_space<vmem>> -> memref<1x40xi32, #tpu.memory_space<vmem>>
        %dma_start3A_560 = tpu.memref_squeeze %dma_start3A_559 : memref<1x40xi32, #tpu.memory_space<vmem>> -> memref<40xi32, #tpu.memory_space<vmem>>
        %dma_start3A_561 = arith.constant 0 : i32
        %dma_start3A_562 = arith.constant 0 : i32
        %dma_start3A_563 = tpu.memref_slice %arg2[%dma_start3A_561, %dma_start3A_562] : memref<10240x128xf32, #tpu.memory_space<hbm>> -> memref<10240x128xf32, #tpu.memory_space<hbm>>
        tpu.enqueue_indirect_dma source(%dma_start3A_563 : memref<10240x128xf32, #tpu.memory_space<hbm>>) target(%dma_start3A_557 : memref<40x128xf32, #tpu.memory_space<vmem>>) offsets(%dma_start3A_560 : memref<40xi32, #tpu.memory_space<vmem>>) semaphore(%arg11 : memref<!tpu.dma_semaphore, #tpu.memory_space<semaphore_mem>>)
        %mul3A_564 = arith.constant 5 : i32
        %mul3A_565 = arith.muli %add3A_511, %mul3A_564 : i32
        %add3A_566 = arith.constant 4 : i32
        %add3A_567 = arith.addi %mul3A_565, %add3A_566 : i32
        %dma_start3A_568 = arith.constant 160 : i32
        %dma_start3A_569 = arith.constant 0 : i32
        %dma_start3A_570 = tpu.memref_slice %arg9[%dma_start3A_568, %dma_start3A_569] : memref<200x128xf32, #tpu.memory_space<vmem>> -> memref<40x128xf32, #tpu.memory_space<vmem>>
        %dma_start3A_571 = arith.constant 0 : i32
        %dma_start3A_572 = tpu.memref_slice %arg7[%add3A_567, %dma_start3A_571] : memref<50x40xi32, #tpu.memory_space<vmem>> -> memref<1x40xi32, #tpu.memory_space<vmem>>
        %dma_start3A_573 = tpu.memref_squeeze %dma_start3A_572 : memref<1x40xi32, #tpu.memory_space<vmem>> -> memref<40xi32, #tpu.memory_space<vmem>>
        %dma_start3A_574 = arith.constant 0 : i32
        %dma_start3A_575 = arith.constant 0 : i32
        %dma_start3A_576 = tpu.memref_slice %arg2[%dma_start3A_574, %dma_start3A_575] : memref<10240x128xf32, #tpu.memory_space<hbm>> -> memref<10240x128xf32, #tpu.memory_space<hbm>>
        tpu.enqueue_indirect_dma source(%dma_start3A_576 : memref<10240x128xf32, #tpu.memory_space<hbm>>) target(%dma_start3A_570 : memref<40x128xf32, #tpu.memory_space<vmem>>) offsets(%dma_start3A_573 : memref<40xi32, #tpu.memory_space<vmem>>) semaphore(%arg11 : memref<!tpu.dma_semaphore, #tpu.memory_space<semaphore_mem>>)
      } else {
      }
      %add3A_323 = arith.constant 1 : i32
      %add3A_324 = arith.addi %mul3A_140, %add3A_323 : i32
      %mul3A_325 = arith.constant 5 : i32
      %mul3A_326 = arith.muli %add3A_324, %mul3A_325 : i32
      %add3A_327 = arith.constant 0 : i32
      %add3A_328 = arith.addi %mul3A_326, %add3A_327 : i32
      %dma_wait3A_329 = arith.constant 0 : i32
      %dma_wait3A_330 = arith.constant 0 : i32
      %dma_wait3A_331 = tpu.memref_slice %arg10[%dma_wait3A_329, %dma_wait3A_330] : memref<200x128xf32, #tpu.memory_space<vmem>> -> memref<40x128xf32, #tpu.memory_space<vmem>>
      %dma_wait3A_332 = arith.constant 0 : i32
      %dma_wait3A_333 = tpu.memref_slice %arg7[%add3A_328, %dma_wait3A_332] : memref<50x40xi32, #tpu.memory_space<vmem>> -> memref<1x40xi32, #tpu.memory_space<vmem>>
      %dma_wait3A_334 = tpu.memref_squeeze %dma_wait3A_333 : memref<1x40xi32, #tpu.memory_space<vmem>> -> memref<40xi32, #tpu.memory_space<vmem>>
      %dma_wait3A_335 = arith.constant 0 : i32
      %dma_wait3A_336 = arith.constant 0 : i32
      %dma_wait3A_337 = tpu.memref_slice %arg2[%dma_wait3A_335, %dma_wait3A_336] : memref<10240x128xf32, #tpu.memory_space<hbm>> -> memref<10240x128xf32, #tpu.memory_space<hbm>>
      tpu.wait_indirect_dma semaphore(%arg12 : memref<!tpu.dma_semaphore, #tpu.memory_space<semaphore_mem>>) src(%dma_wait3A_337 : memref<10240x128xf32, #tpu.memory_space<hbm>>) dst(%dma_wait3A_331 : memref<40x128xf32, #tpu.memory_space<vmem>>)
      %mul3A_338 = arith.constant 5 : i32
      %mul3A_339 = arith.muli %add3A_324, %mul3A_338 : i32
      %add3A_340 = arith.constant 1 : i32
      %add3A_341 = arith.addi %mul3A_339, %add3A_340 : i32
      %dma_wait3A_342 = arith.constant 40 : i32
      %dma_wait3A_343 = arith.constant 0 : i32
      %dma_wait3A_344 = tpu.memref_slice %arg10[%dma_wait3A_342, %dma_wait3A_343] : memref<200x128xf32, #tpu.memory_space<vmem>> -> memref<40x128xf32, #tpu.memory_space<vmem>>
      %dma_wait3A_345 = arith.constant 0 : i32
      %dma_wait3A_346 = tpu.memref_slice %arg7[%add3A_341, %dma_wait3A_345] : memref<50x40xi32, #tpu.memory_space<vmem>> -> memref<1x40xi32, #tpu.memory_space<vmem>>
      %dma_wait3A_347 = tpu.memref_squeeze %dma_wait3A_346 : memref<1x40xi32, #tpu.memory_space<vmem>> -> memref<40xi32, #tpu.memory_space<vmem>>
      %dma_wait3A_348 = arith.constant 0 : i32
      %dma_wait3A_349 = arith.constant 0 : i32
      %dma_wait3A_350 = tpu.memref_slice %arg2[%dma_wait3A_348, %dma_wait3A_349] : memref<10240x128xf32, #tpu.memory_space<hbm>> -> memref<10240x128xf32, #tpu.memory_space<hbm>>
      tpu.wait_indirect_dma semaphore(%arg12 : memref<!tpu.dma_semaphore, #tpu.memory_space<semaphore_mem>>) src(%dma_wait3A_350 : memref<10240x128xf32, #tpu.memory_space<hbm>>) dst(%dma_wait3A_344 : memref<40x128xf32, #tpu.memory_space<vmem>>)
      %mul3A_351 = arith.constant 5 : i32
      %mul3A_352 = arith.muli %add3A_324, %mul3A_351 : i32
      %add3A_353 = arith.constant 2 : i32
      %add3A_354 = arith.addi %mul3A_352, %add3A_353 : i32
      %dma_wait3A_355 = arith.constant 80 : i32
      %dma_wait3A_356 = arith.constant 0 : i32
      %dma_wait3A_357 = tpu.memref_slice %arg10[%dma_wait3A_355, %dma_wait3A_356] : memref<200x128xf32, #tpu.memory_space<vmem>> -> memref<40x128xf32, #tpu.memory_space<vmem>>
      %dma_wait3A_358 = arith.constant 0 : i32
      %dma_wait3A_359 = tpu.memref_slice %arg7[%add3A_354, %dma_wait3A_358] : memref<50x40xi32, #tpu.memory_space<vmem>> -> memref<1x40xi32, #tpu.memory_space<vmem>>
      %dma_wait3A_360 = tpu.memref_squeeze %dma_wait3A_359 : memref<1x40xi32, #tpu.memory_space<vmem>> -> memref<40xi32, #tpu.memory_space<vmem>>
      %dma_wait3A_361 = arith.constant 0 : i32
      %dma_wait3A_362 = arith.constant 0 : i32
      %dma_wait3A_363 = tpu.memref_slice %arg2[%dma_wait3A_361, %dma_wait3A_362] : memref<10240x128xf32, #tpu.memory_space<hbm>> -> memref<10240x128xf32, #tpu.memory_space<hbm>>
      tpu.wait_indirect_dma semaphore(%arg12 : memref<!tpu.dma_semaphore, #tpu.memory_space<semaphore_mem>>) src(%dma_wait3A_363 : memref<10240x128xf32, #tpu.memory_space<hbm>>) dst(%dma_wait3A_357 : memref<40x128xf32, #tpu.memory_space<vmem>>)
      %mul3A_364 = arith.constant 5 : i32
      %mul3A_365 = arith.muli %add3A_324, %mul3A_364 : i32
      %add3A_366 = arith.constant 3 : i32
      %add3A_367 = arith.addi %mul3A_365, %add3A_366 : i32
      %dma_wait3A_368 = arith.constant 120 : i32
      %dma_wait3A_369 = arith.constant 0 : i32
      %dma_wait3A_370 = tpu.memref_slice %arg10[%dma_wait3A_368, %dma_wait3A_369] : memref<200x128xf32, #tpu.memory_space<vmem>> -> memref<40x128xf32, #tpu.memory_space<vmem>>
      %dma_wait3A_371 = arith.constant 0 : i32
      %dma_wait3A_372 = tpu.memref_slice %arg7[%add3A_367, %dma_wait3A_371] : memref<50x40xi32, #tpu.memory_space<vmem>> -> memref<1x40xi32, #tpu.memory_space<vmem>>
      %dma_wait3A_373 = tpu.memref_squeeze %dma_wait3A_372 : memref<1x40xi32, #tpu.memory_space<vmem>> -> memref<40xi32, #tpu.memory_space<vmem>>
      %dma_wait3A_374 = arith.constant 0 : i32
      %dma_wait3A_375 = arith.constant 0 : i32
      %dma_wait3A_376 = tpu.memref_slice %arg2[%dma_wait3A_374, %dma_wait3A_375] : memref<10240x128xf32, #tpu.memory_space<hbm>> -> memref<10240x128xf32, #tpu.memory_space<hbm>>
      tpu.wait_indirect_dma semaphore(%arg12 : memref<!tpu.dma_semaphore, #tpu.memory_space<semaphore_mem>>) src(%dma_wait3A_376 : memref<10240x128xf32, #tpu.memory_space<hbm>>) dst(%dma_wait3A_370 : memref<40x128xf32, #tpu.memory_space<vmem>>)
      %mul3A_377 = arith.constant 5 : i32
      %mul3A_378 = arith.muli %add3A_324, %mul3A_377 : i32
      %add3A_379 = arith.constant 4 : i32
      %add3A_380 = arith.addi %mul3A_378, %add3A_379 : i32
      %dma_wait3A_381 = arith.constant 160 : i32
      %dma_wait3A_382 = arith.constant 0 : i32
      %dma_wait3A_383 = tpu.memref_slice %arg10[%dma_wait3A_381, %dma_wait3A_382] : memref<200x128xf32, #tpu.memory_space<vmem>> -> memref<40x128xf32, #tpu.memory_space<vmem>>
      %dma_wait3A_384 = arith.constant 0 : i32
      %dma_wait3A_385 = tpu.memref_slice %arg7[%add3A_380, %dma_wait3A_384] : memref<50x40xi32, #tpu.memory_space<vmem>> -> memref<1x40xi32, #tpu.memory_space<vmem>>
      %dma_wait3A_386 = tpu.memref_squeeze %dma_wait3A_385 : memref<1x40xi32, #tpu.memory_space<vmem>> -> memref<40xi32, #tpu.memory_space<vmem>>
      %dma_wait3A_387 = arith.constant 0 : i32
      %dma_wait3A_388 = arith.constant 0 : i32
      %dma_wait3A_389 = tpu.memref_slice %arg2[%dma_wait3A_387, %dma_wait3A_388] : memref<10240x128xf32, #tpu.memory_space<hbm>> -> memref<10240x128xf32, #tpu.memory_space<hbm>>
      tpu.wait_indirect_dma semaphore(%arg12 : memref<!tpu.dma_semaphore, #tpu.memory_space<semaphore_mem>>) src(%dma_wait3A_389 : memref<10240x128xf32, #tpu.memory_space<hbm>>) dst(%dma_wait3A_383 : memref<40x128xf32, #tpu.memory_space<vmem>>)
      %mul3A_390 = arith.constant 5 : i32
      %mul3A_391 = arith.muli %add3A_324, %mul3A_390 : i32
      %add3A_392 = arith.constant 0 : i32
      %add3A_393 = arith.addi %mul3A_391, %add3A_392 : i32
      %dma_start3A_394 = arith.constant 0 : i32
      %dma_start3A_395 = arith.constant 0 : i32
      %dma_start3A_396 = tpu.memref_slice %arg10[%dma_start3A_394, %dma_start3A_395] : memref<200x128xf32, #tpu.memory_space<vmem>> -> memref<40x128xf32, #tpu.memory_space<vmem>>
      %dma_start3A_397 = arith.constant 0 : i32
      %dma_start3A_398 = tpu.memref_slice %arg8[%add3A_393, %dma_start3A_397] : memref<50x40xi32, #tpu.memory_space<vmem>> -> memref<1x40xi32, #tpu.memory_space<vmem>>
      %dma_start3A_399 = tpu.memref_squeeze %dma_start3A_398 : memref<1x40xi32, #tpu.memory_space<vmem>> -> memref<40xi32, #tpu.memory_space<vmem>>
      %dma_start3A_400 = arith.constant 0 : i32
      %dma_start3A_401 = arith.constant 0 : i32
      %dma_start3A_402 = tpu.memref_slice %arg3[%dma_start3A_400, %dma_start3A_401] : memref<10240x128xf32, #tpu.memory_space<hbm>> -> memref<10240x128xf32, #tpu.memory_space<hbm>>
      tpu.enqueue_indirect_dma source(%dma_start3A_402 : memref<10240x128xf32, #tpu.memory_space<hbm>>) target(%dma_start3A_396 : memref<40x128xf32, #tpu.memory_space<vmem>>) offsets(%dma_start3A_399 : memref<40xi32, #tpu.memory_space<vmem>>) semaphore(%arg13 : memref<!tpu.dma_semaphore, #tpu.memory_space<semaphore_mem>>) {add = true}
      %mul3A_403 = arith.constant 5 : i32
      %mul3A_404 = arith.muli %add3A_324, %mul3A_403 : i32
      %add3A_405 = arith.constant 1 : i32
      %add3A_406 = arith.addi %mul3A_404, %add3A_405 : i32
      %dma_start3A_407 = arith.constant 40 : i32
      %dma_start3A_408 = arith.constant 0 : i32
      %dma_start3A_409 = tpu.memref_slice %arg10[%dma_start3A_407, %dma_start3A_408] : memref<200x128xf32, #tpu.memory_space<vmem>> -> memref<40x128xf32, #tpu.memory_space<vmem>>
      %dma_start3A_410 = arith.constant 0 : i32
      %dma_start3A_411 = tpu.memref_slice %arg8[%add3A_406, %dma_start3A_410] : memref<50x40xi32, #tpu.memory_space<vmem>> -> memref<1x40xi32, #tpu.memory_space<vmem>>
      %dma_start3A_412 = tpu.memref_squeeze %dma_start3A_411 : memref<1x40xi32, #tpu.memory_space<vmem>> -> memref<40xi32, #tpu.memory_space<vmem>>
      %dma_start3A_413 = arith.constant 0 : i32
      %dma_start3A_414 = arith.constant 0 : i32
      %dma_start3A_415 = tpu.memref_slice %arg3[%dma_start3A_413, %dma_start3A_414] : memref<10240x128xf32, #tpu.memory_space<hbm>> -> memref<10240x128xf32, #tpu.memory_space<hbm>>
      tpu.enqueue_indirect_dma source(%dma_start3A_415 : memref<10240x128xf32, #tpu.memory_space<hbm>>) target(%dma_start3A_409 : memref<40x128xf32, #tpu.memory_space<vmem>>) offsets(%dma_start3A_412 : memref<40xi32, #tpu.memory_space<vmem>>) semaphore(%arg13 : memref<!tpu.dma_semaphore, #tpu.memory_space<semaphore_mem>>) {add = true}
      %mul3A_416 = arith.constant 5 : i32
      %mul3A_417 = arith.muli %add3A_324, %mul3A_416 : i32
      %add3A_418 = arith.constant 2 : i32
      %add3A_419 = arith.addi %mul3A_417, %add3A_418 : i32
      %dma_start3A_420 = arith.constant 80 : i32
      %dma_start3A_421 = arith.constant 0 : i32
      %dma_start3A_422 = tpu.memref_slice %arg10[%dma_start3A_420, %dma_start3A_421] : memref<200x128xf32, #tpu.memory_space<vmem>> -> memref<40x128xf32, #tpu.memory_space<vmem>>
      %dma_start3A_423 = arith.constant 0 : i32
      %dma_start3A_424 = tpu.memref_slice %arg8[%add3A_419, %dma_start3A_423] : memref<50x40xi32, #tpu.memory_space<vmem>> -> memref<1x40xi32, #tpu.memory_space<vmem>>
      %dma_start3A_425 = tpu.memref_squeeze %dma_start3A_424 : memref<1x40xi32, #tpu.memory_space<vmem>> -> memref<40xi32, #tpu.memory_space<vmem>>
      %dma_start3A_426 = arith.constant 0 : i32
      %dma_start3A_427 = arith.constant 0 : i32
      %dma_start3A_428 = tpu.memref_slice %arg3[%dma_start3A_426, %dma_start3A_427] : memref<10240x128xf32, #tpu.memory_space<hbm>> -> memref<10240x128xf32, #tpu.memory_space<hbm>>
      tpu.enqueue_indirect_dma source(%dma_start3A_428 : memref<10240x128xf32, #tpu.memory_space<hbm>>) target(%dma_start3A_422 : memref<40x128xf32, #tpu.memory_space<vmem>>) offsets(%dma_start3A_425 : memref<40xi32, #tpu.memory_space<vmem>>) semaphore(%arg13 : memref<!tpu.dma_semaphore, #tpu.memory_space<semaphore_mem>>) {add = true}
      %mul3A_429 = arith.constant 5 : i32
      %mul3A_430 = arith.muli %add3A_324, %mul3A_429 : i32
      %add3A_431 = arith.constant 3 : i32
      %add3A_432 = arith.addi %mul3A_430, %add3A_431 : i32
      %dma_start3A_433 = arith.constant 120 : i32
      %dma_start3A_434 = arith.constant 0 : i32
      %dma_start3A_435 = tpu.memref_slice %arg10[%dma_start3A_433, %dma_start3A_434] : memref<200x128xf32, #tpu.memory_space<vmem>> -> memref<40x128xf32, #tpu.memory_space<vmem>>
      %dma_start3A_436 = arith.constant 0 : i32
      %dma_start3A_437 = tpu.memref_slice %arg8[%add3A_432, %dma_start3A_436] : memref<50x40xi32, #tpu.memory_space<vmem>> -> memref<1x40xi32, #tpu.memory_space<vmem>>
      %dma_start3A_438 = tpu.memref_squeeze %dma_start3A_437 : memref<1x40xi32, #tpu.memory_space<vmem>> -> memref<40xi32, #tpu.memory_space<vmem>>
      %dma_start3A_439 = arith.constant 0 : i32
      %dma_start3A_440 = arith.constant 0 : i32
      %dma_start3A_441 = tpu.memref_slice %arg3[%dma_start3A_439, %dma_start3A_440] : memref<10240x128xf32, #tpu.memory_space<hbm>> -> memref<10240x128xf32, #tpu.memory_space<hbm>>
      tpu.enqueue_indirect_dma source(%dma_start3A_441 : memref<10240x128xf32, #tpu.memory_space<hbm>>) target(%dma_start3A_435 : memref<40x128xf32, #tpu.memory_space<vmem>>) offsets(%dma_start3A_438 : memref<40xi32, #tpu.memory_space<vmem>>) semaphore(%arg13 : memref<!tpu.dma_semaphore, #tpu.memory_space<semaphore_mem>>) {add = true}
      %mul3A_442 = arith.constant 5 : i32
      %mul3A_443 = arith.muli %add3A_324, %mul3A_442 : i32
      %add3A_444 = arith.constant 4 : i32
      %add3A_445 = arith.addi %mul3A_443, %add3A_444 : i32
      %dma_start3A_446 = arith.constant 160 : i32
      %dma_start3A_447 = arith.constant 0 : i32
      %dma_start3A_448 = tpu.memref_slice %arg10[%dma_start3A_446, %dma_start3A_447] : memref<200x128xf32, #tpu.memory_space<vmem>> -> memref<40x128xf32, #tpu.memory_space<vmem>>
      %dma_start3A_449 = arith.constant 0 : i32
      %dma_start3A_450 = tpu.memref_slice %arg8[%add3A_445, %dma_start3A_449] : memref<50x40xi32, #tpu.memory_space<vmem>> -> memref<1x40xi32, #tpu.memory_space<vmem>>
      %dma_start3A_451 = tpu.memref_squeeze %dma_start3A_450 : memref<1x40xi32, #tpu.memory_space<vmem>> -> memref<40xi32, #tpu.memory_space<vmem>>
      %dma_start3A_452 = arith.constant 0 : i32
      %dma_start3A_453 = arith.constant 0 : i32
      %dma_start3A_454 = tpu.memref_slice %arg3[%dma_start3A_452, %dma_start3A_453] : memref<10240x128xf32, #tpu.memory_space<hbm>> -> memref<10240x128xf32, #tpu.memory_space<hbm>>
      tpu.enqueue_indirect_dma source(%dma_start3A_454 : memref<10240x128xf32, #tpu.memory_space<hbm>>) target(%dma_start3A_448 : memref<40x128xf32, #tpu.memory_space<vmem>>) offsets(%dma_start3A_451 : memref<40xi32, #tpu.memory_space<vmem>>) semaphore(%arg13 : memref<!tpu.dma_semaphore, #tpu.memory_space<semaphore_mem>>) {add = true}
      %dma_wait3A_455 = arith.constant 0 : i32
      %dma_wait3A_456 = arith.constant 0 : i32
      %dma_wait3A_457 = tpu.memref_slice %arg10[%dma_wait3A_455, %dma_wait3A_456] : memref<200x128xf32, #tpu.memory_space<vmem>> -> memref<40x128xf32, #tpu.memory_space<vmem>>
      %dma_wait3A_458 = arith.constant 0 : i32
      %dma_wait3A_459 = tpu.memref_slice %arg8[%add3A_393, %dma_wait3A_458] : memref<50x40xi32, #tpu.memory_space<vmem>> -> memref<1x40xi32, #tpu.memory_space<vmem>>
      %dma_wait3A_460 = tpu.memref_squeeze %dma_wait3A_459 : memref<1x40xi32, #tpu.memory_space<vmem>> -> memref<40xi32, #tpu.memory_space<vmem>>
      %dma_wait3A_461 = arith.constant 0 : i32
      %dma_wait3A_462 = arith.constant 0 : i32
      %dma_wait3A_463 = tpu.memref_slice %arg3[%dma_wait3A_461, %dma_wait3A_462] : memref<10240x128xf32, #tpu.memory_space<hbm>> -> memref<10240x128xf32, #tpu.memory_space<hbm>>
      tpu.wait_indirect_dma semaphore(%arg13 : memref<!tpu.dma_semaphore, #tpu.memory_space<semaphore_mem>>) src(%dma_wait3A_463 : memref<10240x128xf32, #tpu.memory_space<hbm>>) dst(%dma_wait3A_457 : memref<40x128xf32, #tpu.memory_space<vmem>>)
      %dma_wait3A_464 = arith.constant 40 : i32
      %dma_wait3A_465 = arith.constant 0 : i32
      %dma_wait3A_466 = tpu.memref_slice %arg10[%dma_wait3A_464, %dma_wait3A_465] : memref<200x128xf32, #tpu.memory_space<vmem>> -> memref<40x128xf32, #tpu.memory_space<vmem>>
      %dma_wait3A_467 = arith.constant 0 : i32
      %dma_wait3A_468 = tpu.memref_slice %arg8[%add3A_406, %dma_wait3A_467] : memref<50x40xi32, #tpu.memory_space<vmem>> -> memref<1x40xi32, #tpu.memory_space<vmem>>
      %dma_wait3A_469 = tpu.memref_squeeze %dma_wait3A_468 : memref<1x40xi32, #tpu.memory_space<vmem>> -> memref<40xi32, #tpu.memory_space<vmem>>
      %dma_wait3A_470 = arith.constant 0 : i32
      %dma_wait3A_471 = arith.constant 0 : i32
      %dma_wait3A_472 = tpu.memref_slice %arg3[%dma_wait3A_470, %dma_wait3A_471] : memref<10240x128xf32, #tpu.memory_space<hbm>> -> memref<10240x128xf32, #tpu.memory_space<hbm>>
      tpu.wait_indirect_dma semaphore(%arg13 : memref<!tpu.dma_semaphore, #tpu.memory_space<semaphore_mem>>) src(%dma_wait3A_472 : memref<10240x128xf32, #tpu.memory_space<hbm>>) dst(%dma_wait3A_466 : memref<40x128xf32, #tpu.memory_space<vmem>>)
      %dma_wait3A_473 = arith.constant 80 : i32
      %dma_wait3A_474 = arith.constant 0 : i32
      %dma_wait3A_475 = tpu.memref_slice %arg10[%dma_wait3A_473, %dma_wait3A_474] : memref<200x128xf32, #tpu.memory_space<vmem>> -> memref<40x128xf32, #tpu.memory_space<vmem>>
      %dma_wait3A_476 = arith.constant 0 : i32
      %dma_wait3A_477 = tpu.memref_slice %arg8[%add3A_419, %dma_wait3A_476] : memref<50x40xi32, #tpu.memory_space<vmem>> -> memref<1x40xi32, #tpu.memory_space<vmem>>
      %dma_wait3A_478 = tpu.memref_squeeze %dma_wait3A_477 : memref<1x40xi32, #tpu.memory_space<vmem>> -> memref<40xi32, #tpu.memory_space<vmem>>
      %dma_wait3A_479 = arith.constant 0 : i32
      %dma_wait3A_480 = arith.constant 0 : i32
      %dma_wait3A_481 = tpu.memref_slice %arg3[%dma_wait3A_479, %dma_wait3A_480] : memref<10240x128xf32, #tpu.memory_space<hbm>> -> memref<10240x128xf32, #tpu.memory_space<hbm>>
      tpu.wait_indirect_dma semaphore(%arg13 : memref<!tpu.dma_semaphore, #tpu.memory_space<semaphore_mem>>) src(%dma_wait3A_481 : memref<10240x128xf32, #tpu.memory_space<hbm>>) dst(%dma_wait3A_475 : memref<40x128xf32, #tpu.memory_space<vmem>>)
      %dma_wait3A_482 = arith.constant 120 : i32
      %dma_wait3A_483 = arith.constant 0 : i32
      %dma_wait3A_484 = tpu.memref_slice %arg10[%dma_wait3A_482, %dma_wait3A_483] : memref<200x128xf32, #tpu.memory_space<vmem>> -> memref<40x128xf32, #tpu.memory_space<vmem>>
      %dma_wait3A_485 = arith.constant 0 : i32
      %dma_wait3A_486 = tpu.memref_slice %arg8[%add3A_432, %dma_wait3A_485] : memref<50x40xi32, #tpu.memory_space<vmem>> -> memref<1x40xi32, #tpu.memory_space<vmem>>
      %dma_wait3A_487 = tpu.memref_squeeze %dma_wait3A_486 : memref<1x40xi32, #tpu.memory_space<vmem>> -> memref<40xi32, #tpu.memory_space<vmem>>
      %dma_wait3A_488 = arith.constant 0 : i32
      %dma_wait3A_489 = arith.constant 0 : i32
      %dma_wait3A_490 = tpu.memref_slice %arg3[%dma_wait3A_488, %dma_wait3A_489] : memref<10240x128xf32, #tpu.memory_space<hbm>> -> memref<10240x128xf32, #tpu.memory_space<hbm>>
      tpu.wait_indirect_dma semaphore(%arg13 : memref<!tpu.dma_semaphore, #tpu.memory_space<semaphore_mem>>) src(%dma_wait3A_490 : memref<10240x128xf32, #tpu.memory_space<hbm>>) dst(%dma_wait3A_484 : memref<40x128xf32, #tpu.memory_space<vmem>>)
      %dma_wait3A_491 = arith.constant 160 : i32
      %dma_wait3A_492 = arith.constant 0 : i32
      %dma_wait3A_493 = tpu.memref_slice %arg10[%dma_wait3A_491, %dma_wait3A_492] : memref<200x128xf32, #tpu.memory_space<vmem>> -> memref<40x128xf32, #tpu.memory_space<vmem>>
      %dma_wait3A_494 = arith.constant 0 : i32
      %dma_wait3A_495 = tpu.memref_slice %arg8[%add3A_445, %dma_wait3A_494] : memref<50x40xi32, #tpu.memory_space<vmem>> -> memref<1x40xi32, #tpu.memory_space<vmem>>
      %dma_wait3A_496 = tpu.memref_squeeze %dma_wait3A_495 : memref<1x40xi32, #tpu.memory_space<vmem>> -> memref<40xi32, #tpu.memory_space<vmem>>
      %dma_wait3A_497 = arith.constant 0 : i32
      %dma_wait3A_498 = arith.constant 0 : i32
      %dma_wait3A_499 = tpu.memref_slice %arg3[%dma_wait3A_497, %dma_wait3A_498] : memref<10240x128xf32, #tpu.memory_space<hbm>> -> memref<10240x128xf32, #tpu.memory_space<hbm>>
      tpu.wait_indirect_dma semaphore(%arg13 : memref<!tpu.dma_semaphore, #tpu.memory_space<semaphore_mem>>) src(%dma_wait3A_499 : memref<10240x128xf32, #tpu.memory_space<hbm>>) dst(%dma_wait3A_493 : memref<40x128xf32, #tpu.memory_space<vmem>>)
      %mul3A_500 = arith.constant 200 : i32
      %mul3A_501 = arith.muli %add3A_324, %mul3A_500 : i32
      %add3A_502 = arith.addi %mul3A_32, %mul3A_501 : i32
      "tpu.region"() ({
        %run_scoped3A = tpu.sem_alloc : memref<!tpu.dma_semaphore, #tpu.memory_space<semaphore_mem>>
        %dma_start3A_510 = arith.constant 0 : i32
        %dma_start3A_511 = tpu.memref_slice %arg6[%add3A_502, %dma_start3A_510] : memref<64000x128xf32, #tpu.memory_space<hbm>> -> memref<200x128xf32, #tpu.memory_space<hbm>>
        %dma_start3A_512 = arith.constant 0 : i32
        %dma_start3A_513 = tpu.memref_slice %arg6[%add3A_502, %dma_start3A_512] : memref<64000x128xf32, #tpu.memory_space<hbm>> -> memref<200x128xf32, #tpu.memory_space<hbm>>
        tpu.enqueue_dma source(%arg10 : memref<200x128xf32, #tpu.memory_space<vmem>>) target(%dma_start3A_513 : memref<200x128xf32, #tpu.memory_space<hbm>>) target_semaphore(%run_scoped3A : memref<!tpu.dma_semaphore, #tpu.memory_space<semaphore_mem>>)
        %dma_wait3A_514 = arith.constant 0 : i32
        %dma_wait3A_515 = tpu.memref_slice %arg6[%add3A_502, %dma_wait3A_514] : memref<64000x128xf32, #tpu.memory_space<hbm>> -> memref<200x128xf32, #tpu.memory_space<hbm>>
        %dma_wait3A_516 = arith.constant 0 : i32
        %dma_wait3A_517 = tpu.memref_slice %arg6[%add3A_502, %dma_wait3A_516] : memref<64000x128xf32, #tpu.memory_space<hbm>> -> memref<200x128xf32, #tpu.memory_space<hbm>>
        tpu.wait_dma2 semaphore(%run_scoped3A : memref<!tpu.dma_semaphore, #tpu.memory_space<semaphore_mem>>) src(%arg10 : memref<200x128xf32, #tpu.memory_space<vmem>>) dst(%dma_wait3A_517 : memref<200x128xf32, #tpu.memory_space<hbm>>)
        tpu.yield
      }) : () -> ()
      %add3A_503 = arith.constant 3 : i32
      %add3A_504 = arith.addi %mul3A_140, %add3A_503 : i32
      %lt3A_505 = arith.constant 10 : i32
      %lt3A_506 = arith.cmpi slt, %add3A_504, %lt3A_505 : i32
      %convert_element_type3A_507 = arith.extui %lt3A_506 : i1 to i32
      %cond3A_508 = arith.constant 0 : i32
      %cond3A_509 = arith.cmpi ne, %convert_element_type3A_507, %cond3A_508 : i32
      scf.if %cond3A_509 {
        %add3A_510 = arith.constant 3 : i32
        %add3A_511 = arith.addi %mul3A_140, %add3A_510 : i32
        %mul3A_512 = arith.constant 5 : i32
        %mul3A_513 = arith.muli %add3A_511, %mul3A_512 : i32
        %add3A_514 = arith.constant 0 : i32
        %add3A_515 = arith.addi %mul3A_513, %add3A_514 : i32
        %dma_start3A_516 = arith.constant 0 : i32
        %dma_start3A_517 = arith.constant 0 : i32
        %dma_start3A_518 = tpu.memref_slice %arg10[%dma_start3A_516, %dma_start3A_517] : memref<200x128xf32, #tpu.memory_space<vmem>> -> memref<40x128xf32, #tpu.memory_space<vmem>>
        %dma_start3A_519 = arith.constant 0 : i32
        %dma_start3A_520 = tpu.memref_slice %arg7[%add3A_515, %dma_start3A_519] : memref<50x40xi32, #tpu.memory_space<vmem>> -> memref<1x40xi32, #tpu.memory_space<vmem>>
        %dma_start3A_521 = tpu.memref_squeeze %dma_start3A_520 : memref<1x40xi32, #tpu.memory_space<vmem>> -> memref<40xi32, #tpu.memory_space<vmem>>
        %dma_start3A_522 = arith.constant 0 : i32
        %dma_start3A_523 = arith.constant 0 : i32
        %dma_start3A_524 = tpu.memref_slice %arg2[%dma_start3A_522, %dma_start3A_523] : memref<10240x128xf32, #tpu.memory_space<hbm>> -> memref<10240x128xf32, #tpu.memory_space<hbm>>
        tpu.enqueue_indirect_dma source(%dma_start3A_524 : memref<10240x128xf32, #tpu.memory_space<hbm>>) target(%dma_start3A_518 : memref<40x128xf32, #tpu.memory_space<vmem>>) offsets(%dma_start3A_521 : memref<40xi32, #tpu.memory_space<vmem>>) semaphore(%arg12 : memref<!tpu.dma_semaphore, #tpu.memory_space<semaphore_mem>>)
        %mul3A_525 = arith.constant 5 : i32
        %mul3A_526 = arith.muli %add3A_511, %mul3A_525 : i32
        %add3A_527 = arith.constant 1 : i32
        %add3A_528 = arith.addi %mul3A_526, %add3A_527 : i32
        %dma_start3A_529 = arith.constant 40 : i32
        %dma_start3A_530 = arith.constant 0 : i32
        %dma_start3A_531 = tpu.memref_slice %arg10[%dma_start3A_529, %dma_start3A_530] : memref<200x128xf32, #tpu.memory_space<vmem>> -> memref<40x128xf32, #tpu.memory_space<vmem>>
        %dma_start3A_532 = arith.constant 0 : i32
        %dma_start3A_533 = tpu.memref_slice %arg7[%add3A_528, %dma_start3A_532] : memref<50x40xi32, #tpu.memory_space<vmem>> -> memref<1x40xi32, #tpu.memory_space<vmem>>
        %dma_start3A_534 = tpu.memref_squeeze %dma_start3A_533 : memref<1x40xi32, #tpu.memory_space<vmem>> -> memref<40xi32, #tpu.memory_space<vmem>>
        %dma_start3A_535 = arith.constant 0 : i32
        %dma_start3A_536 = arith.constant 0 : i32
        %dma_start3A_537 = tpu.memref_slice %arg2[%dma_start3A_535, %dma_start3A_536] : memref<10240x128xf32, #tpu.memory_space<hbm>> -> memref<10240x128xf32, #tpu.memory_space<hbm>>
        tpu.enqueue_indirect_dma source(%dma_start3A_537 : memref<10240x128xf32, #tpu.memory_space<hbm>>) target(%dma_start3A_531 : memref<40x128xf32, #tpu.memory_space<vmem>>) offsets(%dma_start3A_534 : memref<40xi32, #tpu.memory_space<vmem>>) semaphore(%arg12 : memref<!tpu.dma_semaphore, #tpu.memory_space<semaphore_mem>>)
        %mul3A_538 = arith.constant 5 : i32
        %mul3A_539 = arith.muli %add3A_511, %mul3A_538 : i32
        %add3A_540 = arith.constant 2 : i32
        %add3A_541 = arith.addi %mul3A_539, %add3A_540 : i32
        %dma_start3A_542 = arith.constant 80 : i32
        %dma_start3A_543 = arith.constant 0 : i32
        %dma_start3A_544 = tpu.memref_slice %arg10[%dma_start3A_542, %dma_start3A_543] : memref<200x128xf32, #tpu.memory_space<vmem>> -> memref<40x128xf32, #tpu.memory_space<vmem>>
        %dma_start3A_545 = arith.constant 0 : i32
        %dma_start3A_546 = tpu.memref_slice %arg7[%add3A_541, %dma_start3A_545] : memref<50x40xi32, #tpu.memory_space<vmem>> -> memref<1x40xi32, #tpu.memory_space<vmem>>
        %dma_start3A_547 = tpu.memref_squeeze %dma_start3A_546 : memref<1x40xi32, #tpu.memory_space<vmem>> -> memref<40xi32, #tpu.memory_space<vmem>>
        %dma_start3A_548 = arith.constant 0 : i32
        %dma_start3A_549 = arith.constant 0 : i32
        %dma_start3A_550 = tpu.memref_slice %arg2[%dma_start3A_548, %dma_start3A_549] : memref<10240x128xf32, #tpu.memory_space<hbm>> -> memref<10240x128xf32, #tpu.memory_space<hbm>>
        tpu.enqueue_indirect_dma source(%dma_start3A_550 : memref<10240x128xf32, #tpu.memory_space<hbm>>) target(%dma_start3A_544 : memref<40x128xf32, #tpu.memory_space<vmem>>) offsets(%dma_start3A_547 : memref<40xi32, #tpu.memory_space<vmem>>) semaphore(%arg12 : memref<!tpu.dma_semaphore, #tpu.memory_space<semaphore_mem>>)
        %mul3A_551 = arith.constant 5 : i32
        %mul3A_552 = arith.muli %add3A_511, %mul3A_551 : i32
        %add3A_553 = arith.constant 3 : i32
        %add3A_554 = arith.addi %mul3A_552, %add3A_553 : i32
        %dma_start3A_555 = arith.constant 120 : i32
        %dma_start3A_556 = arith.constant 0 : i32
        %dma_start3A_557 = tpu.memref_slice %arg10[%dma_start3A_555, %dma_start3A_556] : memref<200x128xf32, #tpu.memory_space<vmem>> -> memref<40x128xf32, #tpu.memory_space<vmem>>
        %dma_start3A_558 = arith.constant 0 : i32
        %dma_start3A_559 = tpu.memref_slice %arg7[%add3A_554, %dma_start3A_558] : memref<50x40xi32, #tpu.memory_space<vmem>> -> memref<1x40xi32, #tpu.memory_space<vmem>>
        %dma_start3A_560 = tpu.memref_squeeze %dma_start3A_559 : memref<1x40xi32, #tpu.memory_space<vmem>> -> memref<40xi32, #tpu.memory_space<vmem>>
        %dma_start3A_561 = arith.constant 0 : i32
        %dma_start3A_562 = arith.constant 0 : i32
        %dma_start3A_563 = tpu.memref_slice %arg2[%dma_start3A_561, %dma_start3A_562] : memref<10240x128xf32, #tpu.memory_space<hbm>> -> memref<10240x128xf32, #tpu.memory_space<hbm>>
        tpu.enqueue_indirect_dma source(%dma_start3A_563 : memref<10240x128xf32, #tpu.memory_space<hbm>>) target(%dma_start3A_557 : memref<40x128xf32, #tpu.memory_space<vmem>>) offsets(%dma_start3A_560 : memref<40xi32, #tpu.memory_space<vmem>>) semaphore(%arg12 : memref<!tpu.dma_semaphore, #tpu.memory_space<semaphore_mem>>)
        %mul3A_564 = arith.constant 5 : i32
        %mul3A_565 = arith.muli %add3A_511, %mul3A_564 : i32
        %add3A_566 = arith.constant 4 : i32
        %add3A_567 = arith.addi %mul3A_565, %add3A_566 : i32
        %dma_start3A_568 = arith.constant 160 : i32
        %dma_start3A_569 = arith.constant 0 : i32
        %dma_start3A_570 = tpu.memref_slice %arg10[%dma_start3A_568, %dma_start3A_569] : memref<200x128xf32, #tpu.memory_space<vmem>> -> memref<40x128xf32, #tpu.memory_space<vmem>>
        %dma_start3A_571 = arith.constant 0 : i32
        %dma_start3A_572 = tpu.memref_slice %arg7[%add3A_567, %dma_start3A_571] : memref<50x40xi32, #tpu.memory_space<vmem>> -> memref<1x40xi32, #tpu.memory_space<vmem>>
        %dma_start3A_573 = tpu.memref_squeeze %dma_start3A_572 : memref<1x40xi32, #tpu.memory_space<vmem>> -> memref<40xi32, #tpu.memory_space<vmem>>
        %dma_start3A_574 = arith.constant 0 : i32
        %dma_start3A_575 = arith.constant 0 : i32
        %dma_start3A_576 = tpu.memref_slice %arg2[%dma_start3A_574, %dma_start3A_575] : memref<10240x128xf32, #tpu.memory_space<hbm>> -> memref<10240x128xf32, #tpu.memory_space<hbm>>
        tpu.enqueue_indirect_dma source(%dma_start3A_576 : memref<10240x128xf32, #tpu.memory_space<hbm>>) target(%dma_start3A_570 : memref<40x128xf32, #tpu.memory_space<vmem>>) offsets(%dma_start3A_573 : memref<40xi32, #tpu.memory_space<vmem>>) semaphore(%arg12 : memref<!tpu.dma_semaphore, #tpu.memory_space<semaphore_mem>>)
      } else {
      }
    }
    %scan3A_137 = arith.constant 5 : i32
    return
  }
}

#map = affine_map<(d0, d1) -> (0, 0)>
#map1 = affine_map<(d0, d1) -> (0, 0, 0)>
module attributes {stable_mosaic.version = 14 : i64} {
  func.func @body_fn(%arg0: i32, %arg1: i32, %arg2: memref<10240x128xf32, #tpu.memory_space<hbm>>, %arg3: memref<10240x128xf32, #tpu.memory_space<hbm>>, %arg4: memref<32x25x40xi32, #tpu.memory_space<hbm>>, %arg5: memref<32x25x40xi32, #tpu.memory_space<hbm>>, %arg6: memref<32000x128xf32, #tpu.memory_space<hbm>>, %arg7: memref<25x40xi32, #tpu.memory_space<vmem>>, %arg8: memref<25x40xi32, #tpu.memory_space<vmem>>, %arg9: memref<200x128xf32, #tpu.memory_space<vmem>>, %arg10: memref<200x128xf32, #tpu.memory_space<vmem>>, %arg11: memref<!tpu.dma_semaphore, #tpu.memory_space<semaphore_mem>>, %arg12: memref<!tpu.dma_semaphore, #tpu.memory_space<semaphore_mem>>, %arg13: memref<!tpu.dma_semaphore, #tpu.memory_space<semaphore_mem>>) attributes {dimension_semantics = [#tpu.dimension_semantics<core_parallel>, #tpu.dimension_semantics<subcore_parallel>], iteration_bounds = array<i64: 2, 16>, scalar_prefetch = 0 : i64, scratch_operands = 7 : i64, tpu.core_type = #tpu.core_type<sc_vector_subcore>, window_params = [{transform_indices = #map}, {transform_indices = #map}, {transform_indices = #map1}, {transform_indices = #map1}, {transform_indices = #map}]} {
    %mul3A = arith.constant 16 : i32
    %mul3A_0 = arith.muli %arg0, %mul3A : i32
    %add3A = arith.addi %mul3A_0, %arg1 : i32
    %dma_start3A = arith.constant 0 : i32
    %dma_start3A_1 = arith.constant 0 : i32
    %dma_start3A_2 = tpu.memref_slice %arg4[%add3A, %dma_start3A, %dma_start3A_1] : memref<32x25x40xi32, #tpu.memory_space<hbm>> -> memref<1x25x40xi32, #tpu.memory_space<hbm>>
    %dma_start3A_3 = tpu.memref_squeeze %dma_start3A_2 : memref<1x25x40xi32, #tpu.memory_space<hbm>> -> memref<25x40xi32, #tpu.memory_space<hbm>>
    %dma_start3A_4 = arith.constant 0 : i32
    %dma_start3A_5 = arith.constant 0 : i32
    %dma_start3A_6 = tpu.memref_slice %arg4[%add3A, %dma_start3A_4, %dma_start3A_5] : memref<32x25x40xi32, #tpu.memory_space<hbm>> -> memref<1x25x40xi32, #tpu.memory_space<hbm>>
    %dma_start3A_7 = tpu.memref_squeeze %dma_start3A_6 : memref<1x25x40xi32, #tpu.memory_space<hbm>> -> memref<25x40xi32, #tpu.memory_space<hbm>>
    tpu.enqueue_dma source(%dma_start3A_7 : memref<25x40xi32, #tpu.memory_space<hbm>>) target(%arg7 : memref<25x40xi32, #tpu.memory_space<vmem>>) target_semaphore(%arg13 : memref<!tpu.dma_semaphore, #tpu.memory_space<semaphore_mem>>)
    %dma_start3A_8 = arith.constant 0 : i32
    %dma_start3A_9 = arith.constant 0 : i32
    %dma_start3A_10 = tpu.memref_slice %arg5[%add3A, %dma_start3A_8, %dma_start3A_9] : memref<32x25x40xi32, #tpu.memory_space<hbm>> -> memref<1x25x40xi32, #tpu.memory_space<hbm>>
    %dma_start3A_11 = tpu.memref_squeeze %dma_start3A_10 : memref<1x25x40xi32, #tpu.memory_space<hbm>> -> memref<25x40xi32, #tpu.memory_space<hbm>>
    %dma_start3A_12 = arith.constant 0 : i32
    %dma_start3A_13 = arith.constant 0 : i32
    %dma_start3A_14 = tpu.memref_slice %arg5[%add3A, %dma_start3A_12, %dma_start3A_13] : memref<32x25x40xi32, #tpu.memory_space<hbm>> -> memref<1x25x40xi32, #tpu.memory_space<hbm>>
    %dma_start3A_15 = tpu.memref_squeeze %dma_start3A_14 : memref<1x25x40xi32, #tpu.memory_space<hbm>> -> memref<25x40xi32, #tpu.memory_space<hbm>>
    tpu.enqueue_dma source(%dma_start3A_15 : memref<25x40xi32, #tpu.memory_space<hbm>>) target(%arg8 : memref<25x40xi32, #tpu.memory_space<vmem>>) target_semaphore(%arg13 : memref<!tpu.dma_semaphore, #tpu.memory_space<semaphore_mem>>)
    %dma_wait3A = arith.constant 0 : i32
    %dma_wait3A_16 = arith.constant 0 : i32
    %dma_wait3A_17 = tpu.memref_slice %arg4[%add3A, %dma_wait3A, %dma_wait3A_16] : memref<32x25x40xi32, #tpu.memory_space<hbm>> -> memref<1x25x40xi32, #tpu.memory_space<hbm>>
    %dma_wait3A_18 = tpu.memref_squeeze %dma_wait3A_17 : memref<1x25x40xi32, #tpu.memory_space<hbm>> -> memref<25x40xi32, #tpu.memory_space<hbm>>
    %dma_wait3A_19 = arith.constant 0 : i32
    %dma_wait3A_20 = arith.constant 0 : i32
    %dma_wait3A_21 = tpu.memref_slice %arg4[%add3A, %dma_wait3A_19, %dma_wait3A_20] : memref<32x25x40xi32, #tpu.memory_space<hbm>> -> memref<1x25x40xi32, #tpu.memory_space<hbm>>
    %dma_wait3A_22 = tpu.memref_squeeze %dma_wait3A_21 : memref<1x25x40xi32, #tpu.memory_space<hbm>> -> memref<25x40xi32, #tpu.memory_space<hbm>>
    tpu.wait_dma2 semaphore(%arg13 : memref<!tpu.dma_semaphore, #tpu.memory_space<semaphore_mem>>) src(%dma_wait3A_22 : memref<25x40xi32, #tpu.memory_space<hbm>>) dst(%arg7 : memref<25x40xi32, #tpu.memory_space<vmem>>)
    %dma_wait3A_23 = arith.constant 0 : i32
    %dma_wait3A_24 = arith.constant 0 : i32
    %dma_wait3A_25 = tpu.memref_slice %arg5[%add3A, %dma_wait3A_23, %dma_wait3A_24] : memref<32x25x40xi32, #tpu.memory_space<hbm>> -> memref<1x25x40xi32, #tpu.memory_space<hbm>>
    %dma_wait3A_26 = tpu.memref_squeeze %dma_wait3A_25 : memref<1x25x40xi32, #tpu.memory_space<hbm>> -> memref<25x40xi32, #tpu.memory_space<hbm>>
    %dma_wait3A_27 = arith.constant 0 : i32
    %dma_wait3A_28 = arith.constant 0 : i32
    %dma_wait3A_29 = tpu.memref_slice %arg5[%add3A, %dma_wait3A_27, %dma_wait3A_28] : memref<32x25x40xi32, #tpu.memory_space<hbm>> -> memref<1x25x40xi32, #tpu.memory_space<hbm>>
    %dma_wait3A_30 = tpu.memref_squeeze %dma_wait3A_29 : memref<1x25x40xi32, #tpu.memory_space<hbm>> -> memref<25x40xi32, #tpu.memory_space<hbm>>
    tpu.wait_dma2 semaphore(%arg13 : memref<!tpu.dma_semaphore, #tpu.memory_space<semaphore_mem>>) src(%dma_wait3A_30 : memref<25x40xi32, #tpu.memory_space<hbm>>) dst(%arg8 : memref<25x40xi32, #tpu.memory_space<vmem>>)
    %mul3A_31 = arith.constant 1000 : i32
    %mul3A_32 = arith.muli %add3A, %mul3A_31 : i32
    %dma_start3A_33 = arith.constant 0 : i32
    %dma_start3A_34 = arith.constant 0 : i32
    %dma_start3A_35 = arith.constant 0 : i32
    %dma_start3A_36 = tpu.memref_slice %arg9[%dma_start3A_34, %dma_start3A_35] : memref<200x128xf32, #tpu.memory_space<vmem>> -> memref<40x128xf32, #tpu.memory_space<vmem>>
    %dma_start3A_37 = arith.constant 0 : i32
    %dma_start3A_38 = tpu.memref_slice %arg7[%dma_start3A_33, %dma_start3A_37] : memref<25x40xi32, #tpu.memory_space<vmem>> -> memref<1x40xi32, #tpu.memory_space<vmem>>
    %dma_start3A_39 = tpu.memref_squeeze %dma_start3A_38 : memref<1x40xi32, #tpu.memory_space<vmem>> -> memref<40xi32, #tpu.memory_space<vmem>>
    %dma_start3A_40 = arith.constant 0 : i32
    %dma_start3A_41 = arith.constant 0 : i32
    %dma_start3A_42 = tpu.memref_slice %arg2[%dma_start3A_40, %dma_start3A_41] : memref<10240x128xf32, #tpu.memory_space<hbm>> -> memref<10240x128xf32, #tpu.memory_space<hbm>>
    tpu.enqueue_indirect_dma source(%dma_start3A_42 : memref<10240x128xf32, #tpu.memory_space<hbm>>) target(%dma_start3A_36 : memref<40x128xf32, #tpu.memory_space<vmem>>) offsets(%dma_start3A_39 : memref<40xi32, #tpu.memory_space<vmem>>) semaphore(%arg11 : memref<!tpu.dma_semaphore, #tpu.memory_space<semaphore_mem>>)
    %dma_start3A_43 = arith.constant 1 : i32
    %dma_start3A_44 = arith.constant 40 : i32
    %dma_start3A_45 = arith.constant 0 : i32
    %dma_start3A_46 = tpu.memref_slice %arg9[%dma_start3A_44, %dma_start3A_45] : memref<200x128xf32, #tpu.memory_space<vmem>> -> memref<40x128xf32, #tpu.memory_space<vmem>>
    %dma_start3A_47 = arith.constant 0 : i32
    %dma_start3A_48 = tpu.memref_slice %arg7[%dma_start3A_43, %dma_start3A_47] : memref<25x40xi32, #tpu.memory_space<vmem>> -> memref<1x40xi32, #tpu.memory_space<vmem>>
    %dma_start3A_49 = tpu.memref_squeeze %dma_start3A_48 : memref<1x40xi32, #tpu.memory_space<vmem>> -> memref<40xi32, #tpu.memory_space<vmem>>
    %dma_start3A_50 = arith.constant 0 : i32
    %dma_start3A_51 = arith.constant 0 : i32
    %dma_start3A_52 = tpu.memref_slice %arg2[%dma_start3A_50, %dma_start3A_51] : memref<10240x128xf32, #tpu.memory_space<hbm>> -> memref<10240x128xf32, #tpu.memory_space<hbm>>
    tpu.enqueue_indirect_dma source(%dma_start3A_52 : memref<10240x128xf32, #tpu.memory_space<hbm>>) target(%dma_start3A_46 : memref<40x128xf32, #tpu.memory_space<vmem>>) offsets(%dma_start3A_49 : memref<40xi32, #tpu.memory_space<vmem>>) semaphore(%arg11 : memref<!tpu.dma_semaphore, #tpu.memory_space<semaphore_mem>>)
    %dma_start3A_53 = arith.constant 2 : i32
    %dma_start3A_54 = arith.constant 80 : i32
    %dma_start3A_55 = arith.constant 0 : i32
    %dma_start3A_56 = tpu.memref_slice %arg9[%dma_start3A_54, %dma_start3A_55] : memref<200x128xf32, #tpu.memory_space<vmem>> -> memref<40x128xf32, #tpu.memory_space<vmem>>
    %dma_start3A_57 = arith.constant 0 : i32
    %dma_start3A_58 = tpu.memref_slice %arg7[%dma_start3A_53, %dma_start3A_57] : memref<25x40xi32, #tpu.memory_space<vmem>> -> memref<1x40xi32, #tpu.memory_space<vmem>>
    %dma_start3A_59 = tpu.memref_squeeze %dma_start3A_58 : memref<1x40xi32, #tpu.memory_space<vmem>> -> memref<40xi32, #tpu.memory_space<vmem>>
    %dma_start3A_60 = arith.constant 0 : i32
    %dma_start3A_61 = arith.constant 0 : i32
    %dma_start3A_62 = tpu.memref_slice %arg2[%dma_start3A_60, %dma_start3A_61] : memref<10240x128xf32, #tpu.memory_space<hbm>> -> memref<10240x128xf32, #tpu.memory_space<hbm>>
    tpu.enqueue_indirect_dma source(%dma_start3A_62 : memref<10240x128xf32, #tpu.memory_space<hbm>>) target(%dma_start3A_56 : memref<40x128xf32, #tpu.memory_space<vmem>>) offsets(%dma_start3A_59 : memref<40xi32, #tpu.memory_space<vmem>>) semaphore(%arg11 : memref<!tpu.dma_semaphore, #tpu.memory_space<semaphore_mem>>)
    %dma_start3A_63 = arith.constant 3 : i32
    %dma_start3A_64 = arith.constant 120 : i32
    %dma_start3A_65 = arith.constant 0 : i32
    %dma_start3A_66 = tpu.memref_slice %arg9[%dma_start3A_64, %dma_start3A_65] : memref<200x128xf32, #tpu.memory_space<vmem>> -> memref<40x128xf32, #tpu.memory_space<vmem>>
    %dma_start3A_67 = arith.constant 0 : i32
    %dma_start3A_68 = tpu.memref_slice %arg7[%dma_start3A_63, %dma_start3A_67] : memref<25x40xi32, #tpu.memory_space<vmem>> -> memref<1x40xi32, #tpu.memory_space<vmem>>
    %dma_start3A_69 = tpu.memref_squeeze %dma_start3A_68 : memref<1x40xi32, #tpu.memory_space<vmem>> -> memref<40xi32, #tpu.memory_space<vmem>>
    %dma_start3A_70 = arith.constant 0 : i32
    %dma_start3A_71 = arith.constant 0 : i32
    %dma_start3A_72 = tpu.memref_slice %arg2[%dma_start3A_70, %dma_start3A_71] : memref<10240x128xf32, #tpu.memory_space<hbm>> -> memref<10240x128xf32, #tpu.memory_space<hbm>>
    tpu.enqueue_indirect_dma source(%dma_start3A_72 : memref<10240x128xf32, #tpu.memory_space<hbm>>) target(%dma_start3A_66 : memref<40x128xf32, #tpu.memory_space<vmem>>) offsets(%dma_start3A_69 : memref<40xi32, #tpu.memory_space<vmem>>) semaphore(%arg11 : memref<!tpu.dma_semaphore, #tpu.memory_space<semaphore_mem>>)
    %dma_start3A_73 = arith.constant 4 : i32
    %dma_start3A_74 = arith.constant 160 : i32
    %dma_start3A_75 = arith.constant 0 : i32
    %dma_start3A_76 = tpu.memref_slice %arg9[%dma_start3A_74, %dma_start3A_75] : memref<200x128xf32, #tpu.memory_space<vmem>> -> memref<40x128xf32, #tpu.memory_space<vmem>>
    %dma_start3A_77 = arith.constant 0 : i32
    %dma_start3A_78 = tpu.memref_slice %arg7[%dma_start3A_73, %dma_start3A_77] : memref<25x40xi32, #tpu.memory_space<vmem>> -> memref<1x40xi32, #tpu.memory_space<vmem>>
    %dma_start3A_79 = tpu.memref_squeeze %dma_start3A_78 : memref<1x40xi32, #tpu.memory_space<vmem>> -> memref<40xi32, #tpu.memory_space<vmem>>
    %dma_start3A_80 = arith.constant 0 : i32
    %dma_start3A_81 = arith.constant 0 : i32
    %dma_start3A_82 = tpu.memref_slice %arg2[%dma_start3A_80, %dma_start3A_81] : memref<10240x128xf32, #tpu.memory_space<hbm>> -> memref<10240x128xf32, #tpu.memory_space<hbm>>
    tpu.enqueue_indirect_dma source(%dma_start3A_82 : memref<10240x128xf32, #tpu.memory_space<hbm>>) target(%dma_start3A_76 : memref<40x128xf32, #tpu.memory_space<vmem>>) offsets(%dma_start3A_79 : memref<40xi32, #tpu.memory_space<vmem>>) semaphore(%arg11 : memref<!tpu.dma_semaphore, #tpu.memory_space<semaphore_mem>>)
    %dma_start3A_83 = arith.constant 5 : i32
    %dma_start3A_84 = arith.constant 0 : i32
    %dma_start3A_85 = arith.constant 0 : i32
    %dma_start3A_86 = tpu.memref_slice %arg10[%dma_start3A_84, %dma_start3A_85] : memref<200x128xf32, #tpu.memory_space<vmem>> -> memref<40x128xf32, #tpu.memory_space<vmem>>
    %dma_start3A_87 = arith.constant 0 : i32
    %dma_start3A_88 = tpu.memref_slice %arg7[%dma_start3A_83, %dma_start3A_87] : memref<25x40xi32, #tpu.memory_space<vmem>> -> memref<1x40xi32, #tpu.memory_space<vmem>>
    %dma_start3A_89 = tpu.memref_squeeze %dma_start3A_88 : memref<1x40xi32, #tpu.memory_space<vmem>> -> memref<40xi32, #tpu.memory_space<vmem>>
    %dma_start3A_90 = arith.constant 0 : i32
    %dma_start3A_91 = arith.constant 0 : i32
    %dma_start3A_92 = tpu.memref_slice %arg2[%dma_start3A_90, %dma_start3A_91] : memref<10240x128xf32, #tpu.memory_space<hbm>> -> memref<10240x128xf32, #tpu.memory_space<hbm>>
    tpu.enqueue_indirect_dma source(%dma_start3A_92 : memref<10240x128xf32, #tpu.memory_space<hbm>>) target(%dma_start3A_86 : memref<40x128xf32, #tpu.memory_space<vmem>>) offsets(%dma_start3A_89 : memref<40xi32, #tpu.memory_space<vmem>>) semaphore(%arg12 : memref<!tpu.dma_semaphore, #tpu.memory_space<semaphore_mem>>)
    %dma_start3A_93 = arith.constant 6 : i32
    %dma_start3A_94 = arith.constant 40 : i32
    %dma_start3A_95 = arith.constant 0 : i32
    %dma_start3A_96 = tpu.memref_slice %arg10[%dma_start3A_94, %dma_start3A_95] : memref<200x128xf32, #tpu.memory_space<vmem>> -> memref<40x128xf32, #tpu.memory_space<vmem>>
    %dma_start3A_97 = arith.constant 0 : i32
    %dma_start3A_98 = tpu.memref_slice %arg7[%dma_start3A_93, %dma_start3A_97] : memref<25x40xi32, #tpu.memory_space<vmem>> -> memref<1x40xi32, #tpu.memory_space<vmem>>
    %dma_start3A_99 = tpu.memref_squeeze %dma_start3A_98 : memref<1x40xi32, #tpu.memory_space<vmem>> -> memref<40xi32, #tpu.memory_space<vmem>>
    %dma_start3A_100 = arith.constant 0 : i32
    %dma_start3A_101 = arith.constant 0 : i32
    %dma_start3A_102 = tpu.memref_slice %arg2[%dma_start3A_100, %dma_start3A_101] : memref<10240x128xf32, #tpu.memory_space<hbm>> -> memref<10240x128xf32, #tpu.memory_space<hbm>>
    tpu.enqueue_indirect_dma source(%dma_start3A_102 : memref<10240x128xf32, #tpu.memory_space<hbm>>) target(%dma_start3A_96 : memref<40x128xf32, #tpu.memory_space<vmem>>) offsets(%dma_start3A_99 : memref<40xi32, #tpu.memory_space<vmem>>) semaphore(%arg12 : memref<!tpu.dma_semaphore, #tpu.memory_space<semaphore_mem>>)
    %dma_start3A_103 = arith.constant 7 : i32
    %dma_start3A_104 = arith.constant 80 : i32
    %dma_start3A_105 = arith.constant 0 : i32
    %dma_start3A_106 = tpu.memref_slice %arg10[%dma_start3A_104, %dma_start3A_105] : memref<200x128xf32, #tpu.memory_space<vmem>> -> memref<40x128xf32, #tpu.memory_space<vmem>>
    %dma_start3A_107 = arith.constant 0 : i32
    %dma_start3A_108 = tpu.memref_slice %arg7[%dma_start3A_103, %dma_start3A_107] : memref<25x40xi32, #tpu.memory_space<vmem>> -> memref<1x40xi32, #tpu.memory_space<vmem>>
    %dma_start3A_109 = tpu.memref_squeeze %dma_start3A_108 : memref<1x40xi32, #tpu.memory_space<vmem>> -> memref<40xi32, #tpu.memory_space<vmem>>
    %dma_start3A_110 = arith.constant 0 : i32
    %dma_start3A_111 = arith.constant 0 : i32
    %dma_start3A_112 = tpu.memref_slice %arg2[%dma_start3A_110, %dma_start3A_111] : memref<10240x128xf32, #tpu.memory_space<hbm>> -> memref<10240x128xf32, #tpu.memory_space<hbm>>
    tpu.enqueue_indirect_dma source(%dma_start3A_112 : memref<10240x128xf32, #tpu.memory_space<hbm>>) target(%dma_start3A_106 : memref<40x128xf32, #tpu.memory_space<vmem>>) offsets(%dma_start3A_109 : memref<40xi32, #tpu.memory_space<vmem>>) semaphore(%arg12 : memref<!tpu.dma_semaphore, #tpu.memory_space<semaphore_mem>>)
    %dma_start3A_113 = arith.constant 8 : i32
    %dma_start3A_114 = arith.constant 120 : i32
    %dma_start3A_115 = arith.constant 0 : i32
    %dma_start3A_116 = tpu.memref_slice %arg10[%dma_start3A_114, %dma_start3A_115] : memref<200x128xf32, #tpu.memory_space<vmem>> -> memref<40x128xf32, #tpu.memory_space<vmem>>
    %dma_start3A_117 = arith.constant 0 : i32
    %dma_start3A_118 = tpu.memref_slice %arg7[%dma_start3A_113, %dma_start3A_117] : memref<25x40xi32, #tpu.memory_space<vmem>> -> memref<1x40xi32, #tpu.memory_space<vmem>>
    %dma_start3A_119 = tpu.memref_squeeze %dma_start3A_118 : memref<1x40xi32, #tpu.memory_space<vmem>> -> memref<40xi32, #tpu.memory_space<vmem>>
    %dma_start3A_120 = arith.constant 0 : i32
    %dma_start3A_121 = arith.constant 0 : i32
    %dma_start3A_122 = tpu.memref_slice %arg2[%dma_start3A_120, %dma_start3A_121] : memref<10240x128xf32, #tpu.memory_space<hbm>> -> memref<10240x128xf32, #tpu.memory_space<hbm>>
    tpu.enqueue_indirect_dma source(%dma_start3A_122 : memref<10240x128xf32, #tpu.memory_space<hbm>>) target(%dma_start3A_116 : memref<40x128xf32, #tpu.memory_space<vmem>>) offsets(%dma_start3A_119 : memref<40xi32, #tpu.memory_space<vmem>>) semaphore(%arg12 : memref<!tpu.dma_semaphore, #tpu.memory_space<semaphore_mem>>)
    %dma_start3A_123 = arith.constant 9 : i32
    %dma_start3A_124 = arith.constant 160 : i32
    %dma_start3A_125 = arith.constant 0 : i32
    %dma_start3A_126 = tpu.memref_slice %arg10[%dma_start3A_124, %dma_start3A_125] : memref<200x128xf32, #tpu.memory_space<vmem>> -> memref<40x128xf32, #tpu.memory_space<vmem>>
    %dma_start3A_127 = arith.constant 0 : i32
    %dma_start3A_128 = tpu.memref_slice %arg7[%dma_start3A_123, %dma_start3A_127] : memref<25x40xi32, #tpu.memory_space<vmem>> -> memref<1x40xi32, #tpu.memory_space<vmem>>
    %dma_start3A_129 = tpu.memref_squeeze %dma_start3A_128 : memref<1x40xi32, #tpu.memory_space<vmem>> -> memref<40xi32, #tpu.memory_space<vmem>>
    %dma_start3A_130 = arith.constant 0 : i32
    %dma_start3A_131 = arith.constant 0 : i32
    %dma_start3A_132 = tpu.memref_slice %arg2[%dma_start3A_130, %dma_start3A_131] : memref<10240x128xf32, #tpu.memory_space<hbm>> -> memref<10240x128xf32, #tpu.memory_space<hbm>>
    tpu.enqueue_indirect_dma source(%dma_start3A_132 : memref<10240x128xf32, #tpu.memory_space<hbm>>) target(%dma_start3A_126 : memref<40x128xf32, #tpu.memory_space<vmem>>) offsets(%dma_start3A_129 : memref<40xi32, #tpu.memory_space<vmem>>) semaphore(%arg12 : memref<!tpu.dma_semaphore, #tpu.memory_space<semaphore_mem>>)
    %scan3A = arith.constant 0 : i32
    %scan3A_133 = arith.constant 0 : i32
    %scan3A_134 = arith.constant 2 : i32
    %scan3A_135 = arith.addi %scan3A_133, %scan3A_134 : i32
    %scan3A_136 = arith.constant 1 : i32
    scf.for %scan3A_290 = %scan3A_133 to %scan3A_135 step %scan3A_136  : i32 {
      %mul3A_291 = arith.constant 2 : i32
      %mul3A_292 = arith.muli %mul3A_291, %scan3A_290 : i32
      %mul3A_293 = arith.constant 5 : i32
      %mul3A_294 = arith.muli %mul3A_292, %mul3A_293 : i32
      %add3A_295 = arith.constant 0 : i32
      %add3A_296 = arith.addi %mul3A_294, %add3A_295 : i32
      %dma_wait3A_297 = arith.constant 0 : i32
      %dma_wait3A_298 = arith.constant 0 : i32
      %dma_wait3A_299 = tpu.memref_slice %arg9[%dma_wait3A_297, %dma_wait3A_298] : memref<200x128xf32, #tpu.memory_space<vmem>> -> memref<40x128xf32, #tpu.memory_space<vmem>>
      %dma_wait3A_300 = arith.constant 0 : i32
      %dma_wait3A_301 = tpu.memref_slice %arg7[%add3A_296, %dma_wait3A_300] : memref<25x40xi32, #tpu.memory_space<vmem>> -> memref<1x40xi32, #tpu.memory_space<vmem>>
      %dma_wait3A_302 = tpu.memref_squeeze %dma_wait3A_301 : memref<1x40xi32, #tpu.memory_space<vmem>> -> memref<40xi32, #tpu.memory_space<vmem>>
      %dma_wait3A_303 = arith.constant 0 : i32
      %dma_wait3A_304 = arith.constant 0 : i32
      %dma_wait3A_305 = tpu.memref_slice %arg2[%dma_wait3A_303, %dma_wait3A_304] : memref<10240x128xf32, #tpu.memory_space<hbm>> -> memref<10240x128xf32, #tpu.memory_space<hbm>>
      tpu.wait_indirect_dma semaphore(%arg11 : memref<!tpu.dma_semaphore, #tpu.memory_space<semaphore_mem>>) src(%dma_wait3A_305 : memref<10240x128xf32, #tpu.memory_space<hbm>>) dst(%dma_wait3A_299 : memref<40x128xf32, #tpu.memory_space<vmem>>)
      %mul3A_306 = arith.constant 5 : i32
      %mul3A_307 = arith.muli %mul3A_292, %mul3A_306 : i32
      %add3A_308 = arith.constant 1 : i32
      %add3A_309 = arith.addi %mul3A_307, %add3A_308 : i32
      %dma_wait3A_310 = arith.constant 40 : i32
      %dma_wait3A_311 = arith.constant 0 : i32
      %dma_wait3A_312 = tpu.memref_slice %arg9[%dma_wait3A_310, %dma_wait3A_311] : memref<200x128xf32, #tpu.memory_space<vmem>> -> memref<40x128xf32, #tpu.memory_space<vmem>>
      %dma_wait3A_313 = arith.constant 0 : i32
      %dma_wait3A_314 = tpu.memref_slice %arg7[%add3A_309, %dma_wait3A_313] : memref<25x40xi32, #tpu.memory_space<vmem>> -> memref<1x40xi32, #tpu.memory_space<vmem>>
      %dma_wait3A_315 = tpu.memref_squeeze %dma_wait3A_314 : memref<1x40xi32, #tpu.memory_space<vmem>> -> memref<40xi32, #tpu.memory_space<vmem>>
      %dma_wait3A_316 = arith.constant 0 : i32
      %dma_wait3A_317 = arith.constant 0 : i32
      %dma_wait3A_318 = tpu.memref_slice %arg2[%dma_wait3A_316, %dma_wait3A_317] : memref<10240x128xf32, #tpu.memory_space<hbm>> -> memref<10240x128xf32, #tpu.memory_space<hbm>>
      tpu.wait_indirect_dma semaphore(%arg11 : memref<!tpu.dma_semaphore, #tpu.memory_space<semaphore_mem>>) src(%dma_wait3A_318 : memref<10240x128xf32, #tpu.memory_space<hbm>>) dst(%dma_wait3A_312 : memref<40x128xf32, #tpu.memory_space<vmem>>)
      %mul3A_319 = arith.constant 5 : i32
      %mul3A_320 = arith.muli %mul3A_292, %mul3A_319 : i32
      %add3A_321 = arith.constant 2 : i32
      %add3A_322 = arith.addi %mul3A_320, %add3A_321 : i32
      %dma_wait3A_323 = arith.constant 80 : i32
      %dma_wait3A_324 = arith.constant 0 : i32
      %dma_wait3A_325 = tpu.memref_slice %arg9[%dma_wait3A_323, %dma_wait3A_324] : memref<200x128xf32, #tpu.memory_space<vmem>> -> memref<40x128xf32, #tpu.memory_space<vmem>>
      %dma_wait3A_326 = arith.constant 0 : i32
      %dma_wait3A_327 = tpu.memref_slice %arg7[%add3A_322, %dma_wait3A_326] : memref<25x40xi32, #tpu.memory_space<vmem>> -> memref<1x40xi32, #tpu.memory_space<vmem>>
      %dma_wait3A_328 = tpu.memref_squeeze %dma_wait3A_327 : memref<1x40xi32, #tpu.memory_space<vmem>> -> memref<40xi32, #tpu.memory_space<vmem>>
      %dma_wait3A_329 = arith.constant 0 : i32
      %dma_wait3A_330 = arith.constant 0 : i32
      %dma_wait3A_331 = tpu.memref_slice %arg2[%dma_wait3A_329, %dma_wait3A_330] : memref<10240x128xf32, #tpu.memory_space<hbm>> -> memref<10240x128xf32, #tpu.memory_space<hbm>>
      tpu.wait_indirect_dma semaphore(%arg11 : memref<!tpu.dma_semaphore, #tpu.memory_space<semaphore_mem>>) src(%dma_wait3A_331 : memref<10240x128xf32, #tpu.memory_space<hbm>>) dst(%dma_wait3A_325 : memref<40x128xf32, #tpu.memory_space<vmem>>)
      %mul3A_332 = arith.constant 5 : i32
      %mul3A_333 = arith.muli %mul3A_292, %mul3A_332 : i32
      %add3A_334 = arith.constant 3 : i32
      %add3A_335 = arith.addi %mul3A_333, %add3A_334 : i32
      %dma_wait3A_336 = arith.constant 120 : i32
      %dma_wait3A_337 = arith.constant 0 : i32
      %dma_wait3A_338 = tpu.memref_slice %arg9[%dma_wait3A_336, %dma_wait3A_337] : memref<200x128xf32, #tpu.memory_space<vmem>> -> memref<40x128xf32, #tpu.memory_space<vmem>>
      %dma_wait3A_339 = arith.constant 0 : i32
      %dma_wait3A_340 = tpu.memref_slice %arg7[%add3A_335, %dma_wait3A_339] : memref<25x40xi32, #tpu.memory_space<vmem>> -> memref<1x40xi32, #tpu.memory_space<vmem>>
      %dma_wait3A_341 = tpu.memref_squeeze %dma_wait3A_340 : memref<1x40xi32, #tpu.memory_space<vmem>> -> memref<40xi32, #tpu.memory_space<vmem>>
      %dma_wait3A_342 = arith.constant 0 : i32
      %dma_wait3A_343 = arith.constant 0 : i32
      %dma_wait3A_344 = tpu.memref_slice %arg2[%dma_wait3A_342, %dma_wait3A_343] : memref<10240x128xf32, #tpu.memory_space<hbm>> -> memref<10240x128xf32, #tpu.memory_space<hbm>>
      tpu.wait_indirect_dma semaphore(%arg11 : memref<!tpu.dma_semaphore, #tpu.memory_space<semaphore_mem>>) src(%dma_wait3A_344 : memref<10240x128xf32, #tpu.memory_space<hbm>>) dst(%dma_wait3A_338 : memref<40x128xf32, #tpu.memory_space<vmem>>)
      %mul3A_345 = arith.constant 5 : i32
      %mul3A_346 = arith.muli %mul3A_292, %mul3A_345 : i32
      %add3A_347 = arith.constant 4 : i32
      %add3A_348 = arith.addi %mul3A_346, %add3A_347 : i32
      %dma_wait3A_349 = arith.constant 160 : i32
      %dma_wait3A_350 = arith.constant 0 : i32
      %dma_wait3A_351 = tpu.memref_slice %arg9[%dma_wait3A_349, %dma_wait3A_350] : memref<200x128xf32, #tpu.memory_space<vmem>> -> memref<40x128xf32, #tpu.memory_space<vmem>>
      %dma_wait3A_352 = arith.constant 0 : i32
      %dma_wait3A_353 = tpu.memref_slice %arg7[%add3A_348, %dma_wait3A_352] : memref<25x40xi32, #tpu.memory_space<vmem>> -> memref<1x40xi32, #tpu.memory_space<vmem>>
      %dma_wait3A_354 = tpu.memref_squeeze %dma_wait3A_353 : memref<1x40xi32, #tpu.memory_space<vmem>> -> memref<40xi32, #tpu.memory_space<vmem>>
      %dma_wait3A_355 = arith.constant 0 : i32
      %dma_wait3A_356 = arith.constant 0 : i32
      %dma_wait3A_357 = tpu.memref_slice %arg2[%dma_wait3A_355, %dma_wait3A_356] : memref<10240x128xf32, #tpu.memory_space<hbm>> -> memref<10240x128xf32, #tpu.memory_space<hbm>>
      tpu.wait_indirect_dma semaphore(%arg11 : memref<!tpu.dma_semaphore, #tpu.memory_space<semaphore_mem>>) src(%dma_wait3A_357 : memref<10240x128xf32, #tpu.memory_space<hbm>>) dst(%dma_wait3A_351 : memref<40x128xf32, #tpu.memory_space<vmem>>)
      %mul3A_358 = arith.constant 5 : i32
      %mul3A_359 = arith.muli %mul3A_292, %mul3A_358 : i32
      %add3A_360 = arith.constant 0 : i32
      %add3A_361 = arith.addi %mul3A_359, %add3A_360 : i32
      %dma_start3A_362 = arith.constant 0 : i32
      %dma_start3A_363 = arith.constant 0 : i32
      %dma_start3A_364 = tpu.memref_slice %arg9[%dma_start3A_362, %dma_start3A_363] : memref<200x128xf32, #tpu.memory_space<vmem>> -> memref<40x128xf32, #tpu.memory_space<vmem>>
      %dma_start3A_365 = arith.constant 0 : i32
      %dma_start3A_366 = tpu.memref_slice %arg8[%add3A_361, %dma_start3A_365] : memref<25x40xi32, #tpu.memory_space<vmem>> -> memref<1x40xi32, #tpu.memory_space<vmem>>
      %dma_start3A_367 = tpu.memref_squeeze %dma_start3A_366 : memref<1x40xi32, #tpu.memory_space<vmem>> -> memref<40xi32, #tpu.memory_space<vmem>>
      %dma_start3A_368 = arith.constant 0 : i32
      %dma_start3A_369 = arith.constant 0 : i32
      %dma_start3A_370 = tpu.memref_slice %arg3[%dma_start3A_368, %dma_start3A_369] : memref<10240x128xf32, #tpu.memory_space<hbm>> -> memref<10240x128xf32, #tpu.memory_space<hbm>>
      tpu.enqueue_indirect_dma source(%dma_start3A_370 : memref<10240x128xf32, #tpu.memory_space<hbm>>) target(%dma_start3A_364 : memref<40x128xf32, #tpu.memory_space<vmem>>) offsets(%dma_start3A_367 : memref<40xi32, #tpu.memory_space<vmem>>) semaphore(%arg13 : memref<!tpu.dma_semaphore, #tpu.memory_space<semaphore_mem>>) {add = true}
      %mul3A_371 = arith.constant 5 : i32
      %mul3A_372 = arith.muli %mul3A_292, %mul3A_371 : i32
      %add3A_373 = arith.constant 1 : i32
      %add3A_374 = arith.addi %mul3A_372, %add3A_373 : i32
      %dma_start3A_375 = arith.constant 40 : i32
      %dma_start3A_376 = arith.constant 0 : i32
      %dma_start3A_377 = tpu.memref_slice %arg9[%dma_start3A_375, %dma_start3A_376] : memref<200x128xf32, #tpu.memory_space<vmem>> -> memref<40x128xf32, #tpu.memory_space<vmem>>
      %dma_start3A_378 = arith.constant 0 : i32
      %dma_start3A_379 = tpu.memref_slice %arg8[%add3A_374, %dma_start3A_378] : memref<25x40xi32, #tpu.memory_space<vmem>> -> memref<1x40xi32, #tpu.memory_space<vmem>>
      %dma_start3A_380 = tpu.memref_squeeze %dma_start3A_379 : memref<1x40xi32, #tpu.memory_space<vmem>> -> memref<40xi32, #tpu.memory_space<vmem>>
      %dma_start3A_381 = arith.constant 0 : i32
      %dma_start3A_382 = arith.constant 0 : i32
      %dma_start3A_383 = tpu.memref_slice %arg3[%dma_start3A_381, %dma_start3A_382] : memref<10240x128xf32, #tpu.memory_space<hbm>> -> memref<10240x128xf32, #tpu.memory_space<hbm>>
      tpu.enqueue_indirect_dma source(%dma_start3A_383 : memref<10240x128xf32, #tpu.memory_space<hbm>>) target(%dma_start3A_377 : memref<40x128xf32, #tpu.memory_space<vmem>>) offsets(%dma_start3A_380 : memref<40xi32, #tpu.memory_space<vmem>>) semaphore(%arg13 : memref<!tpu.dma_semaphore, #tpu.memory_space<semaphore_mem>>) {add = true}
      %mul3A_384 = arith.constant 5 : i32
      %mul3A_385 = arith.muli %mul3A_292, %mul3A_384 : i32
      %add3A_386 = arith.constant 2 : i32
      %add3A_387 = arith.addi %mul3A_385, %add3A_386 : i32
      %dma_start3A_388 = arith.constant 80 : i32
      %dma_start3A_389 = arith.constant 0 : i32
      %dma_start3A_390 = tpu.memref_slice %arg9[%dma_start3A_388, %dma_start3A_389] : memref<200x128xf32, #tpu.memory_space<vmem>> -> memref<40x128xf32, #tpu.memory_space<vmem>>
      %dma_start3A_391 = arith.constant 0 : i32
      %dma_start3A_392 = tpu.memref_slice %arg8[%add3A_387, %dma_start3A_391] : memref<25x40xi32, #tpu.memory_space<vmem>> -> memref<1x40xi32, #tpu.memory_space<vmem>>
      %dma_start3A_393 = tpu.memref_squeeze %dma_start3A_392 : memref<1x40xi32, #tpu.memory_space<vmem>> -> memref<40xi32, #tpu.memory_space<vmem>>
      %dma_start3A_394 = arith.constant 0 : i32
      %dma_start3A_395 = arith.constant 0 : i32
      %dma_start3A_396 = tpu.memref_slice %arg3[%dma_start3A_394, %dma_start3A_395] : memref<10240x128xf32, #tpu.memory_space<hbm>> -> memref<10240x128xf32, #tpu.memory_space<hbm>>
      tpu.enqueue_indirect_dma source(%dma_start3A_396 : memref<10240x128xf32, #tpu.memory_space<hbm>>) target(%dma_start3A_390 : memref<40x128xf32, #tpu.memory_space<vmem>>) offsets(%dma_start3A_393 : memref<40xi32, #tpu.memory_space<vmem>>) semaphore(%arg13 : memref<!tpu.dma_semaphore, #tpu.memory_space<semaphore_mem>>) {add = true}
      %mul3A_397 = arith.constant 5 : i32
      %mul3A_398 = arith.muli %mul3A_292, %mul3A_397 : i32
      %add3A_399 = arith.constant 3 : i32
      %add3A_400 = arith.addi %mul3A_398, %add3A_399 : i32
      %dma_start3A_401 = arith.constant 120 : i32
      %dma_start3A_402 = arith.constant 0 : i32
      %dma_start3A_403 = tpu.memref_slice %arg9[%dma_start3A_401, %dma_start3A_402] : memref<200x128xf32, #tpu.memory_space<vmem>> -> memref<40x128xf32, #tpu.memory_space<vmem>>
      %dma_start3A_404 = arith.constant 0 : i32
      %dma_start3A_405 = tpu.memref_slice %arg8[%add3A_400, %dma_start3A_404] : memref<25x40xi32, #tpu.memory_space<vmem>> -> memref<1x40xi32, #tpu.memory_space<vmem>>
      %dma_start3A_406 = tpu.memref_squeeze %dma_start3A_405 : memref<1x40xi32, #tpu.memory_space<vmem>> -> memref<40xi32, #tpu.memory_space<vmem>>
      %dma_start3A_407 = arith.constant 0 : i32
      %dma_start3A_408 = arith.constant 0 : i32
      %dma_start3A_409 = tpu.memref_slice %arg3[%dma_start3A_407, %dma_start3A_408] : memref<10240x128xf32, #tpu.memory_space<hbm>> -> memref<10240x128xf32, #tpu.memory_space<hbm>>
      tpu.enqueue_indirect_dma source(%dma_start3A_409 : memref<10240x128xf32, #tpu.memory_space<hbm>>) target(%dma_start3A_403 : memref<40x128xf32, #tpu.memory_space<vmem>>) offsets(%dma_start3A_406 : memref<40xi32, #tpu.memory_space<vmem>>) semaphore(%arg13 : memref<!tpu.dma_semaphore, #tpu.memory_space<semaphore_mem>>) {add = true}
      %mul3A_410 = arith.constant 5 : i32
      %mul3A_411 = arith.muli %mul3A_292, %mul3A_410 : i32
      %add3A_412 = arith.constant 4 : i32
      %add3A_413 = arith.addi %mul3A_411, %add3A_412 : i32
      %dma_start3A_414 = arith.constant 160 : i32
      %dma_start3A_415 = arith.constant 0 : i32
      %dma_start3A_416 = tpu.memref_slice %arg9[%dma_start3A_414, %dma_start3A_415] : memref<200x128xf32, #tpu.memory_space<vmem>> -> memref<40x128xf32, #tpu.memory_space<vmem>>
      %dma_start3A_417 = arith.constant 0 : i32
      %dma_start3A_418 = tpu.memref_slice %arg8[%add3A_413, %dma_start3A_417] : memref<25x40xi32, #tpu.memory_space<vmem>> -> memref<1x40xi32, #tpu.memory_space<vmem>>
      %dma_start3A_419 = tpu.memref_squeeze %dma_start3A_418 : memref<1x40xi32, #tpu.memory_space<vmem>> -> memref<40xi32, #tpu.memory_space<vmem>>
      %dma_start3A_420 = arith.constant 0 : i32
      %dma_start3A_421 = arith.constant 0 : i32
      %dma_start3A_422 = tpu.memref_slice %arg3[%dma_start3A_420, %dma_start3A_421] : memref<10240x128xf32, #tpu.memory_space<hbm>> -> memref<10240x128xf32, #tpu.memory_space<hbm>>
      tpu.enqueue_indirect_dma source(%dma_start3A_422 : memref<10240x128xf32, #tpu.memory_space<hbm>>) target(%dma_start3A_416 : memref<40x128xf32, #tpu.memory_space<vmem>>) offsets(%dma_start3A_419 : memref<40xi32, #tpu.memory_space<vmem>>) semaphore(%arg13 : memref<!tpu.dma_semaphore, #tpu.memory_space<semaphore_mem>>) {add = true}
      %dma_wait3A_423 = arith.constant 0 : i32
      %dma_wait3A_424 = arith.constant 0 : i32
      %dma_wait3A_425 = tpu.memref_slice %arg9[%dma_wait3A_423, %dma_wait3A_424] : memref<200x128xf32, #tpu.memory_space<vmem>> -> memref<40x128xf32, #tpu.memory_space<vmem>>
      %dma_wait3A_426 = arith.constant 0 : i32
      %dma_wait3A_427 = tpu.memref_slice %arg8[%add3A_361, %dma_wait3A_426] : memref<25x40xi32, #tpu.memory_space<vmem>> -> memref<1x40xi32, #tpu.memory_space<vmem>>
      %dma_wait3A_428 = tpu.memref_squeeze %dma_wait3A_427 : memref<1x40xi32, #tpu.memory_space<vmem>> -> memref<40xi32, #tpu.memory_space<vmem>>
      %dma_wait3A_429 = arith.constant 0 : i32
      %dma_wait3A_430 = arith.constant 0 : i32
      %dma_wait3A_431 = tpu.memref_slice %arg3[%dma_wait3A_429, %dma_wait3A_430] : memref<10240x128xf32, #tpu.memory_space<hbm>> -> memref<10240x128xf32, #tpu.memory_space<hbm>>
      tpu.wait_indirect_dma semaphore(%arg13 : memref<!tpu.dma_semaphore, #tpu.memory_space<semaphore_mem>>) src(%dma_wait3A_431 : memref<10240x128xf32, #tpu.memory_space<hbm>>) dst(%dma_wait3A_425 : memref<40x128xf32, #tpu.memory_space<vmem>>)
      %dma_wait3A_432 = arith.constant 40 : i32
      %dma_wait3A_433 = arith.constant 0 : i32
      %dma_wait3A_434 = tpu.memref_slice %arg9[%dma_wait3A_432, %dma_wait3A_433] : memref<200x128xf32, #tpu.memory_space<vmem>> -> memref<40x128xf32, #tpu.memory_space<vmem>>
      %dma_wait3A_435 = arith.constant 0 : i32
      %dma_wait3A_436 = tpu.memref_slice %arg8[%add3A_374, %dma_wait3A_435] : memref<25x40xi32, #tpu.memory_space<vmem>> -> memref<1x40xi32, #tpu.memory_space<vmem>>
      %dma_wait3A_437 = tpu.memref_squeeze %dma_wait3A_436 : memref<1x40xi32, #tpu.memory_space<vmem>> -> memref<40xi32, #tpu.memory_space<vmem>>
      %dma_wait3A_438 = arith.constant 0 : i32
      %dma_wait3A_439 = arith.constant 0 : i32
      %dma_wait3A_440 = tpu.memref_slice %arg3[%dma_wait3A_438, %dma_wait3A_439] : memref<10240x128xf32, #tpu.memory_space<hbm>> -> memref<10240x128xf32, #tpu.memory_space<hbm>>
      tpu.wait_indirect_dma semaphore(%arg13 : memref<!tpu.dma_semaphore, #tpu.memory_space<semaphore_mem>>) src(%dma_wait3A_440 : memref<10240x128xf32, #tpu.memory_space<hbm>>) dst(%dma_wait3A_434 : memref<40x128xf32, #tpu.memory_space<vmem>>)
      %dma_wait3A_441 = arith.constant 80 : i32
      %dma_wait3A_442 = arith.constant 0 : i32
      %dma_wait3A_443 = tpu.memref_slice %arg9[%dma_wait3A_441, %dma_wait3A_442] : memref<200x128xf32, #tpu.memory_space<vmem>> -> memref<40x128xf32, #tpu.memory_space<vmem>>
      %dma_wait3A_444 = arith.constant 0 : i32
      %dma_wait3A_445 = tpu.memref_slice %arg8[%add3A_387, %dma_wait3A_444] : memref<25x40xi32, #tpu.memory_space<vmem>> -> memref<1x40xi32, #tpu.memory_space<vmem>>
      %dma_wait3A_446 = tpu.memref_squeeze %dma_wait3A_445 : memref<1x40xi32, #tpu.memory_space<vmem>> -> memref<40xi32, #tpu.memory_space<vmem>>
      %dma_wait3A_447 = arith.constant 0 : i32
      %dma_wait3A_448 = arith.constant 0 : i32
      %dma_wait3A_449 = tpu.memref_slice %arg3[%dma_wait3A_447, %dma_wait3A_448] : memref<10240x128xf32, #tpu.memory_space<hbm>> -> memref<10240x128xf32, #tpu.memory_space<hbm>>
      tpu.wait_indirect_dma semaphore(%arg13 : memref<!tpu.dma_semaphore, #tpu.memory_space<semaphore_mem>>) src(%dma_wait3A_449 : memref<10240x128xf32, #tpu.memory_space<hbm>>) dst(%dma_wait3A_443 : memref<40x128xf32, #tpu.memory_space<vmem>>)
      %dma_wait3A_450 = arith.constant 120 : i32
      %dma_wait3A_451 = arith.constant 0 : i32
      %dma_wait3A_452 = tpu.memref_slice %arg9[%dma_wait3A_450, %dma_wait3A_451] : memref<200x128xf32, #tpu.memory_space<vmem>> -> memref<40x128xf32, #tpu.memory_space<vmem>>
      %dma_wait3A_453 = arith.constant 0 : i32
      %dma_wait3A_454 = tpu.memref_slice %arg8[%add3A_400, %dma_wait3A_453] : memref<25x40xi32, #tpu.memory_space<vmem>> -> memref<1x40xi32, #tpu.memory_space<vmem>>
      %dma_wait3A_455 = tpu.memref_squeeze %dma_wait3A_454 : memref<1x40xi32, #tpu.memory_space<vmem>> -> memref<40xi32, #tpu.memory_space<vmem>>
      %dma_wait3A_456 = arith.constant 0 : i32
      %dma_wait3A_457 = arith.constant 0 : i32
      %dma_wait3A_458 = tpu.memref_slice %arg3[%dma_wait3A_456, %dma_wait3A_457] : memref<10240x128xf32, #tpu.memory_space<hbm>> -> memref<10240x128xf32, #tpu.memory_space<hbm>>
      tpu.wait_indirect_dma semaphore(%arg13 : memref<!tpu.dma_semaphore, #tpu.memory_space<semaphore_mem>>) src(%dma_wait3A_458 : memref<10240x128xf32, #tpu.memory_space<hbm>>) dst(%dma_wait3A_452 : memref<40x128xf32, #tpu.memory_space<vmem>>)
      %dma_wait3A_459 = arith.constant 160 : i32
      %dma_wait3A_460 = arith.constant 0 : i32
      %dma_wait3A_461 = tpu.memref_slice %arg9[%dma_wait3A_459, %dma_wait3A_460] : memref<200x128xf32, #tpu.memory_space<vmem>> -> memref<40x128xf32, #tpu.memory_space<vmem>>
      %dma_wait3A_462 = arith.constant 0 : i32
      %dma_wait3A_463 = tpu.memref_slice %arg8[%add3A_413, %dma_wait3A_462] : memref<25x40xi32, #tpu.memory_space<vmem>> -> memref<1x40xi32, #tpu.memory_space<vmem>>
      %dma_wait3A_464 = tpu.memref_squeeze %dma_wait3A_463 : memref<1x40xi32, #tpu.memory_space<vmem>> -> memref<40xi32, #tpu.memory_space<vmem>>
      %dma_wait3A_465 = arith.constant 0 : i32
      %dma_wait3A_466 = arith.constant 0 : i32
      %dma_wait3A_467 = tpu.memref_slice %arg3[%dma_wait3A_465, %dma_wait3A_466] : memref<10240x128xf32, #tpu.memory_space<hbm>> -> memref<10240x128xf32, #tpu.memory_space<hbm>>
      tpu.wait_indirect_dma semaphore(%arg13 : memref<!tpu.dma_semaphore, #tpu.memory_space<semaphore_mem>>) src(%dma_wait3A_467 : memref<10240x128xf32, #tpu.memory_space<hbm>>) dst(%dma_wait3A_461 : memref<40x128xf32, #tpu.memory_space<vmem>>)
      %mul3A_468 = arith.constant 200 : i32
      %mul3A_469 = arith.muli %mul3A_292, %mul3A_468 : i32
      %add3A_470 = arith.addi %mul3A_32, %mul3A_469 : i32
      "tpu.region"() ({
        %run_scoped3A = tpu.sem_alloc : memref<!tpu.dma_semaphore, #tpu.memory_space<semaphore_mem>>
        %dma_start3A_662 = arith.constant 0 : i32
        %dma_start3A_663 = tpu.memref_slice %arg6[%add3A_470, %dma_start3A_662] : memref<32000x128xf32, #tpu.memory_space<hbm>> -> memref<200x128xf32, #tpu.memory_space<hbm>>
        %dma_start3A_664 = arith.constant 0 : i32
        %dma_start3A_665 = tpu.memref_slice %arg6[%add3A_470, %dma_start3A_664] : memref<32000x128xf32, #tpu.memory_space<hbm>> -> memref<200x128xf32, #tpu.memory_space<hbm>>
        tpu.enqueue_dma source(%arg9 : memref<200x128xf32, #tpu.memory_space<vmem>>) target(%dma_start3A_665 : memref<200x128xf32, #tpu.memory_space<hbm>>) target_semaphore(%run_scoped3A : memref<!tpu.dma_semaphore, #tpu.memory_space<semaphore_mem>>)
        %dma_wait3A_666 = arith.constant 0 : i32
        %dma_wait3A_667 = tpu.memref_slice %arg6[%add3A_470, %dma_wait3A_666] : memref<32000x128xf32, #tpu.memory_space<hbm>> -> memref<200x128xf32, #tpu.memory_space<hbm>>
        %dma_wait3A_668 = arith.constant 0 : i32
        %dma_wait3A_669 = tpu.memref_slice %arg6[%add3A_470, %dma_wait3A_668] : memref<32000x128xf32, #tpu.memory_space<hbm>> -> memref<200x128xf32, #tpu.memory_space<hbm>>
        tpu.wait_dma2 semaphore(%run_scoped3A : memref<!tpu.dma_semaphore, #tpu.memory_space<semaphore_mem>>) src(%arg9 : memref<200x128xf32, #tpu.memory_space<vmem>>) dst(%dma_wait3A_669 : memref<200x128xf32, #tpu.memory_space<hbm>>)
        tpu.yield
      }) : () -> ()
      %add3A_471 = arith.constant 2 : i32
      %add3A_472 = arith.addi %mul3A_292, %add3A_471 : i32
      %lt3A = arith.constant 5 : i32
      %lt3A_473 = arith.cmpi slt, %add3A_472, %lt3A : i32
      %convert_element_type3A = arith.extui %lt3A_473 : i1 to i32
      %cond3A = arith.constant 0 : i32
      %cond3A_474 = arith.cmpi ne, %convert_element_type3A, %cond3A : i32
      scf.if %cond3A_474 {
        %add3A_662 = arith.constant 2 : i32
        %add3A_663 = arith.addi %mul3A_292, %add3A_662 : i32
        %mul3A_664 = arith.constant 5 : i32
        %mul3A_665 = arith.muli %add3A_663, %mul3A_664 : i32
        %add3A_666 = arith.constant 0 : i32
        %add3A_667 = arith.addi %mul3A_665, %add3A_666 : i32
        %dma_start3A_668 = arith.constant 0 : i32
        %dma_start3A_669 = arith.constant 0 : i32
        %dma_start3A_670 = tpu.memref_slice %arg9[%dma_start3A_668, %dma_start3A_669] : memref<200x128xf32, #tpu.memory_space<vmem>> -> memref<40x128xf32, #tpu.memory_space<vmem>>
        %dma_start3A_671 = arith.constant 0 : i32
        %dma_start3A_672 = tpu.memref_slice %arg7[%add3A_667, %dma_start3A_671] : memref<25x40xi32, #tpu.memory_space<vmem>> -> memref<1x40xi32, #tpu.memory_space<vmem>>
        %dma_start3A_673 = tpu.memref_squeeze %dma_start3A_672 : memref<1x40xi32, #tpu.memory_space<vmem>> -> memref<40xi32, #tpu.memory_space<vmem>>
        %dma_start3A_674 = arith.constant 0 : i32
        %dma_start3A_675 = arith.constant 0 : i32
        %dma_start3A_676 = tpu.memref_slice %arg2[%dma_start3A_674, %dma_start3A_675] : memref<10240x128xf32, #tpu.memory_space<hbm>> -> memref<10240x128xf32, #tpu.memory_space<hbm>>
        tpu.enqueue_indirect_dma source(%dma_start3A_676 : memref<10240x128xf32, #tpu.memory_space<hbm>>) target(%dma_start3A_670 : memref<40x128xf32, #tpu.memory_space<vmem>>) offsets(%dma_start3A_673 : memref<40xi32, #tpu.memory_space<vmem>>) semaphore(%arg11 : memref<!tpu.dma_semaphore, #tpu.memory_space<semaphore_mem>>)
        %mul3A_677 = arith.constant 5 : i32
        %mul3A_678 = arith.muli %add3A_663, %mul3A_677 : i32
        %add3A_679 = arith.constant 1 : i32
        %add3A_680 = arith.addi %mul3A_678, %add3A_679 : i32
        %dma_start3A_681 = arith.constant 40 : i32
        %dma_start3A_682 = arith.constant 0 : i32
        %dma_start3A_683 = tpu.memref_slice %arg9[%dma_start3A_681, %dma_start3A_682] : memref<200x128xf32, #tpu.memory_space<vmem>> -> memref<40x128xf32, #tpu.memory_space<vmem>>
        %dma_start3A_684 = arith.constant 0 : i32
        %dma_start3A_685 = tpu.memref_slice %arg7[%add3A_680, %dma_start3A_684] : memref<25x40xi32, #tpu.memory_space<vmem>> -> memref<1x40xi32, #tpu.memory_space<vmem>>
        %dma_start3A_686 = tpu.memref_squeeze %dma_start3A_685 : memref<1x40xi32, #tpu.memory_space<vmem>> -> memref<40xi32, #tpu.memory_space<vmem>>
        %dma_start3A_687 = arith.constant 0 : i32
        %dma_start3A_688 = arith.constant 0 : i32
        %dma_start3A_689 = tpu.memref_slice %arg2[%dma_start3A_687, %dma_start3A_688] : memref<10240x128xf32, #tpu.memory_space<hbm>> -> memref<10240x128xf32, #tpu.memory_space<hbm>>
        tpu.enqueue_indirect_dma source(%dma_start3A_689 : memref<10240x128xf32, #tpu.memory_space<hbm>>) target(%dma_start3A_683 : memref<40x128xf32, #tpu.memory_space<vmem>>) offsets(%dma_start3A_686 : memref<40xi32, #tpu.memory_space<vmem>>) semaphore(%arg11 : memref<!tpu.dma_semaphore, #tpu.memory_space<semaphore_mem>>)
        %mul3A_690 = arith.constant 5 : i32
        %mul3A_691 = arith.muli %add3A_663, %mul3A_690 : i32
        %add3A_692 = arith.constant 2 : i32
        %add3A_693 = arith.addi %mul3A_691, %add3A_692 : i32
        %dma_start3A_694 = arith.constant 80 : i32
        %dma_start3A_695 = arith.constant 0 : i32
        %dma_start3A_696 = tpu.memref_slice %arg9[%dma_start3A_694, %dma_start3A_695] : memref<200x128xf32, #tpu.memory_space<vmem>> -> memref<40x128xf32, #tpu.memory_space<vmem>>
        %dma_start3A_697 = arith.constant 0 : i32
        %dma_start3A_698 = tpu.memref_slice %arg7[%add3A_693, %dma_start3A_697] : memref<25x40xi32, #tpu.memory_space<vmem>> -> memref<1x40xi32, #tpu.memory_space<vmem>>
        %dma_start3A_699 = tpu.memref_squeeze %dma_start3A_698 : memref<1x40xi32, #tpu.memory_space<vmem>> -> memref<40xi32, #tpu.memory_space<vmem>>
        %dma_start3A_700 = arith.constant 0 : i32
        %dma_start3A_701 = arith.constant 0 : i32
        %dma_start3A_702 = tpu.memref_slice %arg2[%dma_start3A_700, %dma_start3A_701] : memref<10240x128xf32, #tpu.memory_space<hbm>> -> memref<10240x128xf32, #tpu.memory_space<hbm>>
        tpu.enqueue_indirect_dma source(%dma_start3A_702 : memref<10240x128xf32, #tpu.memory_space<hbm>>) target(%dma_start3A_696 : memref<40x128xf32, #tpu.memory_space<vmem>>) offsets(%dma_start3A_699 : memref<40xi32, #tpu.memory_space<vmem>>) semaphore(%arg11 : memref<!tpu.dma_semaphore, #tpu.memory_space<semaphore_mem>>)
        %mul3A_703 = arith.constant 5 : i32
        %mul3A_704 = arith.muli %add3A_663, %mul3A_703 : i32
        %add3A_705 = arith.constant 3 : i32
        %add3A_706 = arith.addi %mul3A_704, %add3A_705 : i32
        %dma_start3A_707 = arith.constant 120 : i32
        %dma_start3A_708 = arith.constant 0 : i32
        %dma_start3A_709 = tpu.memref_slice %arg9[%dma_start3A_707, %dma_start3A_708] : memref<200x128xf32, #tpu.memory_space<vmem>> -> memref<40x128xf32, #tpu.memory_space<vmem>>
        %dma_start3A_710 = arith.constant 0 : i32
        %dma_start3A_711 = tpu.memref_slice %arg7[%add3A_706, %dma_start3A_710] : memref<25x40xi32, #tpu.memory_space<vmem>> -> memref<1x40xi32, #tpu.memory_space<vmem>>
        %dma_start3A_712 = tpu.memref_squeeze %dma_start3A_711 : memref<1x40xi32, #tpu.memory_space<vmem>> -> memref<40xi32, #tpu.memory_space<vmem>>
        %dma_start3A_713 = arith.constant 0 : i32
        %dma_start3A_714 = arith.constant 0 : i32
        %dma_start3A_715 = tpu.memref_slice %arg2[%dma_start3A_713, %dma_start3A_714] : memref<10240x128xf32, #tpu.memory_space<hbm>> -> memref<10240x128xf32, #tpu.memory_space<hbm>>
        tpu.enqueue_indirect_dma source(%dma_start3A_715 : memref<10240x128xf32, #tpu.memory_space<hbm>>) target(%dma_start3A_709 : memref<40x128xf32, #tpu.memory_space<vmem>>) offsets(%dma_start3A_712 : memref<40xi32, #tpu.memory_space<vmem>>) semaphore(%arg11 : memref<!tpu.dma_semaphore, #tpu.memory_space<semaphore_mem>>)
        %mul3A_716 = arith.constant 5 : i32
        %mul3A_717 = arith.muli %add3A_663, %mul3A_716 : i32
        %add3A_718 = arith.constant 4 : i32
        %add3A_719 = arith.addi %mul3A_717, %add3A_718 : i32
        %dma_start3A_720 = arith.constant 160 : i32
        %dma_start3A_721 = arith.constant 0 : i32
        %dma_start3A_722 = tpu.memref_slice %arg9[%dma_start3A_720, %dma_start3A_721] : memref<200x128xf32, #tpu.memory_space<vmem>> -> memref<40x128xf32, #tpu.memory_space<vmem>>
        %dma_start3A_723 = arith.constant 0 : i32
        %dma_start3A_724 = tpu.memref_slice %arg7[%add3A_719, %dma_start3A_723] : memref<25x40xi32, #tpu.memory_space<vmem>> -> memref<1x40xi32, #tpu.memory_space<vmem>>
        %dma_start3A_725 = tpu.memref_squeeze %dma_start3A_724 : memref<1x40xi32, #tpu.memory_space<vmem>> -> memref<40xi32, #tpu.memory_space<vmem>>
        %dma_start3A_726 = arith.constant 0 : i32
        %dma_start3A_727 = arith.constant 0 : i32
        %dma_start3A_728 = tpu.memref_slice %arg2[%dma_start3A_726, %dma_start3A_727] : memref<10240x128xf32, #tpu.memory_space<hbm>> -> memref<10240x128xf32, #tpu.memory_space<hbm>>
        tpu.enqueue_indirect_dma source(%dma_start3A_728 : memref<10240x128xf32, #tpu.memory_space<hbm>>) target(%dma_start3A_722 : memref<40x128xf32, #tpu.memory_space<vmem>>) offsets(%dma_start3A_725 : memref<40xi32, #tpu.memory_space<vmem>>) semaphore(%arg11 : memref<!tpu.dma_semaphore, #tpu.memory_space<semaphore_mem>>)
      } else {
      }
      %add3A_475 = arith.constant 1 : i32
      %add3A_476 = arith.addi %mul3A_292, %add3A_475 : i32
      %mul3A_477 = arith.constant 5 : i32
      %mul3A_478 = arith.muli %add3A_476, %mul3A_477 : i32
      %add3A_479 = arith.constant 0 : i32
      %add3A_480 = arith.addi %mul3A_478, %add3A_479 : i32
      %dma_wait3A_481 = arith.constant 0 : i32
      %dma_wait3A_482 = arith.constant 0 : i32
      %dma_wait3A_483 = tpu.memref_slice %arg10[%dma_wait3A_481, %dma_wait3A_482] : memref<200x128xf32, #tpu.memory_space<vmem>> -> memref<40x128xf32, #tpu.memory_space<vmem>>
      %dma_wait3A_484 = arith.constant 0 : i32
      %dma_wait3A_485 = tpu.memref_slice %arg7[%add3A_480, %dma_wait3A_484] : memref<25x40xi32, #tpu.memory_space<vmem>> -> memref<1x40xi32, #tpu.memory_space<vmem>>
      %dma_wait3A_486 = tpu.memref_squeeze %dma_wait3A_485 : memref<1x40xi32, #tpu.memory_space<vmem>> -> memref<40xi32, #tpu.memory_space<vmem>>
      %dma_wait3A_487 = arith.constant 0 : i32
      %dma_wait3A_488 = arith.constant 0 : i32
      %dma_wait3A_489 = tpu.memref_slice %arg2[%dma_wait3A_487, %dma_wait3A_488] : memref<10240x128xf32, #tpu.memory_space<hbm>> -> memref<10240x128xf32, #tpu.memory_space<hbm>>
      tpu.wait_indirect_dma semaphore(%arg12 : memref<!tpu.dma_semaphore, #tpu.memory_space<semaphore_mem>>) src(%dma_wait3A_489 : memref<10240x128xf32, #tpu.memory_space<hbm>>) dst(%dma_wait3A_483 : memref<40x128xf32, #tpu.memory_space<vmem>>)
      %mul3A_490 = arith.constant 5 : i32
      %mul3A_491 = arith.muli %add3A_476, %mul3A_490 : i32
      %add3A_492 = arith.constant 1 : i32
      %add3A_493 = arith.addi %mul3A_491, %add3A_492 : i32
      %dma_wait3A_494 = arith.constant 40 : i32
      %dma_wait3A_495 = arith.constant 0 : i32
      %dma_wait3A_496 = tpu.memref_slice %arg10[%dma_wait3A_494, %dma_wait3A_495] : memref<200x128xf32, #tpu.memory_space<vmem>> -> memref<40x128xf32, #tpu.memory_space<vmem>>
      %dma_wait3A_497 = arith.constant 0 : i32
      %dma_wait3A_498 = tpu.memref_slice %arg7[%add3A_493, %dma_wait3A_497] : memref<25x40xi32, #tpu.memory_space<vmem>> -> memref<1x40xi32, #tpu.memory_space<vmem>>
      %dma_wait3A_499 = tpu.memref_squeeze %dma_wait3A_498 : memref<1x40xi32, #tpu.memory_space<vmem>> -> memref<40xi32, #tpu.memory_space<vmem>>
      %dma_wait3A_500 = arith.constant 0 : i32
      %dma_wait3A_501 = arith.constant 0 : i32
      %dma_wait3A_502 = tpu.memref_slice %arg2[%dma_wait3A_500, %dma_wait3A_501] : memref<10240x128xf32, #tpu.memory_space<hbm>> -> memref<10240x128xf32, #tpu.memory_space<hbm>>
      tpu.wait_indirect_dma semaphore(%arg12 : memref<!tpu.dma_semaphore, #tpu.memory_space<semaphore_mem>>) src(%dma_wait3A_502 : memref<10240x128xf32, #tpu.memory_space<hbm>>) dst(%dma_wait3A_496 : memref<40x128xf32, #tpu.memory_space<vmem>>)
      %mul3A_503 = arith.constant 5 : i32
      %mul3A_504 = arith.muli %add3A_476, %mul3A_503 : i32
      %add3A_505 = arith.constant 2 : i32
      %add3A_506 = arith.addi %mul3A_504, %add3A_505 : i32
      %dma_wait3A_507 = arith.constant 80 : i32
      %dma_wait3A_508 = arith.constant 0 : i32
      %dma_wait3A_509 = tpu.memref_slice %arg10[%dma_wait3A_507, %dma_wait3A_508] : memref<200x128xf32, #tpu.memory_space<vmem>> -> memref<40x128xf32, #tpu.memory_space<vmem>>
      %dma_wait3A_510 = arith.constant 0 : i32
      %dma_wait3A_511 = tpu.memref_slice %arg7[%add3A_506, %dma_wait3A_510] : memref<25x40xi32, #tpu.memory_space<vmem>> -> memref<1x40xi32, #tpu.memory_space<vmem>>
      %dma_wait3A_512 = tpu.memref_squeeze %dma_wait3A_511 : memref<1x40xi32, #tpu.memory_space<vmem>> -> memref<40xi32, #tpu.memory_space<vmem>>
      %dma_wait3A_513 = arith.constant 0 : i32
      %dma_wait3A_514 = arith.constant 0 : i32
      %dma_wait3A_515 = tpu.memref_slice %arg2[%dma_wait3A_513, %dma_wait3A_514] : memref<10240x128xf32, #tpu.memory_space<hbm>> -> memref<10240x128xf32, #tpu.memory_space<hbm>>
      tpu.wait_indirect_dma semaphore(%arg12 : memref<!tpu.dma_semaphore, #tpu.memory_space<semaphore_mem>>) src(%dma_wait3A_515 : memref<10240x128xf32, #tpu.memory_space<hbm>>) dst(%dma_wait3A_509 : memref<40x128xf32, #tpu.memory_space<vmem>>)
      %mul3A_516 = arith.constant 5 : i32
      %mul3A_517 = arith.muli %add3A_476, %mul3A_516 : i32
      %add3A_518 = arith.constant 3 : i32
      %add3A_519 = arith.addi %mul3A_517, %add3A_518 : i32
      %dma_wait3A_520 = arith.constant 120 : i32
      %dma_wait3A_521 = arith.constant 0 : i32
      %dma_wait3A_522 = tpu.memref_slice %arg10[%dma_wait3A_520, %dma_wait3A_521] : memref<200x128xf32, #tpu.memory_space<vmem>> -> memref<40x128xf32, #tpu.memory_space<vmem>>
      %dma_wait3A_523 = arith.constant 0 : i32
      %dma_wait3A_524 = tpu.memref_slice %arg7[%add3A_519, %dma_wait3A_523] : memref<25x40xi32, #tpu.memory_space<vmem>> -> memref<1x40xi32, #tpu.memory_space<vmem>>
      %dma_wait3A_525 = tpu.memref_squeeze %dma_wait3A_524 : memref<1x40xi32, #tpu.memory_space<vmem>> -> memref<40xi32, #tpu.memory_space<vmem>>
      %dma_wait3A_526 = arith.constant 0 : i32
      %dma_wait3A_527 = arith.constant 0 : i32
      %dma_wait3A_528 = tpu.memref_slice %arg2[%dma_wait3A_526, %dma_wait3A_527] : memref<10240x128xf32, #tpu.memory_space<hbm>> -> memref<10240x128xf32, #tpu.memory_space<hbm>>
      tpu.wait_indirect_dma semaphore(%arg12 : memref<!tpu.dma_semaphore, #tpu.memory_space<semaphore_mem>>) src(%dma_wait3A_528 : memref<10240x128xf32, #tpu.memory_space<hbm>>) dst(%dma_wait3A_522 : memref<40x128xf32, #tpu.memory_space<vmem>>)
      %mul3A_529 = arith.constant 5 : i32
      %mul3A_530 = arith.muli %add3A_476, %mul3A_529 : i32
      %add3A_531 = arith.constant 4 : i32
      %add3A_532 = arith.addi %mul3A_530, %add3A_531 : i32
      %dma_wait3A_533 = arith.constant 160 : i32
      %dma_wait3A_534 = arith.constant 0 : i32
      %dma_wait3A_535 = tpu.memref_slice %arg10[%dma_wait3A_533, %dma_wait3A_534] : memref<200x128xf32, #tpu.memory_space<vmem>> -> memref<40x128xf32, #tpu.memory_space<vmem>>
      %dma_wait3A_536 = arith.constant 0 : i32
      %dma_wait3A_537 = tpu.memref_slice %arg7[%add3A_532, %dma_wait3A_536] : memref<25x40xi32, #tpu.memory_space<vmem>> -> memref<1x40xi32, #tpu.memory_space<vmem>>
      %dma_wait3A_538 = tpu.memref_squeeze %dma_wait3A_537 : memref<1x40xi32, #tpu.memory_space<vmem>> -> memref<40xi32, #tpu.memory_space<vmem>>
      %dma_wait3A_539 = arith.constant 0 : i32
      %dma_wait3A_540 = arith.constant 0 : i32
      %dma_wait3A_541 = tpu.memref_slice %arg2[%dma_wait3A_539, %dma_wait3A_540] : memref<10240x128xf32, #tpu.memory_space<hbm>> -> memref<10240x128xf32, #tpu.memory_space<hbm>>
      tpu.wait_indirect_dma semaphore(%arg12 : memref<!tpu.dma_semaphore, #tpu.memory_space<semaphore_mem>>) src(%dma_wait3A_541 : memref<10240x128xf32, #tpu.memory_space<hbm>>) dst(%dma_wait3A_535 : memref<40x128xf32, #tpu.memory_space<vmem>>)
      %mul3A_542 = arith.constant 5 : i32
      %mul3A_543 = arith.muli %add3A_476, %mul3A_542 : i32
      %add3A_544 = arith.constant 0 : i32
      %add3A_545 = arith.addi %mul3A_543, %add3A_544 : i32
      %dma_start3A_546 = arith.constant 0 : i32
      %dma_start3A_547 = arith.constant 0 : i32
      %dma_start3A_548 = tpu.memref_slice %arg10[%dma_start3A_546, %dma_start3A_547] : memref<200x128xf32, #tpu.memory_space<vmem>> -> memref<40x128xf32, #tpu.memory_space<vmem>>
      %dma_start3A_549 = arith.constant 0 : i32
      %dma_start3A_550 = tpu.memref_slice %arg8[%add3A_545, %dma_start3A_549] : memref<25x40xi32, #tpu.memory_space<vmem>> -> memref<1x40xi32, #tpu.memory_space<vmem>>
      %dma_start3A_551 = tpu.memref_squeeze %dma_start3A_550 : memref<1x40xi32, #tpu.memory_space<vmem>> -> memref<40xi32, #tpu.memory_space<vmem>>
      %dma_start3A_552 = arith.constant 0 : i32
      %dma_start3A_553 = arith.constant 0 : i32
      %dma_start3A_554 = tpu.memref_slice %arg3[%dma_start3A_552, %dma_start3A_553] : memref<10240x128xf32, #tpu.memory_space<hbm>> -> memref<10240x128xf32, #tpu.memory_space<hbm>>
      tpu.enqueue_indirect_dma source(%dma_start3A_554 : memref<10240x128xf32, #tpu.memory_space<hbm>>) target(%dma_start3A_548 : memref<40x128xf32, #tpu.memory_space<vmem>>) offsets(%dma_start3A_551 : memref<40xi32, #tpu.memory_space<vmem>>) semaphore(%arg13 : memref<!tpu.dma_semaphore, #tpu.memory_space<semaphore_mem>>) {add = true}
      %mul3A_555 = arith.constant 5 : i32
      %mul3A_556 = arith.muli %add3A_476, %mul3A_555 : i32
      %add3A_557 = arith.constant 1 : i32
      %add3A_558 = arith.addi %mul3A_556, %add3A_557 : i32
      %dma_start3A_559 = arith.constant 40 : i32
      %dma_start3A_560 = arith.constant 0 : i32
      %dma_start3A_561 = tpu.memref_slice %arg10[%dma_start3A_559, %dma_start3A_560] : memref<200x128xf32, #tpu.memory_space<vmem>> -> memref<40x128xf32, #tpu.memory_space<vmem>>
      %dma_start3A_562 = arith.constant 0 : i32
      %dma_start3A_563 = tpu.memref_slice %arg8[%add3A_558, %dma_start3A_562] : memref<25x40xi32, #tpu.memory_space<vmem>> -> memref<1x40xi32, #tpu.memory_space<vmem>>
      %dma_start3A_564 = tpu.memref_squeeze %dma_start3A_563 : memref<1x40xi32, #tpu.memory_space<vmem>> -> memref<40xi32, #tpu.memory_space<vmem>>
      %dma_start3A_565 = arith.constant 0 : i32
      %dma_start3A_566 = arith.constant 0 : i32
      %dma_start3A_567 = tpu.memref_slice %arg3[%dma_start3A_565, %dma_start3A_566] : memref<10240x128xf32, #tpu.memory_space<hbm>> -> memref<10240x128xf32, #tpu.memory_space<hbm>>
      tpu.enqueue_indirect_dma source(%dma_start3A_567 : memref<10240x128xf32, #tpu.memory_space<hbm>>) target(%dma_start3A_561 : memref<40x128xf32, #tpu.memory_space<vmem>>) offsets(%dma_start3A_564 : memref<40xi32, #tpu.memory_space<vmem>>) semaphore(%arg13 : memref<!tpu.dma_semaphore, #tpu.memory_space<semaphore_mem>>) {add = true}
      %mul3A_568 = arith.constant 5 : i32
      %mul3A_569 = arith.muli %add3A_476, %mul3A_568 : i32
      %add3A_570 = arith.constant 2 : i32
      %add3A_571 = arith.addi %mul3A_569, %add3A_570 : i32
      %dma_start3A_572 = arith.constant 80 : i32
      %dma_start3A_573 = arith.constant 0 : i32
      %dma_start3A_574 = tpu.memref_slice %arg10[%dma_start3A_572, %dma_start3A_573] : memref<200x128xf32, #tpu.memory_space<vmem>> -> memref<40x128xf32, #tpu.memory_space<vmem>>
      %dma_start3A_575 = arith.constant 0 : i32
      %dma_start3A_576 = tpu.memref_slice %arg8[%add3A_571, %dma_start3A_575] : memref<25x40xi32, #tpu.memory_space<vmem>> -> memref<1x40xi32, #tpu.memory_space<vmem>>
      %dma_start3A_577 = tpu.memref_squeeze %dma_start3A_576 : memref<1x40xi32, #tpu.memory_space<vmem>> -> memref<40xi32, #tpu.memory_space<vmem>>
      %dma_start3A_578 = arith.constant 0 : i32
      %dma_start3A_579 = arith.constant 0 : i32
      %dma_start3A_580 = tpu.memref_slice %arg3[%dma_start3A_578, %dma_start3A_579] : memref<10240x128xf32, #tpu.memory_space<hbm>> -> memref<10240x128xf32, #tpu.memory_space<hbm>>
      tpu.enqueue_indirect_dma source(%dma_start3A_580 : memref<10240x128xf32, #tpu.memory_space<hbm>>) target(%dma_start3A_574 : memref<40x128xf32, #tpu.memory_space<vmem>>) offsets(%dma_start3A_577 : memref<40xi32, #tpu.memory_space<vmem>>) semaphore(%arg13 : memref<!tpu.dma_semaphore, #tpu.memory_space<semaphore_mem>>) {add = true}
      %mul3A_581 = arith.constant 5 : i32
      %mul3A_582 = arith.muli %add3A_476, %mul3A_581 : i32
      %add3A_583 = arith.constant 3 : i32
      %add3A_584 = arith.addi %mul3A_582, %add3A_583 : i32
      %dma_start3A_585 = arith.constant 120 : i32
      %dma_start3A_586 = arith.constant 0 : i32
      %dma_start3A_587 = tpu.memref_slice %arg10[%dma_start3A_585, %dma_start3A_586] : memref<200x128xf32, #tpu.memory_space<vmem>> -> memref<40x128xf32, #tpu.memory_space<vmem>>
      %dma_start3A_588 = arith.constant 0 : i32
      %dma_start3A_589 = tpu.memref_slice %arg8[%add3A_584, %dma_start3A_588] : memref<25x40xi32, #tpu.memory_space<vmem>> -> memref<1x40xi32, #tpu.memory_space<vmem>>
      %dma_start3A_590 = tpu.memref_squeeze %dma_start3A_589 : memref<1x40xi32, #tpu.memory_space<vmem>> -> memref<40xi32, #tpu.memory_space<vmem>>
      %dma_start3A_591 = arith.constant 0 : i32
      %dma_start3A_592 = arith.constant 0 : i32
      %dma_start3A_593 = tpu.memref_slice %arg3[%dma_start3A_591, %dma_start3A_592] : memref<10240x128xf32, #tpu.memory_space<hbm>> -> memref<10240x128xf32, #tpu.memory_space<hbm>>
      tpu.enqueue_indirect_dma source(%dma_start3A_593 : memref<10240x128xf32, #tpu.memory_space<hbm>>) target(%dma_start3A_587 : memref<40x128xf32, #tpu.memory_space<vmem>>) offsets(%dma_start3A_590 : memref<40xi32, #tpu.memory_space<vmem>>) semaphore(%arg13 : memref<!tpu.dma_semaphore, #tpu.memory_space<semaphore_mem>>) {add = true}
      %mul3A_594 = arith.constant 5 : i32
      %mul3A_595 = arith.muli %add3A_476, %mul3A_594 : i32
      %add3A_596 = arith.constant 4 : i32
      %add3A_597 = arith.addi %mul3A_595, %add3A_596 : i32
      %dma_start3A_598 = arith.constant 160 : i32
      %dma_start3A_599 = arith.constant 0 : i32
      %dma_start3A_600 = tpu.memref_slice %arg10[%dma_start3A_598, %dma_start3A_599] : memref<200x128xf32, #tpu.memory_space<vmem>> -> memref<40x128xf32, #tpu.memory_space<vmem>>
      %dma_start3A_601 = arith.constant 0 : i32
      %dma_start3A_602 = tpu.memref_slice %arg8[%add3A_597, %dma_start3A_601] : memref<25x40xi32, #tpu.memory_space<vmem>> -> memref<1x40xi32, #tpu.memory_space<vmem>>
      %dma_start3A_603 = tpu.memref_squeeze %dma_start3A_602 : memref<1x40xi32, #tpu.memory_space<vmem>> -> memref<40xi32, #tpu.memory_space<vmem>>
      %dma_start3A_604 = arith.constant 0 : i32
      %dma_start3A_605 = arith.constant 0 : i32
      %dma_start3A_606 = tpu.memref_slice %arg3[%dma_start3A_604, %dma_start3A_605] : memref<10240x128xf32, #tpu.memory_space<hbm>> -> memref<10240x128xf32, #tpu.memory_space<hbm>>
      tpu.enqueue_indirect_dma source(%dma_start3A_606 : memref<10240x128xf32, #tpu.memory_space<hbm>>) target(%dma_start3A_600 : memref<40x128xf32, #tpu.memory_space<vmem>>) offsets(%dma_start3A_603 : memref<40xi32, #tpu.memory_space<vmem>>) semaphore(%arg13 : memref<!tpu.dma_semaphore, #tpu.memory_space<semaphore_mem>>) {add = true}
      %dma_wait3A_607 = arith.constant 0 : i32
      %dma_wait3A_608 = arith.constant 0 : i32
      %dma_wait3A_609 = tpu.memref_slice %arg10[%dma_wait3A_607, %dma_wait3A_608] : memref<200x128xf32, #tpu.memory_space<vmem>> -> memref<40x128xf32, #tpu.memory_space<vmem>>
      %dma_wait3A_610 = arith.constant 0 : i32
      %dma_wait3A_611 = tpu.memref_slice %arg8[%add3A_545, %dma_wait3A_610] : memref<25x40xi32, #tpu.memory_space<vmem>> -> memref<1x40xi32, #tpu.memory_space<vmem>>
      %dma_wait3A_612 = tpu.memref_squeeze %dma_wait3A_611 : memref<1x40xi32, #tpu.memory_space<vmem>> -> memref<40xi32, #tpu.memory_space<vmem>>
      %dma_wait3A_613 = arith.constant 0 : i32
      %dma_wait3A_614 = arith.constant 0 : i32
      %dma_wait3A_615 = tpu.memref_slice %arg3[%dma_wait3A_613, %dma_wait3A_614] : memref<10240x128xf32, #tpu.memory_space<hbm>> -> memref<10240x128xf32, #tpu.memory_space<hbm>>
      tpu.wait_indirect_dma semaphore(%arg13 : memref<!tpu.dma_semaphore, #tpu.memory_space<semaphore_mem>>) src(%dma_wait3A_615 : memref<10240x128xf32, #tpu.memory_space<hbm>>) dst(%dma_wait3A_609 : memref<40x128xf32, #tpu.memory_space<vmem>>)
      %dma_wait3A_616 = arith.constant 40 : i32
      %dma_wait3A_617 = arith.constant 0 : i32
      %dma_wait3A_618 = tpu.memref_slice %arg10[%dma_wait3A_616, %dma_wait3A_617] : memref<200x128xf32, #tpu.memory_space<vmem>> -> memref<40x128xf32, #tpu.memory_space<vmem>>
      %dma_wait3A_619 = arith.constant 0 : i32
      %dma_wait3A_620 = tpu.memref_slice %arg8[%add3A_558, %dma_wait3A_619] : memref<25x40xi32, #tpu.memory_space<vmem>> -> memref<1x40xi32, #tpu.memory_space<vmem>>
      %dma_wait3A_621 = tpu.memref_squeeze %dma_wait3A_620 : memref<1x40xi32, #tpu.memory_space<vmem>> -> memref<40xi32, #tpu.memory_space<vmem>>
      %dma_wait3A_622 = arith.constant 0 : i32
      %dma_wait3A_623 = arith.constant 0 : i32
      %dma_wait3A_624 = tpu.memref_slice %arg3[%dma_wait3A_622, %dma_wait3A_623] : memref<10240x128xf32, #tpu.memory_space<hbm>> -> memref<10240x128xf32, #tpu.memory_space<hbm>>
      tpu.wait_indirect_dma semaphore(%arg13 : memref<!tpu.dma_semaphore, #tpu.memory_space<semaphore_mem>>) src(%dma_wait3A_624 : memref<10240x128xf32, #tpu.memory_space<hbm>>) dst(%dma_wait3A_618 : memref<40x128xf32, #tpu.memory_space<vmem>>)
      %dma_wait3A_625 = arith.constant 80 : i32
      %dma_wait3A_626 = arith.constant 0 : i32
      %dma_wait3A_627 = tpu.memref_slice %arg10[%dma_wait3A_625, %dma_wait3A_626] : memref<200x128xf32, #tpu.memory_space<vmem>> -> memref<40x128xf32, #tpu.memory_space<vmem>>
      %dma_wait3A_628 = arith.constant 0 : i32
      %dma_wait3A_629 = tpu.memref_slice %arg8[%add3A_571, %dma_wait3A_628] : memref<25x40xi32, #tpu.memory_space<vmem>> -> memref<1x40xi32, #tpu.memory_space<vmem>>
      %dma_wait3A_630 = tpu.memref_squeeze %dma_wait3A_629 : memref<1x40xi32, #tpu.memory_space<vmem>> -> memref<40xi32, #tpu.memory_space<vmem>>
      %dma_wait3A_631 = arith.constant 0 : i32
      %dma_wait3A_632 = arith.constant 0 : i32
      %dma_wait3A_633 = tpu.memref_slice %arg3[%dma_wait3A_631, %dma_wait3A_632] : memref<10240x128xf32, #tpu.memory_space<hbm>> -> memref<10240x128xf32, #tpu.memory_space<hbm>>
      tpu.wait_indirect_dma semaphore(%arg13 : memref<!tpu.dma_semaphore, #tpu.memory_space<semaphore_mem>>) src(%dma_wait3A_633 : memref<10240x128xf32, #tpu.memory_space<hbm>>) dst(%dma_wait3A_627 : memref<40x128xf32, #tpu.memory_space<vmem>>)
      %dma_wait3A_634 = arith.constant 120 : i32
      %dma_wait3A_635 = arith.constant 0 : i32
      %dma_wait3A_636 = tpu.memref_slice %arg10[%dma_wait3A_634, %dma_wait3A_635] : memref<200x128xf32, #tpu.memory_space<vmem>> -> memref<40x128xf32, #tpu.memory_space<vmem>>
      %dma_wait3A_637 = arith.constant 0 : i32
      %dma_wait3A_638 = tpu.memref_slice %arg8[%add3A_584, %dma_wait3A_637] : memref<25x40xi32, #tpu.memory_space<vmem>> -> memref<1x40xi32, #tpu.memory_space<vmem>>
      %dma_wait3A_639 = tpu.memref_squeeze %dma_wait3A_638 : memref<1x40xi32, #tpu.memory_space<vmem>> -> memref<40xi32, #tpu.memory_space<vmem>>
      %dma_wait3A_640 = arith.constant 0 : i32
      %dma_wait3A_641 = arith.constant 0 : i32
      %dma_wait3A_642 = tpu.memref_slice %arg3[%dma_wait3A_640, %dma_wait3A_641] : memref<10240x128xf32, #tpu.memory_space<hbm>> -> memref<10240x128xf32, #tpu.memory_space<hbm>>
      tpu.wait_indirect_dma semaphore(%arg13 : memref<!tpu.dma_semaphore, #tpu.memory_space<semaphore_mem>>) src(%dma_wait3A_642 : memref<10240x128xf32, #tpu.memory_space<hbm>>) dst(%dma_wait3A_636 : memref<40x128xf32, #tpu.memory_space<vmem>>)
      %dma_wait3A_643 = arith.constant 160 : i32
      %dma_wait3A_644 = arith.constant 0 : i32
      %dma_wait3A_645 = tpu.memref_slice %arg10[%dma_wait3A_643, %dma_wait3A_644] : memref<200x128xf32, #tpu.memory_space<vmem>> -> memref<40x128xf32, #tpu.memory_space<vmem>>
      %dma_wait3A_646 = arith.constant 0 : i32
      %dma_wait3A_647 = tpu.memref_slice %arg8[%add3A_597, %dma_wait3A_646] : memref<25x40xi32, #tpu.memory_space<vmem>> -> memref<1x40xi32, #tpu.memory_space<vmem>>
      %dma_wait3A_648 = tpu.memref_squeeze %dma_wait3A_647 : memref<1x40xi32, #tpu.memory_space<vmem>> -> memref<40xi32, #tpu.memory_space<vmem>>
      %dma_wait3A_649 = arith.constant 0 : i32
      %dma_wait3A_650 = arith.constant 0 : i32
      %dma_wait3A_651 = tpu.memref_slice %arg3[%dma_wait3A_649, %dma_wait3A_650] : memref<10240x128xf32, #tpu.memory_space<hbm>> -> memref<10240x128xf32, #tpu.memory_space<hbm>>
      tpu.wait_indirect_dma semaphore(%arg13 : memref<!tpu.dma_semaphore, #tpu.memory_space<semaphore_mem>>) src(%dma_wait3A_651 : memref<10240x128xf32, #tpu.memory_space<hbm>>) dst(%dma_wait3A_645 : memref<40x128xf32, #tpu.memory_space<vmem>>)
      %mul3A_652 = arith.constant 200 : i32
      %mul3A_653 = arith.muli %add3A_476, %mul3A_652 : i32
      %add3A_654 = arith.addi %mul3A_32, %mul3A_653 : i32
      "tpu.region"() ({
        %run_scoped3A = tpu.sem_alloc : memref<!tpu.dma_semaphore, #tpu.memory_space<semaphore_mem>>
        %dma_start3A_662 = arith.constant 0 : i32
        %dma_start3A_663 = tpu.memref_slice %arg6[%add3A_654, %dma_start3A_662] : memref<32000x128xf32, #tpu.memory_space<hbm>> -> memref<200x128xf32, #tpu.memory_space<hbm>>
        %dma_start3A_664 = arith.constant 0 : i32
        %dma_start3A_665 = tpu.memref_slice %arg6[%add3A_654, %dma_start3A_664] : memref<32000x128xf32, #tpu.memory_space<hbm>> -> memref<200x128xf32, #tpu.memory_space<hbm>>
        tpu.enqueue_dma source(%arg10 : memref<200x128xf32, #tpu.memory_space<vmem>>) target(%dma_start3A_665 : memref<200x128xf32, #tpu.memory_space<hbm>>) target_semaphore(%run_scoped3A : memref<!tpu.dma_semaphore, #tpu.memory_space<semaphore_mem>>)
        %dma_wait3A_666 = arith.constant 0 : i32
        %dma_wait3A_667 = tpu.memref_slice %arg6[%add3A_654, %dma_wait3A_666] : memref<32000x128xf32, #tpu.memory_space<hbm>> -> memref<200x128xf32, #tpu.memory_space<hbm>>
        %dma_wait3A_668 = arith.constant 0 : i32
        %dma_wait3A_669 = tpu.memref_slice %arg6[%add3A_654, %dma_wait3A_668] : memref<32000x128xf32, #tpu.memory_space<hbm>> -> memref<200x128xf32, #tpu.memory_space<hbm>>
        tpu.wait_dma2 semaphore(%run_scoped3A : memref<!tpu.dma_semaphore, #tpu.memory_space<semaphore_mem>>) src(%arg10 : memref<200x128xf32, #tpu.memory_space<vmem>>) dst(%dma_wait3A_669 : memref<200x128xf32, #tpu.memory_space<hbm>>)
        tpu.yield
      }) : () -> ()
      %add3A_655 = arith.constant 3 : i32
      %add3A_656 = arith.addi %mul3A_292, %add3A_655 : i32
      %lt3A_657 = arith.constant 5 : i32
      %lt3A_658 = arith.cmpi slt, %add3A_656, %lt3A_657 : i32
      %convert_element_type3A_659 = arith.extui %lt3A_658 : i1 to i32
      %cond3A_660 = arith.constant 0 : i32
      %cond3A_661 = arith.cmpi ne, %convert_element_type3A_659, %cond3A_660 : i32
      scf.if %cond3A_661 {
        %add3A_662 = arith.constant 3 : i32
        %add3A_663 = arith.addi %mul3A_292, %add3A_662 : i32
        %mul3A_664 = arith.constant 5 : i32
        %mul3A_665 = arith.muli %add3A_663, %mul3A_664 : i32
        %add3A_666 = arith.constant 0 : i32
        %add3A_667 = arith.addi %mul3A_665, %add3A_666 : i32
        %dma_start3A_668 = arith.constant 0 : i32
        %dma_start3A_669 = arith.constant 0 : i32
        %dma_start3A_670 = tpu.memref_slice %arg10[%dma_start3A_668, %dma_start3A_669] : memref<200x128xf32, #tpu.memory_space<vmem>> -> memref<40x128xf32, #tpu.memory_space<vmem>>
        %dma_start3A_671 = arith.constant 0 : i32
        %dma_start3A_672 = tpu.memref_slice %arg7[%add3A_667, %dma_start3A_671] : memref<25x40xi32, #tpu.memory_space<vmem>> -> memref<1x40xi32, #tpu.memory_space<vmem>>
        %dma_start3A_673 = tpu.memref_squeeze %dma_start3A_672 : memref<1x40xi32, #tpu.memory_space<vmem>> -> memref<40xi32, #tpu.memory_space<vmem>>
        %dma_start3A_674 = arith.constant 0 : i32
        %dma_start3A_675 = arith.constant 0 : i32
        %dma_start3A_676 = tpu.memref_slice %arg2[%dma_start3A_674, %dma_start3A_675] : memref<10240x128xf32, #tpu.memory_space<hbm>> -> memref<10240x128xf32, #tpu.memory_space<hbm>>
        tpu.enqueue_indirect_dma source(%dma_start3A_676 : memref<10240x128xf32, #tpu.memory_space<hbm>>) target(%dma_start3A_670 : memref<40x128xf32, #tpu.memory_space<vmem>>) offsets(%dma_start3A_673 : memref<40xi32, #tpu.memory_space<vmem>>) semaphore(%arg12 : memref<!tpu.dma_semaphore, #tpu.memory_space<semaphore_mem>>)
        %mul3A_677 = arith.constant 5 : i32
        %mul3A_678 = arith.muli %add3A_663, %mul3A_677 : i32
        %add3A_679 = arith.constant 1 : i32
        %add3A_680 = arith.addi %mul3A_678, %add3A_679 : i32
        %dma_start3A_681 = arith.constant 40 : i32
        %dma_start3A_682 = arith.constant 0 : i32
        %dma_start3A_683 = tpu.memref_slice %arg10[%dma_start3A_681, %dma_start3A_682] : memref<200x128xf32, #tpu.memory_space<vmem>> -> memref<40x128xf32, #tpu.memory_space<vmem>>
        %dma_start3A_684 = arith.constant 0 : i32
        %dma_start3A_685 = tpu.memref_slice %arg7[%add3A_680, %dma_start3A_684] : memref<25x40xi32, #tpu.memory_space<vmem>> -> memref<1x40xi32, #tpu.memory_space<vmem>>
        %dma_start3A_686 = tpu.memref_squeeze %dma_start3A_685 : memref<1x40xi32, #tpu.memory_space<vmem>> -> memref<40xi32, #tpu.memory_space<vmem>>
        %dma_start3A_687 = arith.constant 0 : i32
        %dma_start3A_688 = arith.constant 0 : i32
        %dma_start3A_689 = tpu.memref_slice %arg2[%dma_start3A_687, %dma_start3A_688] : memref<10240x128xf32, #tpu.memory_space<hbm>> -> memref<10240x128xf32, #tpu.memory_space<hbm>>
        tpu.enqueue_indirect_dma source(%dma_start3A_689 : memref<10240x128xf32, #tpu.memory_space<hbm>>) target(%dma_start3A_683 : memref<40x128xf32, #tpu.memory_space<vmem>>) offsets(%dma_start3A_686 : memref<40xi32, #tpu.memory_space<vmem>>) semaphore(%arg12 : memref<!tpu.dma_semaphore, #tpu.memory_space<semaphore_mem>>)
        %mul3A_690 = arith.constant 5 : i32
        %mul3A_691 = arith.muli %add3A_663, %mul3A_690 : i32
        %add3A_692 = arith.constant 2 : i32
        %add3A_693 = arith.addi %mul3A_691, %add3A_692 : i32
        %dma_start3A_694 = arith.constant 80 : i32
        %dma_start3A_695 = arith.constant 0 : i32
        %dma_start3A_696 = tpu.memref_slice %arg10[%dma_start3A_694, %dma_start3A_695] : memref<200x128xf32, #tpu.memory_space<vmem>> -> memref<40x128xf32, #tpu.memory_space<vmem>>
        %dma_start3A_697 = arith.constant 0 : i32
        %dma_start3A_698 = tpu.memref_slice %arg7[%add3A_693, %dma_start3A_697] : memref<25x40xi32, #tpu.memory_space<vmem>> -> memref<1x40xi32, #tpu.memory_space<vmem>>
        %dma_start3A_699 = tpu.memref_squeeze %dma_start3A_698 : memref<1x40xi32, #tpu.memory_space<vmem>> -> memref<40xi32, #tpu.memory_space<vmem>>
        %dma_start3A_700 = arith.constant 0 : i32
        %dma_start3A_701 = arith.constant 0 : i32
        %dma_start3A_702 = tpu.memref_slice %arg2[%dma_start3A_700, %dma_start3A_701] : memref<10240x128xf32, #tpu.memory_space<hbm>> -> memref<10240x128xf32, #tpu.memory_space<hbm>>
        tpu.enqueue_indirect_dma source(%dma_start3A_702 : memref<10240x128xf32, #tpu.memory_space<hbm>>) target(%dma_start3A_696 : memref<40x128xf32, #tpu.memory_space<vmem>>) offsets(%dma_start3A_699 : memref<40xi32, #tpu.memory_space<vmem>>) semaphore(%arg12 : memref<!tpu.dma_semaphore, #tpu.memory_space<semaphore_mem>>)
        %mul3A_703 = arith.constant 5 : i32
        %mul3A_704 = arith.muli %add3A_663, %mul3A_703 : i32
        %add3A_705 = arith.constant 3 : i32
        %add3A_706 = arith.addi %mul3A_704, %add3A_705 : i32
        %dma_start3A_707 = arith.constant 120 : i32
        %dma_start3A_708 = arith.constant 0 : i32
        %dma_start3A_709 = tpu.memref_slice %arg10[%dma_start3A_707, %dma_start3A_708] : memref<200x128xf32, #tpu.memory_space<vmem>> -> memref<40x128xf32, #tpu.memory_space<vmem>>
        %dma_start3A_710 = arith.constant 0 : i32
        %dma_start3A_711 = tpu.memref_slice %arg7[%add3A_706, %dma_start3A_710] : memref<25x40xi32, #tpu.memory_space<vmem>> -> memref<1x40xi32, #tpu.memory_space<vmem>>
        %dma_start3A_712 = tpu.memref_squeeze %dma_start3A_711 : memref<1x40xi32, #tpu.memory_space<vmem>> -> memref<40xi32, #tpu.memory_space<vmem>>
        %dma_start3A_713 = arith.constant 0 : i32
        %dma_start3A_714 = arith.constant 0 : i32
        %dma_start3A_715 = tpu.memref_slice %arg2[%dma_start3A_713, %dma_start3A_714] : memref<10240x128xf32, #tpu.memory_space<hbm>> -> memref<10240x128xf32, #tpu.memory_space<hbm>>
        tpu.enqueue_indirect_dma source(%dma_start3A_715 : memref<10240x128xf32, #tpu.memory_space<hbm>>) target(%dma_start3A_709 : memref<40x128xf32, #tpu.memory_space<vmem>>) offsets(%dma_start3A_712 : memref<40xi32, #tpu.memory_space<vmem>>) semaphore(%arg12 : memref<!tpu.dma_semaphore, #tpu.memory_space<semaphore_mem>>)
        %mul3A_716 = arith.constant 5 : i32
        %mul3A_717 = arith.muli %add3A_663, %mul3A_716 : i32
        %add3A_718 = arith.constant 4 : i32
        %add3A_719 = arith.addi %mul3A_717, %add3A_718 : i32
        %dma_start3A_720 = arith.constant 160 : i32
        %dma_start3A_721 = arith.constant 0 : i32
        %dma_start3A_722 = tpu.memref_slice %arg10[%dma_start3A_720, %dma_start3A_721] : memref<200x128xf32, #tpu.memory_space<vmem>> -> memref<40x128xf32, #tpu.memory_space<vmem>>
        %dma_start3A_723 = arith.constant 0 : i32
        %dma_start3A_724 = tpu.memref_slice %arg7[%add3A_719, %dma_start3A_723] : memref<25x40xi32, #tpu.memory_space<vmem>> -> memref<1x40xi32, #tpu.memory_space<vmem>>
        %dma_start3A_725 = tpu.memref_squeeze %dma_start3A_724 : memref<1x40xi32, #tpu.memory_space<vmem>> -> memref<40xi32, #tpu.memory_space<vmem>>
        %dma_start3A_726 = arith.constant 0 : i32
        %dma_start3A_727 = arith.constant 0 : i32
        %dma_start3A_728 = tpu.memref_slice %arg2[%dma_start3A_726, %dma_start3A_727] : memref<10240x128xf32, #tpu.memory_space<hbm>> -> memref<10240x128xf32, #tpu.memory_space<hbm>>
        tpu.enqueue_indirect_dma source(%dma_start3A_728 : memref<10240x128xf32, #tpu.memory_space<hbm>>) target(%dma_start3A_722 : memref<40x128xf32, #tpu.memory_space<vmem>>) offsets(%dma_start3A_725 : memref<40xi32, #tpu.memory_space<vmem>>) semaphore(%arg12 : memref<!tpu.dma_semaphore, #tpu.memory_space<semaphore_mem>>)
      } else {
      }
    }
    %scan3A_137 = arith.constant 2 : i32
    %dma_wait3A_138 = arith.constant 20 : i32
    %dma_wait3A_139 = arith.constant 0 : i32
    %dma_wait3A_140 = arith.constant 0 : i32
    %dma_wait3A_141 = tpu.memref_slice %arg9[%dma_wait3A_139, %dma_wait3A_140] : memref<200x128xf32, #tpu.memory_space<vmem>> -> memref<40x128xf32, #tpu.memory_space<vmem>>
    %dma_wait3A_142 = arith.constant 0 : i32
    %dma_wait3A_143 = tpu.memref_slice %arg7[%dma_wait3A_138, %dma_wait3A_142] : memref<25x40xi32, #tpu.memory_space<vmem>> -> memref<1x40xi32, #tpu.memory_space<vmem>>
    %dma_wait3A_144 = tpu.memref_squeeze %dma_wait3A_143 : memref<1x40xi32, #tpu.memory_space<vmem>> -> memref<40xi32, #tpu.memory_space<vmem>>
    %dma_wait3A_145 = arith.constant 0 : i32
    %dma_wait3A_146 = arith.constant 0 : i32
    %dma_wait3A_147 = tpu.memref_slice %arg2[%dma_wait3A_145, %dma_wait3A_146] : memref<10240x128xf32, #tpu.memory_space<hbm>> -> memref<10240x128xf32, #tpu.memory_space<hbm>>
    tpu.wait_indirect_dma semaphore(%arg11 : memref<!tpu.dma_semaphore, #tpu.memory_space<semaphore_mem>>) src(%dma_wait3A_147 : memref<10240x128xf32, #tpu.memory_space<hbm>>) dst(%dma_wait3A_141 : memref<40x128xf32, #tpu.memory_space<vmem>>)
    %dma_wait3A_148 = arith.constant 21 : i32
    %dma_wait3A_149 = arith.constant 40 : i32
    %dma_wait3A_150 = arith.constant 0 : i32
    %dma_wait3A_151 = tpu.memref_slice %arg9[%dma_wait3A_149, %dma_wait3A_150] : memref<200x128xf32, #tpu.memory_space<vmem>> -> memref<40x128xf32, #tpu.memory_space<vmem>>
    %dma_wait3A_152 = arith.constant 0 : i32
    %dma_wait3A_153 = tpu.memref_slice %arg7[%dma_wait3A_148, %dma_wait3A_152] : memref<25x40xi32, #tpu.memory_space<vmem>> -> memref<1x40xi32, #tpu.memory_space<vmem>>
    %dma_wait3A_154 = tpu.memref_squeeze %dma_wait3A_153 : memref<1x40xi32, #tpu.memory_space<vmem>> -> memref<40xi32, #tpu.memory_space<vmem>>
    %dma_wait3A_155 = arith.constant 0 : i32
    %dma_wait3A_156 = arith.constant 0 : i32
    %dma_wait3A_157 = tpu.memref_slice %arg2[%dma_wait3A_155, %dma_wait3A_156] : memref<10240x128xf32, #tpu.memory_space<hbm>> -> memref<10240x128xf32, #tpu.memory_space<hbm>>
    tpu.wait_indirect_dma semaphore(%arg11 : memref<!tpu.dma_semaphore, #tpu.memory_space<semaphore_mem>>) src(%dma_wait3A_157 : memref<10240x128xf32, #tpu.memory_space<hbm>>) dst(%dma_wait3A_151 : memref<40x128xf32, #tpu.memory_space<vmem>>)
    %dma_wait3A_158 = arith.constant 22 : i32
    %dma_wait3A_159 = arith.constant 80 : i32
    %dma_wait3A_160 = arith.constant 0 : i32
    %dma_wait3A_161 = tpu.memref_slice %arg9[%dma_wait3A_159, %dma_wait3A_160] : memref<200x128xf32, #tpu.memory_space<vmem>> -> memref<40x128xf32, #tpu.memory_space<vmem>>
    %dma_wait3A_162 = arith.constant 0 : i32
    %dma_wait3A_163 = tpu.memref_slice %arg7[%dma_wait3A_158, %dma_wait3A_162] : memref<25x40xi32, #tpu.memory_space<vmem>> -> memref<1x40xi32, #tpu.memory_space<vmem>>
    %dma_wait3A_164 = tpu.memref_squeeze %dma_wait3A_163 : memref<1x40xi32, #tpu.memory_space<vmem>> -> memref<40xi32, #tpu.memory_space<vmem>>
    %dma_wait3A_165 = arith.constant 0 : i32
    %dma_wait3A_166 = arith.constant 0 : i32
    %dma_wait3A_167 = tpu.memref_slice %arg2[%dma_wait3A_165, %dma_wait3A_166] : memref<10240x128xf32, #tpu.memory_space<hbm>> -> memref<10240x128xf32, #tpu.memory_space<hbm>>
    tpu.wait_indirect_dma semaphore(%arg11 : memref<!tpu.dma_semaphore, #tpu.memory_space<semaphore_mem>>) src(%dma_wait3A_167 : memref<10240x128xf32, #tpu.memory_space<hbm>>) dst(%dma_wait3A_161 : memref<40x128xf32, #tpu.memory_space<vmem>>)
    %dma_wait3A_168 = arith.constant 23 : i32
    %dma_wait3A_169 = arith.constant 120 : i32
    %dma_wait3A_170 = arith.constant 0 : i32
    %dma_wait3A_171 = tpu.memref_slice %arg9[%dma_wait3A_169, %dma_wait3A_170] : memref<200x128xf32, #tpu.memory_space<vmem>> -> memref<40x128xf32, #tpu.memory_space<vmem>>
    %dma_wait3A_172 = arith.constant 0 : i32
    %dma_wait3A_173 = tpu.memref_slice %arg7[%dma_wait3A_168, %dma_wait3A_172] : memref<25x40xi32, #tpu.memory_space<vmem>> -> memref<1x40xi32, #tpu.memory_space<vmem>>
    %dma_wait3A_174 = tpu.memref_squeeze %dma_wait3A_173 : memref<1x40xi32, #tpu.memory_space<vmem>> -> memref<40xi32, #tpu.memory_space<vmem>>
    %dma_wait3A_175 = arith.constant 0 : i32
    %dma_wait3A_176 = arith.constant 0 : i32
    %dma_wait3A_177 = tpu.memref_slice %arg2[%dma_wait3A_175, %dma_wait3A_176] : memref<10240x128xf32, #tpu.memory_space<hbm>> -> memref<10240x128xf32, #tpu.memory_space<hbm>>
    tpu.wait_indirect_dma semaphore(%arg11 : memref<!tpu.dma_semaphore, #tpu.memory_space<semaphore_mem>>) src(%dma_wait3A_177 : memref<10240x128xf32, #tpu.memory_space<hbm>>) dst(%dma_wait3A_171 : memref<40x128xf32, #tpu.memory_space<vmem>>)
    %dma_wait3A_178 = arith.constant 24 : i32
    %dma_wait3A_179 = arith.constant 160 : i32
    %dma_wait3A_180 = arith.constant 0 : i32
    %dma_wait3A_181 = tpu.memref_slice %arg9[%dma_wait3A_179, %dma_wait3A_180] : memref<200x128xf32, #tpu.memory_space<vmem>> -> memref<40x128xf32, #tpu.memory_space<vmem>>
    %dma_wait3A_182 = arith.constant 0 : i32
    %dma_wait3A_183 = tpu.memref_slice %arg7[%dma_wait3A_178, %dma_wait3A_182] : memref<25x40xi32, #tpu.memory_space<vmem>> -> memref<1x40xi32, #tpu.memory_space<vmem>>
    %dma_wait3A_184 = tpu.memref_squeeze %dma_wait3A_183 : memref<1x40xi32, #tpu.memory_space<vmem>> -> memref<40xi32, #tpu.memory_space<vmem>>
    %dma_wait3A_185 = arith.constant 0 : i32
    %dma_wait3A_186 = arith.constant 0 : i32
    %dma_wait3A_187 = tpu.memref_slice %arg2[%dma_wait3A_185, %dma_wait3A_186] : memref<10240x128xf32, #tpu.memory_space<hbm>> -> memref<10240x128xf32, #tpu.memory_space<hbm>>
    tpu.wait_indirect_dma semaphore(%arg11 : memref<!tpu.dma_semaphore, #tpu.memory_space<semaphore_mem>>) src(%dma_wait3A_187 : memref<10240x128xf32, #tpu.memory_space<hbm>>) dst(%dma_wait3A_181 : memref<40x128xf32, #tpu.memory_space<vmem>>)
    %dma_start3A_188 = arith.constant 20 : i32
    %dma_start3A_189 = arith.constant 0 : i32
    %dma_start3A_190 = arith.constant 0 : i32
    %dma_start3A_191 = tpu.memref_slice %arg9[%dma_start3A_189, %dma_start3A_190] : memref<200x128xf32, #tpu.memory_space<vmem>> -> memref<40x128xf32, #tpu.memory_space<vmem>>
    %dma_start3A_192 = arith.constant 0 : i32
    %dma_start3A_193 = tpu.memref_slice %arg8[%dma_start3A_188, %dma_start3A_192] : memref<25x40xi32, #tpu.memory_space<vmem>> -> memref<1x40xi32, #tpu.memory_space<vmem>>
    %dma_start3A_194 = tpu.memref_squeeze %dma_start3A_193 : memref<1x40xi32, #tpu.memory_space<vmem>> -> memref<40xi32, #tpu.memory_space<vmem>>
    %dma_start3A_195 = arith.constant 0 : i32
    %dma_start3A_196 = arith.constant 0 : i32
    %dma_start3A_197 = tpu.memref_slice %arg3[%dma_start3A_195, %dma_start3A_196] : memref<10240x128xf32, #tpu.memory_space<hbm>> -> memref<10240x128xf32, #tpu.memory_space<hbm>>
    tpu.enqueue_indirect_dma source(%dma_start3A_197 : memref<10240x128xf32, #tpu.memory_space<hbm>>) target(%dma_start3A_191 : memref<40x128xf32, #tpu.memory_space<vmem>>) offsets(%dma_start3A_194 : memref<40xi32, #tpu.memory_space<vmem>>) semaphore(%arg13 : memref<!tpu.dma_semaphore, #tpu.memory_space<semaphore_mem>>) {add = true}
    %dma_start3A_198 = arith.constant 21 : i32
    %dma_start3A_199 = arith.constant 40 : i32
    %dma_start3A_200 = arith.constant 0 : i32
    %dma_start3A_201 = tpu.memref_slice %arg9[%dma_start3A_199, %dma_start3A_200] : memref<200x128xf32, #tpu.memory_space<vmem>> -> memref<40x128xf32, #tpu.memory_space<vmem>>
    %dma_start3A_202 = arith.constant 0 : i32
    %dma_start3A_203 = tpu.memref_slice %arg8[%dma_start3A_198, %dma_start3A_202] : memref<25x40xi32, #tpu.memory_space<vmem>> -> memref<1x40xi32, #tpu.memory_space<vmem>>
    %dma_start3A_204 = tpu.memref_squeeze %dma_start3A_203 : memref<1x40xi32, #tpu.memory_space<vmem>> -> memref<40xi32, #tpu.memory_space<vmem>>
    %dma_start3A_205 = arith.constant 0 : i32
    %dma_start3A_206 = arith.constant 0 : i32
    %dma_start3A_207 = tpu.memref_slice %arg3[%dma_start3A_205, %dma_start3A_206] : memref<10240x128xf32, #tpu.memory_space<hbm>> -> memref<10240x128xf32, #tpu.memory_space<hbm>>
    tpu.enqueue_indirect_dma source(%dma_start3A_207 : memref<10240x128xf32, #tpu.memory_space<hbm>>) target(%dma_start3A_201 : memref<40x128xf32, #tpu.memory_space<vmem>>) offsets(%dma_start3A_204 : memref<40xi32, #tpu.memory_space<vmem>>) semaphore(%arg13 : memref<!tpu.dma_semaphore, #tpu.memory_space<semaphore_mem>>) {add = true}
    %dma_start3A_208 = arith.constant 22 : i32
    %dma_start3A_209 = arith.constant 80 : i32
    %dma_start3A_210 = arith.constant 0 : i32
    %dma_start3A_211 = tpu.memref_slice %arg9[%dma_start3A_209, %dma_start3A_210] : memref<200x128xf32, #tpu.memory_space<vmem>> -> memref<40x128xf32, #tpu.memory_space<vmem>>
    %dma_start3A_212 = arith.constant 0 : i32
    %dma_start3A_213 = tpu.memref_slice %arg8[%dma_start3A_208, %dma_start3A_212] : memref<25x40xi32, #tpu.memory_space<vmem>> -> memref<1x40xi32, #tpu.memory_space<vmem>>
    %dma_start3A_214 = tpu.memref_squeeze %dma_start3A_213 : memref<1x40xi32, #tpu.memory_space<vmem>> -> memref<40xi32, #tpu.memory_space<vmem>>
    %dma_start3A_215 = arith.constant 0 : i32
    %dma_start3A_216 = arith.constant 0 : i32
    %dma_start3A_217 = tpu.memref_slice %arg3[%dma_start3A_215, %dma_start3A_216] : memref<10240x128xf32, #tpu.memory_space<hbm>> -> memref<10240x128xf32, #tpu.memory_space<hbm>>
    tpu.enqueue_indirect_dma source(%dma_start3A_217 : memref<10240x128xf32, #tpu.memory_space<hbm>>) target(%dma_start3A_211 : memref<40x128xf32, #tpu.memory_space<vmem>>) offsets(%dma_start3A_214 : memref<40xi32, #tpu.memory_space<vmem>>) semaphore(%arg13 : memref<!tpu.dma_semaphore, #tpu.memory_space<semaphore_mem>>) {add = true}
    %dma_start3A_218 = arith.constant 23 : i32
    %dma_start3A_219 = arith.constant 120 : i32
    %dma_start3A_220 = arith.constant 0 : i32
    %dma_start3A_221 = tpu.memref_slice %arg9[%dma_start3A_219, %dma_start3A_220] : memref<200x128xf32, #tpu.memory_space<vmem>> -> memref<40x128xf32, #tpu.memory_space<vmem>>
    %dma_start3A_222 = arith.constant 0 : i32
    %dma_start3A_223 = tpu.memref_slice %arg8[%dma_start3A_218, %dma_start3A_222] : memref<25x40xi32, #tpu.memory_space<vmem>> -> memref<1x40xi32, #tpu.memory_space<vmem>>
    %dma_start3A_224 = tpu.memref_squeeze %dma_start3A_223 : memref<1x40xi32, #tpu.memory_space<vmem>> -> memref<40xi32, #tpu.memory_space<vmem>>
    %dma_start3A_225 = arith.constant 0 : i32
    %dma_start3A_226 = arith.constant 0 : i32
    %dma_start3A_227 = tpu.memref_slice %arg3[%dma_start3A_225, %dma_start3A_226] : memref<10240x128xf32, #tpu.memory_space<hbm>> -> memref<10240x128xf32, #tpu.memory_space<hbm>>
    tpu.enqueue_indirect_dma source(%dma_start3A_227 : memref<10240x128xf32, #tpu.memory_space<hbm>>) target(%dma_start3A_221 : memref<40x128xf32, #tpu.memory_space<vmem>>) offsets(%dma_start3A_224 : memref<40xi32, #tpu.memory_space<vmem>>) semaphore(%arg13 : memref<!tpu.dma_semaphore, #tpu.memory_space<semaphore_mem>>) {add = true}
    %dma_start3A_228 = arith.constant 24 : i32
    %dma_start3A_229 = arith.constant 160 : i32
    %dma_start3A_230 = arith.constant 0 : i32
    %dma_start3A_231 = tpu.memref_slice %arg9[%dma_start3A_229, %dma_start3A_230] : memref<200x128xf32, #tpu.memory_space<vmem>> -> memref<40x128xf32, #tpu.memory_space<vmem>>
    %dma_start3A_232 = arith.constant 0 : i32
    %dma_start3A_233 = tpu.memref_slice %arg8[%dma_start3A_228, %dma_start3A_232] : memref<25x40xi32, #tpu.memory_space<vmem>> -> memref<1x40xi32, #tpu.memory_space<vmem>>
    %dma_start3A_234 = tpu.memref_squeeze %dma_start3A_233 : memref<1x40xi32, #tpu.memory_space<vmem>> -> memref<40xi32, #tpu.memory_space<vmem>>
    %dma_start3A_235 = arith.constant 0 : i32
    %dma_start3A_236 = arith.constant 0 : i32
    %dma_start3A_237 = tpu.memref_slice %arg3[%dma_start3A_235, %dma_start3A_236] : memref<10240x128xf32, #tpu.memory_space<hbm>> -> memref<10240x128xf32, #tpu.memory_space<hbm>>
    tpu.enqueue_indirect_dma source(%dma_start3A_237 : memref<10240x128xf32, #tpu.memory_space<hbm>>) target(%dma_start3A_231 : memref<40x128xf32, #tpu.memory_space<vmem>>) offsets(%dma_start3A_234 : memref<40xi32, #tpu.memory_space<vmem>>) semaphore(%arg13 : memref<!tpu.dma_semaphore, #tpu.memory_space<semaphore_mem>>) {add = true}
    %dma_wait3A_238 = arith.constant 20 : i32
    %dma_wait3A_239 = arith.constant 0 : i32
    %dma_wait3A_240 = arith.constant 0 : i32
    %dma_wait3A_241 = tpu.memref_slice %arg9[%dma_wait3A_239, %dma_wait3A_240] : memref<200x128xf32, #tpu.memory_space<vmem>> -> memref<40x128xf32, #tpu.memory_space<vmem>>
    %dma_wait3A_242 = arith.constant 0 : i32
    %dma_wait3A_243 = tpu.memref_slice %arg8[%dma_wait3A_238, %dma_wait3A_242] : memref<25x40xi32, #tpu.memory_space<vmem>> -> memref<1x40xi32, #tpu.memory_space<vmem>>
    %dma_wait3A_244 = tpu.memref_squeeze %dma_wait3A_243 : memref<1x40xi32, #tpu.memory_space<vmem>> -> memref<40xi32, #tpu.memory_space<vmem>>
    %dma_wait3A_245 = arith.constant 0 : i32
    %dma_wait3A_246 = arith.constant 0 : i32
    %dma_wait3A_247 = tpu.memref_slice %arg3[%dma_wait3A_245, %dma_wait3A_246] : memref<10240x128xf32, #tpu.memory_space<hbm>> -> memref<10240x128xf32, #tpu.memory_space<hbm>>
    tpu.wait_indirect_dma semaphore(%arg13 : memref<!tpu.dma_semaphore, #tpu.memory_space<semaphore_mem>>) src(%dma_wait3A_247 : memref<10240x128xf32, #tpu.memory_space<hbm>>) dst(%dma_wait3A_241 : memref<40x128xf32, #tpu.memory_space<vmem>>)
    %dma_wait3A_248 = arith.constant 21 : i32
    %dma_wait3A_249 = arith.constant 40 : i32
    %dma_wait3A_250 = arith.constant 0 : i32
    %dma_wait3A_251 = tpu.memref_slice %arg9[%dma_wait3A_249, %dma_wait3A_250] : memref<200x128xf32, #tpu.memory_space<vmem>> -> memref<40x128xf32, #tpu.memory_space<vmem>>
    %dma_wait3A_252 = arith.constant 0 : i32
    %dma_wait3A_253 = tpu.memref_slice %arg8[%dma_wait3A_248, %dma_wait3A_252] : memref<25x40xi32, #tpu.memory_space<vmem>> -> memref<1x40xi32, #tpu.memory_space<vmem>>
    %dma_wait3A_254 = tpu.memref_squeeze %dma_wait3A_253 : memref<1x40xi32, #tpu.memory_space<vmem>> -> memref<40xi32, #tpu.memory_space<vmem>>
    %dma_wait3A_255 = arith.constant 0 : i32
    %dma_wait3A_256 = arith.constant 0 : i32
    %dma_wait3A_257 = tpu.memref_slice %arg3[%dma_wait3A_255, %dma_wait3A_256] : memref<10240x128xf32, #tpu.memory_space<hbm>> -> memref<10240x128xf32, #tpu.memory_space<hbm>>
    tpu.wait_indirect_dma semaphore(%arg13 : memref<!tpu.dma_semaphore, #tpu.memory_space<semaphore_mem>>) src(%dma_wait3A_257 : memref<10240x128xf32, #tpu.memory_space<hbm>>) dst(%dma_wait3A_251 : memref<40x128xf32, #tpu.memory_space<vmem>>)
    %dma_wait3A_258 = arith.constant 22 : i32
    %dma_wait3A_259 = arith.constant 80 : i32
    %dma_wait3A_260 = arith.constant 0 : i32
    %dma_wait3A_261 = tpu.memref_slice %arg9[%dma_wait3A_259, %dma_wait3A_260] : memref<200x128xf32, #tpu.memory_space<vmem>> -> memref<40x128xf32, #tpu.memory_space<vmem>>
    %dma_wait3A_262 = arith.constant 0 : i32
    %dma_wait3A_263 = tpu.memref_slice %arg8[%dma_wait3A_258, %dma_wait3A_262] : memref<25x40xi32, #tpu.memory_space<vmem>> -> memref<1x40xi32, #tpu.memory_space<vmem>>
    %dma_wait3A_264 = tpu.memref_squeeze %dma_wait3A_263 : memref<1x40xi32, #tpu.memory_space<vmem>> -> memref<40xi32, #tpu.memory_space<vmem>>
    %dma_wait3A_265 = arith.constant 0 : i32
    %dma_wait3A_266 = arith.constant 0 : i32
    %dma_wait3A_267 = tpu.memref_slice %arg3[%dma_wait3A_265, %dma_wait3A_266] : memref<10240x128xf32, #tpu.memory_space<hbm>> -> memref<10240x128xf32, #tpu.memory_space<hbm>>
    tpu.wait_indirect_dma semaphore(%arg13 : memref<!tpu.dma_semaphore, #tpu.memory_space<semaphore_mem>>) src(%dma_wait3A_267 : memref<10240x128xf32, #tpu.memory_space<hbm>>) dst(%dma_wait3A_261 : memref<40x128xf32, #tpu.memory_space<vmem>>)
    %dma_wait3A_268 = arith.constant 23 : i32
    %dma_wait3A_269 = arith.constant 120 : i32
    %dma_wait3A_270 = arith.constant 0 : i32
    %dma_wait3A_271 = tpu.memref_slice %arg9[%dma_wait3A_269, %dma_wait3A_270] : memref<200x128xf32, #tpu.memory_space<vmem>> -> memref<40x128xf32, #tpu.memory_space<vmem>>
    %dma_wait3A_272 = arith.constant 0 : i32
    %dma_wait3A_273 = tpu.memref_slice %arg8[%dma_wait3A_268, %dma_wait3A_272] : memref<25x40xi32, #tpu.memory_space<vmem>> -> memref<1x40xi32, #tpu.memory_space<vmem>>
    %dma_wait3A_274 = tpu.memref_squeeze %dma_wait3A_273 : memref<1x40xi32, #tpu.memory_space<vmem>> -> memref<40xi32, #tpu.memory_space<vmem>>
    %dma_wait3A_275 = arith.constant 0 : i32
    %dma_wait3A_276 = arith.constant 0 : i32
    %dma_wait3A_277 = tpu.memref_slice %arg3[%dma_wait3A_275, %dma_wait3A_276] : memref<10240x128xf32, #tpu.memory_space<hbm>> -> memref<10240x128xf32, #tpu.memory_space<hbm>>
    tpu.wait_indirect_dma semaphore(%arg13 : memref<!tpu.dma_semaphore, #tpu.memory_space<semaphore_mem>>) src(%dma_wait3A_277 : memref<10240x128xf32, #tpu.memory_space<hbm>>) dst(%dma_wait3A_271 : memref<40x128xf32, #tpu.memory_space<vmem>>)
    %dma_wait3A_278 = arith.constant 24 : i32
    %dma_wait3A_279 = arith.constant 160 : i32
    %dma_wait3A_280 = arith.constant 0 : i32
    %dma_wait3A_281 = tpu.memref_slice %arg9[%dma_wait3A_279, %dma_wait3A_280] : memref<200x128xf32, #tpu.memory_space<vmem>> -> memref<40x128xf32, #tpu.memory_space<vmem>>
    %dma_wait3A_282 = arith.constant 0 : i32
    %dma_wait3A_283 = tpu.memref_slice %arg8[%dma_wait3A_278, %dma_wait3A_282] : memref<25x40xi32, #tpu.memory_space<vmem>> -> memref<1x40xi32, #tpu.memory_space<vmem>>
    %dma_wait3A_284 = tpu.memref_squeeze %dma_wait3A_283 : memref<1x40xi32, #tpu.memory_space<vmem>> -> memref<40xi32, #tpu.memory_space<vmem>>
    %dma_wait3A_285 = arith.constant 0 : i32
    %dma_wait3A_286 = arith.constant 0 : i32
    %dma_wait3A_287 = tpu.memref_slice %arg3[%dma_wait3A_285, %dma_wait3A_286] : memref<10240x128xf32, #tpu.memory_space<hbm>> -> memref<10240x128xf32, #tpu.memory_space<hbm>>
    tpu.wait_indirect_dma semaphore(%arg13 : memref<!tpu.dma_semaphore, #tpu.memory_space<semaphore_mem>>) src(%dma_wait3A_287 : memref<10240x128xf32, #tpu.memory_space<hbm>>) dst(%dma_wait3A_281 : memref<40x128xf32, #tpu.memory_space<vmem>>)
    %add3A_288 = arith.constant 800 : i32
    %add3A_289 = arith.addi %mul3A_32, %add3A_288 : i32
    "tpu.region"() ({
      %run_scoped3A = tpu.sem_alloc : memref<!tpu.dma_semaphore, #tpu.memory_space<semaphore_mem>>
      %dma_start3A_290 = arith.constant 0 : i32
      %dma_start3A_291 = tpu.memref_slice %arg6[%add3A_289, %dma_start3A_290] : memref<32000x128xf32, #tpu.memory_space<hbm>> -> memref<200x128xf32, #tpu.memory_space<hbm>>
      %dma_start3A_292 = arith.constant 0 : i32
      %dma_start3A_293 = tpu.memref_slice %arg6[%add3A_289, %dma_start3A_292] : memref<32000x128xf32, #tpu.memory_space<hbm>> -> memref<200x128xf32, #tpu.memory_space<hbm>>
      tpu.enqueue_dma source(%arg9 : memref<200x128xf32, #tpu.memory_space<vmem>>) target(%dma_start3A_293 : memref<200x128xf32, #tpu.memory_space<hbm>>) target_semaphore(%run_scoped3A : memref<!tpu.dma_semaphore, #tpu.memory_space<semaphore_mem>>)
      %dma_wait3A_294 = arith.constant 0 : i32
      %dma_wait3A_295 = tpu.memref_slice %arg6[%add3A_289, %dma_wait3A_294] : memref<32000x128xf32, #tpu.memory_space<hbm>> -> memref<200x128xf32, #tpu.memory_space<hbm>>
      %dma_wait3A_296 = arith.constant 0 : i32
      %dma_wait3A_297 = tpu.memref_slice %arg6[%add3A_289, %dma_wait3A_296] : memref<32000x128xf32, #tpu.memory_space<hbm>> -> memref<200x128xf32, #tpu.memory_space<hbm>>
      tpu.wait_dma2 semaphore(%run_scoped3A : memref<!tpu.dma_semaphore, #tpu.memory_space<semaphore_mem>>) src(%arg9 : memref<200x128xf32, #tpu.memory_space<vmem>>) dst(%dma_wait3A_297 : memref<200x128xf32, #tpu.memory_space<hbm>>)
      tpu.yield
    }) : () -> ()
    return
  }
}

module attributes {stable_mosaic.version = 14 : i64} {
  func.func @_layer1_body(%arg0: memref<2x10240x128xf32, #tpu.memory_space<vmem>>, %arg1: memref<2x10240x128xf32, #tpu.memory_space<vmem>>, %arg2: memref<128x128xf32, #tpu.memory_space<vmem>>, %arg3: memref<1x128xf32, #tpu.memory_space<vmem>>, %arg4: memref<10240x128xf32, #tpu.memory_space<vmem>>) attributes {dimension_semantics = [], scalar_prefetch = 0 : i64, scratch_operands = 0 : i64, tpu.core_type = #tpu.core_type<tc>} {
    %get3A = arith.constant 0 : index
    %get3A_0 = arith.constant 0 : index
    %get3A_1 = arith.constant 0 : index
    %get3A_2 = vector.load %arg1[%get3A, %get3A_0, %get3A_1] : memref<2x10240x128xf32, #tpu.memory_space<vmem>>, vector<1x10240x1xf32>
    %get3A_3 = vector.shape_cast %get3A_2 : vector<1x10240x1xf32> to vector<10240x1xf32>
    %get3A_4 = arith.constant 1 : index
    %get3A_5 = arith.constant 0 : index
    %get3A_6 = arith.constant 0 : index
    %get3A_7 = vector.load %arg1[%get3A_4, %get3A_5, %get3A_6] : memref<2x10240x128xf32, #tpu.memory_space<vmem>>, vector<1x10240x1xf32>
    %get3A_8 = vector.shape_cast %get3A_7 : vector<1x10240x1xf32> to vector<10240x1xf32>
    %add3A = arith.addf %get3A_3, %get3A_8 : vector<10240x1xf32>
    %max3A = arith.constant 1.000000e+00 : f32
    %max3A_9 = vector.broadcast %max3A : f32 to vector<10240x1xf32>
    %max3A_10 = arith.maximumf %add3A, %max3A_9 : vector<10240x1xf32>
    %get3A_11 = arith.constant 0 : index
    %get3A_12 = arith.constant 0 : index
    %get3A_13 = arith.constant 0 : index
    %get3A_14 = vector.load %arg0[%get3A_11, %get3A_12, %get3A_13] : memref<2x10240x128xf32, #tpu.memory_space<vmem>>, vector<1x10240x128xf32>
    %get3A_15 = vector.shape_cast %get3A_14 : vector<1x10240x128xf32> to vector<10240x128xf32>
    %get3A_16 = arith.constant 1 : index
    %get3A_17 = arith.constant 0 : index
    %get3A_18 = arith.constant 0 : index
    %get3A_19 = vector.load %arg0[%get3A_16, %get3A_17, %get3A_18] : memref<2x10240x128xf32, #tpu.memory_space<vmem>>, vector<1x10240x128xf32>
    %get3A_20 = vector.shape_cast %get3A_19 : vector<1x10240x128xf32> to vector<10240x128xf32>
    %add3A_21 = arith.addf %get3A_15, %get3A_20 : vector<10240x128xf32>
    %div3A = vector.broadcast %max3A_10 : vector<10240x1xf32> to vector<10240x128xf32>
    %div3A_22 = arith.divf %add3A_21, %div3A : vector<10240x128xf32>
    %get3A_23 = arith.constant 0 : index
    %get3A_24 = arith.constant 0 : index
    %get3A_25 = vector.load %arg2[%get3A_23, %get3A_24] : memref<128x128xf32, #tpu.memory_space<vmem>>, vector<128x128xf32>
    %dot_general3A = arith.constant dense<0.000000e+00> : vector<10240x128xf32>
    %dot_general3A_26 = tpu.matmul %div3A_22, %get3A_25, %dot_general3A {dimension_numbers = #tpu.dot_dimension_numbers<[1], [0], [0], [1], [0, 0, 1, 1], [], []>, transpose_lhs_hint = false} : vector<10240x128xf32>, vector<128x128xf32>, vector<10240x128xf32> -> vector<10240x128xf32>
    %get3A_27 = arith.constant 0 : index
    %get3A_28 = arith.constant 0 : index
    %get3A_29 = vector.load %arg3[%get3A_27, %get3A_28] : memref<1x128xf32, #tpu.memory_space<vmem>>, vector<1x128xf32>
    %add3A_30 = vector.broadcast %get3A_29 : vector<1x128xf32> to vector<10240x128xf32>
    %add3A_31 = arith.addf %dot_general3A_26, %add3A_30 : vector<10240x128xf32>
    %max3A_32 = arith.constant 0.000000e+00 : f32
    %max3A_33 = vector.broadcast %max3A_32 : f32 to vector<10240x128xf32>
    %max3A_34 = arith.maximumf %add3A_31, %max3A_33 : vector<10240x128xf32>
    %swap3A = arith.constant 0 : index
    %swap3A_35 = arith.constant 0 : index
    %swap3A_36 = vector.load %arg4[%swap3A, %swap3A_35] : memref<10240x128xf32, #tpu.memory_space<vmem>>, vector<10240x128xf32>
    tpu.vector_store %arg4[%swap3A, %swap3A_35], %max3A_34 {strides = array<i32>} : memref<10240x128xf32, #tpu.memory_space<vmem>>, vector<10240x128xf32>,
    return
  }
}

module attributes {stable_mosaic.version = 14 : i64} {
  func.func @_layer2_body(%arg0: memref<2x10240x128xf32, #tpu.memory_space<vmem>>, %arg1: memref<2x10240x128xf32, #tpu.memory_space<vmem>>, %arg2: memref<128x128xf32, #tpu.memory_space<vmem>>, %arg3: memref<1x128xf32, #tpu.memory_space<vmem>>, %arg4: memref<128x128xf32, #tpu.memory_space<vmem>>, %arg5: memref<1x128xf32, #tpu.memory_space<vmem>>, %arg6: memref<128x128xf32, #tpu.memory_space<vmem>>, %arg7: memref<10240x128xf32, #tpu.memory_space<vmem>>, %arg8: memref<10240x128xf32, #tpu.memory_space<vmem>>) attributes {dimension_semantics = [], scalar_prefetch = 0 : i64, scratch_operands = 0 : i64, tpu.core_type = #tpu.core_type<tc>} {
    %get3A = arith.constant 0 : index
    %get3A_0 = arith.constant 0 : index
    %get3A_1 = arith.constant 0 : index
    %get3A_2 = vector.load %arg1[%get3A, %get3A_0, %get3A_1] : memref<2x10240x128xf32, #tpu.memory_space<vmem>>, vector<1x10240x1xf32>
    %get3A_3 = vector.shape_cast %get3A_2 : vector<1x10240x1xf32> to vector<10240x1xf32>
    %get3A_4 = arith.constant 1 : index
    %get3A_5 = arith.constant 0 : index
    %get3A_6 = arith.constant 0 : index
    %get3A_7 = vector.load %arg1[%get3A_4, %get3A_5, %get3A_6] : memref<2x10240x128xf32, #tpu.memory_space<vmem>>, vector<1x10240x1xf32>
    %get3A_8 = vector.shape_cast %get3A_7 : vector<1x10240x1xf32> to vector<10240x1xf32>
    %add3A = arith.addf %get3A_3, %get3A_8 : vector<10240x1xf32>
    %max3A = arith.constant 1.000000e+00 : f32
    %max3A_9 = vector.broadcast %max3A : f32 to vector<10240x1xf32>
    %max3A_10 = arith.maximumf %add3A, %max3A_9 : vector<10240x1xf32>
    %get3A_11 = arith.constant 0 : index
    %get3A_12 = arith.constant 0 : index
    %get3A_13 = arith.constant 0 : index
    %get3A_14 = vector.load %arg0[%get3A_11, %get3A_12, %get3A_13] : memref<2x10240x128xf32, #tpu.memory_space<vmem>>, vector<1x10240x128xf32>
    %get3A_15 = vector.shape_cast %get3A_14 : vector<1x10240x128xf32> to vector<10240x128xf32>
    %get3A_16 = arith.constant 1 : index
    %get3A_17 = arith.constant 0 : index
    %get3A_18 = arith.constant 0 : index
    %get3A_19 = vector.load %arg0[%get3A_16, %get3A_17, %get3A_18] : memref<2x10240x128xf32, #tpu.memory_space<vmem>>, vector<1x10240x128xf32>
    %get3A_20 = vector.shape_cast %get3A_19 : vector<1x10240x128xf32> to vector<10240x128xf32>
    %add3A_21 = arith.addf %get3A_15, %get3A_20 : vector<10240x128xf32>
    %div3A = vector.broadcast %max3A_10 : vector<10240x1xf32> to vector<10240x128xf32>
    %div3A_22 = arith.divf %add3A_21, %div3A : vector<10240x128xf32>
    %get3A_23 = arith.constant 0 : index
    %get3A_24 = arith.constant 0 : index
    %get3A_25 = vector.load %arg2[%get3A_23, %get3A_24] : memref<128x128xf32, #tpu.memory_space<vmem>>, vector<128x128xf32>
    %dot_general3A = arith.constant dense<0.000000e+00> : vector<10240x128xf32>
    %dot_general3A_26 = tpu.matmul %div3A_22, %get3A_25, %dot_general3A {dimension_numbers = #tpu.dot_dimension_numbers<[1], [0], [0], [1], [0, 0, 1, 1], [], []>, transpose_lhs_hint = false} : vector<10240x128xf32>, vector<128x128xf32>, vector<10240x128xf32> -> vector<10240x128xf32>
    %get3A_27 = arith.constant 0 : index
    %get3A_28 = arith.constant 0 : index
    %get3A_29 = vector.load %arg3[%get3A_27, %get3A_28] : memref<1x128xf32, #tpu.memory_space<vmem>>, vector<1x128xf32>
    %add3A_30 = vector.broadcast %get3A_29 : vector<1x128xf32> to vector<10240x128xf32>
    %add3A_31 = arith.addf %dot_general3A_26, %add3A_30 : vector<10240x128xf32>
    %get3A_32 = arith.constant 0 : index
    %get3A_33 = arith.constant 0 : index
    %get3A_34 = vector.load %arg4[%get3A_32, %get3A_33] : memref<128x128xf32, #tpu.memory_space<vmem>>, vector<128x128xf32>
    %dot_general3A_35 = arith.constant dense<0.000000e+00> : vector<10240x128xf32>
    %dot_general3A_36 = tpu.matmul %add3A_31, %get3A_34, %dot_general3A_35 {dimension_numbers = #tpu.dot_dimension_numbers<[1], [0], [0], [1], [0, 0, 1, 1], [], []>, transpose_lhs_hint = false} : vector<10240x128xf32>, vector<128x128xf32>, vector<10240x128xf32> -> vector<10240x128xf32>
    %get3A_37 = arith.constant 0 : index
    %get3A_38 = arith.constant 0 : index
    %get3A_39 = vector.load %arg5[%get3A_37, %get3A_38] : memref<1x128xf32, #tpu.memory_space<vmem>>, vector<1x128xf32>
    %add3A_40 = vector.broadcast %get3A_39 : vector<1x128xf32> to vector<10240x128xf32>
    %add3A_41 = arith.addf %dot_general3A_36, %add3A_40 : vector<10240x128xf32>
    %swap3A = arith.constant 0 : index
    %swap3A_42 = arith.constant 0 : index
    %swap3A_43 = vector.load %arg7[%swap3A, %swap3A_42] : memref<10240x128xf32, #tpu.memory_space<vmem>>, vector<10240x128xf32>
    tpu.vector_store %arg7[%swap3A, %swap3A_42], %add3A_41 {strides = array<i32>} : memref<10240x128xf32, #tpu.memory_space<vmem>>, vector<10240x128xf32>,
    %get3A_44 = arith.constant 0 : index
    %get3A_45 = arith.constant 0 : index
    %get3A_46 = vector.load %arg6[%get3A_44, %get3A_45] : memref<128x128xf32, #tpu.memory_space<vmem>>, vector<128x128xf32>
    %dot_general3A_47 = arith.constant dense<0.000000e+00> : vector<10240x128xf32>
    %dot_general3A_48 = tpu.matmul %add3A_31, %get3A_46, %dot_general3A_47 {dimension_numbers = #tpu.dot_dimension_numbers<[1], [0], [0], [1], [0, 0, 1, 1], [], []>, transpose_lhs_hint = false} : vector<10240x128xf32>, vector<128x128xf32>, vector<10240x128xf32> -> vector<10240x128xf32>
    %swap3A_49 = arith.constant 0 : index
    %swap3A_50 = arith.constant 0 : index
    %swap3A_51 = vector.load %arg8[%swap3A_49, %swap3A_50] : memref<10240x128xf32, #tpu.memory_space<vmem>>, vector<10240x128xf32>
    tpu.vector_store %arg8[%swap3A_49, %swap3A_50], %dot_general3A_48 {strides = array<i32>} : memref<10240x128xf32, #tpu.memory_space<vmem>>, vector<10240x128xf32>,
    return
  }
}

module attributes {stable_mosaic.version = 14 : i64} {
  func.func @body(%arg0: i32, %arg1: memref<1600x128xf32, #tpu.memory_space<vmem>>, %arg2: memref<128x128xf32, #tpu.memory_space<vmem>>, %arg3: memref<1x128xf32, #tpu.memory_space<vmem>>, %arg4: memref<1600x128xf32, #tpu.memory_space<vmem>>) attributes {dimension_semantics = [#tpu.dimension_semantics<arbitrary>], iteration_bounds = array<i64: 40>, scalar_prefetch = 0 : i64, scratch_operands = 0 : i64, tpu.core_type = #tpu.core_type<tc>, window_params = [{transform_indices = @transform_0, window_bounds = array<i64: 1600, 128>}, {pipeline_mode = #tpu.pipeline_mode<synchronous>, transform_indices = @transform_1, window_bounds = array<i64: 128, 128>}, {pipeline_mode = #tpu.pipeline_mode<synchronous>, transform_indices = @transform_2, window_bounds = array<i64: 1, 128>}, {transform_indices = @transform_3, window_bounds = array<i64: 1600, 128>}]} {
    %get3A = arith.constant 0 : index
    %get3A_0 = arith.constant 0 : index
    %get3A_1 = vector.load %arg1[%get3A, %get3A_0] : memref<1600x128xf32, #tpu.memory_space<vmem>>, vector<1600x128xf32>
    %max3A = arith.constant 0.000000e+00 : f32
    %max3A_2 = vector.broadcast %max3A : f32 to vector<1600x128xf32>
    %max3A_3 = arith.maximumf %get3A_1, %max3A_2 : vector<1600x128xf32>
    %get3A_4 = arith.constant 0 : index
    %get3A_5 = arith.constant 0 : index
    %get3A_6 = vector.load %arg2[%get3A_4, %get3A_5] : memref<128x128xf32, #tpu.memory_space<vmem>>, vector<128x128xf32>
    %dot_general3A = arith.constant dense<0.000000e+00> : vector<1600x128xf32>
    %dot_general3A_7 = tpu.matmul %max3A_3, %get3A_6, %dot_general3A {dimension_numbers = #tpu.dot_dimension_numbers<[1], [0], [0], [1], [0, 0, 1, 1], [], []>, transpose_lhs_hint = false} : vector<1600x128xf32>, vector<128x128xf32>, vector<1600x128xf32> -> vector<1600x128xf32>
    %get3A_8 = arith.constant 0 : index
    %get3A_9 = arith.constant 0 : index
    %get3A_10 = vector.load %arg3[%get3A_8, %get3A_9] : memref<1x128xf32, #tpu.memory_space<vmem>>, vector<1x128xf32>
    %add3A = vector.broadcast %get3A_10 : vector<1x128xf32> to vector<1600x128xf32>
    %add3A_11 = arith.addf %dot_general3A_7, %add3A : vector<1600x128xf32>
    %swap3A = arith.constant 0 : index
    %swap3A_12 = arith.constant 0 : index
    %swap3A_13 = vector.load %arg4[%swap3A, %swap3A_12] : memref<1600x128xf32, #tpu.memory_space<vmem>>, vector<1600x128xf32>
    tpu.vector_store %arg4[%swap3A, %swap3A_12], %add3A_11 {strides = array<i32>} : memref<1600x128xf32, #tpu.memory_space<vmem>>, vector<1600x128xf32>,
    return
  }
  func.func @transform_0(%arg0: i32) -> (i32, i32) {
    %c0_i32 = arith.constant 0 : i32
    %c0_i32_0 = arith.constant 0 : i32
    return %arg0, %c0_i32 : i32, i32
  }
  func.func @transform_1(%arg0: i32) -> (i32, i32) {
    %c0_i32 = arith.constant 0 : i32
    %c0_i32_0 = arith.constant 0 : i32
    %c0_i32_1 = arith.constant 0 : i32
    return %c0_i32, %c0_i32_0 : i32, i32
  }
  func.func @transform_2(%arg0: i32) -> (i32, i32) {
    %c0_i32 = arith.constant 0 : i32
    %c0_i32_0 = arith.constant 0 : i32
    %c0_i32_1 = arith.constant 0 : i32
    return %c0_i32, %c0_i32_0 : i32, i32
  }
  func.func @transform_3(%arg0: i32) -> (i32, i32) {
    %add3A = arith.constant 0 : i32
    %add3A_0 = arith.addi %add3A, %arg0 : i32
    %c0_i32 = arith.constant 0 : i32
    %c0_i32_1 = arith.constant 0 : i32
    return %add3A_0, %c0_i32 : i32, i32
  }
}

module attributes {stable_mosaic.version = 14 : i64} {
  func.func @body(%arg0: i32, %arg1: memref<1600x128xf32, #tpu.memory_space<vmem>>, %arg2: memref<128x128xf32, #tpu.memory_space<vmem>>, %arg3: memref<1x128xf32, #tpu.memory_space<vmem>>, %arg4: memref<160000x128xf32, #tpu.memory_space<any>>, %arg5: memref<1600x128xf32, #tpu.memory_space<vmem>>) attributes {dimension_semantics = [#tpu.dimension_semantics<arbitrary>], iteration_bounds = array<i64: 40>, scalar_prefetch = 0 : i64, scratch_operands = 0 : i64, tpu.core_type = #tpu.core_type<tc>, window_params = [{transform_indices = @transform_0, window_bounds = array<i64: 1600, 128>}, {pipeline_mode = #tpu.pipeline_mode<synchronous>, transform_indices = @transform_1, window_bounds = array<i64: 128, 128>}, {pipeline_mode = #tpu.pipeline_mode<synchronous>, transform_indices = @transform_2, window_bounds = array<i64: 1, 128>}, {}, {transform_indices = @transform_4, window_bounds = array<i64: 1600, 128>}]} {
    %get3A = arith.constant 0 : index
    %get3A_0 = arith.constant 0 : index
    %get3A_1 = vector.load %arg1[%get3A, %get3A_0] : memref<1600x128xf32, #tpu.memory_space<vmem>>, vector<1600x128xf32>
    %max3A = arith.constant 0.000000e+00 : f32
    %max3A_2 = vector.broadcast %max3A : f32 to vector<1600x128xf32>
    %max3A_3 = arith.maximumf %get3A_1, %max3A_2 : vector<1600x128xf32>
    %get3A_4 = arith.constant 0 : index
    %get3A_5 = arith.constant 0 : index
    %get3A_6 = vector.load %arg2[%get3A_4, %get3A_5] : memref<128x128xf32, #tpu.memory_space<vmem>>, vector<128x128xf32>
    %dot_general3A = arith.constant dense<0.000000e+00> : vector<1600x128xf32>
    %dot_general3A_7 = tpu.matmul %max3A_3, %get3A_6, %dot_general3A {dimension_numbers = #tpu.dot_dimension_numbers<[1], [0], [0], [1], [0, 0, 1, 1], [], []>, transpose_lhs_hint = false} : vector<1600x128xf32>, vector<128x128xf32>, vector<1600x128xf32> -> vector<1600x128xf32>
    %get3A_8 = arith.constant 0 : index
    %get3A_9 = arith.constant 0 : index
    %get3A_10 = vector.load %arg3[%get3A_8, %get3A_9] : memref<1x128xf32, #tpu.memory_space<vmem>>, vector<1x128xf32>
    %add3A = vector.broadcast %get3A_10 : vector<1x128xf32> to vector<1600x128xf32>
    %add3A_11 = arith.addf %dot_general3A_7, %add3A : vector<1600x128xf32>
    %swap3A = arith.constant 0 : index
    %swap3A_12 = arith.constant 0 : index
    %swap3A_13 = vector.load %arg5[%swap3A, %swap3A_12] : memref<1600x128xf32, #tpu.memory_space<vmem>>, vector<1600x128xf32>
    tpu.vector_store %arg5[%swap3A, %swap3A_12], %add3A_11 {strides = array<i32>} : memref<1600x128xf32, #tpu.memory_space<vmem>>, vector<1600x128xf32>,
    return
  }
  func.func @transform_0(%arg0: i32) -> (i32, i32) {
    %c0_i32 = arith.constant 0 : i32
    %c0_i32_0 = arith.constant 0 : i32
    return %arg0, %c0_i32 : i32, i32
  }
  func.func @transform_1(%arg0: i32) -> (i32, i32) {
    %c0_i32 = arith.constant 0 : i32
    %c0_i32_0 = arith.constant 0 : i32
    %c0_i32_1 = arith.constant 0 : i32
    return %c0_i32, %c0_i32_0 : i32, i32
  }
  func.func @transform_2(%arg0: i32) -> (i32, i32) {
    %c0_i32 = arith.constant 0 : i32
    %c0_i32_0 = arith.constant 0 : i32
    %c0_i32_1 = arith.constant 0 : i32
    return %c0_i32, %c0_i32_0 : i32, i32
  }
  func.func @transform_4(%arg0: i32) -> (i32, i32) {
    %add3A = arith.constant 40 : i32
    %add3A_0 = arith.addi %add3A, %arg0 : i32
    %c0_i32 = arith.constant 0 : i32
    %c0_i32_1 = arith.constant 0 : i32
    return %add3A_0, %c0_i32 : i32, i32
  }
}

module attributes {stable_mosaic.version = 14 : i64} {
  func.func @body(%arg0: i32, %arg1: memref<1600x128xf32, #tpu.memory_space<vmem>>, %arg2: memref<128x128xf32, #tpu.memory_space<vmem>>, %arg3: memref<1x128xf32, #tpu.memory_space<vmem>>, %arg4: memref<160000x128xf32, #tpu.memory_space<any>>, %arg5: memref<1600x128xf32, #tpu.memory_space<vmem>>) attributes {dimension_semantics = [#tpu.dimension_semantics<arbitrary>], iteration_bounds = array<i64: 20>, scalar_prefetch = 0 : i64, scratch_operands = 0 : i64, tpu.core_type = #tpu.core_type<tc>, window_params = [{transform_indices = @transform_0, window_bounds = array<i64: 1600, 128>}, {pipeline_mode = #tpu.pipeline_mode<synchronous>, transform_indices = @transform_1, window_bounds = array<i64: 128, 128>}, {pipeline_mode = #tpu.pipeline_mode<synchronous>, transform_indices = @transform_2, window_bounds = array<i64: 1, 128>}, {}, {transform_indices = @transform_4, window_bounds = array<i64: 1600, 128>}]} {
    %get3A = arith.constant 0 : index
    %get3A_0 = arith.constant 0 : index
    %get3A_1 = vector.load %arg1[%get3A, %get3A_0] : memref<1600x128xf32, #tpu.memory_space<vmem>>, vector<1600x128xf32>
    %max3A = arith.constant 0.000000e+00 : f32
    %max3A_2 = vector.broadcast %max3A : f32 to vector<1600x128xf32>
    %max3A_3 = arith.maximumf %get3A_1, %max3A_2 : vector<1600x128xf32>
    %get3A_4 = arith.constant 0 : index
    %get3A_5 = arith.constant 0 : index
    %get3A_6 = vector.load %arg2[%get3A_4, %get3A_5] : memref<128x128xf32, #tpu.memory_space<vmem>>, vector<128x128xf32>
    %dot_general3A = arith.constant dense<0.000000e+00> : vector<1600x128xf32>
    %dot_general3A_7 = tpu.matmul %max3A_3, %get3A_6, %dot_general3A {dimension_numbers = #tpu.dot_dimension_numbers<[1], [0], [0], [1], [0, 0, 1, 1], [], []>, transpose_lhs_hint = false} : vector<1600x128xf32>, vector<128x128xf32>, vector<1600x128xf32> -> vector<1600x128xf32>
    %get3A_8 = arith.constant 0 : index
    %get3A_9 = arith.constant 0 : index
    %get3A_10 = vector.load %arg3[%get3A_8, %get3A_9] : memref<1x128xf32, #tpu.memory_space<vmem>>, vector<1x128xf32>
    %add3A = vector.broadcast %get3A_10 : vector<1x128xf32> to vector<1600x128xf32>
    %add3A_11 = arith.addf %dot_general3A_7, %add3A : vector<1600x128xf32>
    %swap3A = arith.constant 0 : index
    %swap3A_12 = arith.constant 0 : index
    %swap3A_13 = vector.load %arg5[%swap3A, %swap3A_12] : memref<1600x128xf32, #tpu.memory_space<vmem>>, vector<1600x128xf32>
    tpu.vector_store %arg5[%swap3A, %swap3A_12], %add3A_11 {strides = array<i32>} : memref<1600x128xf32, #tpu.memory_space<vmem>>, vector<1600x128xf32>,
    return
  }
  func.func @transform_0(%arg0: i32) -> (i32, i32) {
    %c0_i32 = arith.constant 0 : i32
    %c0_i32_0 = arith.constant 0 : i32
    return %arg0, %c0_i32 : i32, i32
  }
  func.func @transform_1(%arg0: i32) -> (i32, i32) {
    %c0_i32 = arith.constant 0 : i32
    %c0_i32_0 = arith.constant 0 : i32
    %c0_i32_1 = arith.constant 0 : i32
    return %c0_i32, %c0_i32_0 : i32, i32
  }
  func.func @transform_2(%arg0: i32) -> (i32, i32) {
    %c0_i32 = arith.constant 0 : i32
    %c0_i32_0 = arith.constant 0 : i32
    %c0_i32_1 = arith.constant 0 : i32
    return %c0_i32, %c0_i32_0 : i32, i32
  }
  func.func @transform_4(%arg0: i32) -> (i32, i32) {
    %add3A = arith.constant 80 : i32
    %add3A_0 = arith.addi %add3A, %arg0 : i32
    %c0_i32 = arith.constant 0 : i32
    %c0_i32_1 = arith.constant 0 : i32
    return %add3A_0, %c0_i32 : i32, i32
  }
}

</mosaic_0001>

<sc_bundles>
// kernel: kernel.13.cloned.1.call-start
scs
__scs_entry_jumppad:
0x0: {  	(pc) =	sbr.rel $0x88, $3  }
0x1: {  	(tag) =	ssettag $0x0;
	lr =	simm.s32 $0x1  }
0x2: {  	[smem:$0x3F97] =	sst lr;
	_ =	strace $0xD0000000  }
0x3: {  	_ = 	snop  }
0x4: {  	_ = 	snop  }
0x5: {  	_ = 	snop  }
0x6: {  	_ = 	snop  }
0x7: {  	_ = 	snop  }
__scs_overlays_trampoline_lowered:
0x8: {  	[smem:$0x3FA6] =	sst s0  }
0x9: {  	[smem:$0x3FA7] =	sst s1  }
0xa: {  	[smem:$0x3FA8] =	sst s2  }
0xb: {  	[smem:$0x3FA9] =	sst s3  }
0xc: {  	[smem:$0x3FAA] =	sst s4  }
0xd: {  	[smem:$0x3FAB] =	sst s5  }
0xe: {  	[smem:$0x3FAC] =	sst s6  }
0xf: {  	[smem:$0x3FAD] =	sst s7  }
0x10: {  	[smem:$0x3FAE] =	sst s8  }
0x11: {  	[smem:$0x3FAF] =	sst s9;
	s0 =	simm.s32 @!p0 $0x0  }
0x12: {  	s1 =	sld [smem:$0x3F95];
	s0 =	simm.s32 @p0 $0x1  }
0x13: {  	[smem:$0x3FB0] =	sst s0;
	s0 =	simm.s32 @!p1 $0x0  }
0x14: {  	s2 =	sld [smem:$0x3F94];
	s0 =	simm.s32 @p1 $0x1  }
0x15: {  	[smem:$0x3FB1] =	sst s0;
	s0 =	simm.s32 @!p2 $0x0  }
0x16: {  	s3 =	sld [smem:$0x3FDB];
	s0 =	simm.s32 @p2 $0x1  }
0x17: {  	s4 =	simm.s32 $0x1BF5;
	[smem:$0x3FB3] =	sst s0  }
0x18: {  	s0 =	sld [smem:$0x3F96];
	_ =	swait.ge [sflag:s4], $0x0  }
0x19: {  	s7 =	sld [smem:$0x3F97]  }
0x1a: {  	s8 =	sadd.s32 $0xFFFFE003, lr  }
0x1b: {  	s9 =	sadd.s32 $0xFFFFFEF7, lr;
	s5 =	simm.s32 $0xFFFFFFFF;
	p2 =	slt.u32 s8, $0xFFFFF086  }
0x1c: {  	p1 =	slt.u32 s9, $0xF7A;
	s5 =	simm.s32 @!p2 $0x0  }
0x1d: {  	s5 =	simm.s32 @p1 $0x1;
	p0 =	seq.s32 s7, s2  }
0x1e: {  	s7 =	smul.u32 @!p0 $0xF7A, s2;
	p2 =	seq.s32 @!p0 s5, $0x0  }
0x1f: {  	s9 =	smul.u32 $0xF7A, s1;
	s8 =	simm.s32 @!p0 $0x1BF5;
	p2 =	por !p2, p0  }
0x20: {  	[sflag:s8] =	ssyncset.s32 @!p0 $0xFFFFF086;
	s6 =	sadd.s32 @!p0 s3, s7;
	s7 =	simm.s32 @!p0 $0x108  }
0x21: {  	s3 =	sadd.s32 s3, s9;
	s6 =	sadd.s32 @!p0 $0x88, s6;
	s7 =	simm.s32 @p2 $0x1082  }
0x22: {  	[simem:s7], [sflag:s8] =	dma.local @!p0 [hbm:s6], $0xF7A  }
0x23: {  	s9 =	sor.u32 $0xD0000000, s2;
	s6 =	simm.s32 $0x108;
	_ =	swait.ge @!p0 [sflag:s8], $0x0  }
0x24: {  	s3 =	sadd.s32 $0x88, s3;
	s6 =	simm.s32 @!p1 $0x1082;
	[sflag:s4] =	ssyncset.s32 $0xFFFFF086  }
0x25: {  	[simem:s6], [sflag:s4] =	dma.local [hbm:s3], $0xF7A  }
0x26: {  	[smem:$0x3F97] =	sst s1;
	(tag) =	ssettag s2;
	_ =	strace s9  }
0x27: {  	s1 =	sld [smem:$0x3FA7]  }
0x28: {  	s2 =	sld [smem:$0x3FA8]  }
0x29: {  	s4 =	sld [smem:$0x3FAA]  }
0x2a: {  	p0 =	seq.s32 s5, $0x0;
	s5 =	sld [smem:$0x3FAB]  }
0x2b: {  	s6 =	sld [smem:$0x3FAC]  }
0x2c: {  	s7 =	sld [smem:$0x3FAD]  }
0x2d: {  	s3 =	simm.s32 $0x108;
	s8 =	sld [smem:$0x3FAE]  }
0x2e: {  	s3 =	simm.s32 @!p0 $0x1082;
	s9 =	sld [smem:$0x3FAF]  }
0x2f: {  	lr =	sadd.s32 s0, s3;
	s0 =	sld [smem:$0x3FA6]  }
0x30: {  	s3 =	sld [smem:$0x3FA9]  }
0x31: {  	[smem:$0x3FB2] =	sst s10  }
0x32: {  	s10 =	sld [smem:$0x3FB0];
	_ =	sdelay $0x3  }
0x33: {  	p0 =	seq.s32 s10, $0x1;
	s10 =	sld [smem:$0x3FB2];
	_ =	sdelay $0x3  }
0x34: {  	[smem:$0x3FB2] =	sst s10  }
0x35: {  	s10 =	sld [smem:$0x3FB1];
	_ =	sdelay $0x3  }
0x36: {  	p1 =	seq.s32 s10, $0x1;
	s10 =	sld [smem:$0x3FB2];
	_ =	sdelay $0x3  }
0x37: {  	[smem:$0x3FB2] =	sst s10  }
0x38: {  	s10 =	sld [smem:$0x3FB3]  }
0x39: {  	_ = 	snop;
	(pc) =	sbr.ind lr, $3  }
0x3a: {  	_ = 	snop  }
0x3b: {  	_ = 	snop  }
0x3c: {  	p2 =	seq.s32 s10, $0x1;
	s10 =	sld [smem:$0x3FB2]  }
0x3d: {  	_ =	shalt  }
0x3e: {  	_ =	shalt  }
0x3f: {  	_ =	shalt  }
0x40: {  	_ =	shalt  }
0x41: {  	_ =	shalt  }
0x42: {  	_ =	shalt  }
0x43: {  	_ =	shalt  }
0x44: {  	_ =	shalt  }
0x45: {  	_ =	shalt  }
0x46: {  	_ =	shalt  }
0x47: {  	_ =	shalt  }
0x48: {  	_ =	shalt  }
0x49: {  	_ =	shalt  }
0x4a: {  	_ =	shalt  }
0x4b: {  	_ =	shalt  }
0x4c: {  	_ =	shalt  }
0x4d: {  	_ =	shalt  }
0x4e: {  	_ =	shalt  }
0x4f: {  	_ =	shalt  }
0x50: {  	_ =	shalt  }
0x51: {  	_ =	shalt  }
0x52: {  	_ =	shalt  }
0x53: {  	_ =	shalt  }
0x54: {  	_ =	shalt  }
0x55: {  	_ =	shalt  }
0x56: {  	_ =	shalt  }
0x57: {  	_ =	shalt  }
0x58: {  	_ =	shalt  }
0x59: {  	_ =	shalt  }
0x5a: {  	_ =	shalt  }
0x5b: {  	_ =	shalt  }
0x5c: {  	_ =	shalt  }
0x5d: {  	_ =	shalt  }
0x5e: {  	_ =	shalt  }
0x5f: {  	_ =	shalt  }
0x60: {  	_ =	shalt  }
0x61: {  	_ =	shalt  }
0x62: {  	_ =	shalt  }
0x63: {  	_ =	shalt  }
0x64: {  	_ =	shalt  }
0x65: {  	_ =	shalt  }
0x66: {  	_ =	shalt  }
0x67: {  	_ =	shalt  }
0x68: {  	_ =	shalt  }
0x69: {  	_ =	shalt  }
0x6a: {  	_ =	shalt  }
0x6b: {  	_ =	shalt  }
0x6c: {  	_ =	shalt  }
0x6d: {  	_ =	shalt  }
0x6e: {  	_ =	shalt  }
0x6f: {  	_ =	shalt  }
0x70: {  	_ =	shalt  }
0x71: {  	_ =	shalt  }
0x72: {  	_ =	shalt  }
0x73: {  	_ =	shalt  }
0x74: {  	_ =	shalt  }
0x75: {  	_ =	shalt  }
0x76: {  	_ =	shalt  }
0x77: {  	_ =	shalt  }
0x78: {  	_ =	shalt  }
0x79: {  	_ =	shalt  }
0x7a: {  	_ =	shalt  }
0x7b: {  	_ =	shalt  }
0x7c: {  	_ =	shalt  }
0x7d: {  	_ =	shalt  }
0x7e: {  	_ =	shalt  }
0x7f: {  	_ =	shalt  }
0x80: {  	_ =	shalt  }
0x81: {  	_ =	shalt  }
0x82: {  	_ =	shalt  }
0x83: {  	_ =	shalt  }
0x84: {  	_ =	shalt  }
0x85: {  	_ =	shalt  }
0x86: {  	_ =	shalt  }
0x87: {  	_ =	shalt  }
.Lfunc_end0:
.L_simem_size_0:
called_computation_lowered:
.L_overlay_start_0:
0x88: {  	s2 =	sld [smem:$0x3FD9]  }
0x89: {  	s3 =	sld [smem:$0x3FFE];
	_ =	sdelay $0x1  }
0x8a: {  	s1 =	srdreg.scid  }
0x8b: {  	s0 =	sand.u32 $0x1, s1  }
0x8c: {  	s17 =	sshll.u32 s0, $0xA;
	s2 =	sadd.s32 s3, s2  }
0x8d: {  	s2 =	sadd.s32 s2, s17  }
0x8e: {  	[smem:$0x3FBE] =	sst s2  }
0x8f: {  	_ = 	snop  }
0x90: {  	(tm) =	ssettm $0x1  }
0x91: {  	s18 =	sld [smem:$0x3FFB];
	_ =	sdelay $0x3  }
0x92: {  	_ =	strace s18  }
0x93: {  	s2 =	sld [smem:$0x3FFC];
	_ =	sdelay $0x3  }
0x94: {  	_ =	strace s2  }
0x95: {  	s2 =	sld [smem:$0x3FFD];
	_ =	sdelay $0x3  }
0x96: {  	_ =	strace s2  }
0x97: {  	_ =	strace $0x8FFFFFFF  }
0x98: {  	s19 =	sld [smem:$0x3FDB];
	_ =	sdelay $0x1  }
0x99: {  	s20 =	simm.s32 $_scs_section_size  }
0x9a: {  	s4 =	simm.s32 $_size__tile_overlayer_lowered;
	s5 =	simm.s32 $_tile_overlayer_lowered  }
0x9b: {  	s6 =	simm.s32 $0x1BFF;
	s21 =	sshll.u32 s5, $0x1;
	s3 =	sadd.s32 s20, s19  }
0x9c: {  	s22 =	simm.s32 $0x0;
	s4 =	sshll.u32 s4, $0x1;
	s5 =	sadd.s32 s21, s3  }
0x9d: {  	[timem:s22], [sflag:s6] =	dma.local [hbm:s5], s4  }
0x9e: {  	_ =	swait.ge [sflag:s6], s4  }
0x9f: {  	s4 =	ssub.s32 $0x0, s4;
	[sflag:s6] =	ssyncset.done $0x0  }
0xa0: {  	[sflag:s6] =	ssyncadd.s32 s4;
	_ =	sdelay $0x1  }
0xa1: {  	s23 =	simm.s32 $0x1B8B  }
0xa2: {  	_ =	swait.ge [sflag:s23], $0x1  }
0xa3: {  	[sflag:s23] =	ssyncset.done $0x0  }
0xa4: {  	[sflag:s23] =	ssyncadd.s32 $0xFFFFFFFF  }
0xa5: {  	s4 =	sld [smem:$0x0]  }
0xa6: {  	s5 =	sand.u32 $0xFFFFFFFE, s1  }
0xa7: {  	p0 =	sne.s32 s1, s5  }
0xa8: {  	s5 =	sshll.u32 @p0 s5, $0xE  }
0xa9: {  	s5 =	sadd.s32 @p0 $0x11B8D, s5;
	s6 =	sshll.u32 @p0 s4, $0x11  }
0xaa: {  	s5 =	sor.u32 @p0 s6, s5  }
0xab: {  	[sflag:s5] =	ssyncadd.remote.s32 @p0 $0x1;
	_ =	sdelay $0x1  }
0xac: {  	s5 =	simm.s32 @p0 $0x1B8D  }
0xad: {  	_ =	swait.eq @p0 [sflag:s5], $0x1  }
0xae: {  	[sflag:s5] =	ssyncadd.s32 @p0 $0xFFFFFFFF  }
0xaf: {  	s6 =	sshll.u32 @!p0 s1, $0xE  }
0xb0: {  	s6 =	sor.u32 @!p0 $0x4000, s6;
	s5 =	simm.s32 @!p0 $0x1B8D  }
0xb1: {  	s4 =	sshll.u32 @!p0 s4, $0x11;
	s6 =	sadd.s32 @!p0 $0x11B8D, s6;
	_ =	swait.eq @!p0 [sflag:s5], $0x1  }
0xb2: {  	s4 =	sor.u32 @!p0 s4, s6;
	[sflag:s5] =	ssyncadd.s32 @!p0 $0xFFFFFFFF  }
0xb3: {  	s25 =	simm.s32 $0x1B8E;
	s24 =	sld [smem:$0x3FFE];
	[sflag:s4] =	ssyncadd.remote.s32 @!p0 $0x1  }
0xb4: {  	s26 =	simm.s32 $execute0_lowered;
	[smem:$0x3FD2] =	sst s25  }
0xb5: {  	s5 =	sshll.u32 s26, $0x1;
	_ =	strace $0x80000049;
	[dreg:$0x1] =	wrdreg $0xFFFFFFFF  }
0xb6: {  	s28 =	simm.s32 $_size_execute0_lowered;
	s3 =	sadd.s32 s3, s5;
	[dreg:$0x0] =	wrdreg $0x0  }
0xb7: {  	s5 =	sshll.u32 s28, $0x1;
	[dreg:$0x2] =	wrdreg s3  }
0xb8: {  	[dreg:$0x3] =	wrdreg s5  }
0xb9: {  	[dreg:$0x4] =	wrdreg $0xC0  }
0xba: {  	_ =	task [dreg:s22], $0x5FFFF  }
0xbb: {  	[dreg:$0x1] =	wrdreg $0xFFFFFFFF  }
0xbc: {  	[dreg:$0x0] =	wrdreg $0x60  }
0xbd: {  	[dreg:$0x2] =	wrdreg s24  }
0xbe: {  	[dreg:$0x3] =	wrdreg $0x54000  }
0xbf: {  	[dreg:$0x4] =	wrdreg $0x9  }
0xc0: {  	_ =	task.clear_ibuf [dreg:s22], $0x5FFFF;
	_ =	strace $0x90000049  }
0xc1: {  	s29 =	simm.s32 $0x9;
	_ =	strace $0x8000004B  }
0xc2: {  	_ =	swait.ge [sflag:s29], $0x1  }
0xc3: {  	[sflag:s29] =	ssyncadd.s32 $0xFFFFFFFF  }
0xc4: {  	_ =	strace $0x9000004B  }
0xc5: {  	_ =	sfence  }
0xc6: {  	s30 =	sld [smem:$0x0];
	_ =	sdelay $0x2  }
0xc7: {  	s31 =	sshll.u32 s1, $0xD;
	s1 =	sshrl.u32 s1, $0x2  }
0xc8: {  	s4 =	sand.u32 $0x4000, s31;
	s1 =	sadd.s32 s1, s30  }
0xc9: {  	s0 =	sor.u32 s4, s0;
	s1 =	sshll.u32 s1, $0x11  }
0xca: {  	s0 =	sor.u32 s1, s0  }
0xcb: {  	s0 =	sadd.s32 $0x8F2B, s0  }
0xcc: {  	[sflag:s0] =	ssyncadd.remote.s32 $0x1  }
0xcd: {  	_ =	sfence.sel $0xFFFF  }
0xce: {  	[dreg:$0x0] =	wrdreg $0xFFFFFFFF;
	(pc) =	sbr.abs _section_cstart, $3  }
0xcf: {  	[dreg:$0x1] =	wrdreg $0xFFFFFFFF  }
0xd0: {  	_ =	task.clear_ibuf [dreg:s22], $0x2FFFF;
	_ =	strace $0x9FFFFFFF  }
0xd1: {  	(tm) =	ssettm $0x7FFFFFFF  }
tec
execute0_lowered:
.L_overlay_start_1:
0x0: {  	(tag) =	ssettag $0x1  }
0x1: {  	s0 =	srdreg.scid;
	s5 =	rddreg [dreg:$0x0]  }
0x2: {  	s10 =	stileid.u32;
	s2 =	rddreg [dreg:$0x1];
	s3 =	simm.s32 $0x0  }
0x3: {  	s12 =	simm.s32 $0x1400;
	s13 =	simm.s32 $0x1;
	s14 =	simm.s32 $0x7D  }
0x4: {  	s21 =	simm.s32 $0xC80;
	s22 =	simm.s32 $0xD00;
	s23 =	simm.s32 $0xD80  }
0x5: {  	s28 =	simm.s32 $0xF80;
	s29 =	simm.s32 $0x1000;
	s30 =	simm.s32 $0x1080  }
0x6: {  	s31 =	simm.s32 $0x1100;
	s15 =	simm.s32 $0x1280;
	s16 =	simm.s32 $0x1300  }
0x7: {  	s17 =	simm.s32 $0x1380;
	s18 =	simm.s32 $0x2;
	s19 =	simm.s32 $0x0  }
0x8: {  	s0 =	sand.u32 $0x1, s0;
	s6 =	smul.u32 $0x14000, s10;
	[smem:$0x7FF] =	sst s3  }
0x9: {  	s4 =	sadd.s32 $0x33200, s5;
	s24 =	smul.u32 $0x50000, s10;
	s1 =	sshll.u32 s0, $0x4  }
0xa: {  	s7 =	smul.u32 $0x140000, s0;
	_ =	strace $0x8000004A;
	s0 =	ssub.s32 $0x2, s0  }
0xb: {  	s1 =	sor.u32 s10, s1;
	s8 =	sshrl.u32 s6, $0x3;
	s25 =	sshrl.u32 s0, $0x1  }
0xc: {  	s26 =	sshrl.u32 s24, $0x2;
	s24 =	simm.s32 $0xE00;
	s1 =	smul.u32 $0x280, s1  }
0xd: {  	s6 =	sadd.s32 s6, s7;
	s8 =	sadd.s32 s8, s5;
	s0 =	ssub.s32 s0, s25  }
0xe: {  	s11 =	sadd.s32 s26, s2;
	s25 =	simm.s32 $0xE80;
	s26 =	simm.s32 $0xF00  }
0xf: {  	s6 =	sshrl.u32 s6, $0x3;
	s11 =	sshrl.u32 s11, $0x3;
	s1 =	sadd.s32 s1, s5  }
0x10: {  	s9 =	sadd.s32 s6, s5;
	s5 =	sshll.u32 s10, $0x6;
	s6 =	sadd.s32 $0xB200, s8  }
0x11: {  	s10 =	smax.u32 s0, $0x1;
	s0 =	simm.s32 $0x1200;
	s7 =	sor.u32 $0x1C01, s5  }
0x12: {  	s8 =	sadd.s32 $0x1200, s1;
	s9 =	sadd.s32 $0x33A00, s9;
	s1 =	simm.s32 $0x1180  }
.LBB2_1:
0x13: {  	[spmem:s11], [sflag:s7] =	dma.local [hbm:s6], $0x2800  }
0x14: {  	[tilespmem:s3], [sflag:$0x1] =	stream.linear.gather [hbm4b:s8+s3], $0x1400, $0x38;
	[tilespmem:$0x19400] =	vst v63  }
0x15: {  	_ = 	snop  }
0x16: {  	[tilespmem:s12], [sflag:$0x1] =	stream.linear.gather [hbm4b:s4+s3], $0x3E80, $0x38;
	[tilespmem:$0x19400] =	vst v63  }
0x17: {  	_ =	swait.ge [sflag:s13], $0x2800  }
0x18: {  	[sflag:s13] =	ssyncset.done $0x0  }
0x19: {  	[sflag:s13] =	ssyncadd.s32 $0xFFFFD800  }
0x1a: {  	_ =	swait.ge [sflag:s13], $0x1400  }
0x1b: {  	[sflag:s13] =	ssyncset.done $0x0  }
0x1c: {  	[sflag:s13] =	ssyncadd.s32 $0xFFFFEC00  }
0x1d: {  	_ =	swait.ge [sflag:s13], $0x3E80  }
0x1e: {  	[sflag:s13] =	ssyncset.done $0x0  }
0x1f: {  	[sflag:s13] =	ssyncadd.s32 $0xFFFFC180  }
0x20: {  	[bflag:$0x0] =	sbarrier.arrive $0xFFFF  }
0x21: {  	[spmem:s2] =	stream.indirect.scatter.add.f32 [tilespmem:s12], [sflag:$0x1], $0x80, s3, s14, $0xb8;
	[tilespmem:$0x19400] =	vst v63  }
0x22: {  	s20 =	simm.s32 $0x80  }
0x23: {  	[spmem:s2] =	stream.indirect.scatter.add.f32 [tilespmem:s12], [sflag:$0x1], $0x80, s20, s14, $0xb8;
	[tilespmem:$0x19400] =	vst v63  }
0x24: {  	s20 =	simm.s32 $0x100  }
0x25: {  	[spmem:s2] =	stream.indirect.scatter.add.f32 [tilespmem:s12], [sflag:$0x1], $0x80, s20, s14, $0xb8;
	[tilespmem:$0x19400] =	vst v63  }
0x26: {  	s20 =	simm.s32 $0x180  }
0x27: {  	[spmem:s2] =	stream.indirect.scatter.add.f32 [tilespmem:s12], [sflag:$0x1], $0x80, s20, s14, $0xb8;
	[tilespmem:$0x19400] =	vst v63  }
0x28: {  	s20 =	simm.s32 $0x200  }
0x29: {  	[spmem:s2] =	stream.indirect.scatter.add.f32 [tilespmem:s12], [sflag:$0x1], $0x80, s20, s14, $0xb8;
	[tilespmem:$0x19400] =	vst v63  }
0x2a: {  	s20 =	simm.s32 $0x280  }
0x2b: {  	[spmem:s2] =	stream.indirect.scatter.add.f32 [tilespmem:s12], [sflag:$0x1], $0x80, s20, s14, $0xb8;
	[tilespmem:$0x19400] =	vst v63  }
0x2c: {  	s20 =	simm.s32 $0x300  }
0x2d: {  	[spmem:s2] =	stream.indirect.scatter.add.f32 [tilespmem:s12], [sflag:$0x1], $0x80, s20, s14, $0xb8;
	[tilespmem:$0x19400] =	vst v63  }
0x2e: {  	s20 =	simm.s32 $0x380  }
0x2f: {  	[spmem:s2] =	stream.indirect.scatter.add.f32 [tilespmem:s12], [sflag:$0x1], $0x80, s20, s14, $0xb8;
	[tilespmem:$0x19400] =	vst v63  }
0x30: {  	s20 =	simm.s32 $0x400  }
0x31: {  	[spmem:s2] =	stream.indirect.scatter.add.f32 [tilespmem:s12], [sflag:$0x1], $0x80, s20, s14, $0xb8;
	[tilespmem:$0x19400] =	vst v63  }
0x32: {  	s20 =	simm.s32 $0x480  }
0x33: {  	[spmem:s2] =	stream.indirect.scatter.add.f32 [tilespmem:s12], [sflag:$0x1], $0x80, s20, s14, $0xb8;
	[tilespmem:$0x19400] =	vst v63  }
0x34: {  	s20 =	simm.s32 $0x500  }
0x35: {  	[spmem:s2] =	stream.indirect.scatter.add.f32 [tilespmem:s12], [sflag:$0x1], $0x80, s20, s14, $0xb8;
	[tilespmem:$0x19400] =	vst v63  }
0x36: {  	s20 =	simm.s32 $0x580  }
0x37: {  	[spmem:s2] =	stream.indirect.scatter.add.f32 [tilespmem:s12], [sflag:$0x1], $0x80, s20, s14, $0xb8;
	[tilespmem:$0x19400] =	vst v63  }
0x38: {  	s20 =	simm.s32 $0x600  }
0x39: {  	[spmem:s2] =	stream.indirect.scatter.add.f32 [tilespmem:s12], [sflag:$0x1], $0x80, s20, s14, $0xb8;
	[tilespmem:$0x19400] =	vst v63  }
0x3a: {  	s20 =	simm.s32 $0x680  }
0x3b: {  	[spmem:s2] =	stream.indirect.scatter.add.f32 [tilespmem:s12], [sflag:$0x1], $0x80, s20, s14, $0xb8;
	[tilespmem:$0x19400] =	vst v63  }
0x3c: {  	s20 =	simm.s32 $0x700  }
0x3d: {  	[spmem:s2] =	stream.indirect.scatter.add.f32 [tilespmem:s12], [sflag:$0x1], $0x80, s20, s14, $0xb8;
	[tilespmem:$0x19400] =	vst v63  }
0x3e: {  	s20 =	simm.s32 $0x780  }
0x3f: {  	[spmem:s2] =	stream.indirect.scatter.add.f32 [tilespmem:s12], [sflag:$0x1], $0x80, s20, s14, $0xb8;
	[tilespmem:$0x19400] =	vst v63  }
0x40: {  	s20 =	simm.s32 $0x800  }
0x41: {  	[spmem:s2] =	stream.indirect.scatter.add.f32 [tilespmem:s12], [sflag:$0x1], $0x80, s20, s14, $0xb8;
	[tilespmem:$0x19400] =	vst v63  }
0x42: {  	s20 =	simm.s32 $0x880  }
0x43: {  	[spmem:s2] =	stream.indirect.scatter.add.f32 [tilespmem:s12], [sflag:$0x1], $0x80, s20, s14, $0xb8;
	[tilespmem:$0x19400] =	vst v63  }
0x44: {  	s20 =	simm.s32 $0x900  }
0x45: {  	[spmem:s2] =	stream.indirect.scatter.add.f32 [tilespmem:s12], [sflag:$0x1], $0x80, s20, s14, $0xb8;
	[tilespmem:$0x19400] =	vst v63  }
0x46: {  	s20 =	simm.s32 $0x980  }
0x47: {  	[spmem:s2] =	stream.indirect.scatter.add.f32 [tilespmem:s12], [sflag:$0x1], $0x80, s20, s14, $0xb8;
	[tilespmem:$0x19400] =	vst v63  }
0x48: {  	s20 =	simm.s32 $0xA00  }
0x49: {  	[spmem:s2] =	stream.indirect.scatter.add.f32 [tilespmem:s12], [sflag:$0x1], $0x80, s20, s14, $0xb8;
	[tilespmem:$0x19400] =	vst v63  }
0x4a: {  	s20 =	simm.s32 $0xA80  }
0x4b: {  	[spmem:s2] =	stream.indirect.scatter.add.f32 [tilespmem:s12], [sflag:$0x1], $0x80, s20, s14, $0xb8;
	[tilespmem:$0x19400] =	vst v63  }
0x4c: {  	s20 =	simm.s32 $0xB00  }
0x4d: {  	[spmem:s2] =	stream.indirect.scatter.add.f32 [tilespmem:s12], [sflag:$0x1], $0x80, s20, s14, $0xb8;
	[tilespmem:$0x19400] =	vst v63  }
0x4e: {  	s20 =	simm.s32 $0xB80  }
0x4f: {  	[spmem:s2] =	stream.indirect.scatter.add.f32 [tilespmem:s12], [sflag:$0x1], $0x80, s20, s14, $0xb8;
	[tilespmem:$0x19400] =	vst v63  }
0x50: {  	s20 =	simm.s32 $0xC00  }
0x51: {  	[spmem:s2] =	stream.indirect.scatter.add.f32 [tilespmem:s12], [sflag:$0x1], $0x80, s20, s14, $0xb8;
	[tilespmem:$0x19400] =	vst v63  }
0x52: {  	_ = 	snop  }
0x53: {  	[spmem:s2] =	stream.indirect.scatter.add.f32 [tilespmem:s12], [sflag:$0x1], $0x80, s21, s14, $0xb8;
	[tilespmem:$0x19400] =	vst v63  }
0x54: {  	_ = 	snop  }
0x55: {  	[spmem:s2] =	stream.indirect.scatter.add.f32 [tilespmem:s12], [sflag:$0x1], $0x80, s22, s14, $0xb8;
	[tilespmem:$0x19400] =	vst v63  }
0x56: {  	_ = 	snop  }
0x57: {  	[spmem:s2] =	stream.indirect.scatter.add.f32 [tilespmem:s12], [sflag:$0x1], $0x80, s23, s14, $0xb8;
	[tilespmem:$0x19400] =	vst v63  }
0x58: {  	_ = 	snop  }
0x59: {  	[spmem:s2] =	stream.indirect.scatter.add.f32 [tilespmem:s12], [sflag:$0x1], $0x80, s24, s14, $0xb8;
	[tilespmem:$0x19400] =	vst v63  }
0x5a: {  	_ = 	snop  }
0x5b: {  	[spmem:s2] =	stream.indirect.scatter.add.f32 [tilespmem:s12], [sflag:$0x1], $0x80, s25, s14, $0xb8;
	[tilespmem:$0x19400] =	vst v63  }
0x5c: {  	_ = 	snop  }
0x5d: {  	[spmem:s2] =	stream.indirect.scatter.add.f32 [tilespmem:s12], [sflag:$0x1], $0x80, s26, s14, $0xb8;
	[tilespmem:$0x19400] =	vst v63  }
0x5e: {  	_ = 	snop  }
0x5f: {  	[spmem:s2] =	stream.indirect.scatter.add.f32 [tilespmem:s12], [sflag:$0x1], $0x80, s28, s14, $0xb8;
	[tilespmem:$0x19400] =	vst v63  }
0x60: {  	_ = 	snop  }
0x61: {  	[spmem:s2] =	stream.indirect.scatter.add.f32 [tilespmem:s12], [sflag:$0x1], $0x80, s29, s14, $0xb8;
	[tilespmem:$0x19400] =	vst v63  }
0x62: {  	_ = 	snop  }
0x63: {  	[spmem:s2] =	stream.indirect.scatter.add.f32 [tilespmem:s12], [sflag:$0x1], $0x80, s30, s14, $0xb8;
	[tilespmem:$0x19400] =	vst v63  }
0x64: {  	_ = 	snop  }
0x65: {  	[spmem:s2] =	stream.indirect.scatter.add.f32 [tilespmem:s12], [sflag:$0x1], $0x80, s31, s14, $0xb8;
	[tilespmem:$0x19400] =	vst v63  }
0x66: {  	_ = 	snop  }
0x67: {  	[spmem:s2] =	stream.indirect.scatter.add.f32 [tilespmem:s12], [sflag:$0x1], $0x80, s1, s14, $0xb8;
	[tilespmem:$0x19400] =	vst v63  }
0x68: {  	_ = 	snop  }
0x69: {  	[spmem:s2] =	stream.indirect.scatter.add.f32 [tilespmem:s12], [sflag:$0x1], $0x80, s0, s14, $0xb8;
	[tilespmem:$0x19400] =	vst v63  }
0x6a: {  	_ = 	snop  }
0x6b: {  	[spmem:s2] =	stream.indirect.scatter.add.f32 [tilespmem:s12], [sflag:$0x1], $0x80, s15, s14, $0xb8;
	[tilespmem:$0x19400] =	vst v63  }
0x6c: {  	_ = 	snop  }
0x6d: {  	[spmem:s2] =	stream.indirect.scatter.add.f32 [tilespmem:s12], [sflag:$0x1], $0x80, s16, s14, $0xb8;
	[tilespmem:$0x19400] =	vst v63  }
0x6e: {  	_ = 	snop  }
0x6f: {  	[spmem:s2] =	stream.indirect.scatter.add.f32 [tilespmem:s12], [sflag:$0x1], $0x80, s17, s14, $0xb8;
	[tilespmem:$0x19400] =	vst v63  }
0x70: {  	_ =	swait.ge [sflag:s13], $0x3E80  }
0x71: {  	s20 =	simm.s32 $0x27;
	[sflag:s13] =	ssyncset.done $0x0  }
.LBB2_2:
0x72: {  	p0 =	sne.s32 s20, $0x1;
	s20 =	sadd.s32 $0xFFFFFFFF, s20;
	[sflag:s13] =	ssyncadd.s32 $0xFFFFC180  }
.Ltmp0:
0x73: {  	(pc) =	sbr.rel @p0 .LBB2_2-.Ltmp0, $3  }
0x74: {  	_ =	sdelay $0x1  }
0x75: {  	_ =	swait.ge [sflag:s13], $0x3E80  }
0x76: {  	[sflag:s13] =	ssyncset.done $0x0  }
0x77: {  	s19 =	sadd.s32 $0x1, s19  }
0x78: {  	[sflag:s13] =	ssyncadd.s32 $0xFFFFC180;
	p0 =	sne.s32 s19, s10  }
.Ltmp1:
0x79: {  	s20 =	sor.u32 $0x1C02, s5;
	[bflag:$0x0] =	sbarrier.arrive $0xFFFF;
	(pc) =	sbr.rel @p0 .LBB2_1-.Ltmp1, $4  }
0x7a: {  	[hbm:s9], [sflag:s20] =	dma.local [spmem:s11], $0x2800  }
0x7b: {  	_ =	swait.ge [sflag:s18], $0x2800  }
0x7c: {  	[sflag:s18] =	ssyncset.done $0x0  }
0x7d: {  	[sflag:s18] =	ssyncadd.s32 $0xFFFFD800  }
0x7e: {  	_ =	sfence.sel $0x180000  }
0x7f: {  	[bflag:$0x0] =	sbarrier.arrive $0xFFFF  }
0x80: {  	_ =	strace $0x9000004A  }
0x81: {  	s0 =	stileid.u32;
	[bflag:$0x2] =	sbarrier.arrive $0xFFFF  }
0x82: {  	p0 =	sne.s32 s0, $0x0;
	s0 =	rddreg [dreg:$0x2]  }
0x83: {  	s0 =	sadd.s32 @!p0 $0x100000, s0  }
0x84: {  	[sflag:s0] =	ssyncadd.tile.s32 @!p0 $0x1;
	_ =	shalt  }
.Lfunc_end2:
_tile_overlayer_lowered:
.L_overlay_start_2:
0x85: {  	(tag) =	ssettag $0x2  }
0x86: {  	s0 =	rddreg [dreg:$0x0];
	s2 =	stileid.u32  }
0x87: {  	s1 =	rddreg [dreg:$0x1];
	p0 =	sne.s32 s2, $0x0  }
0x88: {  	s3 =	rddreg [dreg:$0x2];
	[bflag:$0x3] =	sbarrier.arrive $0xFFFF;
	s2 =	simm.s32 @!p0 $0x1C02  }
0x89: {  	[timem:s3], [sflag:s2] =	dma.local @!p0 [hbm:s0], s1  }
0x8a: {  	s0 =	simm.s32 @!p0 $0x2  }
0x8b: {  	_ =	swait.ge @!p0 [sflag:s0], s1  }
0x8c: {  	s1 =	ssub.s32 @!p0 $0x0, s1;
	[sflag:s0] =	ssyncset.done @!p0 $0x0  }
0x8d: {  	[sflag:s0] =	ssyncadd.s32 @!p0 s1  }
0x8e: {  	[bflag:$0x3] =	sbarrier.arrive $0xFFFF  }
0x8f: {  	_ =	shalt  }

// kernel: kernel.16.cloned.1.call-start
scs
__scs_entry_jumppad:
0x0: {  	(pc) =	sbr.rel $0x88, $3  }
0x1: {  	(tag) =	ssettag $0x0;
	lr =	simm.s32 $0x1  }
0x2: {  	[smem:$0x3F97] =	sst lr;
	_ =	strace $0xD0000000  }
0x3: {  	_ = 	snop  }
0x4: {  	_ = 	snop  }
0x5: {  	_ = 	snop  }
0x6: {  	_ = 	snop  }
0x7: {  	_ = 	snop  }
__scs_overlays_trampoline_lowered:
0x8: {  	[smem:$0x3FA6] =	sst s0  }
0x9: {  	[smem:$0x3FA7] =	sst s1  }
0xa: {  	[smem:$0x3FA8] =	sst s2  }
0xb: {  	[smem:$0x3FA9] =	sst s3  }
0xc: {  	[smem:$0x3FAA] =	sst s4  }
0xd: {  	[smem:$0x3FAB] =	sst s5  }
0xe: {  	[smem:$0x3FAC] =	sst s6  }
0xf: {  	[smem:$0x3FAD] =	sst s7  }
0x10: {  	[smem:$0x3FAE] =	sst s8  }
0x11: {  	[smem:$0x3FAF] =	sst s9;
	s0 =	simm.s32 @!p0 $0x0  }
0x12: {  	s1 =	sld [smem:$0x3F95];
	s0 =	simm.s32 @p0 $0x1  }
0x13: {  	[smem:$0x3FB0] =	sst s0;
	s0 =	simm.s32 @!p1 $0x0  }
0x14: {  	s2 =	sld [smem:$0x3F94];
	s0 =	simm.s32 @p1 $0x1  }
0x15: {  	[smem:$0x3FB1] =	sst s0;
	s0 =	simm.s32 @!p2 $0x0  }
0x16: {  	s3 =	sld [smem:$0x3FDB];
	s0 =	simm.s32 @p2 $0x1  }
0x17: {  	s4 =	simm.s32 $0x1BF5;
	[smem:$0x3FB3] =	sst s0  }
0x18: {  	s0 =	sld [smem:$0x3F96];
	_ =	swait.ge [sflag:s4], $0x0  }
0x19: {  	s7 =	sld [smem:$0x3F97]  }
0x1a: {  	s8 =	sadd.s32 $0xFFFFE003, lr  }
0x1b: {  	s9 =	sadd.s32 $0xFFFFFEF7, lr;
	s5 =	simm.s32 $0xFFFFFFFF;
	p2 =	slt.u32 s8, $0xFFFFF086  }
0x1c: {  	p1 =	slt.u32 s9, $0xF7A;
	s5 =	simm.s32 @!p2 $0x0  }
0x1d: {  	s5 =	simm.s32 @p1 $0x1;
	p0 =	seq.s32 s7, s2  }
0x1e: {  	s7 =	smul.u32 @!p0 $0xF7A, s2;
	p2 =	seq.s32 @!p0 s5, $0x0  }
0x1f: {  	s9 =	smul.u32 $0xF7A, s1;
	s8 =	simm.s32 @!p0 $0x1BF5;
	p2 =	por !p2, p0  }
0x20: {  	[sflag:s8] =	ssyncset.s32 @!p0 $0xFFFFF086;
	s6 =	sadd.s32 @!p0 s3, s7;
	s7 =	simm.s32 @!p0 $0x108  }
0x21: {  	s3 =	sadd.s32 s3, s9;
	s6 =	sadd.s32 @!p0 $0x88, s6;
	s7 =	simm.s32 @p2 $0x1082  }
0x22: {  	[simem:s7], [sflag:s8] =	dma.local @!p0 [hbm:s6], $0xF7A  }
0x23: {  	s9 =	sor.u32 $0xD0000000, s2;
	s6 =	simm.s32 $0x108;
	_ =	swait.ge @!p0 [sflag:s8], $0x0  }
0x24: {  	s3 =	sadd.s32 $0x88, s3;
	s6 =	simm.s32 @!p1 $0x1082;
	[sflag:s4] =	ssyncset.s32 $0xFFFFF086  }
0x25: {  	[simem:s6], [sflag:s4] =	dma.local [hbm:s3], $0xF7A  }
0x26: {  	[smem:$0x3F97] =	sst s1;
	(tag) =	ssettag s2;
	_ =	strace s9  }
0x27: {  	s1 =	sld [smem:$0x3FA7]  }
0x28: {  	s2 =	sld [smem:$0x3FA8]  }
0x29: {  	s4 =	sld [smem:$0x3FAA]  }
0x2a: {  	p0 =	seq.s32 s5, $0x0;
	s5 =	sld [smem:$0x3FAB]  }
0x2b: {  	s6 =	sld [smem:$0x3FAC]  }
0x2c: {  	s7 =	sld [smem:$0x3FAD]  }
0x2d: {  	s3 =	simm.s32 $0x108;
	s8 =	sld [smem:$0x3FAE]  }
0x2e: {  	s3 =	simm.s32 @!p0 $0x1082;
	s9 =	sld [smem:$0x3FAF]  }
0x2f: {  	lr =	sadd.s32 s0, s3;
	s0 =	sld [smem:$0x3FA6]  }
0x30: {  	s3 =	sld [smem:$0x3FA9]  }
0x31: {  	[smem:$0x3FB2] =	sst s10  }
0x32: {  	s10 =	sld [smem:$0x3FB0];
	_ =	sdelay $0x3  }
0x33: {  	p0 =	seq.s32 s10, $0x1;
	s10 =	sld [smem:$0x3FB2];
	_ =	sdelay $0x3  }
0x34: {  	[smem:$0x3FB2] =	sst s10  }
0x35: {  	s10 =	sld [smem:$0x3FB1];
	_ =	sdelay $0x3  }
0x36: {  	p1 =	seq.s32 s10, $0x1;
	s10 =	sld [smem:$0x3FB2];
	_ =	sdelay $0x3  }
0x37: {  	[smem:$0x3FB2] =	sst s10  }
0x38: {  	s10 =	sld [smem:$0x3FB3]  }
0x39: {  	_ = 	snop;
	(pc) =	sbr.ind lr, $3  }
0x3a: {  	_ = 	snop  }
0x3b: {  	_ = 	snop  }
0x3c: {  	p2 =	seq.s32 s10, $0x1;
	s10 =	sld [smem:$0x3FB2]  }
0x3d: {  	_ =	shalt  }
0x3e: {  	_ =	shalt  }
0x3f: {  	_ =	shalt  }
0x40: {  	_ =	shalt  }
0x41: {  	_ =	shalt  }
0x42: {  	_ =	shalt  }
0x43: {  	_ =	shalt  }
0x44: {  	_ =	shalt  }
0x45: {  	_ =	shalt  }
0x46: {  	_ =	shalt  }
0x47: {  	_ =	shalt  }
0x48: {  	_ =	shalt  }
0x49: {  	_ =	shalt  }
0x4a: {  	_ =	shalt  }
0x4b: {  	_ =	shalt  }
0x4c: {  	_ =	shalt  }
0x4d: {  	_ =	shalt  }
0x4e: {  	_ =	shalt  }
0x4f: {  	_ =	shalt  }
0x50: {  	_ =	shalt  }
0x51: {  	_ =	shalt  }
0x52: {  	_ =	shalt  }
0x53: {  	_ =	shalt  }
0x54: {  	_ =	shalt  }
0x55: {  	_ =	shalt  }
0x56: {  	_ =	shalt  }
0x57: {  	_ =	shalt  }
0x58: {  	_ =	shalt  }
0x59: {  	_ =	shalt  }
0x5a: {  	_ =	shalt  }
0x5b: {  	_ =	shalt  }
0x5c: {  	_ =	shalt  }
0x5d: {  	_ =	shalt  }
0x5e: {  	_ =	shalt  }
0x5f: {  	_ =	shalt  }
0x60: {  	_ =	shalt  }
0x61: {  	_ =	shalt  }
0x62: {  	_ =	shalt  }
0x63: {  	_ =	shalt  }
0x64: {  	_ =	shalt  }
0x65: {  	_ =	shalt  }
0x66: {  	_ =	shalt  }
0x67: {  	_ =	shalt  }
0x68: {  	_ =	shalt  }
0x69: {  	_ =	shalt  }
0x6a: {  	_ =	shalt  }
0x6b: {  	_ =	shalt  }
0x6c: {  	_ =	shalt  }
0x6d: {  	_ =	shalt  }
0x6e: {  	_ =	shalt  }
0x6f: {  	_ =	shalt  }
0x70: {  	_ =	shalt  }
0x71: {  	_ =	shalt  }
0x72: {  	_ =	shalt  }
0x73: {  	_ =	shalt  }
0x74: {  	_ =	shalt  }
0x75: {  	_ =	shalt  }
0x76: {  	_ =	shalt  }
0x77: {  	_ =	shalt  }
0x78: {  	_ =	shalt  }
0x79: {  	_ =	shalt  }
0x7a: {  	_ =	shalt  }
0x7b: {  	_ =	shalt  }
0x7c: {  	_ =	shalt  }
0x7d: {  	_ =	shalt  }
0x7e: {  	_ =	shalt  }
0x7f: {  	_ =	shalt  }
0x80: {  	_ =	shalt  }
0x81: {  	_ =	shalt  }
0x82: {  	_ =	shalt  }
0x83: {  	_ =	shalt  }
0x84: {  	_ =	shalt  }
0x85: {  	_ =	shalt  }
0x86: {  	_ =	shalt  }
0x87: {  	_ =	shalt  }
.Lfunc_end0:
.L_simem_size_0:
called_computation.1_lowered:
.L_overlay_start_0:
0x88: {  	s2 =	sld [smem:$0x3FD9]  }
0x89: {  	s3 =	sld [smem:$0x3FFE];
	_ =	sdelay $0x1  }
0x8a: {  	s1 =	srdreg.scid  }
0x8b: {  	s0 =	sand.u32 $0x1, s1  }
0x8c: {  	s17 =	sshll.u32 s0, $0xA;
	s2 =	sadd.s32 s3, s2  }
0x8d: {  	s2 =	sadd.s32 s2, s17  }
0x8e: {  	[smem:$0x3FBE] =	sst s2  }
0x8f: {  	_ = 	snop  }
0x90: {  	s2 =	sld [smem:$0x3FC9]  }
0x91: {  	s18 =	sld [smem:$0x3FD0];
	(tm) =	ssettm $0x1  }
0x92: {  	s4 =	sld [smem:$0x3FFB];
	_ =	sdelay $0x3  }
0x93: {  	_ =	strace s4  }
0x94: {  	s4 =	sld [smem:$0x3FFC];
	_ =	sdelay $0x3  }
0x95: {  	_ =	strace s4  }
0x96: {  	s4 =	sld [smem:$0x3FFD];
	_ =	sdelay $0x3  }
0x97: {  	_ =	strace s4  }
0x98: {  	_ =	strace $0x8FFFFFFF  }
0x99: {  	s19 =	sld [smem:$0x3FDB];
	_ =	sdelay $0x1  }
0x9a: {  	s5 =	simm.s32 $_scs_section_size  }
0x9b: {  	s6 =	simm.s32 $_size__tile_overlayer_lowered;
	s7 =	simm.s32 $_tile_overlayer_lowered  }
0x9c: {  	s22 =	simm.s32 $0x1BFF;
	s21 =	sshll.u32 s7, $0x1;
	s4 =	sadd.s32 s5, s19  }
0x9d: {  	s8 =	simm.s32 $0x0;
	s20 =	sshll.u32 s6, $0x1;
	s6 =	sadd.s32 s21, s4  }
0x9e: {  	[timem:s8], [sflag:s22] =	dma.local [hbm:s6], s20  }
0x9f: {  	_ =	swait.ge [sflag:s22], s20  }
0xa0: {  	s5 =	ssub.s32 $0x0, s20;
	[sflag:s22] =	ssyncset.done $0x0  }
0xa1: {  	[sflag:s22] =	ssyncadd.s32 s5;
	_ =	sdelay $0x1  }
0xa2: {  	s23 =	simm.s32 $0x1B8B  }
0xa3: {  	_ =	swait.ge [sflag:s23], $0x1  }
0xa4: {  	[sflag:s23] =	ssyncset.done $0x0  }
0xa5: {  	s25 =	simm.s32 $0x1B8E;
	s24 =	sld [smem:$0x3FFE];
	[sflag:s23] =	ssyncadd.s32 $0xFFFFFFFF  }
0xa6: {  	s26 =	simm.s32 $execute0_lowered;
	[smem:$0x3FD2] =	sst s25  }
0xa7: {  	s6 =	sshll.u32 s26, $0x1;
	_ =	strace $0x80000046;
	[dreg:$0x1] =	wrdreg $0xFFFFFFFF  }
0xa8: {  	s28 =	simm.s32 $_size_execute0_lowered;
	s4 =	sadd.s32 s4, s6;
	[dreg:$0x0] =	wrdreg $0x0  }
0xa9: {  	s6 =	sshll.u32 s28, $0x1;
	[dreg:$0x2] =	wrdreg s4  }
0xaa: {  	[dreg:$0x3] =	wrdreg s6  }
0xab: {  	[dreg:$0x4] =	wrdreg $0xC0  }
0xac: {  	_ =	task [dreg:s8], $0x5FFFF  }
0xad: {  	[dreg:$0x1] =	wrdreg $0xFFFFFFFF  }
0xae: {  	[dreg:$0x0] =	wrdreg $0x60  }
0xaf: {  	[dreg:$0x2] =	wrdreg s2  }
0xb0: {  	[dreg:$0x3] =	wrdreg s24  }
0xb1: {  	[dreg:$0x4] =	wrdreg s18  }
0xb2: {  	[dreg:$0x5] =	wrdreg $0xA8000  }
0xb3: {  	[dreg:$0x6] =	wrdreg $0xA  }
0xb4: {  	_ =	task.clear_ibuf [dreg:s8], $0x7FFFF;
	_ =	strace $0x90000046  }
0xb5: {  	s29 =	simm.s32 $0xA;
	_ =	strace $0x80000048  }
0xb6: {  	_ =	swait.ge [sflag:s29], $0x1  }
0xb7: {  	[sflag:s29] =	ssyncadd.s32 $0xFFFFFFFF  }
0xb8: {  	_ =	strace $0x90000048  }
0xb9: {  	_ =	sfence  }
0xba: {  	s30 =	sld [smem:$0x0];
	_ =	sdelay $0x2  }
0xbb: {  	s31 =	sshll.u32 s1, $0xD;
	s1 =	sshrl.u32 s1, $0x2  }
0xbc: {  	s3 =	sand.u32 $0x4000, s31;
	s1 =	sadd.s32 s1, s30  }
0xbd: {  	s0 =	sor.u32 s3, s0;
	s1 =	sshll.u32 s1, $0x11  }
0xbe: {  	s0 =	sor.u32 s1, s0  }
0xbf: {  	s0 =	sadd.s32 $0x8F2B, s0  }
0xc0: {  	[sflag:s0] =	ssyncadd.remote.s32 $0x1  }
0xc1: {  	_ =	sfence.sel $0xFFFF  }
0xc2: {  	[dreg:$0x0] =	wrdreg $0xFFFFFFFF;
	(pc) =	sbr.abs _section_cstart, $3  }
0xc3: {  	[dreg:$0x1] =	wrdreg $0xFFFFFFFF  }
0xc4: {  	_ =	task.clear_ibuf [dreg:s8], $0x2FFFF;
	_ =	strace $0x9FFFFFFF  }
0xc5: {  	(tm) =	ssettm $0x7FFFFFFF  }
tec
execute0_lowered:
.L_overlay_start_1:
0x0: {  	(tag) =	ssettag $0x1  }
0x1: {  	s1 =	rddreg [dreg:$0x0]  }
0x2: {  	s5 =	rddreg [dreg:$0x1]  }
0x3: {  	s9 =	rddreg [dreg:$0x2]  }
0x4: {  	s0 =	srdreg.scid;
	s3 =	rddreg [dreg:$0x3]  }
0x5: {  	s2 =	stileid.u32;
	s4 =	simm.s32 $0x0;
	s14 =	simm.s32 $0x7D  }
0x6: {  	s15 =	simm.s32 $0x2800;
	s16 =	simm.s32 $0x80;
	s17 =	simm.s32 $0x6800  }
0x7: {  	s18 =	simm.s32 $0x3;
	s19 =	simm.s32 $0x2;
	s20 =	simm.s32 $0x2700  }
0x8: {  	s21 =	simm.s32 $0x2780;
	s6 =	sand.u32 $0x1, s0;
	s0 =	rddreg [dreg:$0x4]  }
0x9: {  	s23 =	simm.s32 $0x0;
	s8 =	smul.u32 $0x14000, s2;
	[smem:$0x7FF] =	sst s4  }
0xa: {  	s11 =	smul.u32 $0x50000, s2;
	s22 =	sshll.u32 s2, $0x6;
	s7 =	sshll.u32 s6, $0x4  }
0xb: {  	_ =	strace $0x80000047;
	s29 =	ssub.s32 $0x2, s6;
	s13 =	smul.u32 $0x140000, s6  }
0xc: {  	s6 =	sor.u32 $0x1C01, s22;
	s22 =	sor.u32 $0x1C03, s22;
	s7 =	sor.u32 s2, s7  }
0xd: {  	s10 =	sshrl.u32 s8, $0x3;
	s30 =	sshrl.u32 s29, $0x1;
	s11 =	sshrl.u32 s11, $0x2  }
0xe: {  	s7 =	smul.u32 $0x280, s7;
	s11 =	sadd.s32 s11, s3;
	s13 =	sadd.s32 s8, s13  }
0xf: {  	s31 =	sshrl.u32 s13, $0x3;
	s11 =	sshrl.u32 s11, $0x3;
	s13 =	simm.s32 $0x1  }
0x10: {  	s12 =	sadd.s32 s7, s5;
	s5 =	sadd.s32 s10, s5;
	s10 =	ssub.s32 s29, s30  }
0x11: {  	s9 =	sadd.s32 s9, s31;
	s5 =	sadd.s32 $0xB200, s5;
	s7 =	sadd.s32 $0x6200, s12  }
0x12: {  	s8 =	sadd.s32 $0x1200, s12;
	s10 =	smax.u32 s10, $0x1;
	s12 =	simm.s32 $0x1400  }
.LBB2_1:
0x13: {  	[spmem:s11], [sflag:s6] =	dma.local [hbm:s5], $0x2800  }
0x14: {  	[tilespmem:s4], [sflag:$0x1] =	stream.linear.gather [hbm4b:s7+s4], $0x1400, $0x38;
	[tilespmem:$0x1E800] =	vst v63  }
0x15: {  	_ = 	snop  }
0x16: {  	[tilespmem:s12], [sflag:$0x1] =	stream.linear.gather [hbm4b:s8+s4], $0x1400, $0x38;
	[tilespmem:$0x1E800] =	vst v63  }
0x17: {  	_ =	swait.ge [sflag:s13], $0x2800  }
0x18: {  	[sflag:s13] =	ssyncset.done $0x0  }
0x19: {  	[sflag:s13] =	ssyncadd.s32 $0xFFFFD800  }
0x1a: {  	_ =	swait.ge [sflag:s13], $0x1400  }
0x1b: {  	[sflag:s13] =	ssyncset.done $0x0  }
0x1c: {  	[sflag:s13] =	ssyncadd.s32 $0xFFFFEC00  }
0x1d: {  	_ =	swait.ge [sflag:s13], $0x1400  }
0x1e: {  	[sflag:s13] =	ssyncset.done $0x0  }
0x1f: {  	[sflag:s13] =	ssyncadd.s32 $0xFFFFEC00  }
0x20: {  	[bflag:$0x0] =	sbarrier.arrive $0xFFFF  }
0x21: {  	[tilespmem:s15], [sflag:$0x1] =	stream.indirect.gather [hbm4b:s1+s14], $0x80, s4, s14, $0xb8;
	[tilespmem:$0x1E800] =	vst v63  }
0x22: {  	_ = 	snop  }
0x23: {  	[tilespmem:s17], [sflag:$0x2] =	stream.indirect.gather [hbm4b:s1+s14], $0x80, s16, s14, $0xb8;
	[tilespmem:$0x1E800] =	vst v63  }
0x24: {  	_ =	swait.ge [sflag:s13], $0x3E80  }
0x25: {  	[sflag:s13] =	ssyncset.done $0x0  }
0x26: {  	s24 =	simm.s32 $0x1400;
	[sflag:s13] =	ssyncadd.s32 $0xFFFFC180  }
0x27: {  	[spmem:s3] =	stream.indirect.scatter.add.f32 [tilespmem:s15], [sflag:$0x3], $0x80, s24, s14, $0xb8;
	[tilespmem:$0x1E800] =	vst v63  }
0x28: {  	_ =	swait.ge [sflag:s18], $0x3E80  }
0x29: {  	[sflag:s18] =	ssyncset.done $0x0  }
0x2a: {  	s30 =	simm.s32 $0x100;
	[sflag:s18] =	ssyncadd.s32 $0xFFFFC180  }
0x2b: {  	[tilespmem:s15], [sflag:$0x1] =	stream.indirect.gather [hbm4b:s1+s14], $0x80, s30, s14, $0xb8;
	[tilespmem:$0x1E800] =	vst v63  }
0x2c: {  	_ =	swait.ge [sflag:s19], $0x3E80  }
0x2d: {  	[sflag:s19] =	ssyncset.done $0x0  }
0x2e: {  	s31 =	simm.s32 $0x1480;
	[sflag:s19] =	ssyncadd.s32 $0xFFFFC180  }
0x2f: {  	[spmem:s3] =	stream.indirect.scatter.add.f32 [tilespmem:s17], [sflag:$0x3], $0x80, s31, s14, $0xb8;
	[tilespmem:$0x1E800] =	vst v63  }
0x30: {  	_ =	swait.ge [sflag:s18], $0x3E80  }
0x31: {  	[sflag:s18] =	ssyncset.done $0x0  }
0x32: {  	s25 =	simm.s32 $0x180;
	s24 =	simm.s32 $0x400;
	[sflag:s18] =	ssyncadd.s32 $0xFFFFC180  }
.LBB2_2:
0x33: {  	[tilespmem:s17], [sflag:$0x2] =	stream.indirect.gather [hbm4b:s1+s14], $0x80, s25, s14, $0xb8;
	[tilespmem:$0x1E800] =	vst v63  }
0x34: {  	s25 =	smov.u32 s24  }
0x35: {  	p0 =	sne.s32 s24, $0x4800;
	s24 =	sadd.s32 $0x400, s24;
	_ =	swait.ge [sflag:s13], $0x3E80  }
0x36: {  	s25 =	sshra.s32 s25, $0x2;
	[sflag:s13] =	ssyncset.done $0x0  }
0x37: {  	s26 =	sadd.s32 $0x1400, s25;
	[sflag:s13] =	ssyncadd.s32 $0xFFFFC180  }
0x38: {  	[spmem:s3] =	stream.indirect.scatter.add.f32 [tilespmem:s15], [sflag:$0x3], $0x80, s26, s14, $0xb8;
	[tilespmem:$0x1E800] =	vst v63  }
0x39: {  	_ =	swait.ge [sflag:s18], $0x3E80  }
0x3a: {  	[sflag:s18] =	ssyncset.done $0x0  }
0x3b: {  	s26 =	sadd.s32 $0x100, s25;
	[sflag:s18] =	ssyncadd.s32 $0xFFFFC180  }
0x3c: {  	[tilespmem:s15], [sflag:$0x1] =	stream.indirect.gather [hbm4b:s1+s14], $0x80, s26, s14, $0xb8;
	[tilespmem:$0x1E800] =	vst v63  }
0x3d: {  	_ =	swait.ge [sflag:s19], $0x3E80  }
0x3e: {  	[sflag:s19] =	ssyncset.done $0x0  }
.Ltmp0:
0x3f: {  	s26 =	sadd.s32 $0x1480, s25;
	[sflag:s19] =	ssyncadd.s32 $0xFFFFC180;
	(pc) =	sbr.rel @p0 .LBB2_2-.Ltmp0, $4  }
0x40: {  	[spmem:s3] =	stream.indirect.scatter.add.f32 [tilespmem:s17], [sflag:$0x3], $0x80, s26, s14, $0xb8;
	[tilespmem:$0x1E800] =	vst v63  }
0x41: {  	_ =	swait.ge [sflag:s18], $0x3E80  }
0x42: {  	[sflag:s18] =	ssyncset.done $0x0  }
0x43: {  	s25 =	sadd.s32 $0x180, s25;
	[sflag:s18] =	ssyncadd.s32 $0xFFFFC180  }
0x44: {  	[tilespmem:s17], [sflag:$0x2] =	stream.indirect.gather [hbm4b:s1+s14], $0x80, s25, s14, $0xb8;
	[tilespmem:$0x1E800] =	vst v63  }
0x45: {  	_ =	swait.ge [sflag:s13], $0x3E80  }
0x46: {  	[sflag:s13] =	ssyncset.done $0x0  }
0x47: {  	[sflag:s13] =	ssyncadd.s32 $0xFFFFC180  }
0x48: {  	[spmem:s3] =	stream.indirect.scatter.add.f32 [tilespmem:s15], [sflag:$0x3], $0x80, s20, s14, $0xb8;
	[tilespmem:$0x1E800] =	vst v63  }
0x49: {  	_ =	swait.ge [sflag:s18], $0x3E80  }
0x4a: {  	[sflag:s18] =	ssyncset.done $0x0  }
0x4b: {  	[sflag:s18] =	ssyncadd.s32 $0xFFFFC180  }
0x4c: {  	_ =	swait.ge [sflag:s19], $0x3E80  }
0x4d: {  	[sflag:s19] =	ssyncset.done $0x0  }
0x4e: {  	[sflag:s19] =	ssyncadd.s32 $0xFFFFC180  }
0x4f: {  	[spmem:s3] =	stream.indirect.scatter.add.f32 [tilespmem:s17], [sflag:$0x3], $0x80, s21, s14, $0xb8;
	[tilespmem:$0x1E800] =	vst v63  }
0x50: {  	_ =	swait.ge [sflag:s18], $0x3E80  }
0x51: {  	s23 =	sadd.s32 $0x1, s23;
	[sflag:s18] =	ssyncset.done $0x0  }
0x52: {  	p0 =	sne.s32 s23, s10;
	[sflag:s18] =	ssyncadd.s32 $0xFFFFC180  }
.Ltmp1:
0x53: {  	[bflag:$0x0] =	sbarrier.arrive $0xFFFF;
	(pc) =	sbr.rel @p0 .LBB2_1-.Ltmp1, $4  }
0x54: {  	[hbm:s9], [sflag:s22] =	dma.local [spmem:s11], $0x2800  }
0x55: {  	_ =	swait.ge [sflag:s18], $0x2800  }
0x56: {  	[sflag:s18] =	ssyncset.done $0x0  }
0x57: {  	[sflag:s18] =	ssyncadd.s32 $0xFFFFD800  }
0x58: {  	_ =	sfence.sel $0x180000  }
0x59: {  	[bflag:$0x0] =	sbarrier.arrive $0xFFFF  }
0x5a: {  	p0 =	sne.s32 s2, $0x0;
	_ =	strace $0x90000047  }
0x5b: {  	s0 =	sadd.s32 @!p0 $0x100000, s0;
	[bflag:$0x2] =	sbarrier.arrive $0xFFFF  }
0x5c: {  	[sflag:s0] =	ssyncadd.tile.s32 @!p0 $0x1;
	_ =	shalt  }
.Lfunc_end2:
_tile_overlayer_lowered:
.L_overlay_start_2:
0x5d: {  	(tag) =	ssettag $0x2  }
0x5e: {  	s0 =	rddreg [dreg:$0x0];
	s2 =	stileid.u32  }
0x5f: {  	s1 =	rddreg [dreg:$0x1];
	p0 =	sne.s32 s2, $0x0  }
0x60: {  	s3 =	rddreg [dreg:$0x2];
	[bflag:$0x3] =	sbarrier.arrive $0xFFFF;
	s2 =	simm.s32 @!p0 $0x1C03  }
0x61: {  	[timem:s3], [sflag:s2] =	dma.local @!p0 [hbm:s0], s1  }
0x62: {  	s0 =	simm.s32 @!p0 $0x3  }
0x63: {  	_ =	swait.ge @!p0 [sflag:s0], s1  }
0x64: {  	s1 =	ssub.s32 @!p0 $0x0, s1;
	[sflag:s0] =	ssyncset.done @!p0 $0x0  }
0x65: {  	[sflag:s0] =	ssyncadd.s32 @!p0 s1  }
0x66: {  	[bflag:$0x3] =	sbarrier.arrive $0xFFFF  }
0x67: {  	_ =	shalt  }

// kernel: kernel.19.cloned.1.call-start
scs
__scs_entry_jumppad:
0x0: {  	(pc) =	sbr.rel $0x88, $3  }
0x1: {  	(tag) =	ssettag $0x0;
	lr =	simm.s32 $0x1  }
0x2: {  	[smem:$0x3F97] =	sst lr;
	_ =	strace $0xD0000000  }
0x3: {  	_ = 	snop  }
0x4: {  	_ = 	snop  }
0x5: {  	_ = 	snop  }
0x6: {  	_ = 	snop  }
0x7: {  	_ = 	snop  }
__scs_overlays_trampoline_lowered:
0x8: {  	[smem:$0x3FA6] =	sst s0  }
0x9: {  	[smem:$0x3FA7] =	sst s1  }
0xa: {  	[smem:$0x3FA8] =	sst s2  }
0xb: {  	[smem:$0x3FA9] =	sst s3  }
0xc: {  	[smem:$0x3FAA] =	sst s4  }
0xd: {  	[smem:$0x3FAB] =	sst s5  }
0xe: {  	[smem:$0x3FAC] =	sst s6  }
0xf: {  	[smem:$0x3FAD] =	sst s7  }
0x10: {  	[smem:$0x3FAE] =	sst s8  }
0x11: {  	[smem:$0x3FAF] =	sst s9;
	s0 =	simm.s32 @!p0 $0x0  }
0x12: {  	s1 =	sld [smem:$0x3F95];
	s0 =	simm.s32 @p0 $0x1  }
0x13: {  	[smem:$0x3FB0] =	sst s0;
	s0 =	simm.s32 @!p1 $0x0  }
0x14: {  	s2 =	sld [smem:$0x3F94];
	s0 =	simm.s32 @p1 $0x1  }
0x15: {  	[smem:$0x3FB1] =	sst s0;
	s0 =	simm.s32 @!p2 $0x0  }
0x16: {  	s3 =	sld [smem:$0x3FDB];
	s0 =	simm.s32 @p2 $0x1  }
0x17: {  	s4 =	simm.s32 $0x1BF5;
	[smem:$0x3FB3] =	sst s0  }
0x18: {  	s0 =	sld [smem:$0x3F96];
	_ =	swait.ge [sflag:s4], $0x0  }
0x19: {  	s7 =	sld [smem:$0x3F97]  }
0x1a: {  	s8 =	sadd.s32 $0xFFFFE003, lr  }
0x1b: {  	s9 =	sadd.s32 $0xFFFFFEF7, lr;
	s5 =	simm.s32 $0xFFFFFFFF;
	p2 =	slt.u32 s8, $0xFFFFF086  }
0x1c: {  	p1 =	slt.u32 s9, $0xF7A;
	s5 =	simm.s32 @!p2 $0x0  }
0x1d: {  	s5 =	simm.s32 @p1 $0x1;
	p0 =	seq.s32 s7, s2  }
0x1e: {  	s7 =	smul.u32 @!p0 $0xF7A, s2;
	p2 =	seq.s32 @!p0 s5, $0x0  }
0x1f: {  	s9 =	smul.u32 $0xF7A, s1;
	s8 =	simm.s32 @!p0 $0x1BF5;
	p2 =	por !p2, p0  }
0x20: {  	[sflag:s8] =	ssyncset.s32 @!p0 $0xFFFFF086;
	s6 =	sadd.s32 @!p0 s3, s7;
	s7 =	simm.s32 @!p0 $0x108  }
0x21: {  	s3 =	sadd.s32 s3, s9;
	s6 =	sadd.s32 @!p0 $0x88, s6;
	s7 =	simm.s32 @p2 $0x1082  }
0x22: {  	[simem:s7], [sflag:s8] =	dma.local @!p0 [hbm:s6], $0xF7A  }
0x23: {  	s9 =	sor.u32 $0xD0000000, s2;
	s6 =	simm.s32 $0x108;
	_ =	swait.ge @!p0 [sflag:s8], $0x0  }
0x24: {  	s3 =	sadd.s32 $0x88, s3;
	s6 =	simm.s32 @!p1 $0x1082;
	[sflag:s4] =	ssyncset.s32 $0xFFFFF086  }
0x25: {  	[simem:s6], [sflag:s4] =	dma.local [hbm:s3], $0xF7A  }
0x26: {  	[smem:$0x3F97] =	sst s1;
	(tag) =	ssettag s2;
	_ =	strace s9  }
0x27: {  	s1 =	sld [smem:$0x3FA7]  }
0x28: {  	s2 =	sld [smem:$0x3FA8]  }
0x29: {  	s4 =	sld [smem:$0x3FAA]  }
0x2a: {  	p0 =	seq.s32 s5, $0x0;
	s5 =	sld [smem:$0x3FAB]  }
0x2b: {  	s6 =	sld [smem:$0x3FAC]  }
0x2c: {  	s7 =	sld [smem:$0x3FAD]  }
0x2d: {  	s3 =	simm.s32 $0x108;
	s8 =	sld [smem:$0x3FAE]  }
0x2e: {  	s3 =	simm.s32 @!p0 $0x1082;
	s9 =	sld [smem:$0x3FAF]  }
0x2f: {  	lr =	sadd.s32 s0, s3;
	s0 =	sld [smem:$0x3FA6]  }
0x30: {  	s3 =	sld [smem:$0x3FA9]  }
0x31: {  	[smem:$0x3FB2] =	sst s10  }
0x32: {  	s10 =	sld [smem:$0x3FB0];
	_ =	sdelay $0x3  }
0x33: {  	p0 =	seq.s32 s10, $0x1;
	s10 =	sld [smem:$0x3FB2];
	_ =	sdelay $0x3  }
0x34: {  	[smem:$0x3FB2] =	sst s10  }
0x35: {  	s10 =	sld [smem:$0x3FB1];
	_ =	sdelay $0x3  }
0x36: {  	p1 =	seq.s32 s10, $0x1;
	s10 =	sld [smem:$0x3FB2];
	_ =	sdelay $0x3  }
0x37: {  	[smem:$0x3FB2] =	sst s10  }
0x38: {  	s10 =	sld [smem:$0x3FB3]  }
0x39: {  	_ = 	snop;
	(pc) =	sbr.ind lr, $3  }
0x3a: {  	_ = 	snop  }
0x3b: {  	_ = 	snop  }
0x3c: {  	p2 =	seq.s32 s10, $0x1;
	s10 =	sld [smem:$0x3FB2]  }
0x3d: {  	_ =	shalt  }
0x3e: {  	_ =	shalt  }
0x3f: {  	_ =	shalt  }
0x40: {  	_ =	shalt  }
0x41: {  	_ =	shalt  }
0x42: {  	_ =	shalt  }
0x43: {  	_ =	shalt  }
0x44: {  	_ =	shalt  }
0x45: {  	_ =	shalt  }
0x46: {  	_ =	shalt  }
0x47: {  	_ =	shalt  }
0x48: {  	_ =	shalt  }
0x49: {  	_ =	shalt  }
0x4a: {  	_ =	shalt  }
0x4b: {  	_ =	shalt  }
0x4c: {  	_ =	shalt  }
0x4d: {  	_ =	shalt  }
0x4e: {  	_ =	shalt  }
0x4f: {  	_ =	shalt  }
0x50: {  	_ =	shalt  }
0x51: {  	_ =	shalt  }
0x52: {  	_ =	shalt  }
0x53: {  	_ =	shalt  }
0x54: {  	_ =	shalt  }
0x55: {  	_ =	shalt  }
0x56: {  	_ =	shalt  }
0x57: {  	_ =	shalt  }
0x58: {  	_ =	shalt  }
0x59: {  	_ =	shalt  }
0x5a: {  	_ =	shalt  }
0x5b: {  	_ =	shalt  }
0x5c: {  	_ =	shalt  }
0x5d: {  	_ =	shalt  }
0x5e: {  	_ =	shalt  }
0x5f: {  	_ =	shalt  }
0x60: {  	_ =	shalt  }
0x61: {  	_ =	shalt  }
0x62: {  	_ =	shalt  }
0x63: {  	_ =	shalt  }
0x64: {  	_ =	shalt  }
0x65: {  	_ =	shalt  }
0x66: {  	_ =	shalt  }
0x67: {  	_ =	shalt  }
0x68: {  	_ =	shalt  }
0x69: {  	_ =	shalt  }
0x6a: {  	_ =	shalt  }
0x6b: {  	_ =	shalt  }
0x6c: {  	_ =	shalt  }
0x6d: {  	_ =	shalt  }
0x6e: {  	_ =	shalt  }
0x6f: {  	_ =	shalt  }
0x70: {  	_ =	shalt  }
0x71: {  	_ =	shalt  }
0x72: {  	_ =	shalt  }
0x73: {  	_ =	shalt  }
0x74: {  	_ =	shalt  }
0x75: {  	_ =	shalt  }
0x76: {  	_ =	shalt  }
0x77: {  	_ =	shalt  }
0x78: {  	_ =	shalt  }
0x79: {  	_ =	shalt  }
0x7a: {  	_ =	shalt  }
0x7b: {  	_ =	shalt  }
0x7c: {  	_ =	shalt  }
0x7d: {  	_ =	shalt  }
0x7e: {  	_ =	shalt  }
0x7f: {  	_ =	shalt  }
0x80: {  	_ =	shalt  }
0x81: {  	_ =	shalt  }
0x82: {  	_ =	shalt  }
0x83: {  	_ =	shalt  }
0x84: {  	_ =	shalt  }
0x85: {  	_ =	shalt  }
0x86: {  	_ =	shalt  }
0x87: {  	_ =	shalt  }
.Lfunc_end0:
.L_simem_size_0:
called_computation.2_lowered:
.L_overlay_start_0:
0x88: {  	s2 =	sld [smem:$0x3FD9]  }
0x89: {  	s3 =	sld [smem:$0x3FFE];
	_ =	sdelay $0x1  }
0x8a: {  	s1 =	srdreg.scid  }
0x8b: {  	s0 =	sand.u32 $0x1, s1  }
0x8c: {  	s17 =	sshll.u32 s0, $0xA;
	s2 =	sadd.s32 s3, s2  }
0x8d: {  	s2 =	sadd.s32 s2, s17  }
0x8e: {  	[smem:$0x3FBE] =	sst s2  }
0x8f: {  	_ = 	snop  }
0x90: {  	s2 =	sld [smem:$0x3FD0];
	(tm) =	ssettm $0x1  }
0x91: {  	s18 =	sld [smem:$0x3FFB];
	_ =	sdelay $0x3  }
0x92: {  	_ =	strace s18  }
0x93: {  	s3 =	sld [smem:$0x3FFC];
	_ =	sdelay $0x3  }
0x94: {  	_ =	strace s3  }
0x95: {  	s3 =	sld [smem:$0x3FFD];
	_ =	sdelay $0x3  }
0x96: {  	_ =	strace s3  }
0x97: {  	_ =	strace $0x8FFFFFFF  }
0x98: {  	s19 =	sld [smem:$0x3FDB];
	_ =	sdelay $0x1  }
0x99: {  	s4 =	simm.s32 $_scs_section_size  }
0x9a: {  	s5 =	simm.s32 $_size__tile_overlayer_lowered;
	s6 =	simm.s32 $_tile_overlayer_lowered  }
0x9b: {  	s22 =	simm.s32 $0x1BFF;
	s21 =	sshll.u32 s6, $0x1;
	s3 =	sadd.s32 s4, s19  }
0x9c: {  	s7 =	simm.s32 $0x0;
	s20 =	sshll.u32 s5, $0x1;
	s5 =	sadd.s32 s21, s3  }
0x9d: {  	[timem:s7], [sflag:s22] =	dma.local [hbm:s5], s20  }
0x9e: {  	_ =	swait.ge [sflag:s22], s20  }
0x9f: {  	s4 =	ssub.s32 $0x0, s20;
	[sflag:s22] =	ssyncset.done $0x0  }
0xa0: {  	[sflag:s22] =	ssyncadd.s32 s4;
	_ =	sdelay $0x1  }
0xa1: {  	s23 =	simm.s32 $0x1B8B  }
0xa2: {  	_ =	swait.ge [sflag:s23], $0x1  }
0xa3: {  	[sflag:s23] =	ssyncset.done $0x0  }
0xa4: {  	s25 =	simm.s32 $0x1B8E;
	s24 =	sld [smem:$0x3FFE];
	[sflag:s23] =	ssyncadd.s32 $0xFFFFFFFF  }
0xa5: {  	s26 =	simm.s32 $execute0_lowered;
	[smem:$0x3FD2] =	sst s25  }
0xa6: {  	s5 =	sshll.u32 s26, $0x1;
	_ =	strace $0x8000004C;
	[dreg:$0x1] =	wrdreg $0xFFFFFFFF  }
0xa7: {  	s28 =	simm.s32 $_size_execute0_lowered;
	s3 =	sadd.s32 s3, s5;
	[dreg:$0x0] =	wrdreg $0x0  }
0xa8: {  	s5 =	sshll.u32 s28, $0x1;
	[dreg:$0x2] =	wrdreg s3  }
0xa9: {  	[dreg:$0x3] =	wrdreg s5  }
0xaa: {  	[dreg:$0x4] =	wrdreg $0xC0  }
0xab: {  	_ =	task [dreg:s7], $0x5FFFF  }
0xac: {  	[dreg:$0x1] =	wrdreg $0xFFFFFFFF  }
0xad: {  	[dreg:$0x0] =	wrdreg $0x60  }
0xae: {  	[dreg:$0x2] =	wrdreg s24  }
0xaf: {  	[dreg:$0x3] =	wrdreg s2  }
0xb0: {  	[dreg:$0x4] =	wrdreg $0xA8000  }
0xb1: {  	[dreg:$0x5] =	wrdreg $0x9  }
0xb2: {  	_ =	task.clear_ibuf [dreg:s7], $0x6FFFF;
	_ =	strace $0x9000004C  }
0xb3: {  	s29 =	simm.s32 $0x9;
	_ =	strace $0x8000004E  }
0xb4: {  	_ =	swait.ge [sflag:s29], $0x1  }
0xb5: {  	[sflag:s29] =	ssyncadd.s32 $0xFFFFFFFF  }
0xb6: {  	_ =	strace $0x9000004E  }
0xb7: {  	_ =	sfence  }
0xb8: {  	s30 =	sld [smem:$0x0];
	_ =	sdelay $0x2  }
0xb9: {  	s31 =	sshll.u32 s1, $0xD;
	s1 =	sshrl.u32 s1, $0x2  }
0xba: {  	s3 =	sand.u32 $0x4000, s31;
	s1 =	sadd.s32 s1, s30  }
0xbb: {  	s0 =	sor.u32 s3, s0;
	s1 =	sshll.u32 s1, $0x11  }
0xbc: {  	s0 =	sor.u32 s1, s0  }
0xbd: {  	s0 =	sadd.s32 $0x8F2B, s0  }
0xbe: {  	[sflag:s0] =	ssyncadd.remote.s32 $0x1  }
0xbf: {  	_ =	sfence.sel $0xFFFF  }
0xc0: {  	[dreg:$0x0] =	wrdreg $0xFFFFFFFF;
	(pc) =	sbr.abs _section_cstart, $3  }
0xc1: {  	[dreg:$0x1] =	wrdreg $0xFFFFFFFF  }
0xc2: {  	_ =	task.clear_ibuf [dreg:s7], $0x2FFFF;
	_ =	strace $0x9FFFFFFF  }
0xc3: {  	(tm) =	ssettm $0x7FFFFFFF  }
tec
execute0_lowered:
.L_overlay_start_1:
0x0: {  	(tag) =	ssettag $0x1  }
0x1: {  	s5 =	rddreg [dreg:$0x0]  }
0x2: {  	s9 =	rddreg [dreg:$0x1]  }
0x3: {  	s1 =	rddreg [dreg:$0x2]  }
0x4: {  	s2 =	srdreg.scid;
	s0 =	rddreg [dreg:$0x3]  }
0x5: {  	s3 =	simm.s32 $0x0;
	s14 =	simm.s32 $0x7D;
	s15 =	simm.s32 $0x2800  }
0x6: {  	s16 =	simm.s32 $0x80;
	s17 =	simm.s32 $0x6800;
	s18 =	simm.s32 $0x3  }
0x7: {  	s19 =	simm.s32 $0x2;
	s20 =	simm.s32 $0x2700;
	s21 =	simm.s32 $0x2780  }
0x8: {  	s23 =	simm.s32 $0x0;
	s6 =	sand.u32 $0x1, s2;
	s2 =	stileid.u32  }
0x9: {  	[smem:$0x7FF] =	sst s3;
	s4 =	sshll.u32 s6, $0x4;
	s7 =	smul.u32 $0x14000, s2  }
0xa: {  	_ =	strace $0x8000004D;
	s11 =	smul.u32 $0x50000, s2;
	s30 =	ssub.s32 $0x2, s6  }
0xb: {  	s13 =	smul.u32 $0x140000, s6;
	s22 =	sshll.u32 s2, $0x6;
	s4 =	sor.u32 s2, s4  }
0xc: {  	s12 =	sshrl.u32 s30, $0x1;
	s6 =	sor.u32 $0x1C01, s22;
	s22 =	sor.u32 $0x1C03, s22  }
0xd: {  	s8 =	smul.u32 $0x280, s4;
	s4 =	sadd.s32 $0x83A00, s5;
	s10 =	sshrl.u32 s7, $0x3  }
0xe: {  	s11 =	sshrl.u32 s11, $0x2;
	s31 =	sadd.s32 s7, s13;
	s13 =	simm.s32 $0x1  }
0xf: {  	s11 =	sadd.s32 s11, s1;
	s8 =	sadd.s32 s8, s5;
	s5 =	sadd.s32 s10, s5  }
0x10: {  	s10 =	ssub.s32 s30, s12;
	s12 =	sshrl.u32 s31, $0x3;
	s11 =	sshrl.u32 s11, $0x3  }
0x11: {  	s5 =	sadd.s32 $0xB200, s5;
	s7 =	sadd.s32 $0x6200, s8;
	s8 =	sadd.s32 $0x1200, s8  }
0x12: {  	s9 =	sadd.s32 s9, s12;
	s10 =	smax.u32 s10, $0x1;
	s12 =	simm.s32 $0x1400  }
.LBB2_1:
0x13: {  	[spmem:s11], [sflag:s6] =	dma.local [hbm:s5], $0x2800  }
0x14: {  	[tilespmem:s3], [sflag:$0x1] =	stream.linear.gather [hbm4b:s7+s3], $0x1400, $0x38;
	[tilespmem:$0x1E800] =	vst v63  }
0x15: {  	_ = 	snop  }
0x16: {  	[tilespmem:s12], [sflag:$0x1] =	stream.linear.gather [hbm4b:s8+s3], $0x1400, $0x38;
	[tilespmem:$0x1E800] =	vst v63  }
0x17: {  	_ =	swait.ge [sflag:s13], $0x2800  }
0x18: {  	[sflag:s13] =	ssyncset.done $0x0  }
0x19: {  	[sflag:s13] =	ssyncadd.s32 $0xFFFFD800  }
0x1a: {  	_ =	swait.ge [sflag:s13], $0x1400  }
0x1b: {  	[sflag:s13] =	ssyncset.done $0x0  }
0x1c: {  	[sflag:s13] =	ssyncadd.s32 $0xFFFFEC00  }
0x1d: {  	_ =	swait.ge [sflag:s13], $0x1400  }
0x1e: {  	[sflag:s13] =	ssyncset.done $0x0  }
0x1f: {  	[sflag:s13] =	ssyncadd.s32 $0xFFFFEC00  }
0x20: {  	[bflag:$0x0] =	sbarrier.arrive $0xFFFF  }
0x21: {  	[tilespmem:s15], [sflag:$0x1] =	stream.indirect.gather [hbm4b:s4+s14], $0x80, s3, s14, $0xb8;
	[tilespmem:$0x1E800] =	vst v63  }
0x22: {  	_ = 	snop  }
0x23: {  	[tilespmem:s17], [sflag:$0x2] =	stream.indirect.gather [hbm4b:s4+s14], $0x80, s16, s14, $0xb8;
	[tilespmem:$0x1E800] =	vst v63  }
0x24: {  	_ =	swait.ge [sflag:s13], $0x3E80  }
0x25: {  	[sflag:s13] =	ssyncset.done $0x0  }
0x26: {  	s24 =	simm.s32 $0x1400;
	[sflag:s13] =	ssyncadd.s32 $0xFFFFC180  }
0x27: {  	[spmem:s1] =	stream.indirect.scatter.add.f32 [tilespmem:s15], [sflag:$0x3], $0x80, s24, s14, $0xb8;
	[tilespmem:$0x1E800] =	vst v63  }
0x28: {  	_ =	swait.ge [sflag:s18], $0x3E80  }
0x29: {  	[sflag:s18] =	ssyncset.done $0x0  }
0x2a: {  	s30 =	simm.s32 $0x100;
	[sflag:s18] =	ssyncadd.s32 $0xFFFFC180  }
0x2b: {  	[tilespmem:s15], [sflag:$0x1] =	stream.indirect.gather [hbm4b:s4+s14], $0x80, s30, s14, $0xb8;
	[tilespmem:$0x1E800] =	vst v63  }
0x2c: {  	_ =	swait.ge [sflag:s19], $0x3E80  }
0x2d: {  	[sflag:s19] =	ssyncset.done $0x0  }
0x2e: {  	s31 =	simm.s32 $0x1480;
	[sflag:s19] =	ssyncadd.s32 $0xFFFFC180  }
0x2f: {  	[spmem:s1] =	stream.indirect.scatter.add.f32 [tilespmem:s17], [sflag:$0x3], $0x80, s31, s14, $0xb8;
	[tilespmem:$0x1E800] =	vst v63  }
0x30: {  	_ =	swait.ge [sflag:s18], $0x3E80  }
0x31: {  	[sflag:s18] =	ssyncset.done $0x0  }
0x32: {  	s25 =	simm.s32 $0x180;
	s24 =	simm.s32 $0x400;
	[sflag:s18] =	ssyncadd.s32 $0xFFFFC180  }
.LBB2_2:
0x33: {  	[tilespmem:s17], [sflag:$0x2] =	stream.indirect.gather [hbm4b:s4+s14], $0x80, s25, s14, $0xb8;
	[tilespmem:$0x1E800] =	vst v63  }
0x34: {  	s25 =	smov.u32 s24  }
0x35: {  	p0 =	sne.s32 s24, $0x4800;
	s24 =	sadd.s32 $0x400, s24;
	_ =	swait.ge [sflag:s13], $0x3E80  }
0x36: {  	s25 =	sshra.s32 s25, $0x2;
	[sflag:s13] =	ssyncset.done $0x0  }
0x37: {  	s26 =	sadd.s32 $0x1400, s25;
	[sflag:s13] =	ssyncadd.s32 $0xFFFFC180  }
0x38: {  	[spmem:s1] =	stream.indirect.scatter.add.f32 [tilespmem:s15], [sflag:$0x3], $0x80, s26, s14, $0xb8;
	[tilespmem:$0x1E800] =	vst v63  }
0x39: {  	_ =	swait.ge [sflag:s18], $0x3E80  }
0x3a: {  	[sflag:s18] =	ssyncset.done $0x0  }
0x3b: {  	s26 =	sadd.s32 $0x100, s25;
	[sflag:s18] =	ssyncadd.s32 $0xFFFFC180  }
0x3c: {  	[tilespmem:s15], [sflag:$0x1] =	stream.indirect.gather [hbm4b:s4+s14], $0x80, s26, s14, $0xb8;
	[tilespmem:$0x1E800] =	vst v63  }
0x3d: {  	_ =	swait.ge [sflag:s19], $0x3E80  }
0x3e: {  	[sflag:s19] =	ssyncset.done $0x0  }
.Ltmp0:
0x3f: {  	s26 =	sadd.s32 $0x1480, s25;
	[sflag:s19] =	ssyncadd.s32 $0xFFFFC180;
	(pc) =	sbr.rel @p0 .LBB2_2-.Ltmp0, $4  }
0x40: {  	[spmem:s1] =	stream.indirect.scatter.add.f32 [tilespmem:s17], [sflag:$0x3], $0x80, s26, s14, $0xb8;
	[tilespmem:$0x1E800] =	vst v63  }
0x41: {  	_ =	swait.ge [sflag:s18], $0x3E80  }
0x42: {  	[sflag:s18] =	ssyncset.done $0x0  }
0x43: {  	s25 =	sadd.s32 $0x180, s25;
	[sflag:s18] =	ssyncadd.s32 $0xFFFFC180  }
0x44: {  	[tilespmem:s17], [sflag:$0x2] =	stream.indirect.gather [hbm4b:s4+s14], $0x80, s25, s14, $0xb8;
	[tilespmem:$0x1E800] =	vst v63  }
0x45: {  	_ =	swait.ge [sflag:s13], $0x3E80  }
0x46: {  	[sflag:s13] =	ssyncset.done $0x0  }
0x47: {  	[sflag:s13] =	ssyncadd.s32 $0xFFFFC180  }
0x48: {  	[spmem:s1] =	stream.indirect.scatter.add.f32 [tilespmem:s15], [sflag:$0x3], $0x80, s20, s14, $0xb8;
	[tilespmem:$0x1E800] =	vst v63  }
0x49: {  	_ =	swait.ge [sflag:s18], $0x3E80  }
0x4a: {  	[sflag:s18] =	ssyncset.done $0x0  }
0x4b: {  	[sflag:s18] =	ssyncadd.s32 $0xFFFFC180  }
0x4c: {  	_ =	swait.ge [sflag:s19], $0x3E80  }
0x4d: {  	[sflag:s19] =	ssyncset.done $0x0  }
0x4e: {  	[sflag:s19] =	ssyncadd.s32 $0xFFFFC180  }
0x4f: {  	[spmem:s1] =	stream.indirect.scatter.add.f32 [tilespmem:s17], [sflag:$0x3], $0x80, s21, s14, $0xb8;
	[tilespmem:$0x1E800] =	vst v63  }
0x50: {  	_ =	swait.ge [sflag:s18], $0x3E80  }
0x51: {  	s23 =	sadd.s32 $0x1, s23;
	[sflag:s18] =	ssyncset.done $0x0  }
0x52: {  	p0 =	sne.s32 s23, s10;
	[sflag:s18] =	ssyncadd.s32 $0xFFFFC180  }
.Ltmp1:
0x53: {  	[bflag:$0x0] =	sbarrier.arrive $0xFFFF;
	(pc) =	sbr.rel @p0 .LBB2_1-.Ltmp1, $4  }
0x54: {  	[hbm:s9], [sflag:s22] =	dma.local [spmem:s11], $0x2800  }
0x55: {  	_ =	swait.ge [sflag:s18], $0x2800  }
0x56: {  	[sflag:s18] =	ssyncset.done $0x0  }
0x57: {  	[sflag:s18] =	ssyncadd.s32 $0xFFFFD800  }
0x58: {  	_ =	sfence.sel $0x180000  }
0x59: {  	[bflag:$0x0] =	sbarrier.arrive $0xFFFF  }
0x5a: {  	p0 =	sne.s32 s2, $0x0;
	_ =	strace $0x9000004D  }
0x5b: {  	s0 =	sadd.s32 @!p0 $0x100000, s0;
	[bflag:$0x2] =	sbarrier.arrive $0xFFFF  }
0x5c: {  	[sflag:s0] =	ssyncadd.tile.s32 @!p0 $0x1;
	_ =	shalt  }
.Lfunc_end2:
_tile_overlayer_lowered:
.L_overlay_start_2:
0x5d: {  	(tag) =	ssettag $0x2  }
0x5e: {  	s0 =	rddreg [dreg:$0x0];
	s2 =	stileid.u32  }
0x5f: {  	s1 =	rddreg [dreg:$0x1];
	p0 =	sne.s32 s2, $0x0  }
0x60: {  	s3 =	rddreg [dreg:$0x2];
	[bflag:$0x3] =	sbarrier.arrive $0xFFFF;
	s2 =	simm.s32 @!p0 $0x1C03  }
0x61: {  	[timem:s3], [sflag:s2] =	dma.local @!p0 [hbm:s0], s1  }
0x62: {  	s0 =	simm.s32 @!p0 $0x3  }
0x63: {  	_ =	swait.ge @!p0 [sflag:s0], s1  }
0x64: {  	s1 =	ssub.s32 @!p0 $0x0, s1;
	[sflag:s0] =	ssyncset.done @!p0 $0x0  }
0x65: {  	[sflag:s0] =	ssyncadd.s32 @!p0 s1  }
0x66: {  	[bflag:$0x3] =	sbarrier.arrive $0xFFFF  }
0x67: {  	_ =	shalt  }

// kernel: kernel.22.cloned.1.call-start
scs
__scs_entry_jumppad:
0x0: {  	(pc) =	sbr.rel $0x88, $3  }
0x1: {  	(tag) =	ssettag $0x0;
	lr =	simm.s32 $0x1  }
0x2: {  	[smem:$0x3F97] =	sst lr;
	_ =	strace $0xD0000000  }
0x3: {  	_ = 	snop  }
0x4: {  	_ = 	snop  }
0x5: {  	_ = 	snop  }
0x6: {  	_ = 	snop  }
0x7: {  	_ = 	snop  }
__scs_overlays_trampoline_lowered:
0x8: {  	[smem:$0x3FA6] =	sst s0  }
0x9: {  	[smem:$0x3FA7] =	sst s1  }
0xa: {  	[smem:$0x3FA8] =	sst s2  }
0xb: {  	[smem:$0x3FA9] =	sst s3  }
0xc: {  	[smem:$0x3FAA] =	sst s4  }
0xd: {  	[smem:$0x3FAB] =	sst s5  }
0xe: {  	[smem:$0x3FAC] =	sst s6  }
0xf: {  	[smem:$0x3FAD] =	sst s7  }
0x10: {  	[smem:$0x3FAE] =	sst s8  }
0x11: {  	[smem:$0x3FAF] =	sst s9;
	s0 =	simm.s32 @!p0 $0x0  }
0x12: {  	s1 =	sld [smem:$0x3F95];
	s0 =	simm.s32 @p0 $0x1  }
0x13: {  	[smem:$0x3FB0] =	sst s0;
	s0 =	simm.s32 @!p1 $0x0  }
0x14: {  	s2 =	sld [smem:$0x3F94];
	s0 =	simm.s32 @p1 $0x1  }
0x15: {  	[smem:$0x3FB1] =	sst s0;
	s0 =	simm.s32 @!p2 $0x0  }
0x16: {  	s3 =	sld [smem:$0x3FDB];
	s0 =	simm.s32 @p2 $0x1  }
0x17: {  	s4 =	simm.s32 $0x1BF5;
	[smem:$0x3FB3] =	sst s0  }
0x18: {  	s0 =	sld [smem:$0x3F96];
	_ =	swait.ge [sflag:s4], $0x0  }
0x19: {  	s7 =	sld [smem:$0x3F97]  }
0x1a: {  	s8 =	sadd.s32 $0xFFFFE003, lr  }
0x1b: {  	s9 =	sadd.s32 $0xFFFFFEF7, lr;
	s5 =	simm.s32 $0xFFFFFFFF;
	p2 =	slt.u32 s8, $0xFFFFF086  }
0x1c: {  	p1 =	slt.u32 s9, $0xF7A;
	s5 =	simm.s32 @!p2 $0x0  }
0x1d: {  	s5 =	simm.s32 @p1 $0x1;
	p0 =	seq.s32 s7, s2  }
0x1e: {  	s7 =	smul.u32 @!p0 $0xF7A, s2;
	p2 =	seq.s32 @!p0 s5, $0x0  }
0x1f: {  	s9 =	smul.u32 $0xF7A, s1;
	s8 =	simm.s32 @!p0 $0x1BF5;
	p2 =	por !p2, p0  }
0x20: {  	[sflag:s8] =	ssyncset.s32 @!p0 $0xFFFFF086;
	s6 =	sadd.s32 @!p0 s3, s7;
	s7 =	simm.s32 @!p0 $0x108  }
0x21: {  	s3 =	sadd.s32 s3, s9;
	s6 =	sadd.s32 @!p0 $0x88, s6;
	s7 =	simm.s32 @p2 $0x1082  }
0x22: {  	[simem:s7], [sflag:s8] =	dma.local @!p0 [hbm:s6], $0xF7A  }
0x23: {  	s9 =	sor.u32 $0xD0000000, s2;
	s6 =	simm.s32 $0x108;
	_ =	swait.ge @!p0 [sflag:s8], $0x0  }
0x24: {  	s3 =	sadd.s32 $0x88, s3;
	s6 =	simm.s32 @!p1 $0x1082;
	[sflag:s4] =	ssyncset.s32 $0xFFFFF086  }
0x25: {  	[simem:s6], [sflag:s4] =	dma.local [hbm:s3], $0xF7A  }
0x26: {  	[smem:$0x3F97] =	sst s1;
	(tag) =	ssettag s2;
	_ =	strace s9  }
0x27: {  	s1 =	sld [smem:$0x3FA7]  }
0x28: {  	s2 =	sld [smem:$0x3FA8]  }
0x29: {  	s4 =	sld [smem:$0x3FAA]  }
0x2a: {  	p0 =	seq.s32 s5, $0x0;
	s5 =	sld [smem:$0x3FAB]  }
0x2b: {  	s6 =	sld [smem:$0x3FAC]  }
0x2c: {  	s7 =	sld [smem:$0x3FAD]  }
0x2d: {  	s3 =	simm.s32 $0x108;
	s8 =	sld [smem:$0x3FAE]  }
0x2e: {  	s3 =	simm.s32 @!p0 $0x1082;
	s9 =	sld [smem:$0x3FAF]  }
0x2f: {  	lr =	sadd.s32 s0, s3;
	s0 =	sld [smem:$0x3FA6]  }
0x30: {  	s3 =	sld [smem:$0x3FA9]  }
0x31: {  	[smem:$0x3FB2] =	sst s10  }
0x32: {  	s10 =	sld [smem:$0x3FB0];
	_ =	sdelay $0x3  }
0x33: {  	p0 =	seq.s32 s10, $0x1;
	s10 =	sld [smem:$0x3FB2];
	_ =	sdelay $0x3  }
0x34: {  	[smem:$0x3FB2] =	sst s10  }
0x35: {  	s10 =	sld [smem:$0x3FB1];
	_ =	sdelay $0x3  }
0x36: {  	p1 =	seq.s32 s10, $0x1;
	s10 =	sld [smem:$0x3FB2];
	_ =	sdelay $0x3  }
0x37: {  	[smem:$0x3FB2] =	sst s10  }
0x38: {  	s10 =	sld [smem:$0x3FB3]  }
0x39: {  	_ = 	snop;
	(pc) =	sbr.ind lr, $3  }
0x3a: {  	_ = 	snop  }
0x3b: {  	_ = 	snop  }
0x3c: {  	p2 =	seq.s32 s10, $0x1;
	s10 =	sld [smem:$0x3FB2]  }
0x3d: {  	_ =	shalt  }
0x3e: {  	_ =	shalt  }
0x3f: {  	_ =	shalt  }
0x40: {  	_ =	shalt  }
0x41: {  	_ =	shalt  }
0x42: {  	_ =	shalt  }
0x43: {  	_ =	shalt  }
0x44: {  	_ =	shalt  }
0x45: {  	_ =	shalt  }
0x46: {  	_ =	shalt  }
0x47: {  	_ =	shalt  }
0x48: {  	_ =	shalt  }
0x49: {  	_ =	shalt  }
0x4a: {  	_ =	shalt  }
0x4b: {  	_ =	shalt  }
0x4c: {  	_ =	shalt  }
0x4d: {  	_ =	shalt  }
0x4e: {  	_ =	shalt  }
0x4f: {  	_ =	shalt  }
0x50: {  	_ =	shalt  }
0x51: {  	_ =	shalt  }
0x52: {  	_ =	shalt  }
0x53: {  	_ =	shalt  }
0x54: {  	_ =	shalt  }
0x55: {  	_ =	shalt  }
0x56: {  	_ =	shalt  }
0x57: {  	_ =	shalt  }
0x58: {  	_ =	shalt  }
0x59: {  	_ =	shalt  }
0x5a: {  	_ =	shalt  }
0x5b: {  	_ =	shalt  }
0x5c: {  	_ =	shalt  }
0x5d: {  	_ =	shalt  }
0x5e: {  	_ =	shalt  }
0x5f: {  	_ =	shalt  }
0x60: {  	_ =	shalt  }
0x61: {  	_ =	shalt  }
0x62: {  	_ =	shalt  }
0x63: {  	_ =	shalt  }
0x64: {  	_ =	shalt  }
0x65: {  	_ =	shalt  }
0x66: {  	_ =	shalt  }
0x67: {  	_ =	shalt  }
0x68: {  	_ =	shalt  }
0x69: {  	_ =	shalt  }
0x6a: {  	_ =	shalt  }
0x6b: {  	_ =	shalt  }
0x6c: {  	_ =	shalt  }
0x6d: {  	_ =	shalt  }
0x6e: {  	_ =	shalt  }
0x6f: {  	_ =	shalt  }
0x70: {  	_ =	shalt  }
0x71: {  	_ =	shalt  }
0x72: {  	_ =	shalt  }
0x73: {  	_ =	shalt  }
0x74: {  	_ =	shalt  }
0x75: {  	_ =	shalt  }
0x76: {  	_ =	shalt  }
0x77: {  	_ =	shalt  }
0x78: {  	_ =	shalt  }
0x79: {  	_ =	shalt  }
0x7a: {  	_ =	shalt  }
0x7b: {  	_ =	shalt  }
0x7c: {  	_ =	shalt  }
0x7d: {  	_ =	shalt  }
0x7e: {  	_ =	shalt  }
0x7f: {  	_ =	shalt  }
0x80: {  	_ =	shalt  }
0x81: {  	_ =	shalt  }
0x82: {  	_ =	shalt  }
0x83: {  	_ =	shalt  }
0x84: {  	_ =	shalt  }
0x85: {  	_ =	shalt  }
0x86: {  	_ =	shalt  }
0x87: {  	_ =	shalt  }
.Lfunc_end0:
.L_simem_size_0:
called_computation.3_lowered:
.L_overlay_start_0:
0x88: {  	s2 =	sld [smem:$0x3FD9]  }
0x89: {  	s3 =	sld [smem:$0x3FFE];
	_ =	sdelay $0x1  }
0x8a: {  	s1 =	srdreg.scid  }
0x8b: {  	s0 =	sand.u32 $0x1, s1  }
0x8c: {  	s16 =	sshll.u32 s0, $0xA;
	s2 =	sadd.s32 s3, s2  }
0x8d: {  	s2 =	sadd.s32 s2, s16  }
0x8e: {  	[smem:$0x3FBE] =	sst s2  }
0x8f: {  	_ = 	snop  }
0x90: {  	(tm) =	ssettm $0x1  }
0x91: {  	s17 =	sld [smem:$0x3FFB];
	_ =	sdelay $0x3  }
0x92: {  	_ =	strace s17  }
0x93: {  	s2 =	sld [smem:$0x3FFC];
	_ =	sdelay $0x3  }
0x94: {  	_ =	strace s2  }
0x95: {  	s2 =	sld [smem:$0x3FFD];
	_ =	sdelay $0x3  }
0x96: {  	_ =	strace s2  }
0x97: {  	_ =	strace $0x8FFFFFFF  }
0x98: {  	s18 =	sld [smem:$0x3FDB];
	_ =	sdelay $0x1  }
0x99: {  	s19 =	simm.s32 $_scs_section_size  }
0x9a: {  	s4 =	simm.s32 $_size__tile_overlayer_lowered;
	s5 =	simm.s32 $_tile_overlayer_lowered  }
0x9b: {  	s22 =	simm.s32 $0x1BFF;
	s21 =	sshll.u32 s5, $0x1;
	s2 =	sadd.s32 s19, s18  }
0x9c: {  	s6 =	simm.s32 $0x0;
	s20 =	sshll.u32 s4, $0x1;
	s4 =	sadd.s32 s21, s2  }
0x9d: {  	[timem:s6], [sflag:s22] =	dma.local [hbm:s4], s20  }
0x9e: {  	_ =	swait.ge [sflag:s22], s20  }
0x9f: {  	s3 =	ssub.s32 $0x0, s20;
	[sflag:s22] =	ssyncset.done $0x0  }
0xa0: {  	[sflag:s22] =	ssyncadd.s32 s3;
	_ =	sdelay $0x1  }
0xa1: {  	s23 =	simm.s32 $0x1B8B  }
0xa2: {  	_ =	swait.ge [sflag:s23], $0x1  }
0xa3: {  	[sflag:s23] =	ssyncset.done $0x0  }
0xa4: {  	s25 =	simm.s32 $0x1B8E;
	s24 =	sld [smem:$0x3FFE];
	[sflag:s23] =	ssyncadd.s32 $0xFFFFFFFF  }
0xa5: {  	s26 =	simm.s32 $execute0_lowered;
	[smem:$0x3FD2] =	sst s25  }
0xa6: {  	s4 =	sshll.u32 s26, $0x1;
	_ =	strace $0x8000004F;
	[dreg:$0x1] =	wrdreg $0xFFFFFFFF  }
0xa7: {  	s28 =	simm.s32 $_size_execute0_lowered;
	s2 =	sadd.s32 s2, s4;
	[dreg:$0x0] =	wrdreg $0x0  }
0xa8: {  	s4 =	sshll.u32 s28, $0x1;
	[dreg:$0x2] =	wrdreg s2  }
0xa9: {  	[dreg:$0x3] =	wrdreg s4  }
0xaa: {  	[dreg:$0x4] =	wrdreg $0xC0  }
0xab: {  	_ =	task [dreg:s6], $0x5FFFF  }
0xac: {  	[dreg:$0x1] =	wrdreg $0xFFFFFFFF  }
0xad: {  	[dreg:$0x0] =	wrdreg $0x60  }
0xae: {  	[dreg:$0x2] =	wrdreg s24  }
0xaf: {  	[dreg:$0x3] =	wrdreg $0x9  }
0xb0: {  	_ =	task.clear_ibuf [dreg:s6], $0x4FFFF;
	_ =	strace $0x9000004F  }
0xb1: {  	s29 =	simm.s32 $0x9;
	_ =	strace $0x80000051  }
0xb2: {  	_ =	swait.ge [sflag:s29], $0x1  }
0xb3: {  	[sflag:s29] =	ssyncadd.s32 $0xFFFFFFFF  }
0xb4: {  	_ =	strace $0x90000051  }
0xb5: {  	_ =	sfence  }
0xb6: {  	s30 =	sld [smem:$0x0];
	_ =	sdelay $0x2  }
0xb7: {  	s31 =	sshll.u32 s1, $0xD;
	s1 =	sshrl.u32 s1, $0x2  }
0xb8: {  	s3 =	sand.u32 $0x4000, s31;
	s1 =	sadd.s32 s1, s30  }
0xb9: {  	s0 =	sor.u32 s3, s0;
	s1 =	sshll.u32 s1, $0x11  }
0xba: {  	s0 =	sor.u32 s1, s0  }
0xbb: {  	s0 =	sadd.s32 $0x8F2B, s0  }
0xbc: {  	[sflag:s0] =	ssyncadd.remote.s32 $0x1  }
0xbd: {  	_ =	sfence.sel $0xFFFF  }
0xbe: {  	[dreg:$0x0] =	wrdreg $0xFFFFFFFF;
	(pc) =	sbr.abs _section_cstart, $3  }
0xbf: {  	[dreg:$0x1] =	wrdreg $0xFFFFFFFF  }
0xc0: {  	_ =	task.clear_ibuf [dreg:s6], $0x2FFFF;
	_ =	strace $0x9FFFFFFF  }
0xc1: {  	(tm) =	ssettm $0x7FFFFFFF  }
tec
execute0_lowered:
.L_overlay_start_1:
0x0: {  	(tag) =	ssettag $0x1  }
0x1: {  	s0 =	rddreg [dreg:$0x0];
	s1 =	srdreg.scid;
	s2 =	simm.s32 $0x0  }
0x2: {  	s8 =	stileid.u32;
	s10 =	simm.s32 $0x3;
	s11 =	simm.s32 $0x28  }
0x3: {  	s12 =	simm.s32 $0x3800;
	s14 =	simm.s32 $0x4C00;
	s16 =	simm.s32 $0x6000  }
0x4: {  	s18 =	simm.s32 $0x7400;
	s20 =	simm.s32 $0x8800;
	s22 =	simm.s32 $0x9C00  }
0x5: {  	s24 =	simm.s32 $0xB000;
	s26 =	simm.s32 $0xC400;
	s29 =	simm.s32 $0xD800  }
0x6: {  	s30 =	simm.s32 $0x480;
	s31 =	simm.s32 $0xEC00;
	s1 =	sand.u32 $0x1, s1  }
0x7: {  	s9 =	simm.s32 $0x2;
	s13 =	simm.s32 $0x0;
	s3 =	sshll.u32 s1, $0x4  }
0x8: {  	[smem:$0x7FF] =	sst s2;
	s6 =	smul.u32 $0x7D000, s1;
	s4 =	sor.u32 s8, s3  }
0x9: {  	_ =	strace $0x80000050;
	s1 =	ssub.s32 $0x2, s1;
	s5 =	smul.u32 $0x380, s4  }
.Ltmp0:
0xa: {  	s3 =	sadd.s32 $0x1200, s0;
	s28 =	sshrl.u32 s1, $0x1;
	(pc) =	sbr.rel .LBB2_1-.Ltmp0, $4  }
0xb: {  	s8 =	smul.u32 $0x7D00, s8;
	s4 =	sadd.s32 $0x29200, s0;
	s7 =	sadd.s32 s5, s0  }
0xc: {  	s1 =	ssub.s32 s1, s28;
	s0 =	sadd.s32 s6, s0;
	s5 =	sadd.s32 $0xABA00, s7  }
0xd: {  	s6 =	sadd.s32 $0xB2A00, s7;
	s7 =	smax.u32 s1, $0x1;
	s0 =	sadd.s32 s8, s0  }
0xe: {  	s1 =	simm.s32 $0x4;
	s17 =	sadd.s32 $0xB9A00, s0;
	s0 =	simm.s32 $0x1  }
.LBB2_4:
0xf: {  	s13 =	sadd.s32 $0x1, s13  }
0x10: {  	p0 =	sne.s32 s13, s7  }
.Ltmp1:
0x11: {  	_ = 	snop;
	(pc) =	sbr.rel @!p0 .LBB2_5-.Ltmp1, $1  }
0x12: {  	_ =	sdelay $0x3  }
.LBB2_1:
0x13: {  	[tilespmem:s2], [sflag:$0x3] =	stream.linear.gather [hbm4b:s5+s2], $0x1900, $0x38;
	[tilespmem:$0x10000] =	vst v63  }
0x14: {  	s8 =	simm.s32 $0x1C00  }
0x15: {  	[tilespmem:s8], [sflag:$0x3] =	stream.linear.gather [hbm4b:s6+s2], $0x1900, $0x38;
	[tilespmem:$0x10000] =	vst v63  }
0x16: {  	_ =	swait.ge [sflag:s10], $0x1900  }
0x17: {  	[sflag:s10] =	ssyncset.done $0x0  }
0x18: {  	[sflag:s10] =	ssyncadd.s32 $0xFFFFE700  }
0x19: {  	_ =	swait.ge [sflag:s10], $0x1900  }
0x1a: {  	[sflag:s10] =	ssyncset.done $0x0  }
0x1b: {  	[sflag:s10] =	ssyncadd.s32 $0xFFFFE700  }
0x1c: {  	[tilespmem:s12], [sflag:$0x1] =	stream.indirect.gather [hbm4b:s3+s11], $0x80, s2, s11, $0xb8;
	[tilespmem:$0x10000] =	vst v63  }
0x1d: {  	s25 =	simm.s32 $0x80  }
0x1e: {  	[tilespmem:s14], [sflag:$0x1] =	stream.indirect.gather [hbm4b:s3+s11], $0x80, s25, s11, $0xb8;
	[tilespmem:$0x10000] =	vst v63  }
0x1f: {  	s28 =	simm.s32 $0x100  }
0x20: {  	[tilespmem:s16], [sflag:$0x1] =	stream.indirect.gather [hbm4b:s3+s11], $0x80, s28, s11, $0xb8;
	[tilespmem:$0x10000] =	vst v63  }
0x21: {  	s15 =	simm.s32 $0x180  }
0x22: {  	[tilespmem:s18], [sflag:$0x1] =	stream.indirect.gather [hbm4b:s3+s11], $0x80, s15, s11, $0xb8;
	[tilespmem:$0x10000] =	vst v63  }
0x23: {  	s19 =	simm.s32 $0x200  }
0x24: {  	[tilespmem:s20], [sflag:$0x1] =	stream.indirect.gather [hbm4b:s3+s11], $0x80, s19, s11, $0xb8;
	[tilespmem:$0x10000] =	vst v63  }
0x25: {  	s21 =	simm.s32 $0x280  }
0x26: {  	[tilespmem:s22], [sflag:$0x2] =	stream.indirect.gather [hbm4b:s3+s11], $0x80, s21, s11, $0xb8;
	[tilespmem:$0x10000] =	vst v63  }
0x27: {  	s23 =	simm.s32 $0x300  }
0x28: {  	[tilespmem:s24], [sflag:$0x2] =	stream.indirect.gather [hbm4b:s3+s11], $0x80, s23, s11, $0xb8;
	[tilespmem:$0x10000] =	vst v63  }
0x29: {  	s25 =	simm.s32 $0x380  }
0x2a: {  	[tilespmem:s26], [sflag:$0x2] =	stream.indirect.gather [hbm4b:s3+s11], $0x80, s25, s11, $0xb8;
	[tilespmem:$0x10000] =	vst v63  }
0x2b: {  	s28 =	simm.s32 $0x400  }
0x2c: {  	[tilespmem:s29], [sflag:$0x2] =	stream.indirect.gather [hbm4b:s3+s11], $0x80, s28, s11, $0xb8;
	[tilespmem:$0x10000] =	vst v63  }
0x2d: {  	s8 =	smov.u32 s17;
	s15 =	simm.s32 $0x0  }
0x2e: {  	[tilespmem:s31], [sflag:$0x2] =	stream.indirect.gather [hbm4b:s3+s11], $0x80, s30, s11, $0xb8;
	[tilespmem:$0x10000] =	vst v63  }
.LBB2_2:
0x2f: {  	_ =	swait.ge [sflag:s0], $0x1400  }
0x30: {  	[sflag:s0] =	ssyncset.done $0x0  }
0x31: {  	[sflag:s0] =	ssyncadd.s32 $0xFFFFEC00  }
0x32: {  	_ =	swait.ge [sflag:s0], $0x1400  }
0x33: {  	[sflag:s0] =	ssyncset.done $0x0  }
0x34: {  	[sflag:s0] =	ssyncadd.s32 $0xFFFFEC00  }
0x35: {  	_ =	swait.ge [sflag:s0], $0x1400  }
0x36: {  	[sflag:s0] =	ssyncset.done $0x0  }
0x37: {  	[sflag:s0] =	ssyncadd.s32 $0xFFFFEC00  }
0x38: {  	_ =	swait.ge [sflag:s0], $0x1400  }
0x39: {  	[sflag:s0] =	ssyncset.done $0x0  }
0x3a: {  	[sflag:s0] =	ssyncadd.s32 $0xFFFFEC00  }
0x3b: {  	_ =	swait.ge [sflag:s0], $0x1400  }
0x3c: {  	s19 =	sshra.s32 s15, $0x2;
	[sflag:s0] =	ssyncset.done $0x0  }
0x3d: {  	s21 =	sadd.s32 $0x1C00, s19;
	[sflag:s0] =	ssyncadd.s32 $0xFFFFEC00  }
0x3e: {  	[tilespmem:s12], [sflag:$0x3] =	stream.indirect.gather.add.f32 [hbm:s4], $0x80, s21, s11, $0xb8;
	[tilespmem:$0x10000] =	vst v63  }
0x3f: {  	s28 =	sadd.s32 $0x1C80, s19  }
0x40: {  	[tilespmem:s14], [sflag:$0x3] =	stream.indirect.gather.add.f32 [hbm:s4], $0x80, s28, s11, $0xb8;
	[tilespmem:$0x10000] =	vst v63  }
0x41: {  	s23 =	sadd.s32 $0x1D00, s19  }
0x42: {  	[tilespmem:s16], [sflag:$0x3] =	stream.indirect.gather.add.f32 [hbm:s4], $0x80, s23, s11, $0xb8;
	[tilespmem:$0x10000] =	vst v63  }
0x43: {  	s25 =	sadd.s32 $0x1D80, s19  }
0x44: {  	[tilespmem:s18], [sflag:$0x3] =	stream.indirect.gather.add.f32 [hbm:s4], $0x80, s25, s11, $0xb8;
	[tilespmem:$0x10000] =	vst v63  }
0x45: {  	s28 =	sadd.s32 $0x1E00, s19  }
0x46: {  	[tilespmem:s20], [sflag:$0x3] =	stream.indirect.gather.add.f32 [hbm:s4], $0x80, s28, s11, $0xb8;
	[tilespmem:$0x10000] =	vst v63  }
0x47: {  	_ =	swait.ge [sflag:s10], $0x1400  }
0x48: {  	[sflag:s10] =	ssyncset.done $0x0  }
0x49: {  	[sflag:s10] =	ssyncadd.s32 $0xFFFFEC00  }
0x4a: {  	_ =	swait.ge [sflag:s10], $0x1400  }
0x4b: {  	[sflag:s10] =	ssyncset.done $0x0  }
0x4c: {  	[sflag:s10] =	ssyncadd.s32 $0xFFFFEC00  }
0x4d: {  	_ =	swait.ge [sflag:s10], $0x1400  }
0x4e: {  	[sflag:s10] =	ssyncset.done $0x0  }
0x4f: {  	[sflag:s10] =	ssyncadd.s32 $0xFFFFEC00  }
0x50: {  	_ =	swait.ge [sflag:s10], $0x1400  }
0x51: {  	[sflag:s10] =	ssyncset.done $0x0  }
0x52: {  	[sflag:s10] =	ssyncadd.s32 $0xFFFFEC00  }
0x53: {  	_ =	swait.ge [sflag:s10], $0x1400  }
0x54: {  	[sflag:s10] =	ssyncset.done $0x0  }
0x55: {  	p0 =	seq.s32 s15, $0x5000;
	[sflag:s10] =	ssyncadd.s32 $0xFFFFEC00  }
0x56: {  	[hbm4b:s8+s2] =	stream.linear.scatter [tilespmem:s12], [sflag:$0x4], $0x6400, $0x38;
	[tilespmem:$0x10000] =	vst v63  }
0x57: {  	s21 =	sshra.s32 @!p0 s15, $0x2;
	_ =	swait.ge [sflag:s1], $0x6400  }
0x58: {  	s23 =	sadd.s32 @!p0 $0x500, s21;
	[sflag:s1] =	ssyncset.done $0x0  }
0x59: {  	s25 =	simm.s32 @!p0 $0x28;
	s28 =	simm.s32 @!p0 $0x3800;
	[sflag:s1] =	ssyncadd.s32 $0xFFFF9C00  }
0x5a: {  	[tilespmem:s28], [sflag:$0x1] =	stream.indirect.gather @!p0 [hbm4b:s3+s25], $0x80, s23, s25, $0xb8;
	[tilespmem:$0x10000] =	vst v63  }
0x5b: {  	s23 =	sadd.s32 @!p0 $0x580, s21;
	s28 =	simm.s32 @!p0 $0x4C00  }
0x5c: {  	[tilespmem:s28], [sflag:$0x1] =	stream.indirect.gather @!p0 [hbm4b:s3+s25], $0x80, s23, s25, $0xb8;
	[tilespmem:$0x10000] =	vst v63  }
0x5d: {  	s23 =	sadd.s32 @!p0 $0x600, s21;
	s28 =	simm.s32 @!p0 $0x6000  }
0x5e: {  	[tilespmem:s28], [sflag:$0x1] =	stream.indirect.gather @!p0 [hbm4b:s3+s25], $0x80, s23, s25, $0xb8;
	[tilespmem:$0x10000] =	vst v63  }
0x5f: {  	s23 =	sadd.s32 @!p0 $0x680, s21;
	s28 =	simm.s32 @!p0 $0x7400  }
0x60: {  	[tilespmem:s28], [sflag:$0x1] =	stream.indirect.gather @!p0 [hbm4b:s3+s25], $0x80, s23, s25, $0xb8;
	[tilespmem:$0x10000] =	vst v63  }
0x61: {  	s21 =	sadd.s32 @!p0 $0x700, s21;
	s23 =	simm.s32 @!p0 $0x8800  }
0x62: {  	[tilespmem:s23], [sflag:$0x1] =	stream.indirect.gather @!p0 [hbm4b:s3+s25], $0x80, s21, s25, $0xb8;
	[tilespmem:$0x10000] =	vst v63  }
0x63: {  	_ =	swait.ge [sflag:s9], $0x1400  }
0x64: {  	[sflag:s9] =	ssyncset.done $0x0  }
0x65: {  	[sflag:s9] =	ssyncadd.s32 $0xFFFFEC00  }
0x66: {  	_ =	swait.ge [sflag:s9], $0x1400  }
0x67: {  	[sflag:s9] =	ssyncset.done $0x0  }
0x68: {  	[sflag:s9] =	ssyncadd.s32 $0xFFFFEC00  }
0x69: {  	_ =	swait.ge [sflag:s9], $0x1400  }
0x6a: {  	[sflag:s9] =	ssyncset.done $0x0  }
0x6b: {  	[sflag:s9] =	ssyncadd.s32 $0xFFFFEC00  }
0x6c: {  	_ =	swait.ge [sflag:s9], $0x1400  }
0x6d: {  	[sflag:s9] =	ssyncset.done $0x0  }
0x6e: {  	[sflag:s9] =	ssyncadd.s32 $0xFFFFEC00  }
0x6f: {  	_ =	swait.ge [sflag:s9], $0x1400  }
0x70: {  	[sflag:s9] =	ssyncset.done $0x0  }
0x71: {  	s23 =	sadd.s32 $0x1E80, s19;
	[sflag:s9] =	ssyncadd.s32 $0xFFFFEC00  }
0x72: {  	[tilespmem:s22], [sflag:$0x3] =	stream.indirect.gather.add.f32 [hbm:s4], $0x80, s23, s11, $0xb8;
	[tilespmem:$0x10000] =	vst v63  }
0x73: {  	s25 =	sadd.s32 $0x1F00, s19  }
0x74: {  	[tilespmem:s24], [sflag:$0x3] =	stream.indirect.gather.add.f32 [hbm:s4], $0x80, s25, s11, $0xb8;
	[tilespmem:$0x10000] =	vst v63  }
0x75: {  	s28 =	sadd.s32 $0x1F80, s19  }
0x76: {  	[tilespmem:s26], [sflag:$0x3] =	stream.indirect.gather.add.f32 [hbm:s4], $0x80, s28, s11, $0xb8;
	[tilespmem:$0x10000] =	vst v63  }
0x77: {  	s23 =	sadd.s32 $0x2000, s19  }
0x78: {  	[tilespmem:s29], [sflag:$0x3] =	stream.indirect.gather.add.f32 [hbm:s4], $0x80, s23, s11, $0xb8;
	[tilespmem:$0x10000] =	vst v63  }
0x79: {  	s25 =	sadd.s32 $0x2080, s19  }
0x7a: {  	[tilespmem:s31], [sflag:$0x3] =	stream.indirect.gather.add.f32 [hbm:s4], $0x80, s25, s11, $0xb8;
	[tilespmem:$0x10000] =	vst v63  }
0x7b: {  	_ =	swait.ge [sflag:s10], $0x1400  }
0x7c: {  	[sflag:s10] =	ssyncset.done $0x0  }
0x7d: {  	[sflag:s10] =	ssyncadd.s32 $0xFFFFEC00  }
0x7e: {  	_ =	swait.ge [sflag:s10], $0x1400  }
0x7f: {  	[sflag:s10] =	ssyncset.done $0x0  }
0x80: {  	[sflag:s10] =	ssyncadd.s32 $0xFFFFEC00  }
0x81: {  	_ =	swait.ge [sflag:s10], $0x1400  }
0x82: {  	[sflag:s10] =	ssyncset.done $0x0  }
0x83: {  	[sflag:s10] =	ssyncadd.s32 $0xFFFFEC00  }
0x84: {  	_ =	swait.ge [sflag:s10], $0x1400  }
0x85: {  	[sflag:s10] =	ssyncset.done $0x0  }
0x86: {  	[sflag:s10] =	ssyncadd.s32 $0xFFFFEC00  }
0x87: {  	_ =	swait.ge [sflag:s10], $0x1400  }
0x88: {  	[sflag:s10] =	ssyncset.done $0x0  }
.Ltmp2:
0x89: {  	s28 =	sadd.s32 $0xC80, s8;
	[sflag:s10] =	ssyncadd.s32 $0xFFFFEC00;
	(pc) =	sbr.rel @p0 .LBB2_4-.Ltmp2, $4  }
0x8a: {  	[hbm4b:s28+s2] =	stream.linear.scatter [tilespmem:s22], [sflag:$0x4], $0x6400, $0x38;
	[tilespmem:$0x10000] =	vst v63  }
0x8b: {  	_ =	swait.ge [sflag:s1], $0x6400  }
0x8c: {  	[sflag:s1] =	ssyncset.done $0x0  }
0x8d: {  	[sflag:s1] =	ssyncadd.s32 $0xFFFF9C00  }
0x8e: {  	s21 =	sadd.s32 $0x780, s19  }
0x8f: {  	[tilespmem:s22], [sflag:$0x2] =	stream.indirect.gather [hbm4b:s3+s11], $0x80, s21, s11, $0xb8;
	[tilespmem:$0x10000] =	vst v63  }
0x90: {  	s28 =	sadd.s32 $0x800, s19  }
0x91: {  	[tilespmem:s24], [sflag:$0x2] =	stream.indirect.gather [hbm4b:s3+s11], $0x80, s28, s11, $0xb8;
	[tilespmem:$0x10000] =	vst v63  }
0x92: {  	s23 =	sadd.s32 $0x880, s19  }
0x93: {  	[tilespmem:s26], [sflag:$0x2] =	stream.indirect.gather [hbm4b:s3+s11], $0x80, s23, s11, $0xb8;
	[tilespmem:$0x10000] =	vst v63  }
.Ltmp3:
0x94: {  	_ = 	snop;
	(pc) =	sbr.rel .LBB2_2-.Ltmp3, $4  }
0x95: {  	s25 =	sadd.s32 $0x900, s19  }
0x96: {  	[tilespmem:s29], [sflag:$0x2] =	stream.indirect.gather [hbm4b:s3+s11], $0x80, s25, s11, $0xb8;
	[tilespmem:$0x10000] =	vst v63  }
0x97: {  	s8 =	sadd.s32 $0x1900, s8;
	s15 =	sadd.s32 $0x1400, s15;
	s28 =	sadd.s32 $0x980, s19  }
0x98: {  	[tilespmem:s31], [sflag:$0x2] =	stream.indirect.gather [hbm4b:s3+s11], $0x80, s28, s11, $0xb8;
	[tilespmem:$0x10000] =	vst v63  }
.LBB2_5:
0x99: {  	_ =	sfence.sel $0x180000  }
0x9a: {  	[bflag:$0x0] =	sbarrier.arrive $0xFFFF  }
0x9b: {  	_ =	strace $0x90000050  }
0x9c: {  	s0 =	stileid.u32;
	[bflag:$0x2] =	sbarrier.arrive $0xFFFF  }
0x9d: {  	p0 =	sne.s32 s0, $0x0;
	s0 =	rddreg [dreg:$0x1]  }
0x9e: {  	s0 =	sadd.s32 @!p0 $0x100000, s0  }
0x9f: {  	[sflag:s0] =	ssyncadd.tile.s32 @!p0 $0x1;
	_ =	shalt  }
.Lfunc_end2:
_tile_overlayer_lowered:
.L_overlay_start_2:
0xa0: {  	(tag) =	ssettag $0x2  }
0xa1: {  	s0 =	rddreg [dreg:$0x0];
	s2 =	stileid.u32  }
0xa2: {  	s1 =	rddreg [dreg:$0x1];
	p0 =	sne.s32 s2, $0x0  }
0xa3: {  	s3 =	rddreg [dreg:$0x2];
	[bflag:$0x3] =	sbarrier.arrive $0xFFFF;
	s2 =	simm.s32 @!p0 $0x1C04  }
0xa4: {  	[timem:s3], [sflag:s2] =	dma.local @!p0 [hbm:s0], s1  }
0xa5: {  	s0 =	simm.s32 @!p0 $0x4  }
0xa6: {  	_ =	swait.ge @!p0 [sflag:s0], s1  }
0xa7: {  	s1 =	ssub.s32 @!p0 $0x0, s1;
	[sflag:s0] =	ssyncset.done @!p0 $0x0  }
0xa8: {  	[sflag:s0] =	ssyncadd.s32 @!p0 s1  }
0xa9: {  	[bflag:$0x3] =	sbarrier.arrive $0xFFFF  }
0xaa: {  	_ =	shalt  }

// kernel: kernel.25.cloned.1.call-start
scs
__scs_entry_jumppad:
0x0: {  	(pc) =	sbr.rel $0x88, $3  }
0x1: {  	(tag) =	ssettag $0x0;
	lr =	simm.s32 $0x1  }
0x2: {  	[smem:$0x3F97] =	sst lr;
	_ =	strace $0xD0000000  }
0x3: {  	_ = 	snop  }
0x4: {  	_ = 	snop  }
0x5: {  	_ = 	snop  }
0x6: {  	_ = 	snop  }
0x7: {  	_ = 	snop  }
__scs_overlays_trampoline_lowered:
0x8: {  	[smem:$0x3FA6] =	sst s0  }
0x9: {  	[smem:$0x3FA7] =	sst s1  }
0xa: {  	[smem:$0x3FA8] =	sst s2  }
0xb: {  	[smem:$0x3FA9] =	sst s3  }
0xc: {  	[smem:$0x3FAA] =	sst s4  }
0xd: {  	[smem:$0x3FAB] =	sst s5  }
0xe: {  	[smem:$0x3FAC] =	sst s6  }
0xf: {  	[smem:$0x3FAD] =	sst s7  }
0x10: {  	[smem:$0x3FAE] =	sst s8  }
0x11: {  	[smem:$0x3FAF] =	sst s9;
	s0 =	simm.s32 @!p0 $0x0  }
0x12: {  	s1 =	sld [smem:$0x3F95];
	s0 =	simm.s32 @p0 $0x1  }
0x13: {  	[smem:$0x3FB0] =	sst s0;
	s0 =	simm.s32 @!p1 $0x0  }
0x14: {  	s2 =	sld [smem:$0x3F94];
	s0 =	simm.s32 @p1 $0x1  }
0x15: {  	[smem:$0x3FB1] =	sst s0;
	s0 =	simm.s32 @!p2 $0x0  }
0x16: {  	s3 =	sld [smem:$0x3FDB];
	s0 =	simm.s32 @p2 $0x1  }
0x17: {  	s4 =	simm.s32 $0x1BF5;
	[smem:$0x3FB3] =	sst s0  }
0x18: {  	s0 =	sld [smem:$0x3F96];
	_ =	swait.ge [sflag:s4], $0x0  }
0x19: {  	s7 =	sld [smem:$0x3F97]  }
0x1a: {  	s8 =	sadd.s32 $0xFFFFE003, lr  }
0x1b: {  	s9 =	sadd.s32 $0xFFFFFEF7, lr;
	s5 =	simm.s32 $0xFFFFFFFF;
	p2 =	slt.u32 s8, $0xFFFFF086  }
0x1c: {  	p1 =	slt.u32 s9, $0xF7A;
	s5 =	simm.s32 @!p2 $0x0  }
0x1d: {  	s5 =	simm.s32 @p1 $0x1;
	p0 =	seq.s32 s7, s2  }
0x1e: {  	s7 =	smul.u32 @!p0 $0xF7A, s2;
	p2 =	seq.s32 @!p0 s5, $0x0  }
0x1f: {  	s9 =	smul.u32 $0xF7A, s1;
	s8 =	simm.s32 @!p0 $0x1BF5;
	p2 =	por !p2, p0  }
0x20: {  	[sflag:s8] =	ssyncset.s32 @!p0 $0xFFFFF086;
	s6 =	sadd.s32 @!p0 s3, s7;
	s7 =	simm.s32 @!p0 $0x108  }
0x21: {  	s3 =	sadd.s32 s3, s9;
	s6 =	sadd.s32 @!p0 $0x88, s6;
	s7 =	simm.s32 @p2 $0x1082  }
0x22: {  	[simem:s7], [sflag:s8] =	dma.local @!p0 [hbm:s6], $0xF7A  }
0x23: {  	s9 =	sor.u32 $0xD0000000, s2;
	s6 =	simm.s32 $0x108;
	_ =	swait.ge @!p0 [sflag:s8], $0x0  }
0x24: {  	s3 =	sadd.s32 $0x88, s3;
	s6 =	simm.s32 @!p1 $0x1082;
	[sflag:s4] =	ssyncset.s32 $0xFFFFF086  }
0x25: {  	[simem:s6], [sflag:s4] =	dma.local [hbm:s3], $0xF7A  }
0x26: {  	[smem:$0x3F97] =	sst s1;
	(tag) =	ssettag s2;
	_ =	strace s9  }
0x27: {  	s1 =	sld [smem:$0x3FA7]  }
0x28: {  	s2 =	sld [smem:$0x3FA8]  }
0x29: {  	s4 =	sld [smem:$0x3FAA]  }
0x2a: {  	p0 =	seq.s32 s5, $0x0;
	s5 =	sld [smem:$0x3FAB]  }
0x2b: {  	s6 =	sld [smem:$0x3FAC]  }
0x2c: {  	s7 =	sld [smem:$0x3FAD]  }
0x2d: {  	s3 =	simm.s32 $0x108;
	s8 =	sld [smem:$0x3FAE]  }
0x2e: {  	s3 =	simm.s32 @!p0 $0x1082;
	s9 =	sld [smem:$0x3FAF]  }
0x2f: {  	lr =	sadd.s32 s0, s3;
	s0 =	sld [smem:$0x3FA6]  }
0x30: {  	s3 =	sld [smem:$0x3FA9]  }
0x31: {  	[smem:$0x3FB2] =	sst s10  }
0x32: {  	s10 =	sld [smem:$0x3FB0];
	_ =	sdelay $0x3  }
0x33: {  	p0 =	seq.s32 s10, $0x1;
	s10 =	sld [smem:$0x3FB2];
	_ =	sdelay $0x3  }
0x34: {  	[smem:$0x3FB2] =	sst s10  }
0x35: {  	s10 =	sld [smem:$0x3FB1];
	_ =	sdelay $0x3  }
0x36: {  	p1 =	seq.s32 s10, $0x1;
	s10 =	sld [smem:$0x3FB2];
	_ =	sdelay $0x3  }
0x37: {  	[smem:$0x3FB2] =	sst s10  }
0x38: {  	s10 =	sld [smem:$0x3FB3]  }
0x39: {  	_ = 	snop;
	(pc) =	sbr.ind lr, $3  }
0x3a: {  	_ = 	snop  }
0x3b: {  	_ = 	snop  }
0x3c: {  	p2 =	seq.s32 s10, $0x1;
	s10 =	sld [smem:$0x3FB2]  }
0x3d: {  	_ =	shalt  }
0x3e: {  	_ =	shalt  }
0x3f: {  	_ =	shalt  }
0x40: {  	_ =	shalt  }
0x41: {  	_ =	shalt  }
0x42: {  	_ =	shalt  }
0x43: {  	_ =	shalt  }
0x44: {  	_ =	shalt  }
0x45: {  	_ =	shalt  }
0x46: {  	_ =	shalt  }
0x47: {  	_ =	shalt  }
0x48: {  	_ =	shalt  }
0x49: {  	_ =	shalt  }
0x4a: {  	_ =	shalt  }
0x4b: {  	_ =	shalt  }
0x4c: {  	_ =	shalt  }
0x4d: {  	_ =	shalt  }
0x4e: {  	_ =	shalt  }
0x4f: {  	_ =	shalt  }
0x50: {  	_ =	shalt  }
0x51: {  	_ =	shalt  }
0x52: {  	_ =	shalt  }
0x53: {  	_ =	shalt  }
0x54: {  	_ =	shalt  }
0x55: {  	_ =	shalt  }
0x56: {  	_ =	shalt  }
0x57: {  	_ =	shalt  }
0x58: {  	_ =	shalt  }
0x59: {  	_ =	shalt  }
0x5a: {  	_ =	shalt  }
0x5b: {  	_ =	shalt  }
0x5c: {  	_ =	shalt  }
0x5d: {  	_ =	shalt  }
0x5e: {  	_ =	shalt  }
0x5f: {  	_ =	shalt  }
0x60: {  	_ =	shalt  }
0x61: {  	_ =	shalt  }
0x62: {  	_ =	shalt  }
0x63: {  	_ =	shalt  }
0x64: {  	_ =	shalt  }
0x65: {  	_ =	shalt  }
0x66: {  	_ =	shalt  }
0x67: {  	_ =	shalt  }
0x68: {  	_ =	shalt  }
0x69: {  	_ =	shalt  }
0x6a: {  	_ =	shalt  }
0x6b: {  	_ =	shalt  }
0x6c: {  	_ =	shalt  }
0x6d: {  	_ =	shalt  }
0x6e: {  	_ =	shalt  }
0x6f: {  	_ =	shalt  }
0x70: {  	_ =	shalt  }
0x71: {  	_ =	shalt  }
0x72: {  	_ =	shalt  }
0x73: {  	_ =	shalt  }
0x74: {  	_ =	shalt  }
0x75: {  	_ =	shalt  }
0x76: {  	_ =	shalt  }
0x77: {  	_ =	shalt  }
0x78: {  	_ =	shalt  }
0x79: {  	_ =	shalt  }
0x7a: {  	_ =	shalt  }
0x7b: {  	_ =	shalt  }
0x7c: {  	_ =	shalt  }
0x7d: {  	_ =	shalt  }
0x7e: {  	_ =	shalt  }
0x7f: {  	_ =	shalt  }
0x80: {  	_ =	shalt  }
0x81: {  	_ =	shalt  }
0x82: {  	_ =	shalt  }
0x83: {  	_ =	shalt  }
0x84: {  	_ =	shalt  }
0x85: {  	_ =	shalt  }
0x86: {  	_ =	shalt  }
0x87: {  	_ =	shalt  }
.Lfunc_end0:
.L_simem_size_0:
called_computation.4_lowered:
.L_overlay_start_0:
0x88: {  	s2 =	sld [smem:$0x3FD9]  }
0x89: {  	s3 =	sld [smem:$0x3FFE];
	_ =	sdelay $0x1  }
0x8a: {  	s1 =	srdreg.scid  }
0x8b: {  	s0 =	sand.u32 $0x1, s1  }
0x8c: {  	s17 =	sshll.u32 s0, $0xA;
	s2 =	sadd.s32 s3, s2  }
0x8d: {  	s2 =	sadd.s32 s2, s17  }
0x8e: {  	[smem:$0x3FBE] =	sst s2  }
0x8f: {  	_ = 	snop  }
0x90: {  	(tm) =	ssettm $0x1  }
0x91: {  	s18 =	sld [smem:$0x3FFB];
	_ =	sdelay $0x3  }
0x92: {  	_ =	strace s18  }
0x93: {  	s2 =	sld [smem:$0x3FFC];
	_ =	sdelay $0x3  }
0x94: {  	_ =	strace s2  }
0x95: {  	s2 =	sld [smem:$0x3FFD];
	_ =	sdelay $0x3  }
0x96: {  	_ =	strace s2  }
0x97: {  	_ =	strace $0x8FFFFFFF  }
0x98: {  	s19 =	sld [smem:$0x3FDB];
	_ =	sdelay $0x1  }
0x99: {  	s20 =	simm.s32 $_scs_section_size  }
0x9a: {  	s4 =	simm.s32 $_size__tile_overlayer_lowered;
	s5 =	simm.s32 $_tile_overlayer_lowered  }
0x9b: {  	s6 =	simm.s32 $0x1BFF;
	s21 =	sshll.u32 s5, $0x1;
	s3 =	sadd.s32 s20, s19  }
0x9c: {  	s22 =	simm.s32 $0x0;
	s4 =	sshll.u32 s4, $0x1;
	s5 =	sadd.s32 s21, s3  }
0x9d: {  	[timem:s22], [sflag:s6] =	dma.local [hbm:s5], s4  }
0x9e: {  	_ =	swait.ge [sflag:s6], s4  }
0x9f: {  	s4 =	ssub.s32 $0x0, s4;
	[sflag:s6] =	ssyncset.done $0x0  }
0xa0: {  	[sflag:s6] =	ssyncadd.s32 s4;
	_ =	sdelay $0x1  }
0xa1: {  	s23 =	simm.s32 $0x1B8B  }
0xa2: {  	_ =	swait.ge [sflag:s23], $0x1  }
0xa3: {  	[sflag:s23] =	ssyncset.done $0x0  }
0xa4: {  	[sflag:s23] =	ssyncadd.s32 $0xFFFFFFFF  }
0xa5: {  	s4 =	sld [smem:$0x0]  }
0xa6: {  	s5 =	sand.u32 $0xFFFFFFFE, s1  }
0xa7: {  	p0 =	sne.s32 s1, s5  }
0xa8: {  	s5 =	sshll.u32 @p0 s5, $0xE  }
0xa9: {  	s5 =	sadd.s32 @p0 $0x11B8D, s5;
	s6 =	sshll.u32 @p0 s4, $0x11  }
0xaa: {  	s5 =	sor.u32 @p0 s6, s5  }
0xab: {  	[sflag:s5] =	ssyncadd.remote.s32 @p0 $0x1;
	_ =	sdelay $0x1  }
0xac: {  	s5 =	simm.s32 @p0 $0x1B8D  }
0xad: {  	_ =	swait.eq @p0 [sflag:s5], $0x1  }
0xae: {  	[sflag:s5] =	ssyncadd.s32 @p0 $0xFFFFFFFF  }
0xaf: {  	s6 =	sshll.u32 @!p0 s1, $0xE  }
0xb0: {  	s6 =	sor.u32 @!p0 $0x4000, s6;
	s5 =	simm.s32 @!p0 $0x1B8D  }
0xb1: {  	s4 =	sshll.u32 @!p0 s4, $0x11;
	s6 =	sadd.s32 @!p0 $0x11B8D, s6;
	_ =	swait.eq @!p0 [sflag:s5], $0x1  }
0xb2: {  	s4 =	sor.u32 @!p0 s4, s6;
	[sflag:s5] =	ssyncadd.s32 @!p0 $0xFFFFFFFF  }
0xb3: {  	s25 =	simm.s32 $0x1B8E;
	s24 =	sld [smem:$0x3FFE];
	[sflag:s4] =	ssyncadd.remote.s32 @!p0 $0x1  }
0xb4: {  	s26 =	simm.s32 $execute0_lowered;
	[smem:$0x3FD2] =	sst s25  }
0xb5: {  	s5 =	sshll.u32 s26, $0x1;
	_ =	strace $0x80000052;
	[dreg:$0x1] =	wrdreg $0xFFFFFFFF  }
0xb6: {  	s28 =	simm.s32 $_size_execute0_lowered;
	s3 =	sadd.s32 s3, s5;
	[dreg:$0x0] =	wrdreg $0x0  }
0xb7: {  	s5 =	sshll.u32 s28, $0x1;
	[dreg:$0x2] =	wrdreg s3  }
0xb8: {  	[dreg:$0x3] =	wrdreg s5  }
0xb9: {  	[dreg:$0x4] =	wrdreg $0xC0  }
0xba: {  	_ =	task [dreg:s22], $0x5FFFF  }
0xbb: {  	[dreg:$0x1] =	wrdreg $0xFFFFFFFF  }
0xbc: {  	[dreg:$0x0] =	wrdreg $0x60  }
0xbd: {  	[dreg:$0x2] =	wrdreg s24  }
0xbe: {  	[dreg:$0x3] =	wrdreg $0xA  }
0xbf: {  	_ =	task.clear_ibuf [dreg:s22], $0x4FFFF;
	_ =	strace $0x90000052  }
0xc0: {  	s29 =	simm.s32 $0xA;
	_ =	strace $0x80000054  }
0xc1: {  	_ =	swait.ge [sflag:s29], $0x1  }
0xc2: {  	[sflag:s29] =	ssyncadd.s32 $0xFFFFFFFF  }
0xc3: {  	_ =	strace $0x90000054  }
0xc4: {  	_ =	sfence  }
0xc5: {  	s30 =	sld [smem:$0x0];
	_ =	sdelay $0x2  }
0xc6: {  	s31 =	sshll.u32 s1, $0xD;
	s1 =	sshrl.u32 s1, $0x2  }
0xc7: {  	s4 =	sand.u32 $0x4000, s31;
	s1 =	sadd.s32 s1, s30  }
0xc8: {  	s0 =	sor.u32 s4, s0;
	s1 =	sshll.u32 s1, $0x11  }
0xc9: {  	s0 =	sor.u32 s1, s0  }
0xca: {  	s0 =	sadd.s32 $0x8F2B, s0  }
0xcb: {  	[sflag:s0] =	ssyncadd.remote.s32 $0x1  }
0xcc: {  	_ =	sfence.sel $0xFFFF  }
0xcd: {  	[dreg:$0x0] =	wrdreg $0xFFFFFFFF;
	(pc) =	sbr.abs _section_cstart, $3  }
0xce: {  	[dreg:$0x1] =	wrdreg $0xFFFFFFFF  }
0xcf: {  	_ =	task.clear_ibuf [dreg:s22], $0x2FFFF;
	_ =	strace $0x9FFFFFFF  }
0xd0: {  	(tm) =	ssettm $0x7FFFFFFF  }
0xd1: {  	_ =	shalt  }
tec
execute0_lowered:
.L_overlay_start_1:
0x0: {  	(tag) =	ssettag $0x1  }
0x1: {  	s0 =	rddreg [dreg:$0x0];
	s1 =	srdreg.scid;
	s2 =	simm.s32 $0x0  }
0x2: {  	s8 =	stileid.u32;
	s10 =	simm.s32 $0x3;
	s11 =	simm.s32 $0x28  }
0x3: {  	s12 =	simm.s32 $0x3800;
	s14 =	simm.s32 $0x4C00;
	s16 =	simm.s32 $0x6000  }
0x4: {  	s18 =	simm.s32 $0x7400;
	s20 =	simm.s32 $0x8800;
	s22 =	simm.s32 $0x9C00  }
0x5: {  	s24 =	simm.s32 $0xB000;
	s26 =	simm.s32 $0xC400;
	s29 =	simm.s32 $0xD800  }
0x6: {  	s30 =	simm.s32 $0x480;
	s31 =	simm.s32 $0xEC00;
	s1 =	sand.u32 $0x1, s1  }
0x7: {  	s9 =	simm.s32 $0x2;
	s13 =	simm.s32 $0x0;
	s3 =	sshll.u32 s1, $0x4  }
0x8: {  	[smem:$0x7FF] =	sst s2;
	s6 =	smul.u32 $0x7D000, s1;
	s4 =	sor.u32 s8, s3  }
0x9: {  	_ =	strace $0x80000053;
	s1 =	ssub.s32 $0x2, s1;
	s5 =	smul.u32 $0x380, s4  }
.Ltmp0:
0xa: {  	s3 =	sadd.s32 $0x1200, s0;
	s28 =	sshrl.u32 s1, $0x1;
	(pc) =	sbr.rel .LBB2_1-.Ltmp0, $4  }
0xb: {  	s8 =	smul.u32 $0x7D00, s8;
	s4 =	sadd.s32 $0x29200, s0;
	s7 =	sadd.s32 s5, s0  }
0xc: {  	s1 =	ssub.s32 s1, s28;
	s0 =	sadd.s32 s6, s0;
	s5 =	sadd.s32 $0x51200, s7  }
0xd: {  	s6 =	sadd.s32 $0x58200, s7;
	s7 =	smax.u32 s1, $0x1;
	s0 =	sadd.s32 s8, s0  }
0xe: {  	s1 =	simm.s32 $0x4;
	s17 =	sadd.s32 $0x1B3A00, s0;
	s0 =	simm.s32 $0x1  }
.LBB2_4:
0xf: {  	s13 =	sadd.s32 $0x1, s13  }
0x10: {  	p0 =	sne.s32 s13, s7  }
.Ltmp1:
0x11: {  	_ = 	snop;
	(pc) =	sbr.rel @!p0 .LBB2_5-.Ltmp1, $1  }
0x12: {  	_ =	sdelay $0x3  }
.LBB2_1:
0x13: {  	[tilespmem:s2], [sflag:$0x3] =	stream.linear.gather [hbm4b:s5+s2], $0x1900, $0x38;
	[tilespmem:$0x10000] =	vst v63  }
0x14: {  	s8 =	simm.s32 $0x1C00  }
0x15: {  	[tilespmem:s8], [sflag:$0x3] =	stream.linear.gather [hbm4b:s6+s2], $0x1900, $0x38;
	[tilespmem:$0x10000] =	vst v63  }
0x16: {  	_ =	swait.ge [sflag:s10], $0x1900  }
0x17: {  	[sflag:s10] =	ssyncset.done $0x0  }
0x18: {  	[sflag:s10] =	ssyncadd.s32 $0xFFFFE700  }
0x19: {  	_ =	swait.ge [sflag:s10], $0x1900  }
0x1a: {  	[sflag:s10] =	ssyncset.done $0x0  }
0x1b: {  	[sflag:s10] =	ssyncadd.s32 $0xFFFFE700  }
0x1c: {  	[tilespmem:s12], [sflag:$0x1] =	stream.indirect.gather [hbm4b:s3+s11], $0x80, s2, s11, $0xb8;
	[tilespmem:$0x10000] =	vst v63  }
0x1d: {  	s25 =	simm.s32 $0x80  }
0x1e: {  	[tilespmem:s14], [sflag:$0x1] =	stream.indirect.gather [hbm4b:s3+s11], $0x80, s25, s11, $0xb8;
	[tilespmem:$0x10000] =	vst v63  }
0x1f: {  	s28 =	simm.s32 $0x100  }
0x20: {  	[tilespmem:s16], [sflag:$0x1] =	stream.indirect.gather [hbm4b:s3+s11], $0x80, s28, s11, $0xb8;
	[tilespmem:$0x10000] =	vst v63  }
0x21: {  	s15 =	simm.s32 $0x180  }
0x22: {  	[tilespmem:s18], [sflag:$0x1] =	stream.indirect.gather [hbm4b:s3+s11], $0x80, s15, s11, $0xb8;
	[tilespmem:$0x10000] =	vst v63  }
0x23: {  	s19 =	simm.s32 $0x200  }
0x24: {  	[tilespmem:s20], [sflag:$0x1] =	stream.indirect.gather [hbm4b:s3+s11], $0x80, s19, s11, $0xb8;
	[tilespmem:$0x10000] =	vst v63  }
0x25: {  	s21 =	simm.s32 $0x280  }
0x26: {  	[tilespmem:s22], [sflag:$0x2] =	stream.indirect.gather [hbm4b:s3+s11], $0x80, s21, s11, $0xb8;
	[tilespmem:$0x10000] =	vst v63  }
0x27: {  	s23 =	simm.s32 $0x300  }
0x28: {  	[tilespmem:s24], [sflag:$0x2] =	stream.indirect.gather [hbm4b:s3+s11], $0x80, s23, s11, $0xb8;
	[tilespmem:$0x10000] =	vst v63  }
0x29: {  	s25 =	simm.s32 $0x380  }
0x2a: {  	[tilespmem:s26], [sflag:$0x2] =	stream.indirect.gather [hbm4b:s3+s11], $0x80, s25, s11, $0xb8;
	[tilespmem:$0x10000] =	vst v63  }
0x2b: {  	s28 =	simm.s32 $0x400  }
0x2c: {  	[tilespmem:s29], [sflag:$0x2] =	stream.indirect.gather [hbm4b:s3+s11], $0x80, s28, s11, $0xb8;
	[tilespmem:$0x10000] =	vst v63  }
0x2d: {  	s8 =	smov.u32 s17;
	s15 =	simm.s32 $0x0  }
0x2e: {  	[tilespmem:s31], [sflag:$0x2] =	stream.indirect.gather [hbm4b:s3+s11], $0x80, s30, s11, $0xb8;
	[tilespmem:$0x10000] =	vst v63  }
.LBB2_2:
0x2f: {  	_ =	swait.ge [sflag:s0], $0x1400  }
0x30: {  	[sflag:s0] =	ssyncset.done $0x0  }
0x31: {  	[sflag:s0] =	ssyncadd.s32 $0xFFFFEC00  }
0x32: {  	_ =	swait.ge [sflag:s0], $0x1400  }
0x33: {  	[sflag:s0] =	ssyncset.done $0x0  }
0x34: {  	[sflag:s0] =	ssyncadd.s32 $0xFFFFEC00  }
0x35: {  	_ =	swait.ge [sflag:s0], $0x1400  }
0x36: {  	[sflag:s0] =	ssyncset.done $0x0  }
0x37: {  	[sflag:s0] =	ssyncadd.s32 $0xFFFFEC00  }
0x38: {  	_ =	swait.ge [sflag:s0], $0x1400  }
0x39: {  	[sflag:s0] =	ssyncset.done $0x0  }
0x3a: {  	[sflag:s0] =	ssyncadd.s32 $0xFFFFEC00  }
0x3b: {  	_ =	swait.ge [sflag:s0], $0x1400  }
0x3c: {  	s19 =	sshra.s32 s15, $0x2;
	[sflag:s0] =	ssyncset.done $0x0  }
0x3d: {  	s21 =	sadd.s32 $0x1C00, s19;
	[sflag:s0] =	ssyncadd.s32 $0xFFFFEC00  }
0x3e: {  	[tilespmem:s12], [sflag:$0x3] =	stream.indirect.gather.add.f32 [hbm:s4], $0x80, s21, s11, $0xb8;
	[tilespmem:$0x10000] =	vst v63  }
0x3f: {  	s28 =	sadd.s32 $0x1C80, s19  }
0x40: {  	[tilespmem:s14], [sflag:$0x3] =	stream.indirect.gather.add.f32 [hbm:s4], $0x80, s28, s11, $0xb8;
	[tilespmem:$0x10000] =	vst v63  }
0x41: {  	s23 =	sadd.s32 $0x1D00, s19  }
0x42: {  	[tilespmem:s16], [sflag:$0x3] =	stream.indirect.gather.add.f32 [hbm:s4], $0x80, s23, s11, $0xb8;
	[tilespmem:$0x10000] =	vst v63  }
0x43: {  	s25 =	sadd.s32 $0x1D80, s19  }
0x44: {  	[tilespmem:s18], [sflag:$0x3] =	stream.indirect.gather.add.f32 [hbm:s4], $0x80, s25, s11, $0xb8;
	[tilespmem:$0x10000] =	vst v63  }
0x45: {  	s28 =	sadd.s32 $0x1E00, s19  }
0x46: {  	[tilespmem:s20], [sflag:$0x3] =	stream.indirect.gather.add.f32 [hbm:s4], $0x80, s28, s11, $0xb8;
	[tilespmem:$0x10000] =	vst v63  }
0x47: {  	_ =	swait.ge [sflag:s10], $0x1400  }
0x48: {  	[sflag:s10] =	ssyncset.done $0x0  }
0x49: {  	[sflag:s10] =	ssyncadd.s32 $0xFFFFEC00  }
0x4a: {  	_ =	swait.ge [sflag:s10], $0x1400  }
0x4b: {  	[sflag:s10] =	ssyncset.done $0x0  }
0x4c: {  	[sflag:s10] =	ssyncadd.s32 $0xFFFFEC00  }
0x4d: {  	_ =	swait.ge [sflag:s10], $0x1400  }
0x4e: {  	[sflag:s10] =	ssyncset.done $0x0  }
0x4f: {  	[sflag:s10] =	ssyncadd.s32 $0xFFFFEC00  }
0x50: {  	_ =	swait.ge [sflag:s10], $0x1400  }
0x51: {  	[sflag:s10] =	ssyncset.done $0x0  }
0x52: {  	[sflag:s10] =	ssyncadd.s32 $0xFFFFEC00  }
0x53: {  	_ =	swait.ge [sflag:s10], $0x1400  }
0x54: {  	[sflag:s10] =	ssyncset.done $0x0  }
0x55: {  	p0 =	seq.s32 s15, $0x5000;
	[sflag:s10] =	ssyncadd.s32 $0xFFFFEC00  }
0x56: {  	[hbm4b:s8+s2] =	stream.linear.scatter [tilespmem:s12], [sflag:$0x4], $0x6400, $0x38;
	[tilespmem:$0x10000] =	vst v63  }
0x57: {  	s21 =	sshra.s32 @!p0 s15, $0x2;
	_ =	swait.ge [sflag:s1], $0x6400  }
0x58: {  	s23 =	sadd.s32 @!p0 $0x500, s21;
	[sflag:s1] =	ssyncset.done $0x0  }
0x59: {  	s25 =	simm.s32 @!p0 $0x28;
	s28 =	simm.s32 @!p0 $0x3800;
	[sflag:s1] =	ssyncadd.s32 $0xFFFF9C00  }
0x5a: {  	[tilespmem:s28], [sflag:$0x1] =	stream.indirect.gather @!p0 [hbm4b:s3+s25], $0x80, s23, s25, $0xb8;
	[tilespmem:$0x10000] =	vst v63  }
0x5b: {  	s23 =	sadd.s32 @!p0 $0x580, s21;
	s28 =	simm.s32 @!p0 $0x4C00  }
0x5c: {  	[tilespmem:s28], [sflag:$0x1] =	stream.indirect.gather @!p0 [hbm4b:s3+s25], $0x80, s23, s25, $0xb8;
	[tilespmem:$0x10000] =	vst v63  }
0x5d: {  	s23 =	sadd.s32 @!p0 $0x600, s21;
	s28 =	simm.s32 @!p0 $0x6000  }
0x5e: {  	[tilespmem:s28], [sflag:$0x1] =	stream.indirect.gather @!p0 [hbm4b:s3+s25], $0x80, s23, s25, $0xb8;
	[tilespmem:$0x10000] =	vst v63  }
0x5f: {  	s23 =	sadd.s32 @!p0 $0x680, s21;
	s28 =	simm.s32 @!p0 $0x7400  }
0x60: {  	[tilespmem:s28], [sflag:$0x1] =	stream.indirect.gather @!p0 [hbm4b:s3+s25], $0x80, s23, s25, $0xb8;
	[tilespmem:$0x10000] =	vst v63  }
0x61: {  	s21 =	sadd.s32 @!p0 $0x700, s21;
	s23 =	simm.s32 @!p0 $0x8800  }
0x62: {  	[tilespmem:s23], [sflag:$0x1] =	stream.indirect.gather @!p0 [hbm4b:s3+s25], $0x80, s21, s25, $0xb8;
	[tilespmem:$0x10000] =	vst v63  }
0x63: {  	_ =	swait.ge [sflag:s9], $0x1400  }
0x64: {  	[sflag:s9] =	ssyncset.done $0x0  }
0x65: {  	[sflag:s9] =	ssyncadd.s32 $0xFFFFEC00  }
0x66: {  	_ =	swait.ge [sflag:s9], $0x1400  }
0x67: {  	[sflag:s9] =	ssyncset.done $0x0  }
0x68: {  	[sflag:s9] =	ssyncadd.s32 $0xFFFFEC00  }
0x69: {  	_ =	swait.ge [sflag:s9], $0x1400  }
0x6a: {  	[sflag:s9] =	ssyncset.done $0x0  }
0x6b: {  	[sflag:s9] =	ssyncadd.s32 $0xFFFFEC00  }
0x6c: {  	_ =	swait.ge [sflag:s9], $0x1400  }
0x6d: {  	[sflag:s9] =	ssyncset.done $0x0  }
0x6e: {  	[sflag:s9] =	ssyncadd.s32 $0xFFFFEC00  }
0x6f: {  	_ =	swait.ge [sflag:s9], $0x1400  }
0x70: {  	[sflag:s9] =	ssyncset.done $0x0  }
0x71: {  	s23 =	sadd.s32 $0x1E80, s19;
	[sflag:s9] =	ssyncadd.s32 $0xFFFFEC00  }
0x72: {  	[tilespmem:s22], [sflag:$0x3] =	stream.indirect.gather.add.f32 [hbm:s4], $0x80, s23, s11, $0xb8;
	[tilespmem:$0x10000] =	vst v63  }
0x73: {  	s25 =	sadd.s32 $0x1F00, s19  }
0x74: {  	[tilespmem:s24], [sflag:$0x3] =	stream.indirect.gather.add.f32 [hbm:s4], $0x80, s25, s11, $0xb8;
	[tilespmem:$0x10000] =	vst v63  }
0x75: {  	s28 =	sadd.s32 $0x1F80, s19  }
0x76: {  	[tilespmem:s26], [sflag:$0x3] =	stream.indirect.gather.add.f32 [hbm:s4], $0x80, s28, s11, $0xb8;
	[tilespmem:$0x10000] =	vst v63  }
0x77: {  	s23 =	sadd.s32 $0x2000, s19  }
0x78: {  	[tilespmem:s29], [sflag:$0x3] =	stream.indirect.gather.add.f32 [hbm:s4], $0x80, s23, s11, $0xb8;
	[tilespmem:$0x10000] =	vst v63  }
0x79: {  	s25 =	sadd.s32 $0x2080, s19  }
0x7a: {  	[tilespmem:s31], [sflag:$0x3] =	stream.indirect.gather.add.f32 [hbm:s4], $0x80, s25, s11, $0xb8;
	[tilespmem:$0x10000] =	vst v63  }
0x7b: {  	_ =	swait.ge [sflag:s10], $0x1400  }
0x7c: {  	[sflag:s10] =	ssyncset.done $0x0  }
0x7d: {  	[sflag:s10] =	ssyncadd.s32 $0xFFFFEC00  }
0x7e: {  	_ =	swait.ge [sflag:s10], $0x1400  }
0x7f: {  	[sflag:s10] =	ssyncset.done $0x0  }
0x80: {  	[sflag:s10] =	ssyncadd.s32 $0xFFFFEC00  }
0x81: {  	_ =	swait.ge [sflag:s10], $0x1400  }
0x82: {  	[sflag:s10] =	ssyncset.done $0x0  }
0x83: {  	[sflag:s10] =	ssyncadd.s32 $0xFFFFEC00  }
0x84: {  	_ =	swait.ge [sflag:s10], $0x1400  }
0x85: {  	[sflag:s10] =	ssyncset.done $0x0  }
0x86: {  	[sflag:s10] =	ssyncadd.s32 $0xFFFFEC00  }
0x87: {  	_ =	swait.ge [sflag:s10], $0x1400  }
0x88: {  	[sflag:s10] =	ssyncset.done $0x0  }
.Ltmp2:
0x89: {  	s28 =	sadd.s32 $0xC80, s8;
	[sflag:s10] =	ssyncadd.s32 $0xFFFFEC00;
	(pc) =	sbr.rel @p0 .LBB2_4-.Ltmp2, $4  }
0x8a: {  	[hbm4b:s28+s2] =	stream.linear.scatter [tilespmem:s22], [sflag:$0x4], $0x6400, $0x38;
	[tilespmem:$0x10000] =	vst v63  }
0x8b: {  	_ =	swait.ge [sflag:s1], $0x6400  }
0x8c: {  	[sflag:s1] =	ssyncset.done $0x0  }
0x8d: {  	[sflag:s1] =	ssyncadd.s32 $0xFFFF9C00  }
0x8e: {  	s21 =	sadd.s32 $0x780, s19  }
0x8f: {  	[tilespmem:s22], [sflag:$0x2] =	stream.indirect.gather [hbm4b:s3+s11], $0x80, s21, s11, $0xb8;
	[tilespmem:$0x10000] =	vst v63  }
0x90: {  	s28 =	sadd.s32 $0x800, s19  }
0x91: {  	[tilespmem:s24], [sflag:$0x2] =	stream.indirect.gather [hbm4b:s3+s11], $0x80, s28, s11, $0xb8;
	[tilespmem:$0x10000] =	vst v63  }
0x92: {  	s23 =	sadd.s32 $0x880, s19  }
0x93: {  	[tilespmem:s26], [sflag:$0x2] =	stream.indirect.gather [hbm4b:s3+s11], $0x80, s23, s11, $0xb8;
	[tilespmem:$0x10000] =	vst v63  }
.Ltmp3:
0x94: {  	_ = 	snop;
	(pc) =	sbr.rel .LBB2_2-.Ltmp3, $4  }
0x95: {  	s25 =	sadd.s32 $0x900, s19  }
0x96: {  	[tilespmem:s29], [sflag:$0x2] =	stream.indirect.gather [hbm4b:s3+s11], $0x80, s25, s11, $0xb8;
	[tilespmem:$0x10000] =	vst v63  }
0x97: {  	s8 =	sadd.s32 $0x1900, s8;
	s15 =	sadd.s32 $0x1400, s15;
	s28 =	sadd.s32 $0x980, s19  }
0x98: {  	[tilespmem:s31], [sflag:$0x2] =	stream.indirect.gather [hbm4b:s3+s11], $0x80, s28, s11, $0xb8;
	[tilespmem:$0x10000] =	vst v63  }
.LBB2_5:
0x99: {  	_ =	sfence.sel $0x180000  }
0x9a: {  	[bflag:$0x0] =	sbarrier.arrive $0xFFFF  }
0x9b: {  	_ =	strace $0x90000053  }
0x9c: {  	s0 =	stileid.u32;
	[bflag:$0x2] =	sbarrier.arrive $0xFFFF  }
0x9d: {  	p0 =	sne.s32 s0, $0x0;
	s0 =	rddreg [dreg:$0x1]  }
0x9e: {  	s0 =	sadd.s32 @!p0 $0x100000, s0  }
0x9f: {  	[sflag:s0] =	ssyncadd.tile.s32 @!p0 $0x1;
	_ =	shalt  }
.Lfunc_end2:
_tile_overlayer_lowered:
.L_overlay_start_2:
0xa0: {  	(tag) =	ssettag $0x2  }
0xa1: {  	s0 =	rddreg [dreg:$0x0];
	s2 =	stileid.u32  }
0xa2: {  	s1 =	rddreg [dreg:$0x1];
	p0 =	sne.s32 s2, $0x0  }
0xa3: {  	s3 =	rddreg [dreg:$0x2];
	[bflag:$0x3] =	sbarrier.arrive $0xFFFF;
	s2 =	simm.s32 @!p0 $0x1C04  }
0xa4: {  	[timem:s3], [sflag:s2] =	dma.local @!p0 [hbm:s0], s1  }
0xa5: {  	s0 =	simm.s32 @!p0 $0x4  }
0xa6: {  	_ =	swait.ge @!p0 [sflag:s0], s1  }
0xa7: {  	s1 =	ssub.s32 @!p0 $0x0, s1;
	[sflag:s0] =	ssyncset.done @!p0 $0x0  }
0xa8: {  	[sflag:s0] =	ssyncadd.s32 @!p0 s1  }
0xa9: {  	[bflag:$0x3] =	sbarrier.arrive $0xFFFF  }
0xaa: {  	_ =	shalt  }

// kernel: kernel.28.cloned.1.call-start
scs
__scs_entry_jumppad:
0x0: {  	(pc) =	sbr.rel $0x88, $3  }
0x1: {  	(tag) =	ssettag $0x0;
	lr =	simm.s32 $0x1  }
0x2: {  	[smem:$0x3F97] =	sst lr;
	_ =	strace $0xD0000000  }
0x3: {  	_ = 	snop  }
0x4: {  	_ = 	snop  }
0x5: {  	_ = 	snop  }
0x6: {  	_ = 	snop  }
0x7: {  	_ = 	snop  }
__scs_overlays_trampoline_lowered:
0x8: {  	[smem:$0x3FA6] =	sst s0  }
0x9: {  	[smem:$0x3FA7] =	sst s1  }
0xa: {  	[smem:$0x3FA8] =	sst s2  }
0xb: {  	[smem:$0x3FA9] =	sst s3  }
0xc: {  	[smem:$0x3FAA] =	sst s4  }
0xd: {  	[smem:$0x3FAB] =	sst s5  }
0xe: {  	[smem:$0x3FAC] =	sst s6  }
0xf: {  	[smem:$0x3FAD] =	sst s7  }
0x10: {  	[smem:$0x3FAE] =	sst s8  }
0x11: {  	[smem:$0x3FAF] =	sst s9;
	s0 =	simm.s32 @!p0 $0x0  }
0x12: {  	s1 =	sld [smem:$0x3F95];
	s0 =	simm.s32 @p0 $0x1  }
0x13: {  	[smem:$0x3FB0] =	sst s0;
	s0 =	simm.s32 @!p1 $0x0  }
0x14: {  	s2 =	sld [smem:$0x3F94];
	s0 =	simm.s32 @p1 $0x1  }
0x15: {  	[smem:$0x3FB1] =	sst s0;
	s0 =	simm.s32 @!p2 $0x0  }
0x16: {  	s3 =	sld [smem:$0x3FDB];
	s0 =	simm.s32 @p2 $0x1  }
0x17: {  	s4 =	simm.s32 $0x1BF5;
	[smem:$0x3FB3] =	sst s0  }
0x18: {  	s0 =	sld [smem:$0x3F96];
	_ =	swait.ge [sflag:s4], $0x0  }
0x19: {  	s7 =	sld [smem:$0x3F97]  }
0x1a: {  	s8 =	sadd.s32 $0xFFFFE003, lr  }
0x1b: {  	s9 =	sadd.s32 $0xFFFFFEF7, lr;
	s5 =	simm.s32 $0xFFFFFFFF;
	p2 =	slt.u32 s8, $0xFFFFF086  }
0x1c: {  	p1 =	slt.u32 s9, $0xF7A;
	s5 =	simm.s32 @!p2 $0x0  }
0x1d: {  	s5 =	simm.s32 @p1 $0x1;
	p0 =	seq.s32 s7, s2  }
0x1e: {  	s7 =	smul.u32 @!p0 $0xF7A, s2;
	p2 =	seq.s32 @!p0 s5, $0x0  }
0x1f: {  	s9 =	smul.u32 $0xF7A, s1;
	s8 =	simm.s32 @!p0 $0x1BF5;
	p2 =	por !p2, p0  }
0x20: {  	[sflag:s8] =	ssyncset.s32 @!p0 $0xFFFFF086;
	s6 =	sadd.s32 @!p0 s3, s7;
	s7 =	simm.s32 @!p0 $0x108  }
0x21: {  	s3 =	sadd.s32 s3, s9;
	s6 =	sadd.s32 @!p0 $0x88, s6;
	s7 =	simm.s32 @p2 $0x1082  }
0x22: {  	[simem:s7], [sflag:s8] =	dma.local @!p0 [hbm:s6], $0xF7A  }
0x23: {  	s9 =	sor.u32 $0xD0000000, s2;
	s6 =	simm.s32 $0x108;
	_ =	swait.ge @!p0 [sflag:s8], $0x0  }
0x24: {  	s3 =	sadd.s32 $0x88, s3;
	s6 =	simm.s32 @!p1 $0x1082;
	[sflag:s4] =	ssyncset.s32 $0xFFFFF086  }
0x25: {  	[simem:s6], [sflag:s4] =	dma.local [hbm:s3], $0xF7A  }
0x26: {  	[smem:$0x3F97] =	sst s1;
	(tag) =	ssettag s2;
	_ =	strace s9  }
0x27: {  	s1 =	sld [smem:$0x3FA7]  }
0x28: {  	s2 =	sld [smem:$0x3FA8]  }
0x29: {  	s4 =	sld [smem:$0x3FAA]  }
0x2a: {  	p0 =	seq.s32 s5, $0x0;
	s5 =	sld [smem:$0x3FAB]  }
0x2b: {  	s6 =	sld [smem:$0x3FAC]  }
0x2c: {  	s7 =	sld [smem:$0x3FAD]  }
0x2d: {  	s3 =	simm.s32 $0x108;
	s8 =	sld [smem:$0x3FAE]  }
0x2e: {  	s3 =	simm.s32 @!p0 $0x1082;
	s9 =	sld [smem:$0x3FAF]  }
0x2f: {  	lr =	sadd.s32 s0, s3;
	s0 =	sld [smem:$0x3FA6]  }
0x30: {  	s3 =	sld [smem:$0x3FA9]  }
0x31: {  	[smem:$0x3FB2] =	sst s10  }
0x32: {  	s10 =	sld [smem:$0x3FB0];
	_ =	sdelay $0x3  }
0x33: {  	p0 =	seq.s32 s10, $0x1;
	s10 =	sld [smem:$0x3FB2];
	_ =	sdelay $0x3  }
0x34: {  	[smem:$0x3FB2] =	sst s10  }
0x35: {  	s10 =	sld [smem:$0x3FB1];
	_ =	sdelay $0x3  }
0x36: {  	p1 =	seq.s32 s10, $0x1;
	s10 =	sld [smem:$0x3FB2];
	_ =	sdelay $0x3  }
0x37: {  	[smem:$0x3FB2] =	sst s10  }
0x38: {  	s10 =	sld [smem:$0x3FB3]  }
0x39: {  	_ = 	snop;
	(pc) =	sbr.ind lr, $3  }
0x3a: {  	_ = 	snop  }
0x3b: {  	_ = 	snop  }
0x3c: {  	p2 =	seq.s32 s10, $0x1;
	s10 =	sld [smem:$0x3FB2]  }
0x3d: {  	_ =	shalt  }
0x3e: {  	_ =	shalt  }
0x3f: {  	_ =	shalt  }
0x40: {  	_ =	shalt  }
0x41: {  	_ =	shalt  }
0x42: {  	_ =	shalt  }
0x43: {  	_ =	shalt  }
0x44: {  	_ =	shalt  }
0x45: {  	_ =	shalt  }
0x46: {  	_ =	shalt  }
0x47: {  	_ =	shalt  }
0x48: {  	_ =	shalt  }
0x49: {  	_ =	shalt  }
0x4a: {  	_ =	shalt  }
0x4b: {  	_ =	shalt  }
0x4c: {  	_ =	shalt  }
0x4d: {  	_ =	shalt  }
0x4e: {  	_ =	shalt  }
0x4f: {  	_ =	shalt  }
0x50: {  	_ =	shalt  }
0x51: {  	_ =	shalt  }
0x52: {  	_ =	shalt  }
0x53: {  	_ =	shalt  }
0x54: {  	_ =	shalt  }
0x55: {  	_ =	shalt  }
0x56: {  	_ =	shalt  }
0x57: {  	_ =	shalt  }
0x58: {  	_ =	shalt  }
0x59: {  	_ =	shalt  }
0x5a: {  	_ =	shalt  }
0x5b: {  	_ =	shalt  }
0x5c: {  	_ =	shalt  }
0x5d: {  	_ =	shalt  }
0x5e: {  	_ =	shalt  }
0x5f: {  	_ =	shalt  }
0x60: {  	_ =	shalt  }
0x61: {  	_ =	shalt  }
0x62: {  	_ =	shalt  }
0x63: {  	_ =	shalt  }
0x64: {  	_ =	shalt  }
0x65: {  	_ =	shalt  }
0x66: {  	_ =	shalt  }
0x67: {  	_ =	shalt  }
0x68: {  	_ =	shalt  }
0x69: {  	_ =	shalt  }
0x6a: {  	_ =	shalt  }
0x6b: {  	_ =	shalt  }
0x6c: {  	_ =	shalt  }
0x6d: {  	_ =	shalt  }
0x6e: {  	_ =	shalt  }
0x6f: {  	_ =	shalt  }
0x70: {  	_ =	shalt  }
0x71: {  	_ =	shalt  }
0x72: {  	_ =	shalt  }
0x73: {  	_ =	shalt  }
0x74: {  	_ =	shalt  }
0x75: {  	_ =	shalt  }
0x76: {  	_ =	shalt  }
0x77: {  	_ =	shalt  }
0x78: {  	_ =	shalt  }
0x79: {  	_ =	shalt  }
0x7a: {  	_ =	shalt  }
0x7b: {  	_ =	shalt  }
0x7c: {  	_ =	shalt  }
0x7d: {  	_ =	shalt  }
0x7e: {  	_ =	shalt  }
0x7f: {  	_ =	shalt  }
0x80: {  	_ =	shalt  }
0x81: {  	_ =	shalt  }
0x82: {  	_ =	shalt  }
0x83: {  	_ =	shalt  }
0x84: {  	_ =	shalt  }
0x85: {  	_ =	shalt  }
0x86: {  	_ =	shalt  }
0x87: {  	_ =	shalt  }
.Lfunc_end0:
.L_simem_size_0:
called_computation.5_lowered:
.L_overlay_start_0:
0x88: {  	s2 =	sld [smem:$0x3FD9]  }
0x89: {  	s3 =	sld [smem:$0x3FFE];
	_ =	sdelay $0x1  }
0x8a: {  	s1 =	srdreg.scid  }
0x8b: {  	s0 =	sand.u32 $0x1, s1  }
0x8c: {  	s17 =	sshll.u32 s0, $0xA;
	s2 =	sadd.s32 s3, s2  }
0x8d: {  	s2 =	sadd.s32 s2, s17  }
0x8e: {  	[smem:$0x3FBE] =	sst s2  }
0x8f: {  	_ = 	snop  }
0x90: {  	(tm) =	ssettm $0x1  }
0x91: {  	s18 =	sld [smem:$0x3FFB];
	_ =	sdelay $0x3  }
0x92: {  	_ =	strace s18  }
0x93: {  	s2 =	sld [smem:$0x3FFC];
	_ =	sdelay $0x3  }
0x94: {  	_ =	strace s2  }
0x95: {  	s2 =	sld [smem:$0x3FFD];
	_ =	sdelay $0x3  }
0x96: {  	_ =	strace s2  }
0x97: {  	_ =	strace $0x8FFFFFFF  }
0x98: {  	s19 =	sld [smem:$0x3FDB];
	_ =	sdelay $0x1  }
0x99: {  	s20 =	simm.s32 $_scs_section_size  }
0x9a: {  	s4 =	simm.s32 $_size__tile_overlayer_lowered;
	s5 =	simm.s32 $_tile_overlayer_lowered  }
0x9b: {  	s6 =	simm.s32 $0x1BFF;
	s21 =	sshll.u32 s5, $0x1;
	s3 =	sadd.s32 s20, s19  }
0x9c: {  	s22 =	simm.s32 $0x0;
	s4 =	sshll.u32 s4, $0x1;
	s5 =	sadd.s32 s21, s3  }
0x9d: {  	[timem:s22], [sflag:s6] =	dma.local [hbm:s5], s4  }
0x9e: {  	_ =	swait.ge [sflag:s6], s4  }
0x9f: {  	s4 =	ssub.s32 $0x0, s4;
	[sflag:s6] =	ssyncset.done $0x0  }
0xa0: {  	[sflag:s6] =	ssyncadd.s32 s4;
	_ =	sdelay $0x1  }
0xa1: {  	s23 =	simm.s32 $0x1B8B  }
0xa2: {  	_ =	swait.ge [sflag:s23], $0x1  }
0xa3: {  	[sflag:s23] =	ssyncset.done $0x0  }
0xa4: {  	[sflag:s23] =	ssyncadd.s32 $0xFFFFFFFF  }
0xa5: {  	s4 =	sld [smem:$0x0]  }
0xa6: {  	s5 =	sand.u32 $0xFFFFFFFE, s1  }
0xa7: {  	p0 =	sne.s32 s1, s5  }
0xa8: {  	s5 =	sshll.u32 @p0 s5, $0xE  }
0xa9: {  	s5 =	sadd.s32 @p0 $0x11B8D, s5;
	s6 =	sshll.u32 @p0 s4, $0x11  }
0xaa: {  	s5 =	sor.u32 @p0 s6, s5  }
0xab: {  	[sflag:s5] =	ssyncadd.remote.s32 @p0 $0x1;
	_ =	sdelay $0x1  }
0xac: {  	s5 =	simm.s32 @p0 $0x1B8D  }
0xad: {  	_ =	swait.eq @p0 [sflag:s5], $0x1  }
0xae: {  	[sflag:s5] =	ssyncadd.s32 @p0 $0xFFFFFFFF  }
0xaf: {  	s6 =	sshll.u32 @!p0 s1, $0xE  }
0xb0: {  	s6 =	sor.u32 @!p0 $0x4000, s6;
	s5 =	simm.s32 @!p0 $0x1B8D  }
0xb1: {  	s4 =	sshll.u32 @!p0 s4, $0x11;
	s6 =	sadd.s32 @!p0 $0x11B8D, s6;
	_ =	swait.eq @!p0 [sflag:s5], $0x1  }
0xb2: {  	s4 =	sor.u32 @!p0 s4, s6;
	[sflag:s5] =	ssyncadd.s32 @!p0 $0xFFFFFFFF  }
0xb3: {  	s25 =	simm.s32 $0x1B8E;
	s24 =	sld [smem:$0x3FFE];
	[sflag:s4] =	ssyncadd.remote.s32 @!p0 $0x1  }
0xb4: {  	s26 =	simm.s32 $execute0_lowered;
	[smem:$0x3FD2] =	sst s25  }
0xb5: {  	s5 =	sshll.u32 s26, $0x1;
	_ =	strace $0x80000055;
	[dreg:$0x1] =	wrdreg $0xFFFFFFFF  }
0xb6: {  	s28 =	simm.s32 $_size_execute0_lowered;
	s3 =	sadd.s32 s3, s5;
	[dreg:$0x0] =	wrdreg $0x0  }
0xb7: {  	s5 =	sshll.u32 s28, $0x1;
	[dreg:$0x2] =	wrdreg s3  }
0xb8: {  	[dreg:$0x3] =	wrdreg s5  }
0xb9: {  	[dreg:$0x4] =	wrdreg $0xC0  }
0xba: {  	_ =	task [dreg:s22], $0x5FFFF  }
0xbb: {  	[dreg:$0x1] =	wrdreg $0xFFFFFFFF  }
0xbc: {  	[dreg:$0x0] =	wrdreg $0x60  }
0xbd: {  	[dreg:$0x2] =	wrdreg s24  }
0xbe: {  	[dreg:$0x3] =	wrdreg $0xB  }
0xbf: {  	_ =	task.clear_ibuf [dreg:s22], $0x4FFFF;
	_ =	strace $0x90000055  }
0xc0: {  	s29 =	simm.s32 $0xB;
	_ =	strace $0x80000057  }
0xc1: {  	_ =	swait.ge [sflag:s29], $0x1  }
0xc2: {  	[sflag:s29] =	ssyncadd.s32 $0xFFFFFFFF  }
0xc3: {  	_ =	strace $0x90000057  }
0xc4: {  	_ =	sfence  }
0xc5: {  	s30 =	sld [smem:$0x0];
	_ =	sdelay $0x2  }
0xc6: {  	s31 =	sshll.u32 s1, $0xD;
	s1 =	sshrl.u32 s1, $0x2  }
0xc7: {  	s4 =	sand.u32 $0x4000, s31;
	s1 =	sadd.s32 s1, s30  }
0xc8: {  	s0 =	sor.u32 s4, s0;
	s1 =	sshll.u32 s1, $0x11  }
0xc9: {  	s0 =	sor.u32 s1, s0  }
0xca: {  	s0 =	sadd.s32 $0x8F2B, s0  }
0xcb: {  	[sflag:s0] =	ssyncadd.remote.s32 $0x1  }
0xcc: {  	_ =	sfence.sel $0xFFFF  }
0xcd: {  	[dreg:$0x0] =	wrdreg $0xFFFFFFFF;
	(pc) =	sbr.abs _section_cstart, $3  }
0xce: {  	[dreg:$0x1] =	wrdreg $0xFFFFFFFF  }
0xcf: {  	_ =	task.clear_ibuf [dreg:s22], $0x2FFFF;
	_ =	strace $0x9FFFFFFF  }
0xd0: {  	(tm) =	ssettm $0x7FFFFFFF  }
0xd1: {  	_ =	shalt  }
tec
execute0_lowered:
.L_overlay_start_1:
0x0: {  	(tag) =	ssettag $0x1  }
0x1: {  	s0 =	rddreg [dreg:$0x0];
	s1 =	srdreg.scid  }
0x2: {  	s2 =	simm.s32 $0x0;
	s4 =	stileid.u32;
	s12 =	simm.s32 $0x3  }
0x3: {  	s13 =	simm.s32 $0x28;
	s14 =	simm.s32 $0x2000;
	s16 =	simm.s32 $0x3400  }
0x4: {  	s18 =	simm.s32 $0x4800;
	s20 =	simm.s32 $0x5C00;
	s22 =	simm.s32 $0x7000  }
0x5: {  	s23 =	simm.s32 $0x8400;
	s24 =	simm.s32 $0x9800;
	s28 =	simm.s32 $0xD400  }
0x6: {  	s29 =	simm.s32 $0x4;
	s30 =	simm.s32 $0x2;
	s31 =	simm.s32 $0x1  }
0x7: {  	s19 =	simm.s32 $0x0;
	s1 =	sand.u32 $0x1, s1;
	[smem:$0x7FF] =	sst s2  }
0x8: {  	s3 =	sshll.u32 s1, $0x4;
	_ =	strace $0x80000056;
	s1 =	ssub.s32 $0x2, s1  }
0x9: {  	s8 =	sor.u32 s4, s3;
	s3 =	sadd.s32 $0x1200, s0;
	s4 =	sadd.s32 $0x29200, s0  }
0xa: {  	s25 =	sshrl.u32 s1, $0x1;
	s5 =	sshll.u32 s8, $0x9;
	s6 =	smul.u32 $0x1F400, s8  }
0xb: {  	s8 =	smul.u32 $0x3E8, s8;
	s7 =	sadd.s32 s5, s0;
	s5 =	sadd.s32 $0x2ADA00, s0  }
0xc: {  	s0 =	ssub.s32 s1, s25;
	s25 =	simm.s32 $0xAC00;
	s9 =	sshrl.u32 s6, $0x3  }
0xd: {  	s6 =	sadd.s32 $0x5F200, s7;
	s7 =	sadd.s32 $0x63200, s7;
	s26 =	sadd.s32 s5, s9  }
0xe: {  	s10 =	smax.u32 s0, $0x1;
	s9 =	sadd.s32 $0x3200, s26;
	s26 =	simm.s32 $0xC000  }
.LBB2_1:
0xf: {  	[tilespmem:s2], [sflag:$0x3] =	stream.linear.gather [hbm4b:s6+s2], $0xC80, $0x38;
	[tilespmem:$0xE800] =	vst v63  }
0x10: {  	s0 =	simm.s32 $0x1000  }
0x11: {  	[tilespmem:s0], [sflag:$0x3] =	stream.linear.gather [hbm4b:s7+s2], $0xC80, $0x38;
	[tilespmem:$0xE800] =	vst v63  }
0x12: {  	_ =	swait.ge [sflag:s12], $0xC80  }
0x13: {  	[sflag:s12] =	ssyncset.done $0x0  }
0x14: {  	[sflag:s12] =	ssyncadd.s32 $0xFFFFF380  }
0x15: {  	_ =	swait.ge [sflag:s12], $0xC80  }
0x16: {  	[sflag:s12] =	ssyncset.done $0x0  }
0x17: {  	[sflag:s12] =	ssyncadd.s32 $0xFFFFF380  }
0x18: {  	[tilespmem:s14], [sflag:$0x1] =	stream.indirect.gather [hbm4b:s3+s13], $0x80, s2, s13, $0xb8;
	[tilespmem:$0xE800] =	vst v63  }
0x19: {  	s11 =	simm.s32 $0x80  }
0x1a: {  	[tilespmem:s16], [sflag:$0x1] =	stream.indirect.gather [hbm4b:s3+s13], $0x80, s11, s13, $0xb8;
	[tilespmem:$0xE800] =	vst v63  }
0x1b: {  	s15 =	simm.s32 $0x100  }
0x1c: {  	[tilespmem:s18], [sflag:$0x1] =	stream.indirect.gather [hbm4b:s3+s13], $0x80, s15, s13, $0xb8;
	[tilespmem:$0xE800] =	vst v63  }
0x1d: {  	s17 =	simm.s32 $0x180;
	s21 =	simm.s32 $0x200;
	p0 =	por $0x1, $0x1  }
0x1e: {  	[tilespmem:s20], [sflag:$0x1] =	stream.indirect.gather [hbm4b:s3+s13], $0x80, s17, s13, $0xb8;
	[tilespmem:$0xE800] =	vst v63  }
0x1f: {  	s1 =	simm.s32 $0x400;
	s0 =	simm.s32 $0x480;
	s11 =	simm.s32 $0x380  }
0x20: {  	[tilespmem:s22], [sflag:$0x1] =	stream.indirect.gather [hbm4b:s3+s13], $0x80, s21, s13, $0xb8;
	[tilespmem:$0xE800] =	vst v63  }
0x21: {  	s15 =	simm.s32 $0x300;
	s17 =	simm.s32 $0x280;
	s21 =	simm.s32 $0x0  }
.LBB2_2:
0x22: {  	[tilespmem:s23], [sflag:$0x2] =	stream.indirect.gather [hbm4b:s3+s13], $0x80, s17, s13, $0xb8;
	[tilespmem:$0xE800] =	vst v63  }
0x23: {  	_ = 	snop  }
0x24: {  	[tilespmem:s24], [sflag:$0x2] =	stream.indirect.gather [hbm4b:s3+s13], $0x80, s15, s13, $0xb8;
	[tilespmem:$0xE800] =	vst v63  }
0x25: {  	_ = 	snop  }
0x26: {  	[tilespmem:s25], [sflag:$0x2] =	stream.indirect.gather [hbm4b:s3+s13], $0x80, s11, s13, $0xb8;
	[tilespmem:$0xE800] =	vst v63  }
0x27: {  	_ = 	snop  }
0x28: {  	[tilespmem:s26], [sflag:$0x2] =	stream.indirect.gather [hbm4b:s3+s13], $0x80, s1, s13, $0xb8;
	[tilespmem:$0xE800] =	vst v63  }
0x29: {  	s15 =	simm.s32 $0x1  }
0x2a: {  	[tilespmem:s28], [sflag:$0x2] =	stream.indirect.gather [hbm4b:s3+s13], $0x80, s0, s13, $0xb8;
	[tilespmem:$0xE800] =	vst v63  }
0x2b: {  	_ =	swait.ge [sflag:s15], $0x1400  }
0x2c: {  	[sflag:s15] =	ssyncset.done $0x0  }
0x2d: {  	[sflag:s15] =	ssyncadd.s32 $0xFFFFEC00  }
0x2e: {  	_ =	swait.ge [sflag:s15], $0x1400  }
0x2f: {  	[sflag:s15] =	ssyncset.done $0x0  }
0x30: {  	[sflag:s15] =	ssyncadd.s32 $0xFFFFEC00  }
0x31: {  	_ =	swait.ge [sflag:s15], $0x1400  }
0x32: {  	[sflag:s15] =	ssyncset.done $0x0  }
0x33: {  	[sflag:s15] =	ssyncadd.s32 $0xFFFFEC00  }
0x34: {  	_ =	swait.ge [sflag:s15], $0x1400  }
0x35: {  	[sflag:s15] =	ssyncset.done $0x0  }
0x36: {  	s17 =	smul.u32 $0x1400, s21;
	[sflag:s15] =	ssyncadd.s32 $0xFFFFEC00  }
0x37: {  	_ =	swait.ge [sflag:s15], $0x1400  }
0x38: {  	s1 =	sshra.s32 s17, $0x2;
	[sflag:s15] =	ssyncset.done $0x0  }
0x39: {  	s11 =	sadd.s32 $0x1000, s1;
	[sflag:s15] =	ssyncadd.s32 $0xFFFFEC00  }
0x3a: {  	[tilespmem:s14], [sflag:$0x3] =	stream.indirect.gather.add.f32 [hbm:s4], $0x80, s11, s13, $0xb8;
	[tilespmem:$0xE800] =	vst v63  }
0x3b: {  	s15 =	sadd.s32 $0x1080, s1  }
0x3c: {  	[tilespmem:s16], [sflag:$0x3] =	stream.indirect.gather.add.f32 [hbm:s4], $0x80, s15, s13, $0xb8;
	[tilespmem:$0xE800] =	vst v63  }
0x3d: {  	s17 =	sadd.s32 $0x1100, s1  }
0x3e: {  	[tilespmem:s18], [sflag:$0x3] =	stream.indirect.gather.add.f32 [hbm:s4], $0x80, s17, s13, $0xb8;
	[tilespmem:$0xE800] =	vst v63  }
0x3f: {  	s11 =	sadd.s32 $0x1180, s1  }
0x40: {  	[tilespmem:s20], [sflag:$0x3] =	stream.indirect.gather.add.f32 [hbm:s4], $0x80, s11, s13, $0xb8;
	[tilespmem:$0xE800] =	vst v63  }
0x41: {  	s15 =	sadd.s32 $0x1200, s1  }
0x42: {  	[tilespmem:s22], [sflag:$0x3] =	stream.indirect.gather.add.f32 [hbm:s4], $0x80, s15, s13, $0xb8;
	[tilespmem:$0xE800] =	vst v63  }
0x43: {  	_ =	swait.ge [sflag:s12], $0x1400  }
0x44: {  	[sflag:s12] =	ssyncset.done $0x0  }
0x45: {  	[sflag:s12] =	ssyncadd.s32 $0xFFFFEC00  }
0x46: {  	_ =	swait.ge [sflag:s12], $0x1400  }
0x47: {  	[sflag:s12] =	ssyncset.done $0x0  }
0x48: {  	[sflag:s12] =	ssyncadd.s32 $0xFFFFEC00  }
0x49: {  	_ =	swait.ge [sflag:s12], $0x1400  }
0x4a: {  	[sflag:s12] =	ssyncset.done $0x0  }
0x4b: {  	[sflag:s12] =	ssyncadd.s32 $0xFFFFEC00  }
0x4c: {  	_ =	swait.ge [sflag:s12], $0x1400  }
0x4d: {  	s17 =	smul.u32 $0x190, s21;
	[sflag:s12] =	ssyncset.done $0x0  }
0x4e: {  	[sflag:s12] =	ssyncadd.s32 $0xFFFFEC00  }
0x4f: {  	s0 =	sadd.s32 s8, s17;
	_ =	swait.ge [sflag:s12], $0x1400  }
0x50: {  	s0 =	sshll.u32 s0, $0x4;
	[sflag:s12] =	ssyncset.done $0x0  }
0x51: {  	s0 =	sadd.s32 s5, s0;
	[sflag:s12] =	ssyncadd.s32 $0xFFFFEC00  }
0x52: {  	[hbm4b:s0+s2] =	stream.linear.scatter [tilespmem:s14], [sflag:$0x4], $0x6400, $0x38;
	[tilespmem:$0xE800] =	vst v63  }
0x53: {  	_ =	swait.ge [sflag:s29], $0x6400  }
0x54: {  	[sflag:s29] =	ssyncset.done $0x0  }
0x55: {  	s11 =	sadd.s32 $0x500, s1;
	[sflag:s29] =	ssyncadd.s32 $0xFFFF9C00  }
0x56: {  	[tilespmem:s14], [sflag:$0x1] =	stream.indirect.gather [hbm4b:s3+s13], $0x80, s11, s13, $0xb8;
	[tilespmem:$0xE800] =	vst v63  }
0x57: {  	s15 =	sadd.s32 $0x580, s1  }
0x58: {  	[tilespmem:s16], [sflag:$0x1] =	stream.indirect.gather [hbm4b:s3+s13], $0x80, s15, s13, $0xb8;
	[tilespmem:$0xE800] =	vst v63  }
0x59: {  	s17 =	sadd.s32 $0x600, s1  }
0x5a: {  	[tilespmem:s18], [sflag:$0x1] =	stream.indirect.gather [hbm4b:s3+s13], $0x80, s17, s13, $0xb8;
	[tilespmem:$0xE800] =	vst v63  }
0x5b: {  	s11 =	sadd.s32 $0x680, s1  }
0x5c: {  	[tilespmem:s20], [sflag:$0x1] =	stream.indirect.gather [hbm4b:s3+s13], $0x80, s11, s13, $0xb8;
	[tilespmem:$0xE800] =	vst v63  }
0x5d: {  	s15 =	sadd.s32 $0x700, s1  }
0x5e: {  	[tilespmem:s22], [sflag:$0x1] =	stream.indirect.gather [hbm4b:s3+s13], $0x80, s15, s13, $0xb8;
	[tilespmem:$0xE800] =	vst v63  }
0x5f: {  	_ =	swait.ge [sflag:s30], $0x1400  }
0x60: {  	[sflag:s30] =	ssyncset.done $0x0  }
0x61: {  	[sflag:s30] =	ssyncadd.s32 $0xFFFFEC00  }
0x62: {  	_ =	swait.ge [sflag:s30], $0x1400  }
0x63: {  	[sflag:s30] =	ssyncset.done $0x0  }
0x64: {  	[sflag:s30] =	ssyncadd.s32 $0xFFFFEC00  }
0x65: {  	_ =	swait.ge [sflag:s30], $0x1400  }
0x66: {  	[sflag:s30] =	ssyncset.done $0x0  }
0x67: {  	[sflag:s30] =	ssyncadd.s32 $0xFFFFEC00  }
0x68: {  	_ =	swait.ge [sflag:s30], $0x1400  }
0x69: {  	s0 =	sshllo.u32 s21, $0x1;
	[sflag:s30] =	ssyncset.done $0x0  }
0x6a: {  	s17 =	smul.u32 $0xA00, s0;
	[sflag:s30] =	ssyncadd.s32 $0xFFFFEC00  }
0x6b: {  	_ =	swait.ge [sflag:s30], $0x1400  }
0x6c: {  	s1 =	sshra.s32 s17, $0x2;
	[sflag:s30] =	ssyncset.done $0x0  }
0x6d: {  	s21 =	sadd.s32 $0x1000, s1;
	[sflag:s30] =	ssyncadd.s32 $0xFFFFEC00  }
0x6e: {  	[tilespmem:s23], [sflag:$0x3] =	stream.indirect.gather.add.f32 [hbm:s4], $0x80, s21, s13, $0xb8;
	[tilespmem:$0xE800] =	vst v63  }
0x6f: {  	s15 =	sadd.s32 $0x1080, s1  }
0x70: {  	[tilespmem:s24], [sflag:$0x3] =	stream.indirect.gather.add.f32 [hbm:s4], $0x80, s15, s13, $0xb8;
	[tilespmem:$0xE800] =	vst v63  }
0x71: {  	s17 =	sadd.s32 $0x1100, s1  }
0x72: {  	[tilespmem:s25], [sflag:$0x3] =	stream.indirect.gather.add.f32 [hbm:s4], $0x80, s17, s13, $0xb8;
	[tilespmem:$0xE800] =	vst v63  }
0x73: {  	s21 =	sadd.s32 $0x1180, s1  }
0x74: {  	[tilespmem:s26], [sflag:$0x3] =	stream.indirect.gather.add.f32 [hbm:s4], $0x80, s21, s13, $0xb8;
	[tilespmem:$0xE800] =	vst v63  }
0x75: {  	s1 =	sadd.s32 $0x1200, s1  }
0x76: {  	[tilespmem:s28], [sflag:$0x3] =	stream.indirect.gather.add.f32 [hbm:s4], $0x80, s1, s13, $0xb8;
	[tilespmem:$0xE800] =	vst v63  }
0x77: {  	_ =	swait.ge [sflag:s12], $0x1400  }
0x78: {  	[sflag:s12] =	ssyncset.done $0x0  }
0x79: {  	[sflag:s12] =	ssyncadd.s32 $0xFFFFEC00  }
0x7a: {  	_ =	swait.ge [sflag:s12], $0x1400  }
0x7b: {  	[sflag:s12] =	ssyncset.done $0x0  }
0x7c: {  	[sflag:s12] =	ssyncadd.s32 $0xFFFFEC00  }
0x7d: {  	_ =	swait.ge [sflag:s12], $0x1400  }
0x7e: {  	[sflag:s12] =	ssyncset.done $0x0  }
0x7f: {  	[sflag:s12] =	ssyncadd.s32 $0xFFFFEC00  }
0x80: {  	_ =	swait.ge [sflag:s12], $0x1400  }
0x81: {  	s0 =	smul.u32 $0xC8, s0;
	[sflag:s12] =	ssyncset.done $0x0  }
0x82: {  	[sflag:s12] =	ssyncadd.s32 $0xFFFFEC00  }
0x83: {  	p1 =	por p0, p0;
	s0 =	sadd.s32 s8, s0;
	_ =	swait.ge [sflag:s12], $0x1400  }
0x84: {  	p0 =	por $0x0, $0x0;
	s0 =	sshll.u32 s0, $0x4;
	[sflag:s12] =	ssyncset.done $0x0  }
.Ltmp0:
0x85: {  	s0 =	sadd.s32 s5, s0;
	[sflag:s12] =	ssyncadd.s32 $0xFFFFEC00;
	(pc) =	sbr.rel @p1 .LBB2_2-.Ltmp0, $4  }
0x86: {  	[hbm4b:s0+s2] =	stream.linear.scatter [tilespmem:s23], [sflag:$0x4], $0x6400, $0x38;
	[tilespmem:$0xE800] =	vst v63  }
0x87: {  	s11 =	simm.s32 $0x880;
	s15 =	simm.s32 $0x800;
	_ =	swait.ge [sflag:s29], $0x6400  }
0x88: {  	s17 =	simm.s32 $0x780;
	s21 =	simm.s32 $0x1;
	[sflag:s29] =	ssyncset.done $0x0  }
0x89: {  	s1 =	simm.s32 $0x900;
	s0 =	simm.s32 $0x980;
	[sflag:s29] =	ssyncadd.s32 $0xFFFF9C00  }
0x8a: {  	_ =	swait.ge [sflag:s31], $0x1400  }
0x8b: {  	[sflag:s31] =	ssyncset.done $0x0  }
0x8c: {  	[sflag:s31] =	ssyncadd.s32 $0xFFFFEC00  }
0x8d: {  	_ =	swait.ge [sflag:s31], $0x1400  }
0x8e: {  	[sflag:s31] =	ssyncset.done $0x0  }
0x8f: {  	[sflag:s31] =	ssyncadd.s32 $0xFFFFEC00  }
0x90: {  	_ =	swait.ge [sflag:s31], $0x1400  }
0x91: {  	[sflag:s31] =	ssyncset.done $0x0  }
0x92: {  	[sflag:s31] =	ssyncadd.s32 $0xFFFFEC00  }
0x93: {  	_ =	swait.ge [sflag:s31], $0x1400  }
0x94: {  	[sflag:s31] =	ssyncset.done $0x0  }
0x95: {  	[sflag:s31] =	ssyncadd.s32 $0xFFFFEC00  }
0x96: {  	_ =	swait.ge [sflag:s31], $0x1400  }
0x97: {  	[sflag:s31] =	ssyncset.done $0x0  }
0x98: {  	s0 =	simm.s32 $0x1A00;
	[sflag:s31] =	ssyncadd.s32 $0xFFFFEC00  }
0x99: {  	[tilespmem:s14], [sflag:$0x3] =	stream.indirect.gather.add.f32 [hbm:s4], $0x80, s0, s13, $0xb8;
	[tilespmem:$0xE800] =	vst v63  }
0x9a: {  	s11 =	simm.s32 $0x1A80  }
0x9b: {  	[tilespmem:s16], [sflag:$0x3] =	stream.indirect.gather.add.f32 [hbm:s4], $0x80, s11, s13, $0xb8;
	[tilespmem:$0xE800] =	vst v63  }
0x9c: {  	s15 =	simm.s32 $0x1B00  }
0x9d: {  	[tilespmem:s18], [sflag:$0x3] =	stream.indirect.gather.add.f32 [hbm:s4], $0x80, s15, s13, $0xb8;
	[tilespmem:$0xE800] =	vst v63  }
0x9e: {  	s17 =	simm.s32 $0x1B80  }
0x9f: {  	[tilespmem:s20], [sflag:$0x3] =	stream.indirect.gather.add.f32 [hbm:s4], $0x80, s17, s13, $0xb8;
	[tilespmem:$0xE800] =	vst v63  }
0xa0: {  	s21 =	simm.s32 $0x1C00  }
0xa1: {  	[tilespmem:s22], [sflag:$0x3] =	stream.indirect.gather.add.f32 [hbm:s4], $0x80, s21, s13, $0xb8;
	[tilespmem:$0xE800] =	vst v63  }
0xa2: {  	_ =	swait.ge [sflag:s12], $0x1400  }
0xa3: {  	[sflag:s12] =	ssyncset.done $0x0  }
0xa4: {  	[sflag:s12] =	ssyncadd.s32 $0xFFFFEC00  }
0xa5: {  	_ =	swait.ge [sflag:s12], $0x1400  }
0xa6: {  	[sflag:s12] =	ssyncset.done $0x0  }
0xa7: {  	[sflag:s12] =	ssyncadd.s32 $0xFFFFEC00  }
0xa8: {  	_ =	swait.ge [sflag:s12], $0x1400  }
0xa9: {  	[sflag:s12] =	ssyncset.done $0x0  }
0xaa: {  	[sflag:s12] =	ssyncadd.s32 $0xFFFFEC00  }
0xab: {  	_ =	swait.ge [sflag:s12], $0x1400  }
0xac: {  	[sflag:s12] =	ssyncset.done $0x0  }
0xad: {  	[sflag:s12] =	ssyncadd.s32 $0xFFFFEC00  }
0xae: {  	s19 =	sadd.s32 $0x1, s19;
	_ =	swait.ge [sflag:s12], $0x1400  }
0xaf: {  	p0 =	sne.s32 s19, s10;
	[sflag:s12] =	ssyncset.done $0x0  }
.Ltmp1:
0xb0: {  	[sflag:s12] =	ssyncadd.s32 $0xFFFFEC00;
	(pc) =	sbr.rel @p0 .LBB2_1-.Ltmp1, $4  }
0xb1: {  	[hbm4b:s9+s2] =	stream.linear.scatter [tilespmem:s14], [sflag:$0x4], $0x6400, $0x38;
	[tilespmem:$0xE800] =	vst v63  }
0xb2: {  	_ =	swait.ge [sflag:s29], $0x6400  }
0xb3: {  	[sflag:s29] =	ssyncset.done $0x0  }
0xb4: {  	[sflag:s29] =	ssyncadd.s32 $0xFFFF9C00  }
0xb5: {  	_ =	sfence.sel $0x180000  }
0xb6: {  	[bflag:$0x0] =	sbarrier.arrive $0xFFFF  }
0xb7: {  	_ =	strace $0x90000056  }
0xb8: {  	s0 =	stileid.u32;
	[bflag:$0x2] =	sbarrier.arrive $0xFFFF  }
0xb9: {  	p0 =	sne.s32 s0, $0x0;
	s0 =	rddreg [dreg:$0x1]  }
0xba: {  	s0 =	sadd.s32 @!p0 $0x100000, s0  }
0xbb: {  	[sflag:s0] =	ssyncadd.tile.s32 @!p0 $0x1;
	_ =	shalt  }
.Lfunc_end2:
_tile_overlayer_lowered:
.L_overlay_start_2:
0xbc: {  	(tag) =	ssettag $0x2  }
0xbd: {  	s0 =	rddreg [dreg:$0x0];
	s2 =	stileid.u32  }
0xbe: {  	s1 =	rddreg [dreg:$0x1];
	p0 =	sne.s32 s2, $0x0  }
0xbf: {  	s3 =	rddreg [dreg:$0x2];
	[bflag:$0x3] =	sbarrier.arrive $0xFFFF;
	s2 =	simm.s32 @!p0 $0x1C04  }
0xc0: {  	[timem:s3], [sflag:s2] =	dma.local @!p0 [hbm:s0], s1  }
0xc1: {  	s0 =	simm.s32 @!p0 $0x4  }
0xc2: {  	_ =	swait.ge @!p0 [sflag:s0], s1  }
0xc3: {  	s1 =	ssub.s32 @!p0 $0x0, s1;
	[sflag:s0] =	ssyncset.done @!p0 $0x0  }
0xc4: {  	[sflag:s0] =	ssyncadd.s32 @!p0 s1  }
0xc5: {  	[bflag:$0x3] =	sbarrier.arrive $0xFFFF  }
0xc6: {  	_ =	shalt  }

</sc_bundles>
